<compile_context>
chip_gen: v7x
topology: tpu7x:2x2x1
jax: 0.10.2.dev20260603
libtpu: 0.0.44.dev20260713+nightly
codegen_flags: <defaults>
</compile_context>

<pallas_src>
import functools

import jax
import jax.numpy as jnp
from jax import lax
from jax.experimental import pallas as pl
from jax.experimental.pallas import tpu as pltpu
from jax.experimental.pallas import tpu_sc as plsc

M_SUB = 16
K_CODES = 512
D_SUB = 64

NC = 2
NS = 16
NW = NC * NS


def _matmul_kernel(x_ref, w_ref, out_ref):
    xb = x_ref[...].astype(jnp.bfloat16)
    wb = w_ref[...].astype(jnp.bfloat16)
    out_ref[...] = jax.lax.dot_general(
        xb, wb, (((1,), (1,)), ((), ())),
        preferred_element_type=jnp.float32)


def _pq_idx_kernel(x_ref, cbt_ref, even_ref, odd_ref):
    B = x_ref.shape[0]
    kf_iota = jax.lax.broadcasted_iota(
        jnp.int32, (B, K_CODES), 1).astype(jnp.float32)
    for m in range(M_SUB):
        xs = x_ref[:, m * D_SUB:(m + 1) * D_SUB]
        cbtn = cbt_ref[m]
        c2 = 0.25 * jnp.sum(cbtn * cbtn, axis=0)
        xc2 = jnp.dot(xs, cbtn,
                      preferred_element_type=jnp.float32)
        d = c2[None, :] + xc2
        min_d = jnp.min(d, axis=1, keepdims=True)
        idxf = jnp.min(jnp.where(d == min_d, kf_iota, float(K_CODES)),
                       axis=1, keepdims=True)
        idx = idxf.astype(jnp.int32)
        j = m // 2
        if m % 2 == 0:
            even_ref[:, j:j + 1] = idx + m * K_CODES
        else:
            odd_ref[:, j:j + 1] = idx + m * K_CODES


def _make_sc_gather(n_rows128):
    rpw = n_rows128 // NW
    crows = 128
    ch = rpw // crows
    mesh = plsc.VectorSubcoreMesh(core_axis_name="c", subcore_axis_name="s")

    @functools.partial(
        pl.kernel, mesh=mesh,
        out_type=jax.ShapeDtypeStruct((NW, ch, crows, 128), jnp.float32),
        scratch_types=[
            pltpu.VMEM((ch, crows), jnp.int32),
            pltpu.VMEM((ch, crows), jnp.int32),
            pltpu.VMEM((2, crows, 128), jnp.float32),
            pltpu.VMEM((2, crows, 128), jnp.float32),
            pltpu.SemaphoreType.DMA,
            pltpu.SemaphoreType.DMA,
            pltpu.SemaphoreType.DMA,
            pltpu.SemaphoreType.DMA,
            pltpu.SemaphoreType.DMA,
            pltpu.SemaphoreType.DMA,
        ],
    )
    def sc_gather(table_hbm, ide_hbm, ido_hbm, out_hbm,
                  ide_v, ido_v, bufa, bufb,
                  sema0, sema1, semb0, semb1, semw0, semw1):
        wid = lax.axis_index("s") * NC + lax.axis_index("c")
        sems = ((sema0, semb0), (sema1, semb1))
        wsems = (semw0, semw1)
        pltpu.sync_copy(ide_hbm.at[wid], ide_v)
        pltpu.sync_copy(ido_hbm.at[wid], ido_v)

        def start(c):
            s = c % 2
            cpa = pltpu.async_copy(
                table_hbm.at[ide_v.at[c]], bufa.at[s], sems[s][0])
            cpb = pltpu.async_copy(
                table_hbm.at[ido_v.at[c]], bufb.at[s], sems[s][1])
            return cpa, cpb

        pend = start(0)
        wr = [None, None]
        for c in range(ch):
            s = c % 2
            cpa, cpb = pend
            cpa.wait()
            cpb.wait()
            if c + 1 < ch:
                s2 = (c + 1) % 2
                if wr[s2] is not None:
                    wr[s2].wait()
                    wr[s2] = None
                pend = start(c + 1)

            def row_body(r, carry):
                for jj in range(D_SUB // 16):
                    sl = pl.ds(D_SUB + jj * 16, 16)
                    bufa[s, r, sl] = bufb[s, r, sl]
                return carry

            lax.fori_loop(0, crows, row_body, 0)
            wr[s] = pltpu.async_copy(bufa.at[s], out_hbm.at[wid, c],
                                     wsems[s])
        for s in range(2):
            if wr[s] is not None:
                wr[s].wait()

    return sc_gather, ch, crows


def kernel(x, weight, codebooks):
    N, D = x.shape
    OUT = weight.shape[0]

    BQ = 1024
    cbt = -2.0 * jnp.swapaxes(codebooks, 1, 2)
    idx_even, idx_odd = pl.pallas_call(
        _pq_idx_kernel,
        grid=(N // BQ,),
        in_specs=[
            pl.BlockSpec((BQ, D), lambda i: (i, 0)),
            pl.BlockSpec((M_SUB, D_SUB, K_CODES), lambda i: (0, 0, 0)),
        ],
        out_specs=[
            pl.BlockSpec((BQ, M_SUB // 2), lambda i: (i, 0)),
            pl.BlockSpec((BQ, M_SUB // 2), lambda i: (i, 0)),
        ],
        out_shape=[
            jax.ShapeDtypeStruct((N, M_SUB // 2), jnp.int32),
            jax.ShapeDtypeStruct((N, M_SUB // 2), jnp.int32),
        ],
    )(x, cbt)

    cb_flat = codebooks.reshape(M_SUB * K_CODES, D_SUB)
    table = jnp.concatenate([cb_flat, cb_flat], axis=1)

    n_rows128 = N * M_SUB // 2
    sc_gather, ch, crows = _make_sc_gather(n_rows128)
    ide = idx_even.reshape(NW, ch, crows)
    ido = idx_odd.reshape(NW, ch, crows)
    xq = sc_gather(table, ide, ido).reshape(N, D)

    BM = 512
    out = pl.pallas_call(
        _matmul_kernel,
        grid=(N // BM,),
        in_specs=[
            pl.BlockSpec((BM, D), lambda i: (i, 0)),
            pl.BlockSpec((OUT, D), lambda i: (0, 0)),
        ],
        out_specs=pl.BlockSpec((BM, OUT), lambda i: (i, 0)),
        out_shape=jax.ShapeDtypeStruct((N, OUT), jnp.float32),
    )(x, weight)

    return (out, xq)

# --- scband reference (transcript-rebuilt; emitter-appended) ---
"""Pipeline reference for scband-linear-pqste-49890340110827 (READ-ONLY COPY).

The authoritative reference and input builder live on the scoring server;
editing this copy changes nothing except your own understanding.
"""

import jax, jax.numpy as jnp
import numpy as np

N_TOKENS = 8192
IN_FEATURES = 1024
OUT_FEATURES = 1024
M_SUBSPACES = 16
K_CODES = 512
D_SUB = 64


def pq_quantize(x, codebooks):
    # x: [N, D], codebooks: [M, K, d_sub], D = M * d_sub
    M, K, d_sub = codebooks.shape
    N, D = x.shape
    xs = x.reshape(N, M, d_sub)
    # squared L2 distances to every codeword in each subspace: [N, M, K]
    x2 = jnp.sum(xs * xs, axis=-1, keepdims=True)          # [N, M, 1]
    c2 = jnp.sum(codebooks * codebooks, axis=-1)           # [M, K]
    xc = jnp.einsum('nmd,mkd->nmk', xs, codebooks)         # [N, M, K]
    dists = x2 + c2[None, :, :] - 2.0 * xc
    idx = jnp.argmin(dists, axis=-1)                       # [N, M] int assignments
    # gather nearest codeword per (token, subspace)
    q = codebooks[jnp.arange(M)[None, :], idx]             # [N, M, d_sub]
    return q.reshape(N, D), idx


def setup_inputs(seed: int = 0) -> dict:
    key = jax.random.key(seed)
    k1, k2, k3 = jax.random.split(key, 3)
    x = jax.random.normal(k1, (N_TOKENS, IN_FEATURES), dtype=jnp.float32)
    weight = jax.random.normal(k2, (OUT_FEATURES, IN_FEATURES), dtype=jnp.float32) * 0.02
    codebooks = jax.random.normal(k3, (M_SUBSPACES, K_CODES, D_SUB), dtype=jnp.float32)
    return {"x": x, "weight": weight, "codebooks": codebooks}


def reference(x, weight, codebooks):
    # amm_training branch of LinearPQSTE.forward:
    #   self.pq.quantize(x)   (product-quantize activations; result used for table calibration)
    #   out = x @ self.weight.t()   (bias is False for a bias-free wrapped Linear)
    x_q, _idx = pq_quantize(x, codebooks)
    out = x @ weight.T
    return (out, x_q)

if __name__ == "__main__":
    import jax
    _d = setup_inputs()
    print(jax.jit(kernel)(*tuple(_d.values())))

</pallas_src>

<mosaic_0001>
#map = affine_map<(d0, d1) -> (0, 0)>
#map1 = affine_map<(d0, d1) -> (0, 0, 0)>
#map2 = affine_map<(d0, d1) -> (0, 0, 0, 0)>
module attributes {stable_mosaic.version = 14 : i64} {
  func.func @sc_gather(%arg0: i32, %arg1: i32, %arg2: memref<8192x128xf32, #tpu.memory_space<hbm>>, %arg3: memref<32x16x128xi32, #tpu.memory_space<hbm>>, %arg4: memref<32x16x128xi32, #tpu.memory_space<hbm>>, %arg5: memref<32x16x128x128xf32, #tpu.memory_space<hbm>>, %arg6: memref<16x128xi32, #tpu.memory_space<vmem>>, %arg7: memref<16x128xi32, #tpu.memory_space<vmem>>, %arg8: memref<2x128x128xf32, #tpu.memory_space<vmem>>, %arg9: memref<2x128x128xf32, #tpu.memory_space<vmem>>, %arg10: memref<!tpu.dma_semaphore, #tpu.memory_space<semaphore_mem>>, %arg11: memref<!tpu.dma_semaphore, #tpu.memory_space<semaphore_mem>>, %arg12: memref<!tpu.dma_semaphore, #tpu.memory_space<semaphore_mem>>, %arg13: memref<!tpu.dma_semaphore, #tpu.memory_space<semaphore_mem>>, %arg14: memref<!tpu.dma_semaphore, #tpu.memory_space<semaphore_mem>>, %arg15: memref<!tpu.dma_semaphore, #tpu.memory_space<semaphore_mem>>) attributes {dimension_semantics = [#tpu.dimension_semantics<core_parallel>, #tpu.dimension_semantics<subcore_parallel>], iteration_bounds = array<i64: 2, 16>, scalar_prefetch = 0 : i64, scratch_operands = 10 : i64, tpu.core_type = #tpu.core_type<sc_vector_subcore>, window_params = [{transform_indices = #map}, {transform_indices = #map1}, {transform_indices = #map1}, {transform_indices = #map2}]} {
    %mul3A = arith.constant 2 : i32
    %mul3A_0 = arith.muli %arg1, %mul3A : i32
    %add3A = arith.addi %mul3A_0, %arg0 : i32
    "tpu.region"() ({
      %run_scoped3A = tpu.sem_alloc : memref<!tpu.dma_semaphore, #tpu.memory_space<semaphore_mem>>
      %dma_start3A_1438 = arith.constant 0 : i32
      %dma_start3A_1439 = arith.constant 0 : i32
      %dma_start3A_1440 = tpu.memref_slice %arg3[%add3A, %dma_start3A_1438, %dma_start3A_1439] : memref<32x16x128xi32, #tpu.memory_space<hbm>> -> memref<1x16x128xi32, #tpu.memory_space<hbm>>
      %dma_start3A_1441 = tpu.memref_squeeze %dma_start3A_1440 : memref<1x16x128xi32, #tpu.memory_space<hbm>> -> memref<16x128xi32, #tpu.memory_space<hbm>>
      %dma_start3A_1442 = arith.constant 0 : i32
      %dma_start3A_1443 = arith.constant 0 : i32
      %dma_start3A_1444 = tpu.memref_slice %arg3[%add3A, %dma_start3A_1442, %dma_start3A_1443] : memref<32x16x128xi32, #tpu.memory_space<hbm>> -> memref<1x16x128xi32, #tpu.memory_space<hbm>>
      %dma_start3A_1445 = tpu.memref_squeeze %dma_start3A_1444 : memref<1x16x128xi32, #tpu.memory_space<hbm>> -> memref<16x128xi32, #tpu.memory_space<hbm>>
      tpu.enqueue_dma source(%dma_start3A_1445 : memref<16x128xi32, #tpu.memory_space<hbm>>) target(%arg6 : memref<16x128xi32, #tpu.memory_space<vmem>>) target_semaphore(%run_scoped3A : memref<!tpu.dma_semaphore, #tpu.memory_space<semaphore_mem>>)
      %dma_wait3A_1446 = arith.constant 0 : i32
      %dma_wait3A_1447 = arith.constant 0 : i32
      %dma_wait3A_1448 = tpu.memref_slice %arg3[%add3A, %dma_wait3A_1446, %dma_wait3A_1447] : memref<32x16x128xi32, #tpu.memory_space<hbm>> -> memref<1x16x128xi32, #tpu.memory_space<hbm>>
      %dma_wait3A_1449 = tpu.memref_squeeze %dma_wait3A_1448 : memref<1x16x128xi32, #tpu.memory_space<hbm>> -> memref<16x128xi32, #tpu.memory_space<hbm>>
      %dma_wait3A_1450 = arith.constant 0 : i32
      %dma_wait3A_1451 = arith.constant 0 : i32
      %dma_wait3A_1452 = tpu.memref_slice %arg3[%add3A, %dma_wait3A_1450, %dma_wait3A_1451] : memref<32x16x128xi32, #tpu.memory_space<hbm>> -> memref<1x16x128xi32, #tpu.memory_space<hbm>>
      %dma_wait3A_1453 = tpu.memref_squeeze %dma_wait3A_1452 : memref<1x16x128xi32, #tpu.memory_space<hbm>> -> memref<16x128xi32, #tpu.memory_space<hbm>>
      tpu.wait_dma2 semaphore(%run_scoped3A : memref<!tpu.dma_semaphore, #tpu.memory_space<semaphore_mem>>) src(%dma_wait3A_1453 : memref<16x128xi32, #tpu.memory_space<hbm>>) dst(%arg6 : memref<16x128xi32, #tpu.memory_space<vmem>>)
      tpu.yield
    }) : () -> ()
    "tpu.region"() ({
      %run_scoped3A = tpu.sem_alloc : memref<!tpu.dma_semaphore, #tpu.memory_space<semaphore_mem>>
      %dma_start3A_1438 = arith.constant 0 : i32
      %dma_start3A_1439 = arith.constant 0 : i32
      %dma_start3A_1440 = tpu.memref_slice %arg4[%add3A, %dma_start3A_1438, %dma_start3A_1439] : memref<32x16x128xi32, #tpu.memory_space<hbm>> -> memref<1x16x128xi32, #tpu.memory_space<hbm>>
      %dma_start3A_1441 = tpu.memref_squeeze %dma_start3A_1440 : memref<1x16x128xi32, #tpu.memory_space<hbm>> -> memref<16x128xi32, #tpu.memory_space<hbm>>
      %dma_start3A_1442 = arith.constant 0 : i32
      %dma_start3A_1443 = arith.constant 0 : i32
      %dma_start3A_1444 = tpu.memref_slice %arg4[%add3A, %dma_start3A_1442, %dma_start3A_1443] : memref<32x16x128xi32, #tpu.memory_space<hbm>> -> memref<1x16x128xi32, #tpu.memory_space<hbm>>
      %dma_start3A_1445 = tpu.memref_squeeze %dma_start3A_1444 : memref<1x16x128xi32, #tpu.memory_space<hbm>> -> memref<16x128xi32, #tpu.memory_space<hbm>>
      tpu.enqueue_dma source(%dma_start3A_1445 : memref<16x128xi32, #tpu.memory_space<hbm>>) target(%arg7 : memref<16x128xi32, #tpu.memory_space<vmem>>) target_semaphore(%run_scoped3A : memref<!tpu.dma_semaphore, #tpu.memory_space<semaphore_mem>>)
      %dma_wait3A_1446 = arith.constant 0 : i32
      %dma_wait3A_1447 = arith.constant 0 : i32
      %dma_wait3A_1448 = tpu.memref_slice %arg4[%add3A, %dma_wait3A_1446, %dma_wait3A_1447] : memref<32x16x128xi32, #tpu.memory_space<hbm>> -> memref<1x16x128xi32, #tpu.memory_space<hbm>>
      %dma_wait3A_1449 = tpu.memref_squeeze %dma_wait3A_1448 : memref<1x16x128xi32, #tpu.memory_space<hbm>> -> memref<16x128xi32, #tpu.memory_space<hbm>>
      %dma_wait3A_1450 = arith.constant 0 : i32
      %dma_wait3A_1451 = arith.constant 0 : i32
      %dma_wait3A_1452 = tpu.memref_slice %arg4[%add3A, %dma_wait3A_1450, %dma_wait3A_1451] : memref<32x16x128xi32, #tpu.memory_space<hbm>> -> memref<1x16x128xi32, #tpu.memory_space<hbm>>
      %dma_wait3A_1453 = tpu.memref_squeeze %dma_wait3A_1452 : memref<1x16x128xi32, #tpu.memory_space<hbm>> -> memref<16x128xi32, #tpu.memory_space<hbm>>
      tpu.wait_dma2 semaphore(%run_scoped3A : memref<!tpu.dma_semaphore, #tpu.memory_space<semaphore_mem>>) src(%dma_wait3A_1453 : memref<16x128xi32, #tpu.memory_space<hbm>>) dst(%arg7 : memref<16x128xi32, #tpu.memory_space<vmem>>)
      tpu.yield
    }) : () -> ()
    %dma_start3A = arith.constant 0 : i32
    %dma_start3A_1 = arith.constant 0 : i32
    %dma_start3A_2 = arith.constant 0 : i32
    %dma_start3A_3 = arith.constant 0 : i32
    %dma_start3A_4 = tpu.memref_slice %arg8[%dma_start3A_1, %dma_start3A_2, %dma_start3A_3] : memref<2x128x128xf32, #tpu.memory_space<vmem>> -> memref<1x128x128xf32, #tpu.memory_space<vmem>>
    %dma_start3A_5 = tpu.memref_squeeze %dma_start3A_4 : memref<1x128x128xf32, #tpu.memory_space<vmem>> -> memref<128x128xf32, #tpu.memory_space<vmem>>
    %dma_start3A_6 = arith.constant 0 : i32
    %dma_start3A_7 = tpu.memref_slice %arg6[%dma_start3A, %dma_start3A_6] : memref<16x128xi32, #tpu.memory_space<vmem>> -> memref<1x128xi32, #tpu.memory_space<vmem>>
    %dma_start3A_8 = tpu.memref_squeeze %dma_start3A_7 : memref<1x128xi32, #tpu.memory_space<vmem>> -> memref<128xi32, #tpu.memory_space<vmem>>
    %dma_start3A_9 = arith.constant 0 : i32
    %dma_start3A_10 = arith.constant 0 : i32
    %dma_start3A_11 = tpu.memref_slice %arg2[%dma_start3A_9, %dma_start3A_10] : memref<8192x128xf32, #tpu.memory_space<hbm>> -> memref<8192x128xf32, #tpu.memory_space<hbm>>
    tpu.enqueue_indirect_dma source(%dma_start3A_11 : memref<8192x128xf32, #tpu.memory_space<hbm>>) target(%dma_start3A_5 : memref<128x128xf32, #tpu.memory_space<vmem>>) offsets(%dma_start3A_8 : memref<128xi32, #tpu.memory_space<vmem>>) semaphore(%arg10 : memref<!tpu.dma_semaphore, #tpu.memory_space<semaphore_mem>>)
    %dma_start3A_12 = arith.constant 0 : i32
    %dma_start3A_13 = arith.constant 0 : i32
    %dma_start3A_14 = arith.constant 0 : i32
    %dma_start3A_15 = arith.constant 0 : i32
    %dma_start3A_16 = tpu.memref_slice %arg9[%dma_start3A_13, %dma_start3A_14, %dma_start3A_15] : memref<2x128x128xf32, #tpu.memory_space<vmem>> -> memref<1x128x128xf32, #tpu.memory_space<vmem>>
    %dma_start3A_17 = tpu.memref_squeeze %dma_start3A_16 : memref<1x128x128xf32, #tpu.memory_space<vmem>> -> memref<128x128xf32, #tpu.memory_space<vmem>>
    %dma_start3A_18 = arith.constant 0 : i32
    %dma_start3A_19 = tpu.memref_slice %arg7[%dma_start3A_12, %dma_start3A_18] : memref<16x128xi32, #tpu.memory_space<vmem>> -> memref<1x128xi32, #tpu.memory_space<vmem>>
    %dma_start3A_20 = tpu.memref_squeeze %dma_start3A_19 : memref<1x128xi32, #tpu.memory_space<vmem>> -> memref<128xi32, #tpu.memory_space<vmem>>
    %dma_start3A_21 = arith.constant 0 : i32
    %dma_start3A_22 = arith.constant 0 : i32
    %dma_start3A_23 = tpu.memref_slice %arg2[%dma_start3A_21, %dma_start3A_22] : memref<8192x128xf32, #tpu.memory_space<hbm>> -> memref<8192x128xf32, #tpu.memory_space<hbm>>
    tpu.enqueue_indirect_dma source(%dma_start3A_23 : memref<8192x128xf32, #tpu.memory_space<hbm>>) target(%dma_start3A_17 : memref<128x128xf32, #tpu.memory_space<vmem>>) offsets(%dma_start3A_20 : memref<128xi32, #tpu.memory_space<vmem>>) semaphore(%arg12 : memref<!tpu.dma_semaphore, #tpu.memory_space<semaphore_mem>>)
    %dma_wait3A = arith.constant 0 : i32
    %dma_wait3A_24 = arith.constant 0 : i32
    %dma_wait3A_25 = arith.constant 0 : i32
    %dma_wait3A_26 = arith.constant 0 : i32
    %dma_wait3A_27 = tpu.memref_slice %arg8[%dma_wait3A_24, %dma_wait3A_25, %dma_wait3A_26] : memref<2x128x128xf32, #tpu.memory_space<vmem>> -> memref<1x128x128xf32, #tpu.memory_space<vmem>>
    %dma_wait3A_28 = tpu.memref_squeeze %dma_wait3A_27 : memref<1x128x128xf32, #tpu.memory_space<vmem>> -> memref<128x128xf32, #tpu.memory_space<vmem>>
    %dma_wait3A_29 = arith.constant 0 : i32
    %dma_wait3A_30 = tpu.memref_slice %arg6[%dma_wait3A, %dma_wait3A_29] : memref<16x128xi32, #tpu.memory_space<vmem>> -> memref<1x128xi32, #tpu.memory_space<vmem>>
    %dma_wait3A_31 = tpu.memref_squeeze %dma_wait3A_30 : memref<1x128xi32, #tpu.memory_space<vmem>> -> memref<128xi32, #tpu.memory_space<vmem>>
    %dma_wait3A_32 = arith.constant 0 : i32
    %dma_wait3A_33 = arith.constant 0 : i32
    %dma_wait3A_34 = tpu.memref_slice %arg2[%dma_wait3A_32, %dma_wait3A_33] : memref<8192x128xf32, #tpu.memory_space<hbm>> -> memref<8192x128xf32, #tpu.memory_space<hbm>>
    tpu.wait_indirect_dma semaphore(%arg10 : memref<!tpu.dma_semaphore, #tpu.memory_space<semaphore_mem>>) src(%dma_wait3A_34 : memref<8192x128xf32, #tpu.memory_space<hbm>>) dst(%dma_wait3A_28 : memref<128x128xf32, #tpu.memory_space<vmem>>)
    %dma_wait3A_35 = arith.constant 0 : i32
    %dma_wait3A_36 = arith.constant 0 : i32
    %dma_wait3A_37 = arith.constant 0 : i32
    %dma_wait3A_38 = arith.constant 0 : i32
    %dma_wait3A_39 = tpu.memref_slice %arg9[%dma_wait3A_36, %dma_wait3A_37, %dma_wait3A_38] : memref<2x128x128xf32, #tpu.memory_space<vmem>> -> memref<1x128x128xf32, #tpu.memory_space<vmem>>
    %dma_wait3A_40 = tpu.memref_squeeze %dma_wait3A_39 : memref<1x128x128xf32, #tpu.memory_space<vmem>> -> memref<128x128xf32, #tpu.memory_space<vmem>>
    %dma_wait3A_41 = arith.constant 0 : i32
    %dma_wait3A_42 = tpu.memref_slice %arg7[%dma_wait3A_35, %dma_wait3A_41] : memref<16x128xi32, #tpu.memory_space<vmem>> -> memref<1x128xi32, #tpu.memory_space<vmem>>
    %dma_wait3A_43 = tpu.memref_squeeze %dma_wait3A_42 : memref<1x128xi32, #tpu.memory_space<vmem>> -> memref<128xi32, #tpu.memory_space<vmem>>
    %dma_wait3A_44 = arith.constant 0 : i32
    %dma_wait3A_45 = arith.constant 0 : i32
    %dma_wait3A_46 = tpu.memref_slice %arg2[%dma_wait3A_44, %dma_wait3A_45] : memref<8192x128xf32, #tpu.memory_space<hbm>> -> memref<8192x128xf32, #tpu.memory_space<hbm>>
    tpu.wait_indirect_dma semaphore(%arg12 : memref<!tpu.dma_semaphore, #tpu.memory_space<semaphore_mem>>) src(%dma_wait3A_46 : memref<8192x128xf32, #tpu.memory_space<hbm>>) dst(%dma_wait3A_40 : memref<128x128xf32, #tpu.memory_space<vmem>>)
    %dma_start3A_47 = arith.constant 1 : i32
    %dma_start3A_48 = arith.constant 1 : i32
    %dma_start3A_49 = arith.constant 0 : i32
    %dma_start3A_50 = arith.constant 0 : i32
    %dma_start3A_51 = tpu.memref_slice %arg8[%dma_start3A_48, %dma_start3A_49, %dma_start3A_50] : memref<2x128x128xf32, #tpu.memory_space<vmem>> -> memref<1x128x128xf32, #tpu.memory_space<vmem>>
    %dma_start3A_52 = tpu.memref_squeeze %dma_start3A_51 : memref<1x128x128xf32, #tpu.memory_space<vmem>> -> memref<128x128xf32, #tpu.memory_space<vmem>>
    %dma_start3A_53 = arith.constant 0 : i32
    %dma_start3A_54 = tpu.memref_slice %arg6[%dma_start3A_47, %dma_start3A_53] : memref<16x128xi32, #tpu.memory_space<vmem>> -> memref<1x128xi32, #tpu.memory_space<vmem>>
    %dma_start3A_55 = tpu.memref_squeeze %dma_start3A_54 : memref<1x128xi32, #tpu.memory_space<vmem>> -> memref<128xi32, #tpu.memory_space<vmem>>
    %dma_start3A_56 = arith.constant 0 : i32
    %dma_start3A_57 = arith.constant 0 : i32
    %dma_start3A_58 = tpu.memref_slice %arg2[%dma_start3A_56, %dma_start3A_57] : memref<8192x128xf32, #tpu.memory_space<hbm>> -> memref<8192x128xf32, #tpu.memory_space<hbm>>
    tpu.enqueue_indirect_dma source(%dma_start3A_58 : memref<8192x128xf32, #tpu.memory_space<hbm>>) target(%dma_start3A_52 : memref<128x128xf32, #tpu.memory_space<vmem>>) offsets(%dma_start3A_55 : memref<128xi32, #tpu.memory_space<vmem>>) semaphore(%arg11 : memref<!tpu.dma_semaphore, #tpu.memory_space<semaphore_mem>>)
    %dma_start3A_59 = arith.constant 1 : i32
    %dma_start3A_60 = arith.constant 1 : i32
    %dma_start3A_61 = arith.constant 0 : i32
    %dma_start3A_62 = arith.constant 0 : i32
    %dma_start3A_63 = tpu.memref_slice %arg9[%dma_start3A_60, %dma_start3A_61, %dma_start3A_62] : memref<2x128x128xf32, #tpu.memory_space<vmem>> -> memref<1x128x128xf32, #tpu.memory_space<vmem>>
    %dma_start3A_64 = tpu.memref_squeeze %dma_start3A_63 : memref<1x128x128xf32, #tpu.memory_space<vmem>> -> memref<128x128xf32, #tpu.memory_space<vmem>>
    %dma_start3A_65 = arith.constant 0 : i32
    %dma_start3A_66 = tpu.memref_slice %arg7[%dma_start3A_59, %dma_start3A_65] : memref<16x128xi32, #tpu.memory_space<vmem>> -> memref<1x128xi32, #tpu.memory_space<vmem>>
    %dma_start3A_67 = tpu.memref_squeeze %dma_start3A_66 : memref<1x128xi32, #tpu.memory_space<vmem>> -> memref<128xi32, #tpu.memory_space<vmem>>
    %dma_start3A_68 = arith.constant 0 : i32
    %dma_start3A_69 = arith.constant 0 : i32
    %dma_start3A_70 = tpu.memref_slice %arg2[%dma_start3A_68, %dma_start3A_69] : memref<8192x128xf32, #tpu.memory_space<hbm>> -> memref<8192x128xf32, #tpu.memory_space<hbm>>
    tpu.enqueue_indirect_dma source(%dma_start3A_70 : memref<8192x128xf32, #tpu.memory_space<hbm>>) target(%dma_start3A_64 : memref<128x128xf32, #tpu.memory_space<vmem>>) offsets(%dma_start3A_67 : memref<128xi32, #tpu.memory_space<vmem>>) semaphore(%arg13 : memref<!tpu.dma_semaphore, #tpu.memory_space<semaphore_mem>>)
    %scan3A = arith.constant 0 : i32
    %scan3A_71 = arith.constant 0 : i32
    %scan3A_72 = arith.constant 128 : i32
    %scan3A_73 = arith.addi %scan3A_71, %scan3A_72 : i32
    %scan3A_74 = arith.constant 1 : i32
    scf.for %scan3A_1438 = %scan3A_71 to %scan3A_73 step %scan3A_74  : i32 {
      %get3A = arith.constant 0 : i32
      %get3A_1439 = arith.index_cast %get3A : i32 to index
      %get3A_1440 = arith.index_cast %scan3A_1438 : i32 to index
      %get3A_1441 = arith.constant 64 : index
      %get3A_1442 = tpu.vector_load %arg9[%get3A_1439, %get3A_1440, %get3A_1441] {strides = array<i32>} : memref<2x128x128xf32, #tpu.memory_space<vmem>>, vector<1x1x16xf32>,
      %get3A_1443 = vector.shape_cast %get3A_1442 : vector<1x1x16xf32> to vector<16xf32>
      %swap3A = arith.constant 0 : i32
      %swap3A_1444 = arith.index_cast %swap3A : i32 to index
      %swap3A_1445 = arith.index_cast %scan3A_1438 : i32 to index
      %swap3A_1446 = arith.constant 64 : index
      %swap3A_1447 = tpu.vector_load %arg8[%swap3A_1444, %swap3A_1445, %swap3A_1446] {strides = array<i32>} : memref<2x128x128xf32, #tpu.memory_space<vmem>>, vector<1x1x16xf32>,
      %swap3A_1448 = vector.shape_cast %swap3A_1447 : vector<1x1x16xf32> to vector<16xf32>
      %swap3A_1449 = vector.shape_cast %get3A_1443 : vector<16xf32> to vector<1x1x16xf32>
      tpu.vector_store %arg8[%swap3A_1444, %swap3A_1445, %swap3A_1446], %swap3A_1449 {strides = array<i32>} : memref<2x128x128xf32, #tpu.memory_space<vmem>>, vector<1x1x16xf32>,
      %get3A_1450 = arith.constant 0 : i32
      %get3A_1451 = arith.index_cast %get3A_1450 : i32 to index
      %get3A_1452 = arith.index_cast %scan3A_1438 : i32 to index
      %get3A_1453 = arith.constant 80 : index
      %get3A_1454 = tpu.vector_load %arg9[%get3A_1451, %get3A_1452, %get3A_1453] {strides = array<i32>} : memref<2x128x128xf32, #tpu.memory_space<vmem>>, vector<1x1x16xf32>,
      %get3A_1455 = vector.shape_cast %get3A_1454 : vector<1x1x16xf32> to vector<16xf32>
      %swap3A_1456 = arith.constant 0 : i32
      %swap3A_1457 = arith.index_cast %swap3A_1456 : i32 to index
      %swap3A_1458 = arith.index_cast %scan3A_1438 : i32 to index
      %swap3A_1459 = arith.constant 80 : index
      %swap3A_1460 = tpu.vector_load %arg8[%swap3A_1457, %swap3A_1458, %swap3A_1459] {strides = array<i32>} : memref<2x128x128xf32, #tpu.memory_space<vmem>>, vector<1x1x16xf32>,
      %swap3A_1461 = vector.shape_cast %swap3A_1460 : vector<1x1x16xf32> to vector<16xf32>
      %swap3A_1462 = vector.shape_cast %get3A_1455 : vector<16xf32> to vector<1x1x16xf32>
      tpu.vector_store %arg8[%swap3A_1457, %swap3A_1458, %swap3A_1459], %swap3A_1462 {strides = array<i32>} : memref<2x128x128xf32, #tpu.memory_space<vmem>>, vector<1x1x16xf32>,
      %get3A_1463 = arith.constant 0 : i32
      %get3A_1464 = arith.index_cast %get3A_1463 : i32 to index
      %get3A_1465 = arith.index_cast %scan3A_1438 : i32 to index
      %get3A_1466 = arith.constant 96 : index
      %get3A_1467 = tpu.vector_load %arg9[%get3A_1464, %get3A_1465, %get3A_1466] {strides = array<i32>} : memref<2x128x128xf32, #tpu.memory_space<vmem>>, vector<1x1x16xf32>,
      %get3A_1468 = vector.shape_cast %get3A_1467 : vector<1x1x16xf32> to vector<16xf32>
      %swap3A_1469 = arith.constant 0 : i32
      %swap3A_1470 = arith.index_cast %swap3A_1469 : i32 to index
      %swap3A_1471 = arith.index_cast %scan3A_1438 : i32 to index
      %swap3A_1472 = arith.constant 96 : index
      %swap3A_1473 = tpu.vector_load %arg8[%swap3A_1470, %swap3A_1471, %swap3A_1472] {strides = array<i32>} : memref<2x128x128xf32, #tpu.memory_space<vmem>>, vector<1x1x16xf32>,
      %swap3A_1474 = vector.shape_cast %swap3A_1473 : vector<1x1x16xf32> to vector<16xf32>
      %swap3A_1475 = vector.shape_cast %get3A_1468 : vector<16xf32> to vector<1x1x16xf32>
      tpu.vector_store %arg8[%swap3A_1470, %swap3A_1471, %swap3A_1472], %swap3A_1475 {strides = array<i32>} : memref<2x128x128xf32, #tpu.memory_space<vmem>>, vector<1x1x16xf32>,
      %get3A_1476 = arith.constant 0 : i32
      %get3A_1477 = arith.index_cast %get3A_1476 : i32 to index
      %get3A_1478 = arith.index_cast %scan3A_1438 : i32 to index
      %get3A_1479 = arith.constant 112 : index
      %get3A_1480 = tpu.vector_load %arg9[%get3A_1477, %get3A_1478, %get3A_1479] {strides = array<i32>} : memref<2x128x128xf32, #tpu.memory_space<vmem>>, vector<1x1x16xf32>,
      %get3A_1481 = vector.shape_cast %get3A_1480 : vector<1x1x16xf32> to vector<16xf32>
      %swap3A_1482 = arith.constant 0 : i32
      %swap3A_1483 = arith.index_cast %swap3A_1482 : i32 to index
      %swap3A_1484 = arith.index_cast %scan3A_1438 : i32 to index
      %swap3A_1485 = arith.constant 112 : index
      %swap3A_1486 = tpu.vector_load %arg8[%swap3A_1483, %swap3A_1484, %swap3A_1485] {strides = array<i32>} : memref<2x128x128xf32, #tpu.memory_space<vmem>>, vector<1x1x16xf32>,
      %swap3A_1487 = vector.shape_cast %swap3A_1486 : vector<1x1x16xf32> to vector<16xf32>
      %swap3A_1488 = vector.shape_cast %get3A_1481 : vector<16xf32> to vector<1x1x16xf32>
      tpu.vector_store %arg8[%swap3A_1483, %swap3A_1484, %swap3A_1485], %swap3A_1488 {strides = array<i32>} : memref<2x128x128xf32, #tpu.memory_space<vmem>>, vector<1x1x16xf32>,
    }
    %scan3A_75 = arith.constant 128 : i32
    %dma_start3A_76 = arith.constant 0 : i32
    %dma_start3A_77 = arith.constant 0 : i32
    %dma_start3A_78 = arith.constant 0 : i32
    %dma_start3A_79 = arith.constant 0 : i32
    %dma_start3A_80 = tpu.memref_slice %arg8[%dma_start3A_76, %dma_start3A_78, %dma_start3A_79] : memref<2x128x128xf32, #tpu.memory_space<vmem>> -> memref<1x128x128xf32, #tpu.memory_space<vmem>>
    %dma_start3A_81 = tpu.memref_squeeze %dma_start3A_80 : memref<1x128x128xf32, #tpu.memory_space<vmem>> -> memref<128x128xf32, #tpu.memory_space<vmem>>
    %dma_start3A_82 = arith.constant 0 : i32
    %dma_start3A_83 = arith.constant 0 : i32
    %dma_start3A_84 = tpu.memref_slice %arg5[%add3A, %dma_start3A_77, %dma_start3A_82, %dma_start3A_83] : memref<32x16x128x128xf32, #tpu.memory_space<hbm>> -> memref<1x1x128x128xf32, #tpu.memory_space<hbm>>
    %dma_start3A_85 = tpu.memref_squeeze %dma_start3A_84 : memref<1x1x128x128xf32, #tpu.memory_space<hbm>> -> memref<128x128xf32, #tpu.memory_space<hbm>>
    %dma_start3A_86 = arith.constant 0 : i32
    %dma_start3A_87 = arith.constant 0 : i32
    %dma_start3A_88 = tpu.memref_slice %arg5[%add3A, %dma_start3A_77, %dma_start3A_86, %dma_start3A_87] : memref<32x16x128x128xf32, #tpu.memory_space<hbm>> -> memref<1x1x128x128xf32, #tpu.memory_space<hbm>>
    %dma_start3A_89 = tpu.memref_squeeze %dma_start3A_88 : memref<1x1x128x128xf32, #tpu.memory_space<hbm>> -> memref<128x128xf32, #tpu.memory_space<hbm>>
    %dma_start3A_90 = arith.constant 0 : i32
    %dma_start3A_91 = arith.constant 0 : i32
    %dma_start3A_92 = tpu.memref_slice %arg8[%dma_start3A_76, %dma_start3A_90, %dma_start3A_91] : memref<2x128x128xf32, #tpu.memory_space<vmem>> -> memref<1x128x128xf32, #tpu.memory_space<vmem>>
    %dma_start3A_93 = tpu.memref_squeeze %dma_start3A_92 : memref<1x128x128xf32, #tpu.memory_space<vmem>> -> memref<128x128xf32, #tpu.memory_space<vmem>>
    tpu.enqueue_dma source(%dma_start3A_93 : memref<128x128xf32, #tpu.memory_space<vmem>>) target(%dma_start3A_89 : memref<128x128xf32, #tpu.memory_space<hbm>>) target_semaphore(%arg14 : memref<!tpu.dma_semaphore, #tpu.memory_space<semaphore_mem>>)
    %dma_wait3A_94 = arith.constant 1 : i32
    %dma_wait3A_95 = arith.constant 1 : i32
    %dma_wait3A_96 = arith.constant 0 : i32
    %dma_wait3A_97 = arith.constant 0 : i32
    %dma_wait3A_98 = tpu.memref_slice %arg8[%dma_wait3A_95, %dma_wait3A_96, %dma_wait3A_97] : memref<2x128x128xf32, #tpu.memory_space<vmem>> -> memref<1x128x128xf32, #tpu.memory_space<vmem>>
    %dma_wait3A_99 = tpu.memref_squeeze %dma_wait3A_98 : memref<1x128x128xf32, #tpu.memory_space<vmem>> -> memref<128x128xf32, #tpu.memory_space<vmem>>
    %dma_wait3A_100 = arith.constant 0 : i32
    %dma_wait3A_101 = tpu.memref_slice %arg6[%dma_wait3A_94, %dma_wait3A_100] : memref<16x128xi32, #tpu.memory_space<vmem>> -> memref<1x128xi32, #tpu.memory_space<vmem>>
    %dma_wait3A_102 = tpu.memref_squeeze %dma_wait3A_101 : memref<1x128xi32, #tpu.memory_space<vmem>> -> memref<128xi32, #tpu.memory_space<vmem>>
    %dma_wait3A_103 = arith.constant 0 : i32
    %dma_wait3A_104 = arith.constant 0 : i32
    %dma_wait3A_105 = tpu.memref_slice %arg2[%dma_wait3A_103, %dma_wait3A_104] : memref<8192x128xf32, #tpu.memory_space<hbm>> -> memref<8192x128xf32, #tpu.memory_space<hbm>>
    tpu.wait_indirect_dma semaphore(%arg11 : memref<!tpu.dma_semaphore, #tpu.memory_space<semaphore_mem>>) src(%dma_wait3A_105 : memref<8192x128xf32, #tpu.memory_space<hbm>>) dst(%dma_wait3A_99 : memref<128x128xf32, #tpu.memory_space<vmem>>)
    %dma_wait3A_106 = arith.constant 1 : i32
    %dma_wait3A_107 = arith.constant 1 : i32
    %dma_wait3A_108 = arith.constant 0 : i32
    %dma_wait3A_109 = arith.constant 0 : i32
    %dma_wait3A_110 = tpu.memref_slice %arg9[%dma_wait3A_107, %dma_wait3A_108, %dma_wait3A_109] : memref<2x128x128xf32, #tpu.memory_space<vmem>> -> memref<1x128x128xf32, #tpu.memory_space<vmem>>
    %dma_wait3A_111 = tpu.memref_squeeze %dma_wait3A_110 : memref<1x128x128xf32, #tpu.memory_space<vmem>> -> memref<128x128xf32, #tpu.memory_space<vmem>>
    %dma_wait3A_112 = arith.constant 0 : i32
    %dma_wait3A_113 = tpu.memref_slice %arg7[%dma_wait3A_106, %dma_wait3A_112] : memref<16x128xi32, #tpu.memory_space<vmem>> -> memref<1x128xi32, #tpu.memory_space<vmem>>
    %dma_wait3A_114 = tpu.memref_squeeze %dma_wait3A_113 : memref<1x128xi32, #tpu.memory_space<vmem>> -> memref<128xi32, #tpu.memory_space<vmem>>
    %dma_wait3A_115 = arith.constant 0 : i32
    %dma_wait3A_116 = arith.constant 0 : i32
    %dma_wait3A_117 = tpu.memref_slice %arg2[%dma_wait3A_115, %dma_wait3A_116] : memref<8192x128xf32, #tpu.memory_space<hbm>> -> memref<8192x128xf32, #tpu.memory_space<hbm>>
    tpu.wait_indirect_dma semaphore(%arg13 : memref<!tpu.dma_semaphore, #tpu.memory_space<semaphore_mem>>) src(%dma_wait3A_117 : memref<8192x128xf32, #tpu.memory_space<hbm>>) dst(%dma_wait3A_111 : memref<128x128xf32, #tpu.memory_space<vmem>>)
    %dma_wait3A_118 = arith.constant 0 : i32
    %dma_wait3A_119 = arith.constant 0 : i32
    %dma_wait3A_120 = arith.constant 0 : i32
    %dma_wait3A_121 = arith.constant 0 : i32
    %dma_wait3A_122 = tpu.memref_slice %arg8[%dma_wait3A_118, %dma_wait3A_120, %dma_wait3A_121] : memref<2x128x128xf32, #tpu.memory_space<vmem>> -> memref<1x128x128xf32, #tpu.memory_space<vmem>>
    %dma_wait3A_123 = tpu.memref_squeeze %dma_wait3A_122 : memref<1x128x128xf32, #tpu.memory_space<vmem>> -> memref<128x128xf32, #tpu.memory_space<vmem>>
    %dma_wait3A_124 = arith.constant 0 : i32
    %dma_wait3A_125 = arith.constant 0 : i32
    %dma_wait3A_126 = tpu.memref_slice %arg5[%add3A, %dma_wait3A_119, %dma_wait3A_124, %dma_wait3A_125] : memref<32x16x128x128xf32, #tpu.memory_space<hbm>> -> memref<1x1x128x128xf32, #tpu.memory_space<hbm>>
    %dma_wait3A_127 = tpu.memref_squeeze %dma_wait3A_126 : memref<1x1x128x128xf32, #tpu.memory_space<hbm>> -> memref<128x128xf32, #tpu.memory_space<hbm>>
    %dma_wait3A_128 = arith.constant 0 : i32
    %dma_wait3A_129 = arith.constant 0 : i32
    %dma_wait3A_130 = tpu.memref_slice %arg5[%add3A, %dma_wait3A_119, %dma_wait3A_128, %dma_wait3A_129] : memref<32x16x128x128xf32, #tpu.memory_space<hbm>> -> memref<1x1x128x128xf32, #tpu.memory_space<hbm>>
    %dma_wait3A_131 = tpu.memref_squeeze %dma_wait3A_130 : memref<1x1x128x128xf32, #tpu.memory_space<hbm>> -> memref<128x128xf32, #tpu.memory_space<hbm>>
    %dma_wait3A_132 = arith.constant 0 : i32
    %dma_wait3A_133 = arith.constant 0 : i32
    %dma_wait3A_134 = tpu.memref_slice %arg8[%dma_wait3A_118, %dma_wait3A_132, %dma_wait3A_133] : memref<2x128x128xf32, #tpu.memory_space<vmem>> -> memref<1x128x128xf32, #tpu.memory_space<vmem>>
    %dma_wait3A_135 = tpu.memref_squeeze %dma_wait3A_134 : memref<1x128x128xf32, #tpu.memory_space<vmem>> -> memref<128x128xf32, #tpu.memory_space<vmem>>
    tpu.wait_dma2 semaphore(%arg14 : memref<!tpu.dma_semaphore, #tpu.memory_space<semaphore_mem>>) src(%dma_wait3A_135 : memref<128x128xf32, #tpu.memory_space<vmem>>) dst(%dma_wait3A_131 : memref<128x128xf32, #tpu.memory_space<hbm>>)
    %dma_start3A_136 = arith.constant 2 : i32
    %dma_start3A_137 = arith.constant 0 : i32
    %dma_start3A_138 = arith.constant 0 : i32
    %dma_start3A_139 = arith.constant 0 : i32
    %dma_start3A_140 = tpu.memref_slice %arg8[%dma_start3A_137, %dma_start3A_138, %dma_start3A_139] : memref<2x128x128xf32, #tpu.memory_space<vmem>> -> memref<1x128x128xf32, #tpu.memory_space<vmem>>
    %dma_start3A_141 = tpu.memref_squeeze %dma_start3A_140 : memref<1x128x128xf32, #tpu.memory_space<vmem>> -> memref<128x128xf32, #tpu.memory_space<vmem>>
    %dma_start3A_142 = arith.constant 0 : i32
    %dma_start3A_143 = tpu.memref_slice %arg6[%dma_start3A_136, %dma_start3A_142] : memref<16x128xi32, #tpu.memory_space<vmem>> -> memref<1x128xi32, #tpu.memory_space<vmem>>
    %dma_start3A_144 = tpu.memref_squeeze %dma_start3A_143 : memref<1x128xi32, #tpu.memory_space<vmem>> -> memref<128xi32, #tpu.memory_space<vmem>>
    %dma_start3A_145 = arith.constant 0 : i32
    %dma_start3A_146 = arith.constant 0 : i32
    %dma_start3A_147 = tpu.memref_slice %arg2[%dma_start3A_145, %dma_start3A_146] : memref<8192x128xf32, #tpu.memory_space<hbm>> -> memref<8192x128xf32, #tpu.memory_space<hbm>>
    tpu.enqueue_indirect_dma source(%dma_start3A_147 : memref<8192x128xf32, #tpu.memory_space<hbm>>) target(%dma_start3A_141 : memref<128x128xf32, #tpu.memory_space<vmem>>) offsets(%dma_start3A_144 : memref<128xi32, #tpu.memory_space<vmem>>) semaphore(%arg10 : memref<!tpu.dma_semaphore, #tpu.memory_space<semaphore_mem>>)
    %dma_start3A_148 = arith.constant 2 : i32
    %dma_start3A_149 = arith.constant 0 : i32
    %dma_start3A_150 = arith.constant 0 : i32
    %dma_start3A_151 = arith.constant 0 : i32
    %dma_start3A_152 = tpu.memref_slice %arg9[%dma_start3A_149, %dma_start3A_150, %dma_start3A_151] : memref<2x128x128xf32, #tpu.memory_space<vmem>> -> memref<1x128x128xf32, #tpu.memory_space<vmem>>
    %dma_start3A_153 = tpu.memref_squeeze %dma_start3A_152 : memref<1x128x128xf32, #tpu.memory_space<vmem>> -> memref<128x128xf32, #tpu.memory_space<vmem>>
    %dma_start3A_154 = arith.constant 0 : i32
    %dma_start3A_155 = tpu.memref_slice %arg7[%dma_start3A_148, %dma_start3A_154] : memref<16x128xi32, #tpu.memory_space<vmem>> -> memref<1x128xi32, #tpu.memory_space<vmem>>
    %dma_start3A_156 = tpu.memref_squeeze %dma_start3A_155 : memref<1x128xi32, #tpu.memory_space<vmem>> -> memref<128xi32, #tpu.memory_space<vmem>>
    %dma_start3A_157 = arith.constant 0 : i32
    %dma_start3A_158 = arith.constant 0 : i32
    %dma_start3A_159 = tpu.memref_slice %arg2[%dma_start3A_157, %dma_start3A_158] : memref<8192x128xf32, #tpu.memory_space<hbm>> -> memref<8192x128xf32, #tpu.memory_space<hbm>>
    tpu.enqueue_indirect_dma source(%dma_start3A_159 : memref<8192x128xf32, #tpu.memory_space<hbm>>) target(%dma_start3A_153 : memref<128x128xf32, #tpu.memory_space<vmem>>) offsets(%dma_start3A_156 : memref<128xi32, #tpu.memory_space<vmem>>) semaphore(%arg12 : memref<!tpu.dma_semaphore, #tpu.memory_space<semaphore_mem>>)
    %scan3A_160 = arith.constant 0 : i32
    %scan3A_161 = arith.constant 0 : i32
    %scan3A_162 = arith.constant 128 : i32
    %scan3A_163 = arith.addi %scan3A_161, %scan3A_162 : i32
    %scan3A_164 = arith.constant 1 : i32
    scf.for %scan3A_1438 = %scan3A_161 to %scan3A_163 step %scan3A_164  : i32 {
      %get3A = arith.constant 1 : i32
      %get3A_1439 = arith.index_cast %get3A : i32 to index
      %get3A_1440 = arith.index_cast %scan3A_1438 : i32 to index
      %get3A_1441 = arith.constant 64 : index
      %get3A_1442 = tpu.vector_load %arg9[%get3A_1439, %get3A_1440, %get3A_1441] {strides = array<i32>} : memref<2x128x128xf32, #tpu.memory_space<vmem>>, vector<1x1x16xf32>,
      %get3A_1443 = vector.shape_cast %get3A_1442 : vector<1x1x16xf32> to vector<16xf32>
      %swap3A = arith.constant 1 : i32
      %swap3A_1444 = arith.index_cast %swap3A : i32 to index
      %swap3A_1445 = arith.index_cast %scan3A_1438 : i32 to index
      %swap3A_1446 = arith.constant 64 : index
      %swap3A_1447 = tpu.vector_load %arg8[%swap3A_1444, %swap3A_1445, %swap3A_1446] {strides = array<i32>} : memref<2x128x128xf32, #tpu.memory_space<vmem>>, vector<1x1x16xf32>,
      %swap3A_1448 = vector.shape_cast %swap3A_1447 : vector<1x1x16xf32> to vector<16xf32>
      %swap3A_1449 = vector.shape_cast %get3A_1443 : vector<16xf32> to vector<1x1x16xf32>
      tpu.vector_store %arg8[%swap3A_1444, %swap3A_1445, %swap3A_1446], %swap3A_1449 {strides = array<i32>} : memref<2x128x128xf32, #tpu.memory_space<vmem>>, vector<1x1x16xf32>,
      %get3A_1450 = arith.constant 1 : i32
      %get3A_1451 = arith.index_cast %get3A_1450 : i32 to index
      %get3A_1452 = arith.index_cast %scan3A_1438 : i32 to index
      %get3A_1453 = arith.constant 80 : index
      %get3A_1454 = tpu.vector_load %arg9[%get3A_1451, %get3A_1452, %get3A_1453] {strides = array<i32>} : memref<2x128x128xf32, #tpu.memory_space<vmem>>, vector<1x1x16xf32>,
      %get3A_1455 = vector.shape_cast %get3A_1454 : vector<1x1x16xf32> to vector<16xf32>
      %swap3A_1456 = arith.constant 1 : i32
      %swap3A_1457 = arith.index_cast %swap3A_1456 : i32 to index
      %swap3A_1458 = arith.index_cast %scan3A_1438 : i32 to index
      %swap3A_1459 = arith.constant 80 : index
      %swap3A_1460 = tpu.vector_load %arg8[%swap3A_1457, %swap3A_1458, %swap3A_1459] {strides = array<i32>} : memref<2x128x128xf32, #tpu.memory_space<vmem>>, vector<1x1x16xf32>,
      %swap3A_1461 = vector.shape_cast %swap3A_1460 : vector<1x1x16xf32> to vector<16xf32>
      %swap3A_1462 = vector.shape_cast %get3A_1455 : vector<16xf32> to vector<1x1x16xf32>
      tpu.vector_store %arg8[%swap3A_1457, %swap3A_1458, %swap3A_1459], %swap3A_1462 {strides = array<i32>} : memref<2x128x128xf32, #tpu.memory_space<vmem>>, vector<1x1x16xf32>,
      %get3A_1463 = arith.constant 1 : i32
      %get3A_1464 = arith.index_cast %get3A_1463 : i32 to index
      %get3A_1465 = arith.index_cast %scan3A_1438 : i32 to index
      %get3A_1466 = arith.constant 96 : index
      %get3A_1467 = tpu.vector_load %arg9[%get3A_1464, %get3A_1465, %get3A_1466] {strides = array<i32>} : memref<2x128x128xf32, #tpu.memory_space<vmem>>, vector<1x1x16xf32>,
      %get3A_1468 = vector.shape_cast %get3A_1467 : vector<1x1x16xf32> to vector<16xf32>
      %swap3A_1469 = arith.constant 1 : i32
      %swap3A_1470 = arith.index_cast %swap3A_1469 : i32 to index
      %swap3A_1471 = arith.index_cast %scan3A_1438 : i32 to index
      %swap3A_1472 = arith.constant 96 : index
      %swap3A_1473 = tpu.vector_load %arg8[%swap3A_1470, %swap3A_1471, %swap3A_1472] {strides = array<i32>} : memref<2x128x128xf32, #tpu.memory_space<vmem>>, vector<1x1x16xf32>,
      %swap3A_1474 = vector.shape_cast %swap3A_1473 : vector<1x1x16xf32> to vector<16xf32>
      %swap3A_1475 = vector.shape_cast %get3A_1468 : vector<16xf32> to vector<1x1x16xf32>
      tpu.vector_store %arg8[%swap3A_1470, %swap3A_1471, %swap3A_1472], %swap3A_1475 {strides = array<i32>} : memref<2x128x128xf32, #tpu.memory_space<vmem>>, vector<1x1x16xf32>,
      %get3A_1476 = arith.constant 1 : i32
      %get3A_1477 = arith.index_cast %get3A_1476 : i32 to index
      %get3A_1478 = arith.index_cast %scan3A_1438 : i32 to index
      %get3A_1479 = arith.constant 112 : index
      %get3A_1480 = tpu.vector_load %arg9[%get3A_1477, %get3A_1478, %get3A_1479] {strides = array<i32>} : memref<2x128x128xf32, #tpu.memory_space<vmem>>, vector<1x1x16xf32>,
      %get3A_1481 = vector.shape_cast %get3A_1480 : vector<1x1x16xf32> to vector<16xf32>
      %swap3A_1482 = arith.constant 1 : i32
      %swap3A_1483 = arith.index_cast %swap3A_1482 : i32 to index
      %swap3A_1484 = arith.index_cast %scan3A_1438 : i32 to index
      %swap3A_1485 = arith.constant 112 : index
      %swap3A_1486 = tpu.vector_load %arg8[%swap3A_1483, %swap3A_1484, %swap3A_1485] {strides = array<i32>} : memref<2x128x128xf32, #tpu.memory_space<vmem>>, vector<1x1x16xf32>,
      %swap3A_1487 = vector.shape_cast %swap3A_1486 : vector<1x1x16xf32> to vector<16xf32>
      %swap3A_1488 = vector.shape_cast %get3A_1481 : vector<16xf32> to vector<1x1x16xf32>
      tpu.vector_store %arg8[%swap3A_1483, %swap3A_1484, %swap3A_1485], %swap3A_1488 {strides = array<i32>} : memref<2x128x128xf32, #tpu.memory_space<vmem>>, vector<1x1x16xf32>,
    }
    %scan3A_165 = arith.constant 128 : i32
    %dma_start3A_166 = arith.constant 1 : i32
    %dma_start3A_167 = arith.constant 1 : i32
    %dma_start3A_168 = arith.constant 0 : i32
    %dma_start3A_169 = arith.constant 0 : i32
    %dma_start3A_170 = tpu.memref_slice %arg8[%dma_start3A_166, %dma_start3A_168, %dma_start3A_169] : memref<2x128x128xf32, #tpu.memory_space<vmem>> -> memref<1x128x128xf32, #tpu.memory_space<vmem>>
    %dma_start3A_171 = tpu.memref_squeeze %dma_start3A_170 : memref<1x128x128xf32, #tpu.memory_space<vmem>> -> memref<128x128xf32, #tpu.memory_space<vmem>>
    %dma_start3A_172 = arith.constant 0 : i32
    %dma_start3A_173 = arith.constant 0 : i32
    %dma_start3A_174 = tpu.memref_slice %arg5[%add3A, %dma_start3A_167, %dma_start3A_172, %dma_start3A_173] : memref<32x16x128x128xf32, #tpu.memory_space<hbm>> -> memref<1x1x128x128xf32, #tpu.memory_space<hbm>>
    %dma_start3A_175 = tpu.memref_squeeze %dma_start3A_174 : memref<1x1x128x128xf32, #tpu.memory_space<hbm>> -> memref<128x128xf32, #tpu.memory_space<hbm>>
    %dma_start3A_176 = arith.constant 0 : i32
    %dma_start3A_177 = arith.constant 0 : i32
    %dma_start3A_178 = tpu.memref_slice %arg5[%add3A, %dma_start3A_167, %dma_start3A_176, %dma_start3A_177] : memref<32x16x128x128xf32, #tpu.memory_space<hbm>> -> memref<1x1x128x128xf32, #tpu.memory_space<hbm>>
    %dma_start3A_179 = tpu.memref_squeeze %dma_start3A_178 : memref<1x1x128x128xf32, #tpu.memory_space<hbm>> -> memref<128x128xf32, #tpu.memory_space<hbm>>
    %dma_start3A_180 = arith.constant 0 : i32
    %dma_start3A_181 = arith.constant 0 : i32
    %dma_start3A_182 = tpu.memref_slice %arg8[%dma_start3A_166, %dma_start3A_180, %dma_start3A_181] : memref<2x128x128xf32, #tpu.memory_space<vmem>> -> memref<1x128x128xf32, #tpu.memory_space<vmem>>
    %dma_start3A_183 = tpu.memref_squeeze %dma_start3A_182 : memref<1x128x128xf32, #tpu.memory_space<vmem>> -> memref<128x128xf32, #tpu.memory_space<vmem>>
    tpu.enqueue_dma source(%dma_start3A_183 : memref<128x128xf32, #tpu.memory_space<vmem>>) target(%dma_start3A_179 : memref<128x128xf32, #tpu.memory_space<hbm>>) target_semaphore(%arg15 : memref<!tpu.dma_semaphore, #tpu.memory_space<semaphore_mem>>)
    %dma_wait3A_184 = arith.constant 2 : i32
    %dma_wait3A_185 = arith.constant 0 : i32
    %dma_wait3A_186 = arith.constant 0 : i32
    %dma_wait3A_187 = arith.constant 0 : i32
    %dma_wait3A_188 = tpu.memref_slice %arg8[%dma_wait3A_185, %dma_wait3A_186, %dma_wait3A_187] : memref<2x128x128xf32, #tpu.memory_space<vmem>> -> memref<1x128x128xf32, #tpu.memory_space<vmem>>
    %dma_wait3A_189 = tpu.memref_squeeze %dma_wait3A_188 : memref<1x128x128xf32, #tpu.memory_space<vmem>> -> memref<128x128xf32, #tpu.memory_space<vmem>>
    %dma_wait3A_190 = arith.constant 0 : i32
    %dma_wait3A_191 = tpu.memref_slice %arg6[%dma_wait3A_184, %dma_wait3A_190] : memref<16x128xi32, #tpu.memory_space<vmem>> -> memref<1x128xi32, #tpu.memory_space<vmem>>
    %dma_wait3A_192 = tpu.memref_squeeze %dma_wait3A_191 : memref<1x128xi32, #tpu.memory_space<vmem>> -> memref<128xi32, #tpu.memory_space<vmem>>
    %dma_wait3A_193 = arith.constant 0 : i32
    %dma_wait3A_194 = arith.constant 0 : i32
    %dma_wait3A_195 = tpu.memref_slice %arg2[%dma_wait3A_193, %dma_wait3A_194] : memref<8192x128xf32, #tpu.memory_space<hbm>> -> memref<8192x128xf32, #tpu.memory_space<hbm>>
    tpu.wait_indirect_dma semaphore(%arg10 : memref<!tpu.dma_semaphore, #tpu.memory_space<semaphore_mem>>) src(%dma_wait3A_195 : memref<8192x128xf32, #tpu.memory_space<hbm>>) dst(%dma_wait3A_189 : memref<128x128xf32, #tpu.memory_space<vmem>>)
    %dma_wait3A_196 = arith.constant 2 : i32
    %dma_wait3A_197 = arith.constant 0 : i32
    %dma_wait3A_198 = arith.constant 0 : i32
    %dma_wait3A_199 = arith.constant 0 : i32
    %dma_wait3A_200 = tpu.memref_slice %arg9[%dma_wait3A_197, %dma_wait3A_198, %dma_wait3A_199] : memref<2x128x128xf32, #tpu.memory_space<vmem>> -> memref<1x128x128xf32, #tpu.memory_space<vmem>>
    %dma_wait3A_201 = tpu.memref_squeeze %dma_wait3A_200 : memref<1x128x128xf32, #tpu.memory_space<vmem>> -> memref<128x128xf32, #tpu.memory_space<vmem>>
    %dma_wait3A_202 = arith.constant 0 : i32
    %dma_wait3A_203 = tpu.memref_slice %arg7[%dma_wait3A_196, %dma_wait3A_202] : memref<16x128xi32, #tpu.memory_space<vmem>> -> memref<1x128xi32, #tpu.memory_space<vmem>>
    %dma_wait3A_204 = tpu.memref_squeeze %dma_wait3A_203 : memref<1x128xi32, #tpu.memory_space<vmem>> -> memref<128xi32, #tpu.memory_space<vmem>>
    %dma_wait3A_205 = arith.constant 0 : i32
    %dma_wait3A_206 = arith.constant 0 : i32
    %dma_wait3A_207 = tpu.memref_slice %arg2[%dma_wait3A_205, %dma_wait3A_206] : memref<8192x128xf32, #tpu.memory_space<hbm>> -> memref<8192x128xf32, #tpu.memory_space<hbm>>
    tpu.wait_indirect_dma semaphore(%arg12 : memref<!tpu.dma_semaphore, #tpu.memory_space<semaphore_mem>>) src(%dma_wait3A_207 : memref<8192x128xf32, #tpu.memory_space<hbm>>) dst(%dma_wait3A_201 : memref<128x128xf32, #tpu.memory_space<vmem>>)
    %dma_wait3A_208 = arith.constant 1 : i32
    %dma_wait3A_209 = arith.constant 1 : i32
    %dma_wait3A_210 = arith.constant 0 : i32
    %dma_wait3A_211 = arith.constant 0 : i32
    %dma_wait3A_212 = tpu.memref_slice %arg8[%dma_wait3A_208, %dma_wait3A_210, %dma_wait3A_211] : memref<2x128x128xf32, #tpu.memory_space<vmem>> -> memref<1x128x128xf32, #tpu.memory_space<vmem>>
    %dma_wait3A_213 = tpu.memref_squeeze %dma_wait3A_212 : memref<1x128x128xf32, #tpu.memory_space<vmem>> -> memref<128x128xf32, #tpu.memory_space<vmem>>
    %dma_wait3A_214 = arith.constant 0 : i32
    %dma_wait3A_215 = arith.constant 0 : i32
    %dma_wait3A_216 = tpu.memref_slice %arg5[%add3A, %dma_wait3A_209, %dma_wait3A_214, %dma_wait3A_215] : memref<32x16x128x128xf32, #tpu.memory_space<hbm>> -> memref<1x1x128x128xf32, #tpu.memory_space<hbm>>
    %dma_wait3A_217 = tpu.memref_squeeze %dma_wait3A_216 : memref<1x1x128x128xf32, #tpu.memory_space<hbm>> -> memref<128x128xf32, #tpu.memory_space<hbm>>
    %dma_wait3A_218 = arith.constant 0 : i32
    %dma_wait3A_219 = arith.constant 0 : i32
    %dma_wait3A_220 = tpu.memref_slice %arg5[%add3A, %dma_wait3A_209, %dma_wait3A_218, %dma_wait3A_219] : memref<32x16x128x128xf32, #tpu.memory_space<hbm>> -> memref<1x1x128x128xf32, #tpu.memory_space<hbm>>
    %dma_wait3A_221 = tpu.memref_squeeze %dma_wait3A_220 : memref<1x1x128x128xf32, #tpu.memory_space<hbm>> -> memref<128x128xf32, #tpu.memory_space<hbm>>
    %dma_wait3A_222 = arith.constant 0 : i32
    %dma_wait3A_223 = arith.constant 0 : i32
    %dma_wait3A_224 = tpu.memref_slice %arg8[%dma_wait3A_208, %dma_wait3A_222, %dma_wait3A_223] : memref<2x128x128xf32, #tpu.memory_space<vmem>> -> memref<1x128x128xf32, #tpu.memory_space<vmem>>
    %dma_wait3A_225 = tpu.memref_squeeze %dma_wait3A_224 : memref<1x128x128xf32, #tpu.memory_space<vmem>> -> memref<128x128xf32, #tpu.memory_space<vmem>>
    tpu.wait_dma2 semaphore(%arg15 : memref<!tpu.dma_semaphore, #tpu.memory_space<semaphore_mem>>) src(%dma_wait3A_225 : memref<128x128xf32, #tpu.memory_space<vmem>>) dst(%dma_wait3A_221 : memref<128x128xf32, #tpu.memory_space<hbm>>)
    %dma_start3A_226 = arith.constant 3 : i32
    %dma_start3A_227 = arith.constant 1 : i32
    %dma_start3A_228 = arith.constant 0 : i32
    %dma_start3A_229 = arith.constant 0 : i32
    %dma_start3A_230 = tpu.memref_slice %arg8[%dma_start3A_227, %dma_start3A_228, %dma_start3A_229] : memref<2x128x128xf32, #tpu.memory_space<vmem>> -> memref<1x128x128xf32, #tpu.memory_space<vmem>>
    %dma_start3A_231 = tpu.memref_squeeze %dma_start3A_230 : memref<1x128x128xf32, #tpu.memory_space<vmem>> -> memref<128x128xf32, #tpu.memory_space<vmem>>
    %dma_start3A_232 = arith.constant 0 : i32
    %dma_start3A_233 = tpu.memref_slice %arg6[%dma_start3A_226, %dma_start3A_232] : memref<16x128xi32, #tpu.memory_space<vmem>> -> memref<1x128xi32, #tpu.memory_space<vmem>>
    %dma_start3A_234 = tpu.memref_squeeze %dma_start3A_233 : memref<1x128xi32, #tpu.memory_space<vmem>> -> memref<128xi32, #tpu.memory_space<vmem>>
    %dma_start3A_235 = arith.constant 0 : i32
    %dma_start3A_236 = arith.constant 0 : i32
    %dma_start3A_237 = tpu.memref_slice %arg2[%dma_start3A_235, %dma_start3A_236] : memref<8192x128xf32, #tpu.memory_space<hbm>> -> memref<8192x128xf32, #tpu.memory_space<hbm>>
    tpu.enqueue_indirect_dma source(%dma_start3A_237 : memref<8192x128xf32, #tpu.memory_space<hbm>>) target(%dma_start3A_231 : memref<128x128xf32, #tpu.memory_space<vmem>>) offsets(%dma_start3A_234 : memref<128xi32, #tpu.memory_space<vmem>>) semaphore(%arg11 : memref<!tpu.dma_semaphore, #tpu.memory_space<semaphore_mem>>)
    %dma_start3A_238 = arith.constant 3 : i32
    %dma_start3A_239 = arith.constant 1 : i32
    %dma_start3A_240 = arith.constant 0 : i32
    %dma_start3A_241 = arith.constant 0 : i32
    %dma_start3A_242 = tpu.memref_slice %arg9[%dma_start3A_239, %dma_start3A_240, %dma_start3A_241] : memref<2x128x128xf32, #tpu.memory_space<vmem>> -> memref<1x128x128xf32, #tpu.memory_space<vmem>>
    %dma_start3A_243 = tpu.memref_squeeze %dma_start3A_242 : memref<1x128x128xf32, #tpu.memory_space<vmem>> -> memref<128x128xf32, #tpu.memory_space<vmem>>
    %dma_start3A_244 = arith.constant 0 : i32
    %dma_start3A_245 = tpu.memref_slice %arg7[%dma_start3A_238, %dma_start3A_244] : memref<16x128xi32, #tpu.memory_space<vmem>> -> memref<1x128xi32, #tpu.memory_space<vmem>>
    %dma_start3A_246 = tpu.memref_squeeze %dma_start3A_245 : memref<1x128xi32, #tpu.memory_space<vmem>> -> memref<128xi32, #tpu.memory_space<vmem>>
    %dma_start3A_247 = arith.constant 0 : i32
    %dma_start3A_248 = arith.constant 0 : i32
    %dma_start3A_249 = tpu.memref_slice %arg2[%dma_start3A_247, %dma_start3A_248] : memref<8192x128xf32, #tpu.memory_space<hbm>> -> memref<8192x128xf32, #tpu.memory_space<hbm>>
    tpu.enqueue_indirect_dma source(%dma_start3A_249 : memref<8192x128xf32, #tpu.memory_space<hbm>>) target(%dma_start3A_243 : memref<128x128xf32, #tpu.memory_space<vmem>>) offsets(%dma_start3A_246 : memref<128xi32, #tpu.memory_space<vmem>>) semaphore(%arg13 : memref<!tpu.dma_semaphore, #tpu.memory_space<semaphore_mem>>)
    %scan3A_250 = arith.constant 0 : i32
    %scan3A_251 = arith.constant 0 : i32
    %scan3A_252 = arith.constant 128 : i32
    %scan3A_253 = arith.addi %scan3A_251, %scan3A_252 : i32
    %scan3A_254 = arith.constant 1 : i32
    scf.for %scan3A_1438 = %scan3A_251 to %scan3A_253 step %scan3A_254  : i32 {
      %get3A = arith.constant 0 : i32
      %get3A_1439 = arith.index_cast %get3A : i32 to index
      %get3A_1440 = arith.index_cast %scan3A_1438 : i32 to index
      %get3A_1441 = arith.constant 64 : index
      %get3A_1442 = tpu.vector_load %arg9[%get3A_1439, %get3A_1440, %get3A_1441] {strides = array<i32>} : memref<2x128x128xf32, #tpu.memory_space<vmem>>, vector<1x1x16xf32>,
      %get3A_1443 = vector.shape_cast %get3A_1442 : vector<1x1x16xf32> to vector<16xf32>
      %swap3A = arith.constant 0 : i32
      %swap3A_1444 = arith.index_cast %swap3A : i32 to index
      %swap3A_1445 = arith.index_cast %scan3A_1438 : i32 to index
      %swap3A_1446 = arith.constant 64 : index
      %swap3A_1447 = tpu.vector_load %arg8[%swap3A_1444, %swap3A_1445, %swap3A_1446] {strides = array<i32>} : memref<2x128x128xf32, #tpu.memory_space<vmem>>, vector<1x1x16xf32>,
      %swap3A_1448 = vector.shape_cast %swap3A_1447 : vector<1x1x16xf32> to vector<16xf32>
      %swap3A_1449 = vector.shape_cast %get3A_1443 : vector<16xf32> to vector<1x1x16xf32>
      tpu.vector_store %arg8[%swap3A_1444, %swap3A_1445, %swap3A_1446], %swap3A_1449 {strides = array<i32>} : memref<2x128x128xf32, #tpu.memory_space<vmem>>, vector<1x1x16xf32>,
      %get3A_1450 = arith.constant 0 : i32
      %get3A_1451 = arith.index_cast %get3A_1450 : i32 to index
      %get3A_1452 = arith.index_cast %scan3A_1438 : i32 to index
      %get3A_1453 = arith.constant 80 : index
      %get3A_1454 = tpu.vector_load %arg9[%get3A_1451, %get3A_1452, %get3A_1453] {strides = array<i32>} : memref<2x128x128xf32, #tpu.memory_space<vmem>>, vector<1x1x16xf32>,
      %get3A_1455 = vector.shape_cast %get3A_1454 : vector<1x1x16xf32> to vector<16xf32>
      %swap3A_1456 = arith.constant 0 : i32
      %swap3A_1457 = arith.index_cast %swap3A_1456 : i32 to index
      %swap3A_1458 = arith.index_cast %scan3A_1438 : i32 to index
      %swap3A_1459 = arith.constant 80 : index
      %swap3A_1460 = tpu.vector_load %arg8[%swap3A_1457, %swap3A_1458, %swap3A_1459] {strides = array<i32>} : memref<2x128x128xf32, #tpu.memory_space<vmem>>, vector<1x1x16xf32>,
      %swap3A_1461 = vector.shape_cast %swap3A_1460 : vector<1x1x16xf32> to vector<16xf32>
      %swap3A_1462 = vector.shape_cast %get3A_1455 : vector<16xf32> to vector<1x1x16xf32>
      tpu.vector_store %arg8[%swap3A_1457, %swap3A_1458, %swap3A_1459], %swap3A_1462 {strides = array<i32>} : memref<2x128x128xf32, #tpu.memory_space<vmem>>, vector<1x1x16xf32>,
      %get3A_1463 = arith.constant 0 : i32
      %get3A_1464 = arith.index_cast %get3A_1463 : i32 to index
      %get3A_1465 = arith.index_cast %scan3A_1438 : i32 to index
      %get3A_1466 = arith.constant 96 : index
      %get3A_1467 = tpu.vector_load %arg9[%get3A_1464, %get3A_1465, %get3A_1466] {strides = array<i32>} : memref<2x128x128xf32, #tpu.memory_space<vmem>>, vector<1x1x16xf32>,
      %get3A_1468 = vector.shape_cast %get3A_1467 : vector<1x1x16xf32> to vector<16xf32>
      %swap3A_1469 = arith.constant 0 : i32
      %swap3A_1470 = arith.index_cast %swap3A_1469 : i32 to index
      %swap3A_1471 = arith.index_cast %scan3A_1438 : i32 to index
      %swap3A_1472 = arith.constant 96 : index
      %swap3A_1473 = tpu.vector_load %arg8[%swap3A_1470, %swap3A_1471, %swap3A_1472] {strides = array<i32>} : memref<2x128x128xf32, #tpu.memory_space<vmem>>, vector<1x1x16xf32>,
      %swap3A_1474 = vector.shape_cast %swap3A_1473 : vector<1x1x16xf32> to vector<16xf32>
      %swap3A_1475 = vector.shape_cast %get3A_1468 : vector<16xf32> to vector<1x1x16xf32>
      tpu.vector_store %arg8[%swap3A_1470, %swap3A_1471, %swap3A_1472], %swap3A_1475 {strides = array<i32>} : memref<2x128x128xf32, #tpu.memory_space<vmem>>, vector<1x1x16xf32>,
      %get3A_1476 = arith.constant 0 : i32
      %get3A_1477 = arith.index_cast %get3A_1476 : i32 to index
      %get3A_1478 = arith.index_cast %scan3A_1438 : i32 to index
      %get3A_1479 = arith.constant 112 : index
      %get3A_1480 = tpu.vector_load %arg9[%get3A_1477, %get3A_1478, %get3A_1479] {strides = array<i32>} : memref<2x128x128xf32, #tpu.memory_space<vmem>>, vector<1x1x16xf32>,
      %get3A_1481 = vector.shape_cast %get3A_1480 : vector<1x1x16xf32> to vector<16xf32>
      %swap3A_1482 = arith.constant 0 : i32
      %swap3A_1483 = arith.index_cast %swap3A_1482 : i32 to index
      %swap3A_1484 = arith.index_cast %scan3A_1438 : i32 to index
      %swap3A_1485 = arith.constant 112 : index
      %swap3A_1486 = tpu.vector_load %arg8[%swap3A_1483, %swap3A_1484, %swap3A_1485] {strides = array<i32>} : memref<2x128x128xf32, #tpu.memory_space<vmem>>, vector<1x1x16xf32>,
      %swap3A_1487 = vector.shape_cast %swap3A_1486 : vector<1x1x16xf32> to vector<16xf32>
      %swap3A_1488 = vector.shape_cast %get3A_1481 : vector<16xf32> to vector<1x1x16xf32>
      tpu.vector_store %arg8[%swap3A_1483, %swap3A_1484, %swap3A_1485], %swap3A_1488 {strides = array<i32>} : memref<2x128x128xf32, #tpu.memory_space<vmem>>, vector<1x1x16xf32>,
    }
    %scan3A_255 = arith.constant 128 : i32
    %dma_start3A_256 = arith.constant 0 : i32
    %dma_start3A_257 = arith.constant 2 : i32
    %dma_start3A_258 = arith.constant 0 : i32
    %dma_start3A_259 = arith.constant 0 : i32
    %dma_start3A_260 = tpu.memref_slice %arg8[%dma_start3A_256, %dma_start3A_258, %dma_start3A_259] : memref<2x128x128xf32, #tpu.memory_space<vmem>> -> memref<1x128x128xf32, #tpu.memory_space<vmem>>
    %dma_start3A_261 = tpu.memref_squeeze %dma_start3A_260 : memref<1x128x128xf32, #tpu.memory_space<vmem>> -> memref<128x128xf32, #tpu.memory_space<vmem>>
    %dma_start3A_262 = arith.constant 0 : i32
    %dma_start3A_263 = arith.constant 0 : i32
    %dma_start3A_264 = tpu.memref_slice %arg5[%add3A, %dma_start3A_257, %dma_start3A_262, %dma_start3A_263] : memref<32x16x128x128xf32, #tpu.memory_space<hbm>> -> memref<1x1x128x128xf32, #tpu.memory_space<hbm>>
    %dma_start3A_265 = tpu.memref_squeeze %dma_start3A_264 : memref<1x1x128x128xf32, #tpu.memory_space<hbm>> -> memref<128x128xf32, #tpu.memory_space<hbm>>
    %dma_start3A_266 = arith.constant 0 : i32
    %dma_start3A_267 = arith.constant 0 : i32
    %dma_start3A_268 = tpu.memref_slice %arg5[%add3A, %dma_start3A_257, %dma_start3A_266, %dma_start3A_267] : memref<32x16x128x128xf32, #tpu.memory_space<hbm>> -> memref<1x1x128x128xf32, #tpu.memory_space<hbm>>
    %dma_start3A_269 = tpu.memref_squeeze %dma_start3A_268 : memref<1x1x128x128xf32, #tpu.memory_space<hbm>> -> memref<128x128xf32, #tpu.memory_space<hbm>>
    %dma_start3A_270 = arith.constant 0 : i32
    %dma_start3A_271 = arith.constant 0 : i32
    %dma_start3A_272 = tpu.memref_slice %arg8[%dma_start3A_256, %dma_start3A_270, %dma_start3A_271] : memref<2x128x128xf32, #tpu.memory_space<vmem>> -> memref<1x128x128xf32, #tpu.memory_space<vmem>>
    %dma_start3A_273 = tpu.memref_squeeze %dma_start3A_272 : memref<1x128x128xf32, #tpu.memory_space<vmem>> -> memref<128x128xf32, #tpu.memory_space<vmem>>
    tpu.enqueue_dma source(%dma_start3A_273 : memref<128x128xf32, #tpu.memory_space<vmem>>) target(%dma_start3A_269 : memref<128x128xf32, #tpu.memory_space<hbm>>) target_semaphore(%arg14 : memref<!tpu.dma_semaphore, #tpu.memory_space<semaphore_mem>>)
    %dma_wait3A_274 = arith.constant 3 : i32
    %dma_wait3A_275 = arith.constant 1 : i32
    %dma_wait3A_276 = arith.constant 0 : i32
    %dma_wait3A_277 = arith.constant 0 : i32
    %dma_wait3A_278 = tpu.memref_slice %arg8[%dma_wait3A_275, %dma_wait3A_276, %dma_wait3A_277] : memref<2x128x128xf32, #tpu.memory_space<vmem>> -> memref<1x128x128xf32, #tpu.memory_space<vmem>>
    %dma_wait3A_279 = tpu.memref_squeeze %dma_wait3A_278 : memref<1x128x128xf32, #tpu.memory_space<vmem>> -> memref<128x128xf32, #tpu.memory_space<vmem>>
    %dma_wait3A_280 = arith.constant 0 : i32
    %dma_wait3A_281 = tpu.memref_slice %arg6[%dma_wait3A_274, %dma_wait3A_280] : memref<16x128xi32, #tpu.memory_space<vmem>> -> memref<1x128xi32, #tpu.memory_space<vmem>>
    %dma_wait3A_282 = tpu.memref_squeeze %dma_wait3A_281 : memref<1x128xi32, #tpu.memory_space<vmem>> -> memref<128xi32, #tpu.memory_space<vmem>>
    %dma_wait3A_283 = arith.constant 0 : i32
    %dma_wait3A_284 = arith.constant 0 : i32
    %dma_wait3A_285 = tpu.memref_slice %arg2[%dma_wait3A_283, %dma_wait3A_284] : memref<8192x128xf32, #tpu.memory_space<hbm>> -> memref<8192x128xf32, #tpu.memory_space<hbm>>
    tpu.wait_indirect_dma semaphore(%arg11 : memref<!tpu.dma_semaphore, #tpu.memory_space<semaphore_mem>>) src(%dma_wait3A_285 : memref<8192x128xf32, #tpu.memory_space<hbm>>) dst(%dma_wait3A_279 : memref<128x128xf32, #tpu.memory_space<vmem>>)
    %dma_wait3A_286 = arith.constant 3 : i32
    %dma_wait3A_287 = arith.constant 1 : i32
    %dma_wait3A_288 = arith.constant 0 : i32
    %dma_wait3A_289 = arith.constant 0 : i32
    %dma_wait3A_290 = tpu.memref_slice %arg9[%dma_wait3A_287, %dma_wait3A_288, %dma_wait3A_289] : memref<2x128x128xf32, #tpu.memory_space<vmem>> -> memref<1x128x128xf32, #tpu.memory_space<vmem>>
    %dma_wait3A_291 = tpu.memref_squeeze %dma_wait3A_290 : memref<1x128x128xf32, #tpu.memory_space<vmem>> -> memref<128x128xf32, #tpu.memory_space<vmem>>
    %dma_wait3A_292 = arith.constant 0 : i32
    %dma_wait3A_293 = tpu.memref_slice %arg7[%dma_wait3A_286, %dma_wait3A_292] : memref<16x128xi32, #tpu.memory_space<vmem>> -> memref<1x128xi32, #tpu.memory_space<vmem>>
    %dma_wait3A_294 = tpu.memref_squeeze %dma_wait3A_293 : memref<1x128xi32, #tpu.memory_space<vmem>> -> memref<128xi32, #tpu.memory_space<vmem>>
    %dma_wait3A_295 = arith.constant 0 : i32
    %dma_wait3A_296 = arith.constant 0 : i32
    %dma_wait3A_297 = tpu.memref_slice %arg2[%dma_wait3A_295, %dma_wait3A_296] : memref<8192x128xf32, #tpu.memory_space<hbm>> -> memref<8192x128xf32, #tpu.memory_space<hbm>>
    tpu.wait_indirect_dma semaphore(%arg13 : memref<!tpu.dma_semaphore, #tpu.memory_space<semaphore_mem>>) src(%dma_wait3A_297 : memref<8192x128xf32, #tpu.memory_space<hbm>>) dst(%dma_wait3A_291 : memref<128x128xf32, #tpu.memory_space<vmem>>)
    %dma_wait3A_298 = arith.constant 0 : i32
    %dma_wait3A_299 = arith.constant 2 : i32
    %dma_wait3A_300 = arith.constant 0 : i32
    %dma_wait3A_301 = arith.constant 0 : i32
    %dma_wait3A_302 = tpu.memref_slice %arg8[%dma_wait3A_298, %dma_wait3A_300, %dma_wait3A_301] : memref<2x128x128xf32, #tpu.memory_space<vmem>> -> memref<1x128x128xf32, #tpu.memory_space<vmem>>
    %dma_wait3A_303 = tpu.memref_squeeze %dma_wait3A_302 : memref<1x128x128xf32, #tpu.memory_space<vmem>> -> memref<128x128xf32, #tpu.memory_space<vmem>>
    %dma_wait3A_304 = arith.constant 0 : i32
    %dma_wait3A_305 = arith.constant 0 : i32
    %dma_wait3A_306 = tpu.memref_slice %arg5[%add3A, %dma_wait3A_299, %dma_wait3A_304, %dma_wait3A_305] : memref<32x16x128x128xf32, #tpu.memory_space<hbm>> -> memref<1x1x128x128xf32, #tpu.memory_space<hbm>>
    %dma_wait3A_307 = tpu.memref_squeeze %dma_wait3A_306 : memref<1x1x128x128xf32, #tpu.memory_space<hbm>> -> memref<128x128xf32, #tpu.memory_space<hbm>>
    %dma_wait3A_308 = arith.constant 0 : i32
    %dma_wait3A_309 = arith.constant 0 : i32
    %dma_wait3A_310 = tpu.memref_slice %arg5[%add3A, %dma_wait3A_299, %dma_wait3A_308, %dma_wait3A_309] : memref<32x16x128x128xf32, #tpu.memory_space<hbm>> -> memref<1x1x128x128xf32, #tpu.memory_space<hbm>>
    %dma_wait3A_311 = tpu.memref_squeeze %dma_wait3A_310 : memref<1x1x128x128xf32, #tpu.memory_space<hbm>> -> memref<128x128xf32, #tpu.memory_space<hbm>>
    %dma_wait3A_312 = arith.constant 0 : i32
    %dma_wait3A_313 = arith.constant 0 : i32
    %dma_wait3A_314 = tpu.memref_slice %arg8[%dma_wait3A_298, %dma_wait3A_312, %dma_wait3A_313] : memref<2x128x128xf32, #tpu.memory_space<vmem>> -> memref<1x128x128xf32, #tpu.memory_space<vmem>>
    %dma_wait3A_315 = tpu.memref_squeeze %dma_wait3A_314 : memref<1x128x128xf32, #tpu.memory_space<vmem>> -> memref<128x128xf32, #tpu.memory_space<vmem>>
    tpu.wait_dma2 semaphore(%arg14 : memref<!tpu.dma_semaphore, #tpu.memory_space<semaphore_mem>>) src(%dma_wait3A_315 : memref<128x128xf32, #tpu.memory_space<vmem>>) dst(%dma_wait3A_311 : memref<128x128xf32, #tpu.memory_space<hbm>>)
    %dma_start3A_316 = arith.constant 4 : i32
    %dma_start3A_317 = arith.constant 0 : i32
    %dma_start3A_318 = arith.constant 0 : i32
    %dma_start3A_319 = arith.constant 0 : i32
    %dma_start3A_320 = tpu.memref_slice %arg8[%dma_start3A_317, %dma_start3A_318, %dma_start3A_319] : memref<2x128x128xf32, #tpu.memory_space<vmem>> -> memref<1x128x128xf32, #tpu.memory_space<vmem>>
    %dma_start3A_321 = tpu.memref_squeeze %dma_start3A_320 : memref<1x128x128xf32, #tpu.memory_space<vmem>> -> memref<128x128xf32, #tpu.memory_space<vmem>>
    %dma_start3A_322 = arith.constant 0 : i32
    %dma_start3A_323 = tpu.memref_slice %arg6[%dma_start3A_316, %dma_start3A_322] : memref<16x128xi32, #tpu.memory_space<vmem>> -> memref<1x128xi32, #tpu.memory_space<vmem>>
    %dma_start3A_324 = tpu.memref_squeeze %dma_start3A_323 : memref<1x128xi32, #tpu.memory_space<vmem>> -> memref<128xi32, #tpu.memory_space<vmem>>
    %dma_start3A_325 = arith.constant 0 : i32
    %dma_start3A_326 = arith.constant 0 : i32
    %dma_start3A_327 = tpu.memref_slice %arg2[%dma_start3A_325, %dma_start3A_326] : memref<8192x128xf32, #tpu.memory_space<hbm>> -> memref<8192x128xf32, #tpu.memory_space<hbm>>
    tpu.enqueue_indirect_dma source(%dma_start3A_327 : memref<8192x128xf32, #tpu.memory_space<hbm>>) target(%dma_start3A_321 : memref<128x128xf32, #tpu.memory_space<vmem>>) offsets(%dma_start3A_324 : memref<128xi32, #tpu.memory_space<vmem>>) semaphore(%arg10 : memref<!tpu.dma_semaphore, #tpu.memory_space<semaphore_mem>>)
    %dma_start3A_328 = arith.constant 4 : i32
    %dma_start3A_329 = arith.constant 0 : i32
    %dma_start3A_330 = arith.constant 0 : i32
    %dma_start3A_331 = arith.constant 0 : i32
    %dma_start3A_332 = tpu.memref_slice %arg9[%dma_start3A_329, %dma_start3A_330, %dma_start3A_331] : memref<2x128x128xf32, #tpu.memory_space<vmem>> -> memref<1x128x128xf32, #tpu.memory_space<vmem>>
    %dma_start3A_333 = tpu.memref_squeeze %dma_start3A_332 : memref<1x128x128xf32, #tpu.memory_space<vmem>> -> memref<128x128xf32, #tpu.memory_space<vmem>>
    %dma_start3A_334 = arith.constant 0 : i32
    %dma_start3A_335 = tpu.memref_slice %arg7[%dma_start3A_328, %dma_start3A_334] : memref<16x128xi32, #tpu.memory_space<vmem>> -> memref<1x128xi32, #tpu.memory_space<vmem>>
    %dma_start3A_336 = tpu.memref_squeeze %dma_start3A_335 : memref<1x128xi32, #tpu.memory_space<vmem>> -> memref<128xi32, #tpu.memory_space<vmem>>
    %dma_start3A_337 = arith.constant 0 : i32
    %dma_start3A_338 = arith.constant 0 : i32
    %dma_start3A_339 = tpu.memref_slice %arg2[%dma_start3A_337, %dma_start3A_338] : memref<8192x128xf32, #tpu.memory_space<hbm>> -> memref<8192x128xf32, #tpu.memory_space<hbm>>
    tpu.enqueue_indirect_dma source(%dma_start3A_339 : memref<8192x128xf32, #tpu.memory_space<hbm>>) target(%dma_start3A_333 : memref<128x128xf32, #tpu.memory_space<vmem>>) offsets(%dma_start3A_336 : memref<128xi32, #tpu.memory_space<vmem>>) semaphore(%arg12 : memref<!tpu.dma_semaphore, #tpu.memory_space<semaphore_mem>>)
    %scan3A_340 = arith.constant 0 : i32
    %scan3A_341 = arith.constant 0 : i32
    %scan3A_342 = arith.constant 128 : i32
    %scan3A_343 = arith.addi %scan3A_341, %scan3A_342 : i32
    %scan3A_344 = arith.constant 1 : i32
    scf.for %scan3A_1438 = %scan3A_341 to %scan3A_343 step %scan3A_344  : i32 {
      %get3A = arith.constant 1 : i32
      %get3A_1439 = arith.index_cast %get3A : i32 to index
      %get3A_1440 = arith.index_cast %scan3A_1438 : i32 to index
      %get3A_1441 = arith.constant 64 : index
      %get3A_1442 = tpu.vector_load %arg9[%get3A_1439, %get3A_1440, %get3A_1441] {strides = array<i32>} : memref<2x128x128xf32, #tpu.memory_space<vmem>>, vector<1x1x16xf32>,
      %get3A_1443 = vector.shape_cast %get3A_1442 : vector<1x1x16xf32> to vector<16xf32>
      %swap3A = arith.constant 1 : i32
      %swap3A_1444 = arith.index_cast %swap3A : i32 to index
      %swap3A_1445 = arith.index_cast %scan3A_1438 : i32 to index
      %swap3A_1446 = arith.constant 64 : index
      %swap3A_1447 = tpu.vector_load %arg8[%swap3A_1444, %swap3A_1445, %swap3A_1446] {strides = array<i32>} : memref<2x128x128xf32, #tpu.memory_space<vmem>>, vector<1x1x16xf32>,
      %swap3A_1448 = vector.shape_cast %swap3A_1447 : vector<1x1x16xf32> to vector<16xf32>
      %swap3A_1449 = vector.shape_cast %get3A_1443 : vector<16xf32> to vector<1x1x16xf32>
      tpu.vector_store %arg8[%swap3A_1444, %swap3A_1445, %swap3A_1446], %swap3A_1449 {strides = array<i32>} : memref<2x128x128xf32, #tpu.memory_space<vmem>>, vector<1x1x16xf32>,
      %get3A_1450 = arith.constant 1 : i32
      %get3A_1451 = arith.index_cast %get3A_1450 : i32 to index
      %get3A_1452 = arith.index_cast %scan3A_1438 : i32 to index
      %get3A_1453 = arith.constant 80 : index
      %get3A_1454 = tpu.vector_load %arg9[%get3A_1451, %get3A_1452, %get3A_1453] {strides = array<i32>} : memref<2x128x128xf32, #tpu.memory_space<vmem>>, vector<1x1x16xf32>,
      %get3A_1455 = vector.shape_cast %get3A_1454 : vector<1x1x16xf32> to vector<16xf32>
      %swap3A_1456 = arith.constant 1 : i32
      %swap3A_1457 = arith.index_cast %swap3A_1456 : i32 to index
      %swap3A_1458 = arith.index_cast %scan3A_1438 : i32 to index
      %swap3A_1459 = arith.constant 80 : index
      %swap3A_1460 = tpu.vector_load %arg8[%swap3A_1457, %swap3A_1458, %swap3A_1459] {strides = array<i32>} : memref<2x128x128xf32, #tpu.memory_space<vmem>>, vector<1x1x16xf32>,
      %swap3A_1461 = vector.shape_cast %swap3A_1460 : vector<1x1x16xf32> to vector<16xf32>
      %swap3A_1462 = vector.shape_cast %get3A_1455 : vector<16xf32> to vector<1x1x16xf32>
      tpu.vector_store %arg8[%swap3A_1457, %swap3A_1458, %swap3A_1459], %swap3A_1462 {strides = array<i32>} : memref<2x128x128xf32, #tpu.memory_space<vmem>>, vector<1x1x16xf32>,
      %get3A_1463 = arith.constant 1 : i32
      %get3A_1464 = arith.index_cast %get3A_1463 : i32 to index
      %get3A_1465 = arith.index_cast %scan3A_1438 : i32 to index
      %get3A_1466 = arith.constant 96 : index
      %get3A_1467 = tpu.vector_load %arg9[%get3A_1464, %get3A_1465, %get3A_1466] {strides = array<i32>} : memref<2x128x128xf32, #tpu.memory_space<vmem>>, vector<1x1x16xf32>,
      %get3A_1468 = vector.shape_cast %get3A_1467 : vector<1x1x16xf32> to vector<16xf32>
      %swap3A_1469 = arith.constant 1 : i32
      %swap3A_1470 = arith.index_cast %swap3A_1469 : i32 to index
      %swap3A_1471 = arith.index_cast %scan3A_1438 : i32 to index
      %swap3A_1472 = arith.constant 96 : index
      %swap3A_1473 = tpu.vector_load %arg8[%swap3A_1470, %swap3A_1471, %swap3A_1472] {strides = array<i32>} : memref<2x128x128xf32, #tpu.memory_space<vmem>>, vector<1x1x16xf32>,
      %swap3A_1474 = vector.shape_cast %swap3A_1473 : vector<1x1x16xf32> to vector<16xf32>
      %swap3A_1475 = vector.shape_cast %get3A_1468 : vector<16xf32> to vector<1x1x16xf32>
      tpu.vector_store %arg8[%swap3A_1470, %swap3A_1471, %swap3A_1472], %swap3A_1475 {strides = array<i32>} : memref<2x128x128xf32, #tpu.memory_space<vmem>>, vector<1x1x16xf32>,
      %get3A_1476 = arith.constant 1 : i32
      %get3A_1477 = arith.index_cast %get3A_1476 : i32 to index
      %get3A_1478 = arith.index_cast %scan3A_1438 : i32 to index
      %get3A_1479 = arith.constant 112 : index
      %get3A_1480 = tpu.vector_load %arg9[%get3A_1477, %get3A_1478, %get3A_1479] {strides = array<i32>} : memref<2x128x128xf32, #tpu.memory_space<vmem>>, vector<1x1x16xf32>,
      %get3A_1481 = vector.shape_cast %get3A_1480 : vector<1x1x16xf32> to vector<16xf32>
      %swap3A_1482 = arith.constant 1 : i32
      %swap3A_1483 = arith.index_cast %swap3A_1482 : i32 to index
      %swap3A_1484 = arith.index_cast %scan3A_1438 : i32 to index
      %swap3A_1485 = arith.constant 112 : index
      %swap3A_1486 = tpu.vector_load %arg8[%swap3A_1483, %swap3A_1484, %swap3A_1485] {strides = array<i32>} : memref<2x128x128xf32, #tpu.memory_space<vmem>>, vector<1x1x16xf32>,
      %swap3A_1487 = vector.shape_cast %swap3A_1486 : vector<1x1x16xf32> to vector<16xf32>
      %swap3A_1488 = vector.shape_cast %get3A_1481 : vector<16xf32> to vector<1x1x16xf32>
      tpu.vector_store %arg8[%swap3A_1483, %swap3A_1484, %swap3A_1485], %swap3A_1488 {strides = array<i32>} : memref<2x128x128xf32, #tpu.memory_space<vmem>>, vector<1x1x16xf32>,
    }
    %scan3A_345 = arith.constant 128 : i32
    %dma_start3A_346 = arith.constant 1 : i32
    %dma_start3A_347 = arith.constant 3 : i32
    %dma_start3A_348 = arith.constant 0 : i32
    %dma_start3A_349 = arith.constant 0 : i32
    %dma_start3A_350 = tpu.memref_slice %arg8[%dma_start3A_346, %dma_start3A_348, %dma_start3A_349] : memref<2x128x128xf32, #tpu.memory_space<vmem>> -> memref<1x128x128xf32, #tpu.memory_space<vmem>>
    %dma_start3A_351 = tpu.memref_squeeze %dma_start3A_350 : memref<1x128x128xf32, #tpu.memory_space<vmem>> -> memref<128x128xf32, #tpu.memory_space<vmem>>
    %dma_start3A_352 = arith.constant 0 : i32
    %dma_start3A_353 = arith.constant 0 : i32
    %dma_start3A_354 = tpu.memref_slice %arg5[%add3A, %dma_start3A_347, %dma_start3A_352, %dma_start3A_353] : memref<32x16x128x128xf32, #tpu.memory_space<hbm>> -> memref<1x1x128x128xf32, #tpu.memory_space<hbm>>
    %dma_start3A_355 = tpu.memref_squeeze %dma_start3A_354 : memref<1x1x128x128xf32, #tpu.memory_space<hbm>> -> memref<128x128xf32, #tpu.memory_space<hbm>>
    %dma_start3A_356 = arith.constant 0 : i32
    %dma_start3A_357 = arith.constant 0 : i32
    %dma_start3A_358 = tpu.memref_slice %arg5[%add3A, %dma_start3A_347, %dma_start3A_356, %dma_start3A_357] : memref<32x16x128x128xf32, #tpu.memory_space<hbm>> -> memref<1x1x128x128xf32, #tpu.memory_space<hbm>>
    %dma_start3A_359 = tpu.memref_squeeze %dma_start3A_358 : memref<1x1x128x128xf32, #tpu.memory_space<hbm>> -> memref<128x128xf32, #tpu.memory_space<hbm>>
    %dma_start3A_360 = arith.constant 0 : i32
    %dma_start3A_361 = arith.constant 0 : i32
    %dma_start3A_362 = tpu.memref_slice %arg8[%dma_start3A_346, %dma_start3A_360, %dma_start3A_361] : memref<2x128x128xf32, #tpu.memory_space<vmem>> -> memref<1x128x128xf32, #tpu.memory_space<vmem>>
    %dma_start3A_363 = tpu.memref_squeeze %dma_start3A_362 : memref<1x128x128xf32, #tpu.memory_space<vmem>> -> memref<128x128xf32, #tpu.memory_space<vmem>>
    tpu.enqueue_dma source(%dma_start3A_363 : memref<128x128xf32, #tpu.memory_space<vmem>>) target(%dma_start3A_359 : memref<128x128xf32, #tpu.memory_space<hbm>>) target_semaphore(%arg15 : memref<!tpu.dma_semaphore, #tpu.memory_space<semaphore_mem>>)
    %dma_wait3A_364 = arith.constant 4 : i32
    %dma_wait3A_365 = arith.constant 0 : i32
    %dma_wait3A_366 = arith.constant 0 : i32
    %dma_wait3A_367 = arith.constant 0 : i32
    %dma_wait3A_368 = tpu.memref_slice %arg8[%dma_wait3A_365, %dma_wait3A_366, %dma_wait3A_367] : memref<2x128x128xf32, #tpu.memory_space<vmem>> -> memref<1x128x128xf32, #tpu.memory_space<vmem>>
    %dma_wait3A_369 = tpu.memref_squeeze %dma_wait3A_368 : memref<1x128x128xf32, #tpu.memory_space<vmem>> -> memref<128x128xf32, #tpu.memory_space<vmem>>
    %dma_wait3A_370 = arith.constant 0 : i32
    %dma_wait3A_371 = tpu.memref_slice %arg6[%dma_wait3A_364, %dma_wait3A_370] : memref<16x128xi32, #tpu.memory_space<vmem>> -> memref<1x128xi32, #tpu.memory_space<vmem>>
    %dma_wait3A_372 = tpu.memref_squeeze %dma_wait3A_371 : memref<1x128xi32, #tpu.memory_space<vmem>> -> memref<128xi32, #tpu.memory_space<vmem>>
    %dma_wait3A_373 = arith.constant 0 : i32
    %dma_wait3A_374 = arith.constant 0 : i32
    %dma_wait3A_375 = tpu.memref_slice %arg2[%dma_wait3A_373, %dma_wait3A_374] : memref<8192x128xf32, #tpu.memory_space<hbm>> -> memref<8192x128xf32, #tpu.memory_space<hbm>>
    tpu.wait_indirect_dma semaphore(%arg10 : memref<!tpu.dma_semaphore, #tpu.memory_space<semaphore_mem>>) src(%dma_wait3A_375 : memref<8192x128xf32, #tpu.memory_space<hbm>>) dst(%dma_wait3A_369 : memref<128x128xf32, #tpu.memory_space<vmem>>)
    %dma_wait3A_376 = arith.constant 4 : i32
    %dma_wait3A_377 = arith.constant 0 : i32
    %dma_wait3A_378 = arith.constant 0 : i32
    %dma_wait3A_379 = arith.constant 0 : i32
    %dma_wait3A_380 = tpu.memref_slice %arg9[%dma_wait3A_377, %dma_wait3A_378, %dma_wait3A_379] : memref<2x128x128xf32, #tpu.memory_space<vmem>> -> memref<1x128x128xf32, #tpu.memory_space<vmem>>
    %dma_wait3A_381 = tpu.memref_squeeze %dma_wait3A_380 : memref<1x128x128xf32, #tpu.memory_space<vmem>> -> memref<128x128xf32, #tpu.memory_space<vmem>>
    %dma_wait3A_382 = arith.constant 0 : i32
    %dma_wait3A_383 = tpu.memref_slice %arg7[%dma_wait3A_376, %dma_wait3A_382] : memref<16x128xi32, #tpu.memory_space<vmem>> -> memref<1x128xi32, #tpu.memory_space<vmem>>
    %dma_wait3A_384 = tpu.memref_squeeze %dma_wait3A_383 : memref<1x128xi32, #tpu.memory_space<vmem>> -> memref<128xi32, #tpu.memory_space<vmem>>
    %dma_wait3A_385 = arith.constant 0 : i32
    %dma_wait3A_386 = arith.constant 0 : i32
    %dma_wait3A_387 = tpu.memref_slice %arg2[%dma_wait3A_385, %dma_wait3A_386] : memref<8192x128xf32, #tpu.memory_space<hbm>> -> memref<8192x128xf32, #tpu.memory_space<hbm>>
    tpu.wait_indirect_dma semaphore(%arg12 : memref<!tpu.dma_semaphore, #tpu.memory_space<semaphore_mem>>) src(%dma_wait3A_387 : memref<8192x128xf32, #tpu.memory_space<hbm>>) dst(%dma_wait3A_381 : memref<128x128xf32, #tpu.memory_space<vmem>>)
    %dma_wait3A_388 = arith.constant 1 : i32
    %dma_wait3A_389 = arith.constant 3 : i32
    %dma_wait3A_390 = arith.constant 0 : i32
    %dma_wait3A_391 = arith.constant 0 : i32
    %dma_wait3A_392 = tpu.memref_slice %arg8[%dma_wait3A_388, %dma_wait3A_390, %dma_wait3A_391] : memref<2x128x128xf32, #tpu.memory_space<vmem>> -> memref<1x128x128xf32, #tpu.memory_space<vmem>>
    %dma_wait3A_393 = tpu.memref_squeeze %dma_wait3A_392 : memref<1x128x128xf32, #tpu.memory_space<vmem>> -> memref<128x128xf32, #tpu.memory_space<vmem>>
    %dma_wait3A_394 = arith.constant 0 : i32
    %dma_wait3A_395 = arith.constant 0 : i32
    %dma_wait3A_396 = tpu.memref_slice %arg5[%add3A, %dma_wait3A_389, %dma_wait3A_394, %dma_wait3A_395] : memref<32x16x128x128xf32, #tpu.memory_space<hbm>> -> memref<1x1x128x128xf32, #tpu.memory_space<hbm>>
    %dma_wait3A_397 = tpu.memref_squeeze %dma_wait3A_396 : memref<1x1x128x128xf32, #tpu.memory_space<hbm>> -> memref<128x128xf32, #tpu.memory_space<hbm>>
    %dma_wait3A_398 = arith.constant 0 : i32
    %dma_wait3A_399 = arith.constant 0 : i32
    %dma_wait3A_400 = tpu.memref_slice %arg5[%add3A, %dma_wait3A_389, %dma_wait3A_398, %dma_wait3A_399] : memref<32x16x128x128xf32, #tpu.memory_space<hbm>> -> memref<1x1x128x128xf32, #tpu.memory_space<hbm>>
    %dma_wait3A_401 = tpu.memref_squeeze %dma_wait3A_400 : memref<1x1x128x128xf32, #tpu.memory_space<hbm>> -> memref<128x128xf32, #tpu.memory_space<hbm>>
    %dma_wait3A_402 = arith.constant 0 : i32
    %dma_wait3A_403 = arith.constant 0 : i32
    %dma_wait3A_404 = tpu.memref_slice %arg8[%dma_wait3A_388, %dma_wait3A_402, %dma_wait3A_403] : memref<2x128x128xf32, #tpu.memory_space<vmem>> -> memref<1x128x128xf32, #tpu.memory_space<vmem>>
    %dma_wait3A_405 = tpu.memref_squeeze %dma_wait3A_404 : memref<1x128x128xf32, #tpu.memory_space<vmem>> -> memref<128x128xf32, #tpu.memory_space<vmem>>
    tpu.wait_dma2 semaphore(%arg15 : memref<!tpu.dma_semaphore, #tpu.memory_space<semaphore_mem>>) src(%dma_wait3A_405 : memref<128x128xf32, #tpu.memory_space<vmem>>) dst(%dma_wait3A_401 : memref<128x128xf32, #tpu.memory_space<hbm>>)
    %dma_start3A_406 = arith.constant 5 : i32
    %dma_start3A_407 = arith.constant 1 : i32
    %dma_start3A_408 = arith.constant 0 : i32
    %dma_start3A_409 = arith.constant 0 : i32
    %dma_start3A_410 = tpu.memref_slice %arg8[%dma_start3A_407, %dma_start3A_408, %dma_start3A_409] : memref<2x128x128xf32, #tpu.memory_space<vmem>> -> memref<1x128x128xf32, #tpu.memory_space<vmem>>
    %dma_start3A_411 = tpu.memref_squeeze %dma_start3A_410 : memref<1x128x128xf32, #tpu.memory_space<vmem>> -> memref<128x128xf32, #tpu.memory_space<vmem>>
    %dma_start3A_412 = arith.constant 0 : i32
    %dma_start3A_413 = tpu.memref_slice %arg6[%dma_start3A_406, %dma_start3A_412] : memref<16x128xi32, #tpu.memory_space<vmem>> -> memref<1x128xi32, #tpu.memory_space<vmem>>
    %dma_start3A_414 = tpu.memref_squeeze %dma_start3A_413 : memref<1x128xi32, #tpu.memory_space<vmem>> -> memref<128xi32, #tpu.memory_space<vmem>>
    %dma_start3A_415 = arith.constant 0 : i32
    %dma_start3A_416 = arith.constant 0 : i32
    %dma_start3A_417 = tpu.memref_slice %arg2[%dma_start3A_415, %dma_start3A_416] : memref<8192x128xf32, #tpu.memory_space<hbm>> -> memref<8192x128xf32, #tpu.memory_space<hbm>>
    tpu.enqueue_indirect_dma source(%dma_start3A_417 : memref<8192x128xf32, #tpu.memory_space<hbm>>) target(%dma_start3A_411 : memref<128x128xf32, #tpu.memory_space<vmem>>) offsets(%dma_start3A_414 : memref<128xi32, #tpu.memory_space<vmem>>) semaphore(%arg11 : memref<!tpu.dma_semaphore, #tpu.memory_space<semaphore_mem>>)
    %dma_start3A_418 = arith.constant 5 : i32
    %dma_start3A_419 = arith.constant 1 : i32
    %dma_start3A_420 = arith.constant 0 : i32
    %dma_start3A_421 = arith.constant 0 : i32
    %dma_start3A_422 = tpu.memref_slice %arg9[%dma_start3A_419, %dma_start3A_420, %dma_start3A_421] : memref<2x128x128xf32, #tpu.memory_space<vmem>> -> memref<1x128x128xf32, #tpu.memory_space<vmem>>
    %dma_start3A_423 = tpu.memref_squeeze %dma_start3A_422 : memref<1x128x128xf32, #tpu.memory_space<vmem>> -> memref<128x128xf32, #tpu.memory_space<vmem>>
    %dma_start3A_424 = arith.constant 0 : i32
    %dma_start3A_425 = tpu.memref_slice %arg7[%dma_start3A_418, %dma_start3A_424] : memref<16x128xi32, #tpu.memory_space<vmem>> -> memref<1x128xi32, #tpu.memory_space<vmem>>
    %dma_start3A_426 = tpu.memref_squeeze %dma_start3A_425 : memref<1x128xi32, #tpu.memory_space<vmem>> -> memref<128xi32, #tpu.memory_space<vmem>>
    %dma_start3A_427 = arith.constant 0 : i32
    %dma_start3A_428 = arith.constant 0 : i32
    %dma_start3A_429 = tpu.memref_slice %arg2[%dma_start3A_427, %dma_start3A_428] : memref<8192x128xf32, #tpu.memory_space<hbm>> -> memref<8192x128xf32, #tpu.memory_space<hbm>>
    tpu.enqueue_indirect_dma source(%dma_start3A_429 : memref<8192x128xf32, #tpu.memory_space<hbm>>) target(%dma_start3A_423 : memref<128x128xf32, #tpu.memory_space<vmem>>) offsets(%dma_start3A_426 : memref<128xi32, #tpu.memory_space<vmem>>) semaphore(%arg13 : memref<!tpu.dma_semaphore, #tpu.memory_space<semaphore_mem>>)
    %scan3A_430 = arith.constant 0 : i32
    %scan3A_431 = arith.constant 0 : i32
    %scan3A_432 = arith.constant 128 : i32
    %scan3A_433 = arith.addi %scan3A_431, %scan3A_432 : i32
    %scan3A_434 = arith.constant 1 : i32
    scf.for %scan3A_1438 = %scan3A_431 to %scan3A_433 step %scan3A_434  : i32 {
      %get3A = arith.constant 0 : i32
      %get3A_1439 = arith.index_cast %get3A : i32 to index
      %get3A_1440 = arith.index_cast %scan3A_1438 : i32 to index
      %get3A_1441 = arith.constant 64 : index
      %get3A_1442 = tpu.vector_load %arg9[%get3A_1439, %get3A_1440, %get3A_1441] {strides = array<i32>} : memref<2x128x128xf32, #tpu.memory_space<vmem>>, vector<1x1x16xf32>,
      %get3A_1443 = vector.shape_cast %get3A_1442 : vector<1x1x16xf32> to vector<16xf32>
      %swap3A = arith.constant 0 : i32
      %swap3A_1444 = arith.index_cast %swap3A : i32 to index
      %swap3A_1445 = arith.index_cast %scan3A_1438 : i32 to index
      %swap3A_1446 = arith.constant 64 : index
      %swap3A_1447 = tpu.vector_load %arg8[%swap3A_1444, %swap3A_1445, %swap3A_1446] {strides = array<i32>} : memref<2x128x128xf32, #tpu.memory_space<vmem>>, vector<1x1x16xf32>,
      %swap3A_1448 = vector.shape_cast %swap3A_1447 : vector<1x1x16xf32> to vector<16xf32>
      %swap3A_1449 = vector.shape_cast %get3A_1443 : vector<16xf32> to vector<1x1x16xf32>
      tpu.vector_store %arg8[%swap3A_1444, %swap3A_1445, %swap3A_1446], %swap3A_1449 {strides = array<i32>} : memref<2x128x128xf32, #tpu.memory_space<vmem>>, vector<1x1x16xf32>,
      %get3A_1450 = arith.constant 0 : i32
      %get3A_1451 = arith.index_cast %get3A_1450 : i32 to index
      %get3A_1452 = arith.index_cast %scan3A_1438 : i32 to index
      %get3A_1453 = arith.constant 80 : index
      %get3A_1454 = tpu.vector_load %arg9[%get3A_1451, %get3A_1452, %get3A_1453] {strides = array<i32>} : memref<2x128x128xf32, #tpu.memory_space<vmem>>, vector<1x1x16xf32>,
      %get3A_1455 = vector.shape_cast %get3A_1454 : vector<1x1x16xf32> to vector<16xf32>
      %swap3A_1456 = arith.constant 0 : i32
      %swap3A_1457 = arith.index_cast %swap3A_1456 : i32 to index
      %swap3A_1458 = arith.index_cast %scan3A_1438 : i32 to index
      %swap3A_1459 = arith.constant 80 : index
      %swap3A_1460 = tpu.vector_load %arg8[%swap3A_1457, %swap3A_1458, %swap3A_1459] {strides = array<i32>} : memref<2x128x128xf32, #tpu.memory_space<vmem>>, vector<1x1x16xf32>,
      %swap3A_1461 = vector.shape_cast %swap3A_1460 : vector<1x1x16xf32> to vector<16xf32>
      %swap3A_1462 = vector.shape_cast %get3A_1455 : vector<16xf32> to vector<1x1x16xf32>
      tpu.vector_store %arg8[%swap3A_1457, %swap3A_1458, %swap3A_1459], %swap3A_1462 {strides = array<i32>} : memref<2x128x128xf32, #tpu.memory_space<vmem>>, vector<1x1x16xf32>,
      %get3A_1463 = arith.constant 0 : i32
      %get3A_1464 = arith.index_cast %get3A_1463 : i32 to index
      %get3A_1465 = arith.index_cast %scan3A_1438 : i32 to index
      %get3A_1466 = arith.constant 96 : index
      %get3A_1467 = tpu.vector_load %arg9[%get3A_1464, %get3A_1465, %get3A_1466] {strides = array<i32>} : memref<2x128x128xf32, #tpu.memory_space<vmem>>, vector<1x1x16xf32>,
      %get3A_1468 = vector.shape_cast %get3A_1467 : vector<1x1x16xf32> to vector<16xf32>
      %swap3A_1469 = arith.constant 0 : i32
      %swap3A_1470 = arith.index_cast %swap3A_1469 : i32 to index
      %swap3A_1471 = arith.index_cast %scan3A_1438 : i32 to index
      %swap3A_1472 = arith.constant 96 : index
      %swap3A_1473 = tpu.vector_load %arg8[%swap3A_1470, %swap3A_1471, %swap3A_1472] {strides = array<i32>} : memref<2x128x128xf32, #tpu.memory_space<vmem>>, vector<1x1x16xf32>,
      %swap3A_1474 = vector.shape_cast %swap3A_1473 : vector<1x1x16xf32> to vector<16xf32>
      %swap3A_1475 = vector.shape_cast %get3A_1468 : vector<16xf32> to vector<1x1x16xf32>
      tpu.vector_store %arg8[%swap3A_1470, %swap3A_1471, %swap3A_1472], %swap3A_1475 {strides = array<i32>} : memref<2x128x128xf32, #tpu.memory_space<vmem>>, vector<1x1x16xf32>,
      %get3A_1476 = arith.constant 0 : i32
      %get3A_1477 = arith.index_cast %get3A_1476 : i32 to index
      %get3A_1478 = arith.index_cast %scan3A_1438 : i32 to index
      %get3A_1479 = arith.constant 112 : index
      %get3A_1480 = tpu.vector_load %arg9[%get3A_1477, %get3A_1478, %get3A_1479] {strides = array<i32>} : memref<2x128x128xf32, #tpu.memory_space<vmem>>, vector<1x1x16xf32>,
      %get3A_1481 = vector.shape_cast %get3A_1480 : vector<1x1x16xf32> to vector<16xf32>
      %swap3A_1482 = arith.constant 0 : i32
      %swap3A_1483 = arith.index_cast %swap3A_1482 : i32 to index
      %swap3A_1484 = arith.index_cast %scan3A_1438 : i32 to index
      %swap3A_1485 = arith.constant 112 : index
      %swap3A_1486 = tpu.vector_load %arg8[%swap3A_1483, %swap3A_1484, %swap3A_1485] {strides = array<i32>} : memref<2x128x128xf32, #tpu.memory_space<vmem>>, vector<1x1x16xf32>,
      %swap3A_1487 = vector.shape_cast %swap3A_1486 : vector<1x1x16xf32> to vector<16xf32>
      %swap3A_1488 = vector.shape_cast %get3A_1481 : vector<16xf32> to vector<1x1x16xf32>
      tpu.vector_store %arg8[%swap3A_1483, %swap3A_1484, %swap3A_1485], %swap3A_1488 {strides = array<i32>} : memref<2x128x128xf32, #tpu.memory_space<vmem>>, vector<1x1x16xf32>,
    }
    %scan3A_435 = arith.constant 128 : i32
    %dma_start3A_436 = arith.constant 0 : i32
    %dma_start3A_437 = arith.constant 4 : i32
    %dma_start3A_438 = arith.constant 0 : i32
    %dma_start3A_439 = arith.constant 0 : i32
    %dma_start3A_440 = tpu.memref_slice %arg8[%dma_start3A_436, %dma_start3A_438, %dma_start3A_439] : memref<2x128x128xf32, #tpu.memory_space<vmem>> -> memref<1x128x128xf32, #tpu.memory_space<vmem>>
    %dma_start3A_441 = tpu.memref_squeeze %dma_start3A_440 : memref<1x128x128xf32, #tpu.memory_space<vmem>> -> memref<128x128xf32, #tpu.memory_space<vmem>>
    %dma_start3A_442 = arith.constant 0 : i32
    %dma_start3A_443 = arith.constant 0 : i32
    %dma_start3A_444 = tpu.memref_slice %arg5[%add3A, %dma_start3A_437, %dma_start3A_442, %dma_start3A_443] : memref<32x16x128x128xf32, #tpu.memory_space<hbm>> -> memref<1x1x128x128xf32, #tpu.memory_space<hbm>>
    %dma_start3A_445 = tpu.memref_squeeze %dma_start3A_444 : memref<1x1x128x128xf32, #tpu.memory_space<hbm>> -> memref<128x128xf32, #tpu.memory_space<hbm>>
    %dma_start3A_446 = arith.constant 0 : i32
    %dma_start3A_447 = arith.constant 0 : i32
    %dma_start3A_448 = tpu.memref_slice %arg5[%add3A, %dma_start3A_437, %dma_start3A_446, %dma_start3A_447] : memref<32x16x128x128xf32, #tpu.memory_space<hbm>> -> memref<1x1x128x128xf32, #tpu.memory_space<hbm>>
    %dma_start3A_449 = tpu.memref_squeeze %dma_start3A_448 : memref<1x1x128x128xf32, #tpu.memory_space<hbm>> -> memref<128x128xf32, #tpu.memory_space<hbm>>
    %dma_start3A_450 = arith.constant 0 : i32
    %dma_start3A_451 = arith.constant 0 : i32
    %dma_start3A_452 = tpu.memref_slice %arg8[%dma_start3A_436, %dma_start3A_450, %dma_start3A_451] : memref<2x128x128xf32, #tpu.memory_space<vmem>> -> memref<1x128x128xf32, #tpu.memory_space<vmem>>
    %dma_start3A_453 = tpu.memref_squeeze %dma_start3A_452 : memref<1x128x128xf32, #tpu.memory_space<vmem>> -> memref<128x128xf32, #tpu.memory_space<vmem>>
    tpu.enqueue_dma source(%dma_start3A_453 : memref<128x128xf32, #tpu.memory_space<vmem>>) target(%dma_start3A_449 : memref<128x128xf32, #tpu.memory_space<hbm>>) target_semaphore(%arg14 : memref<!tpu.dma_semaphore, #tpu.memory_space<semaphore_mem>>)
    %dma_wait3A_454 = arith.constant 5 : i32
    %dma_wait3A_455 = arith.constant 1 : i32
    %dma_wait3A_456 = arith.constant 0 : i32
    %dma_wait3A_457 = arith.constant 0 : i32
    %dma_wait3A_458 = tpu.memref_slice %arg8[%dma_wait3A_455, %dma_wait3A_456, %dma_wait3A_457] : memref<2x128x128xf32, #tpu.memory_space<vmem>> -> memref<1x128x128xf32, #tpu.memory_space<vmem>>
    %dma_wait3A_459 = tpu.memref_squeeze %dma_wait3A_458 : memref<1x128x128xf32, #tpu.memory_space<vmem>> -> memref<128x128xf32, #tpu.memory_space<vmem>>
    %dma_wait3A_460 = arith.constant 0 : i32
    %dma_wait3A_461 = tpu.memref_slice %arg6[%dma_wait3A_454, %dma_wait3A_460] : memref<16x128xi32, #tpu.memory_space<vmem>> -> memref<1x128xi32, #tpu.memory_space<vmem>>
    %dma_wait3A_462 = tpu.memref_squeeze %dma_wait3A_461 : memref<1x128xi32, #tpu.memory_space<vmem>> -> memref<128xi32, #tpu.memory_space<vmem>>
    %dma_wait3A_463 = arith.constant 0 : i32
    %dma_wait3A_464 = arith.constant 0 : i32
    %dma_wait3A_465 = tpu.memref_slice %arg2[%dma_wait3A_463, %dma_wait3A_464] : memref<8192x128xf32, #tpu.memory_space<hbm>> -> memref<8192x128xf32, #tpu.memory_space<hbm>>
    tpu.wait_indirect_dma semaphore(%arg11 : memref<!tpu.dma_semaphore, #tpu.memory_space<semaphore_mem>>) src(%dma_wait3A_465 : memref<8192x128xf32, #tpu.memory_space<hbm>>) dst(%dma_wait3A_459 : memref<128x128xf32, #tpu.memory_space<vmem>>)
    %dma_wait3A_466 = arith.constant 5 : i32
    %dma_wait3A_467 = arith.constant 1 : i32
    %dma_wait3A_468 = arith.constant 0 : i32
    %dma_wait3A_469 = arith.constant 0 : i32
    %dma_wait3A_470 = tpu.memref_slice %arg9[%dma_wait3A_467, %dma_wait3A_468, %dma_wait3A_469] : memref<2x128x128xf32, #tpu.memory_space<vmem>> -> memref<1x128x128xf32, #tpu.memory_space<vmem>>
    %dma_wait3A_471 = tpu.memref_squeeze %dma_wait3A_470 : memref<1x128x128xf32, #tpu.memory_space<vmem>> -> memref<128x128xf32, #tpu.memory_space<vmem>>
    %dma_wait3A_472 = arith.constant 0 : i32
    %dma_wait3A_473 = tpu.memref_slice %arg7[%dma_wait3A_466, %dma_wait3A_472] : memref<16x128xi32, #tpu.memory_space<vmem>> -> memref<1x128xi32, #tpu.memory_space<vmem>>
    %dma_wait3A_474 = tpu.memref_squeeze %dma_wait3A_473 : memref<1x128xi32, #tpu.memory_space<vmem>> -> memref<128xi32, #tpu.memory_space<vmem>>
    %dma_wait3A_475 = arith.constant 0 : i32
    %dma_wait3A_476 = arith.constant 0 : i32
    %dma_wait3A_477 = tpu.memref_slice %arg2[%dma_wait3A_475, %dma_wait3A_476] : memref<8192x128xf32, #tpu.memory_space<hbm>> -> memref<8192x128xf32, #tpu.memory_space<hbm>>
    tpu.wait_indirect_dma semaphore(%arg13 : memref<!tpu.dma_semaphore, #tpu.memory_space<semaphore_mem>>) src(%dma_wait3A_477 : memref<8192x128xf32, #tpu.memory_space<hbm>>) dst(%dma_wait3A_471 : memref<128x128xf32, #tpu.memory_space<vmem>>)
    %dma_wait3A_478 = arith.constant 0 : i32
    %dma_wait3A_479 = arith.constant 4 : i32
    %dma_wait3A_480 = arith.constant 0 : i32
    %dma_wait3A_481 = arith.constant 0 : i32
    %dma_wait3A_482 = tpu.memref_slice %arg8[%dma_wait3A_478, %dma_wait3A_480, %dma_wait3A_481] : memref<2x128x128xf32, #tpu.memory_space<vmem>> -> memref<1x128x128xf32, #tpu.memory_space<vmem>>
    %dma_wait3A_483 = tpu.memref_squeeze %dma_wait3A_482 : memref<1x128x128xf32, #tpu.memory_space<vmem>> -> memref<128x128xf32, #tpu.memory_space<vmem>>
    %dma_wait3A_484 = arith.constant 0 : i32
    %dma_wait3A_485 = arith.constant 0 : i32
    %dma_wait3A_486 = tpu.memref_slice %arg5[%add3A, %dma_wait3A_479, %dma_wait3A_484, %dma_wait3A_485] : memref<32x16x128x128xf32, #tpu.memory_space<hbm>> -> memref<1x1x128x128xf32, #tpu.memory_space<hbm>>
    %dma_wait3A_487 = tpu.memref_squeeze %dma_wait3A_486 : memref<1x1x128x128xf32, #tpu.memory_space<hbm>> -> memref<128x128xf32, #tpu.memory_space<hbm>>
    %dma_wait3A_488 = arith.constant 0 : i32
    %dma_wait3A_489 = arith.constant 0 : i32
    %dma_wait3A_490 = tpu.memref_slice %arg5[%add3A, %dma_wait3A_479, %dma_wait3A_488, %dma_wait3A_489] : memref<32x16x128x128xf32, #tpu.memory_space<hbm>> -> memref<1x1x128x128xf32, #tpu.memory_space<hbm>>
    %dma_wait3A_491 = tpu.memref_squeeze %dma_wait3A_490 : memref<1x1x128x128xf32, #tpu.memory_space<hbm>> -> memref<128x128xf32, #tpu.memory_space<hbm>>
    %dma_wait3A_492 = arith.constant 0 : i32
    %dma_wait3A_493 = arith.constant 0 : i32
    %dma_wait3A_494 = tpu.memref_slice %arg8[%dma_wait3A_478, %dma_wait3A_492, %dma_wait3A_493] : memref<2x128x128xf32, #tpu.memory_space<vmem>> -> memref<1x128x128xf32, #tpu.memory_space<vmem>>
    %dma_wait3A_495 = tpu.memref_squeeze %dma_wait3A_494 : memref<1x128x128xf32, #tpu.memory_space<vmem>> -> memref<128x128xf32, #tpu.memory_space<vmem>>
    tpu.wait_dma2 semaphore(%arg14 : memref<!tpu.dma_semaphore, #tpu.memory_space<semaphore_mem>>) src(%dma_wait3A_495 : memref<128x128xf32, #tpu.memory_space<vmem>>) dst(%dma_wait3A_491 : memref<128x128xf32, #tpu.memory_space<hbm>>)
    %dma_start3A_496 = arith.constant 6 : i32
    %dma_start3A_497 = arith.constant 0 : i32
    %dma_start3A_498 = arith.constant 0 : i32
    %dma_start3A_499 = arith.constant 0 : i32
    %dma_start3A_500 = tpu.memref_slice %arg8[%dma_start3A_497, %dma_start3A_498, %dma_start3A_499] : memref<2x128x128xf32, #tpu.memory_space<vmem>> -> memref<1x128x128xf32, #tpu.memory_space<vmem>>
    %dma_start3A_501 = tpu.memref_squeeze %dma_start3A_500 : memref<1x128x128xf32, #tpu.memory_space<vmem>> -> memref<128x128xf32, #tpu.memory_space<vmem>>
    %dma_start3A_502 = arith.constant 0 : i32
    %dma_start3A_503 = tpu.memref_slice %arg6[%dma_start3A_496, %dma_start3A_502] : memref<16x128xi32, #tpu.memory_space<vmem>> -> memref<1x128xi32, #tpu.memory_space<vmem>>
    %dma_start3A_504 = tpu.memref_squeeze %dma_start3A_503 : memref<1x128xi32, #tpu.memory_space<vmem>> -> memref<128xi32, #tpu.memory_space<vmem>>
    %dma_start3A_505 = arith.constant 0 : i32
    %dma_start3A_506 = arith.constant 0 : i32
    %dma_start3A_507 = tpu.memref_slice %arg2[%dma_start3A_505, %dma_start3A_506] : memref<8192x128xf32, #tpu.memory_space<hbm>> -> memref<8192x128xf32, #tpu.memory_space<hbm>>
    tpu.enqueue_indirect_dma source(%dma_start3A_507 : memref<8192x128xf32, #tpu.memory_space<hbm>>) target(%dma_start3A_501 : memref<128x128xf32, #tpu.memory_space<vmem>>) offsets(%dma_start3A_504 : memref<128xi32, #tpu.memory_space<vmem>>) semaphore(%arg10 : memref<!tpu.dma_semaphore, #tpu.memory_space<semaphore_mem>>)
    %dma_start3A_508 = arith.constant 6 : i32
    %dma_start3A_509 = arith.constant 0 : i32
    %dma_start3A_510 = arith.constant 0 : i32
    %dma_start3A_511 = arith.constant 0 : i32
    %dma_start3A_512 = tpu.memref_slice %arg9[%dma_start3A_509, %dma_start3A_510, %dma_start3A_511] : memref<2x128x128xf32, #tpu.memory_space<vmem>> -> memref<1x128x128xf32, #tpu.memory_space<vmem>>
    %dma_start3A_513 = tpu.memref_squeeze %dma_start3A_512 : memref<1x128x128xf32, #tpu.memory_space<vmem>> -> memref<128x128xf32, #tpu.memory_space<vmem>>
    %dma_start3A_514 = arith.constant 0 : i32
    %dma_start3A_515 = tpu.memref_slice %arg7[%dma_start3A_508, %dma_start3A_514] : memref<16x128xi32, #tpu.memory_space<vmem>> -> memref<1x128xi32, #tpu.memory_space<vmem>>
    %dma_start3A_516 = tpu.memref_squeeze %dma_start3A_515 : memref<1x128xi32, #tpu.memory_space<vmem>> -> memref<128xi32, #tpu.memory_space<vmem>>
    %dma_start3A_517 = arith.constant 0 : i32
    %dma_start3A_518 = arith.constant 0 : i32
    %dma_start3A_519 = tpu.memref_slice %arg2[%dma_start3A_517, %dma_start3A_518] : memref<8192x128xf32, #tpu.memory_space<hbm>> -> memref<8192x128xf32, #tpu.memory_space<hbm>>
    tpu.enqueue_indirect_dma source(%dma_start3A_519 : memref<8192x128xf32, #tpu.memory_space<hbm>>) target(%dma_start3A_513 : memref<128x128xf32, #tpu.memory_space<vmem>>) offsets(%dma_start3A_516 : memref<128xi32, #tpu.memory_space<vmem>>) semaphore(%arg12 : memref<!tpu.dma_semaphore, #tpu.memory_space<semaphore_mem>>)
    %scan3A_520 = arith.constant 0 : i32
    %scan3A_521 = arith.constant 0 : i32
    %scan3A_522 = arith.constant 128 : i32
    %scan3A_523 = arith.addi %scan3A_521, %scan3A_522 : i32
    %scan3A_524 = arith.constant 1 : i32
    scf.for %scan3A_1438 = %scan3A_521 to %scan3A_523 step %scan3A_524  : i32 {
      %get3A = arith.constant 1 : i32
      %get3A_1439 = arith.index_cast %get3A : i32 to index
      %get3A_1440 = arith.index_cast %scan3A_1438 : i32 to index
      %get3A_1441 = arith.constant 64 : index
      %get3A_1442 = tpu.vector_load %arg9[%get3A_1439, %get3A_1440, %get3A_1441] {strides = array<i32>} : memref<2x128x128xf32, #tpu.memory_space<vmem>>, vector<1x1x16xf32>,
      %get3A_1443 = vector.shape_cast %get3A_1442 : vector<1x1x16xf32> to vector<16xf32>
      %swap3A = arith.constant 1 : i32
      %swap3A_1444 = arith.index_cast %swap3A : i32 to index
      %swap3A_1445 = arith.index_cast %scan3A_1438 : i32 to index
      %swap3A_1446 = arith.constant 64 : index
      %swap3A_1447 = tpu.vector_load %arg8[%swap3A_1444, %swap3A_1445, %swap3A_1446] {strides = array<i32>} : memref<2x128x128xf32, #tpu.memory_space<vmem>>, vector<1x1x16xf32>,
      %swap3A_1448 = vector.shape_cast %swap3A_1447 : vector<1x1x16xf32> to vector<16xf32>
      %swap3A_1449 = vector.shape_cast %get3A_1443 : vector<16xf32> to vector<1x1x16xf32>
      tpu.vector_store %arg8[%swap3A_1444, %swap3A_1445, %swap3A_1446], %swap3A_1449 {strides = array<i32>} : memref<2x128x128xf32, #tpu.memory_space<vmem>>, vector<1x1x16xf32>,
      %get3A_1450 = arith.constant 1 : i32
      %get3A_1451 = arith.index_cast %get3A_1450 : i32 to index
      %get3A_1452 = arith.index_cast %scan3A_1438 : i32 to index
      %get3A_1453 = arith.constant 80 : index
      %get3A_1454 = tpu.vector_load %arg9[%get3A_1451, %get3A_1452, %get3A_1453] {strides = array<i32>} : memref<2x128x128xf32, #tpu.memory_space<vmem>>, vector<1x1x16xf32>,
      %get3A_1455 = vector.shape_cast %get3A_1454 : vector<1x1x16xf32> to vector<16xf32>
      %swap3A_1456 = arith.constant 1 : i32
      %swap3A_1457 = arith.index_cast %swap3A_1456 : i32 to index
      %swap3A_1458 = arith.index_cast %scan3A_1438 : i32 to index
      %swap3A_1459 = arith.constant 80 : index
      %swap3A_1460 = tpu.vector_load %arg8[%swap3A_1457, %swap3A_1458, %swap3A_1459] {strides = array<i32>} : memref<2x128x128xf32, #tpu.memory_space<vmem>>, vector<1x1x16xf32>,
      %swap3A_1461 = vector.shape_cast %swap3A_1460 : vector<1x1x16xf32> to vector<16xf32>
      %swap3A_1462 = vector.shape_cast %get3A_1455 : vector<16xf32> to vector<1x1x16xf32>
      tpu.vector_store %arg8[%swap3A_1457, %swap3A_1458, %swap3A_1459], %swap3A_1462 {strides = array<i32>} : memref<2x128x128xf32, #tpu.memory_space<vmem>>, vector<1x1x16xf32>,
      %get3A_1463 = arith.constant 1 : i32
      %get3A_1464 = arith.index_cast %get3A_1463 : i32 to index
      %get3A_1465 = arith.index_cast %scan3A_1438 : i32 to index
      %get3A_1466 = arith.constant 96 : index
      %get3A_1467 = tpu.vector_load %arg9[%get3A_1464, %get3A_1465, %get3A_1466] {strides = array<i32>} : memref<2x128x128xf32, #tpu.memory_space<vmem>>, vector<1x1x16xf32>,
      %get3A_1468 = vector.shape_cast %get3A_1467 : vector<1x1x16xf32> to vector<16xf32>
      %swap3A_1469 = arith.constant 1 : i32
      %swap3A_1470 = arith.index_cast %swap3A_1469 : i32 to index
      %swap3A_1471 = arith.index_cast %scan3A_1438 : i32 to index
      %swap3A_1472 = arith.constant 96 : index
      %swap3A_1473 = tpu.vector_load %arg8[%swap3A_1470, %swap3A_1471, %swap3A_1472] {strides = array<i32>} : memref<2x128x128xf32, #tpu.memory_space<vmem>>, vector<1x1x16xf32>,
      %swap3A_1474 = vector.shape_cast %swap3A_1473 : vector<1x1x16xf32> to vector<16xf32>
      %swap3A_1475 = vector.shape_cast %get3A_1468 : vector<16xf32> to vector<1x1x16xf32>
      tpu.vector_store %arg8[%swap3A_1470, %swap3A_1471, %swap3A_1472], %swap3A_1475 {strides = array<i32>} : memref<2x128x128xf32, #tpu.memory_space<vmem>>, vector<1x1x16xf32>,
      %get3A_1476 = arith.constant 1 : i32
      %get3A_1477 = arith.index_cast %get3A_1476 : i32 to index
      %get3A_1478 = arith.index_cast %scan3A_1438 : i32 to index
      %get3A_1479 = arith.constant 112 : index
      %get3A_1480 = tpu.vector_load %arg9[%get3A_1477, %get3A_1478, %get3A_1479] {strides = array<i32>} : memref<2x128x128xf32, #tpu.memory_space<vmem>>, vector<1x1x16xf32>,
      %get3A_1481 = vector.shape_cast %get3A_1480 : vector<1x1x16xf32> to vector<16xf32>
      %swap3A_1482 = arith.constant 1 : i32
      %swap3A_1483 = arith.index_cast %swap3A_1482 : i32 to index
      %swap3A_1484 = arith.index_cast %scan3A_1438 : i32 to index
      %swap3A_1485 = arith.constant 112 : index
      %swap3A_1486 = tpu.vector_load %arg8[%swap3A_1483, %swap3A_1484, %swap3A_1485] {strides = array<i32>} : memref<2x128x128xf32, #tpu.memory_space<vmem>>, vector<1x1x16xf32>,
      %swap3A_1487 = vector.shape_cast %swap3A_1486 : vector<1x1x16xf32> to vector<16xf32>
      %swap3A_1488 = vector.shape_cast %get3A_1481 : vector<16xf32> to vector<1x1x16xf32>
      tpu.vector_store %arg8[%swap3A_1483, %swap3A_1484, %swap3A_1485], %swap3A_1488 {strides = array<i32>} : memref<2x128x128xf32, #tpu.memory_space<vmem>>, vector<1x1x16xf32>,
    }
    %scan3A_525 = arith.constant 128 : i32
    %dma_start3A_526 = arith.constant 1 : i32
    %dma_start3A_527 = arith.constant 5 : i32
    %dma_start3A_528 = arith.constant 0 : i32
    %dma_start3A_529 = arith.constant 0 : i32
    %dma_start3A_530 = tpu.memref_slice %arg8[%dma_start3A_526, %dma_start3A_528, %dma_start3A_529] : memref<2x128x128xf32, #tpu.memory_space<vmem>> -> memref<1x128x128xf32, #tpu.memory_space<vmem>>
    %dma_start3A_531 = tpu.memref_squeeze %dma_start3A_530 : memref<1x128x128xf32, #tpu.memory_space<vmem>> -> memref<128x128xf32, #tpu.memory_space<vmem>>
    %dma_start3A_532 = arith.constant 0 : i32
    %dma_start3A_533 = arith.constant 0 : i32
    %dma_start3A_534 = tpu.memref_slice %arg5[%add3A, %dma_start3A_527, %dma_start3A_532, %dma_start3A_533] : memref<32x16x128x128xf32, #tpu.memory_space<hbm>> -> memref<1x1x128x128xf32, #tpu.memory_space<hbm>>
    %dma_start3A_535 = tpu.memref_squeeze %dma_start3A_534 : memref<1x1x128x128xf32, #tpu.memory_space<hbm>> -> memref<128x128xf32, #tpu.memory_space<hbm>>
    %dma_start3A_536 = arith.constant 0 : i32
    %dma_start3A_537 = arith.constant 0 : i32
    %dma_start3A_538 = tpu.memref_slice %arg5[%add3A, %dma_start3A_527, %dma_start3A_536, %dma_start3A_537] : memref<32x16x128x128xf32, #tpu.memory_space<hbm>> -> memref<1x1x128x128xf32, #tpu.memory_space<hbm>>
    %dma_start3A_539 = tpu.memref_squeeze %dma_start3A_538 : memref<1x1x128x128xf32, #tpu.memory_space<hbm>> -> memref<128x128xf32, #tpu.memory_space<hbm>>
    %dma_start3A_540 = arith.constant 0 : i32
    %dma_start3A_541 = arith.constant 0 : i32
    %dma_start3A_542 = tpu.memref_slice %arg8[%dma_start3A_526, %dma_start3A_540, %dma_start3A_541] : memref<2x128x128xf32, #tpu.memory_space<vmem>> -> memref<1x128x128xf32, #tpu.memory_space<vmem>>
    %dma_start3A_543 = tpu.memref_squeeze %dma_start3A_542 : memref<1x128x128xf32, #tpu.memory_space<vmem>> -> memref<128x128xf32, #tpu.memory_space<vmem>>
    tpu.enqueue_dma source(%dma_start3A_543 : memref<128x128xf32, #tpu.memory_space<vmem>>) target(%dma_start3A_539 : memref<128x128xf32, #tpu.memory_space<hbm>>) target_semaphore(%arg15 : memref<!tpu.dma_semaphore, #tpu.memory_space<semaphore_mem>>)
    %dma_wait3A_544 = arith.constant 6 : i32
    %dma_wait3A_545 = arith.constant 0 : i32
    %dma_wait3A_546 = arith.constant 0 : i32
    %dma_wait3A_547 = arith.constant 0 : i32
    %dma_wait3A_548 = tpu.memref_slice %arg8[%dma_wait3A_545, %dma_wait3A_546, %dma_wait3A_547] : memref<2x128x128xf32, #tpu.memory_space<vmem>> -> memref<1x128x128xf32, #tpu.memory_space<vmem>>
    %dma_wait3A_549 = tpu.memref_squeeze %dma_wait3A_548 : memref<1x128x128xf32, #tpu.memory_space<vmem>> -> memref<128x128xf32, #tpu.memory_space<vmem>>
    %dma_wait3A_550 = arith.constant 0 : i32
    %dma_wait3A_551 = tpu.memref_slice %arg6[%dma_wait3A_544, %dma_wait3A_550] : memref<16x128xi32, #tpu.memory_space<vmem>> -> memref<1x128xi32, #tpu.memory_space<vmem>>
    %dma_wait3A_552 = tpu.memref_squeeze %dma_wait3A_551 : memref<1x128xi32, #tpu.memory_space<vmem>> -> memref<128xi32, #tpu.memory_space<vmem>>
    %dma_wait3A_553 = arith.constant 0 : i32
    %dma_wait3A_554 = arith.constant 0 : i32
    %dma_wait3A_555 = tpu.memref_slice %arg2[%dma_wait3A_553, %dma_wait3A_554] : memref<8192x128xf32, #tpu.memory_space<hbm>> -> memref<8192x128xf32, #tpu.memory_space<hbm>>
    tpu.wait_indirect_dma semaphore(%arg10 : memref<!tpu.dma_semaphore, #tpu.memory_space<semaphore_mem>>) src(%dma_wait3A_555 : memref<8192x128xf32, #tpu.memory_space<hbm>>) dst(%dma_wait3A_549 : memref<128x128xf32, #tpu.memory_space<vmem>>)
    %dma_wait3A_556 = arith.constant 6 : i32
    %dma_wait3A_557 = arith.constant 0 : i32
    %dma_wait3A_558 = arith.constant 0 : i32
    %dma_wait3A_559 = arith.constant 0 : i32
    %dma_wait3A_560 = tpu.memref_slice %arg9[%dma_wait3A_557, %dma_wait3A_558, %dma_wait3A_559] : memref<2x128x128xf32, #tpu.memory_space<vmem>> -> memref<1x128x128xf32, #tpu.memory_space<vmem>>
    %dma_wait3A_561 = tpu.memref_squeeze %dma_wait3A_560 : memref<1x128x128xf32, #tpu.memory_space<vmem>> -> memref<128x128xf32, #tpu.memory_space<vmem>>
    %dma_wait3A_562 = arith.constant 0 : i32
    %dma_wait3A_563 = tpu.memref_slice %arg7[%dma_wait3A_556, %dma_wait3A_562] : memref<16x128xi32, #tpu.memory_space<vmem>> -> memref<1x128xi32, #tpu.memory_space<vmem>>
    %dma_wait3A_564 = tpu.memref_squeeze %dma_wait3A_563 : memref<1x128xi32, #tpu.memory_space<vmem>> -> memref<128xi32, #tpu.memory_space<vmem>>
    %dma_wait3A_565 = arith.constant 0 : i32
    %dma_wait3A_566 = arith.constant 0 : i32
    %dma_wait3A_567 = tpu.memref_slice %arg2[%dma_wait3A_565, %dma_wait3A_566] : memref<8192x128xf32, #tpu.memory_space<hbm>> -> memref<8192x128xf32, #tpu.memory_space<hbm>>
    tpu.wait_indirect_dma semaphore(%arg12 : memref<!tpu.dma_semaphore, #tpu.memory_space<semaphore_mem>>) src(%dma_wait3A_567 : memref<8192x128xf32, #tpu.memory_space<hbm>>) dst(%dma_wait3A_561 : memref<128x128xf32, #tpu.memory_space<vmem>>)
    %dma_wait3A_568 = arith.constant 1 : i32
    %dma_wait3A_569 = arith.constant 5 : i32
    %dma_wait3A_570 = arith.constant 0 : i32
    %dma_wait3A_571 = arith.constant 0 : i32
    %dma_wait3A_572 = tpu.memref_slice %arg8[%dma_wait3A_568, %dma_wait3A_570, %dma_wait3A_571] : memref<2x128x128xf32, #tpu.memory_space<vmem>> -> memref<1x128x128xf32, #tpu.memory_space<vmem>>
    %dma_wait3A_573 = tpu.memref_squeeze %dma_wait3A_572 : memref<1x128x128xf32, #tpu.memory_space<vmem>> -> memref<128x128xf32, #tpu.memory_space<vmem>>
    %dma_wait3A_574 = arith.constant 0 : i32
    %dma_wait3A_575 = arith.constant 0 : i32
    %dma_wait3A_576 = tpu.memref_slice %arg5[%add3A, %dma_wait3A_569, %dma_wait3A_574, %dma_wait3A_575] : memref<32x16x128x128xf32, #tpu.memory_space<hbm>> -> memref<1x1x128x128xf32, #tpu.memory_space<hbm>>
    %dma_wait3A_577 = tpu.memref_squeeze %dma_wait3A_576 : memref<1x1x128x128xf32, #tpu.memory_space<hbm>> -> memref<128x128xf32, #tpu.memory_space<hbm>>
    %dma_wait3A_578 = arith.constant 0 : i32
    %dma_wait3A_579 = arith.constant 0 : i32
    %dma_wait3A_580 = tpu.memref_slice %arg5[%add3A, %dma_wait3A_569, %dma_wait3A_578, %dma_wait3A_579] : memref<32x16x128x128xf32, #tpu.memory_space<hbm>> -> memref<1x1x128x128xf32, #tpu.memory_space<hbm>>
    %dma_wait3A_581 = tpu.memref_squeeze %dma_wait3A_580 : memref<1x1x128x128xf32, #tpu.memory_space<hbm>> -> memref<128x128xf32, #tpu.memory_space<hbm>>
    %dma_wait3A_582 = arith.constant 0 : i32
    %dma_wait3A_583 = arith.constant 0 : i32
    %dma_wait3A_584 = tpu.memref_slice %arg8[%dma_wait3A_568, %dma_wait3A_582, %dma_wait3A_583] : memref<2x128x128xf32, #tpu.memory_space<vmem>> -> memref<1x128x128xf32, #tpu.memory_space<vmem>>
    %dma_wait3A_585 = tpu.memref_squeeze %dma_wait3A_584 : memref<1x128x128xf32, #tpu.memory_space<vmem>> -> memref<128x128xf32, #tpu.memory_space<vmem>>
    tpu.wait_dma2 semaphore(%arg15 : memref<!tpu.dma_semaphore, #tpu.memory_space<semaphore_mem>>) src(%dma_wait3A_585 : memref<128x128xf32, #tpu.memory_space<vmem>>) dst(%dma_wait3A_581 : memref<128x128xf32, #tpu.memory_space<hbm>>)
    %dma_start3A_586 = arith.constant 7 : i32
    %dma_start3A_587 = arith.constant 1 : i32
    %dma_start3A_588 = arith.constant 0 : i32
    %dma_start3A_589 = arith.constant 0 : i32
    %dma_start3A_590 = tpu.memref_slice %arg8[%dma_start3A_587, %dma_start3A_588, %dma_start3A_589] : memref<2x128x128xf32, #tpu.memory_space<vmem>> -> memref<1x128x128xf32, #tpu.memory_space<vmem>>
    %dma_start3A_591 = tpu.memref_squeeze %dma_start3A_590 : memref<1x128x128xf32, #tpu.memory_space<vmem>> -> memref<128x128xf32, #tpu.memory_space<vmem>>
    %dma_start3A_592 = arith.constant 0 : i32
    %dma_start3A_593 = tpu.memref_slice %arg6[%dma_start3A_586, %dma_start3A_592] : memref<16x128xi32, #tpu.memory_space<vmem>> -> memref<1x128xi32, #tpu.memory_space<vmem>>
    %dma_start3A_594 = tpu.memref_squeeze %dma_start3A_593 : memref<1x128xi32, #tpu.memory_space<vmem>> -> memref<128xi32, #tpu.memory_space<vmem>>
    %dma_start3A_595 = arith.constant 0 : i32
    %dma_start3A_596 = arith.constant 0 : i32
    %dma_start3A_597 = tpu.memref_slice %arg2[%dma_start3A_595, %dma_start3A_596] : memref<8192x128xf32, #tpu.memory_space<hbm>> -> memref<8192x128xf32, #tpu.memory_space<hbm>>
    tpu.enqueue_indirect_dma source(%dma_start3A_597 : memref<8192x128xf32, #tpu.memory_space<hbm>>) target(%dma_start3A_591 : memref<128x128xf32, #tpu.memory_space<vmem>>) offsets(%dma_start3A_594 : memref<128xi32, #tpu.memory_space<vmem>>) semaphore(%arg11 : memref<!tpu.dma_semaphore, #tpu.memory_space<semaphore_mem>>)
    %dma_start3A_598 = arith.constant 7 : i32
    %dma_start3A_599 = arith.constant 1 : i32
    %dma_start3A_600 = arith.constant 0 : i32
    %dma_start3A_601 = arith.constant 0 : i32
    %dma_start3A_602 = tpu.memref_slice %arg9[%dma_start3A_599, %dma_start3A_600, %dma_start3A_601] : memref<2x128x128xf32, #tpu.memory_space<vmem>> -> memref<1x128x128xf32, #tpu.memory_space<vmem>>
    %dma_start3A_603 = tpu.memref_squeeze %dma_start3A_602 : memref<1x128x128xf32, #tpu.memory_space<vmem>> -> memref<128x128xf32, #tpu.memory_space<vmem>>
    %dma_start3A_604 = arith.constant 0 : i32
    %dma_start3A_605 = tpu.memref_slice %arg7[%dma_start3A_598, %dma_start3A_604] : memref<16x128xi32, #tpu.memory_space<vmem>> -> memref<1x128xi32, #tpu.memory_space<vmem>>
    %dma_start3A_606 = tpu.memref_squeeze %dma_start3A_605 : memref<1x128xi32, #tpu.memory_space<vmem>> -> memref<128xi32, #tpu.memory_space<vmem>>
    %dma_start3A_607 = arith.constant 0 : i32
    %dma_start3A_608 = arith.constant 0 : i32
    %dma_start3A_609 = tpu.memref_slice %arg2[%dma_start3A_607, %dma_start3A_608] : memref<8192x128xf32, #tpu.memory_space<hbm>> -> memref<8192x128xf32, #tpu.memory_space<hbm>>
    tpu.enqueue_indirect_dma source(%dma_start3A_609 : memref<8192x128xf32, #tpu.memory_space<hbm>>) target(%dma_start3A_603 : memref<128x128xf32, #tpu.memory_space<vmem>>) offsets(%dma_start3A_606 : memref<128xi32, #tpu.memory_space<vmem>>) semaphore(%arg13 : memref<!tpu.dma_semaphore, #tpu.memory_space<semaphore_mem>>)
    %scan3A_610 = arith.constant 0 : i32
    %scan3A_611 = arith.constant 0 : i32
    %scan3A_612 = arith.constant 128 : i32
    %scan3A_613 = arith.addi %scan3A_611, %scan3A_612 : i32
    %scan3A_614 = arith.constant 1 : i32
    scf.for %scan3A_1438 = %scan3A_611 to %scan3A_613 step %scan3A_614  : i32 {
      %get3A = arith.constant 0 : i32
      %get3A_1439 = arith.index_cast %get3A : i32 to index
      %get3A_1440 = arith.index_cast %scan3A_1438 : i32 to index
      %get3A_1441 = arith.constant 64 : index
      %get3A_1442 = tpu.vector_load %arg9[%get3A_1439, %get3A_1440, %get3A_1441] {strides = array<i32>} : memref<2x128x128xf32, #tpu.memory_space<vmem>>, vector<1x1x16xf32>,
      %get3A_1443 = vector.shape_cast %get3A_1442 : vector<1x1x16xf32> to vector<16xf32>
      %swap3A = arith.constant 0 : i32
      %swap3A_1444 = arith.index_cast %swap3A : i32 to index
      %swap3A_1445 = arith.index_cast %scan3A_1438 : i32 to index
      %swap3A_1446 = arith.constant 64 : index
      %swap3A_1447 = tpu.vector_load %arg8[%swap3A_1444, %swap3A_1445, %swap3A_1446] {strides = array<i32>} : memref<2x128x128xf32, #tpu.memory_space<vmem>>, vector<1x1x16xf32>,
      %swap3A_1448 = vector.shape_cast %swap3A_1447 : vector<1x1x16xf32> to vector<16xf32>
      %swap3A_1449 = vector.shape_cast %get3A_1443 : vector<16xf32> to vector<1x1x16xf32>
      tpu.vector_store %arg8[%swap3A_1444, %swap3A_1445, %swap3A_1446], %swap3A_1449 {strides = array<i32>} : memref<2x128x128xf32, #tpu.memory_space<vmem>>, vector<1x1x16xf32>,
      %get3A_1450 = arith.constant 0 : i32
      %get3A_1451 = arith.index_cast %get3A_1450 : i32 to index
      %get3A_1452 = arith.index_cast %scan3A_1438 : i32 to index
      %get3A_1453 = arith.constant 80 : index
      %get3A_1454 = tpu.vector_load %arg9[%get3A_1451, %get3A_1452, %get3A_1453] {strides = array<i32>} : memref<2x128x128xf32, #tpu.memory_space<vmem>>, vector<1x1x16xf32>,
      %get3A_1455 = vector.shape_cast %get3A_1454 : vector<1x1x16xf32> to vector<16xf32>
      %swap3A_1456 = arith.constant 0 : i32
      %swap3A_1457 = arith.index_cast %swap3A_1456 : i32 to index
      %swap3A_1458 = arith.index_cast %scan3A_1438 : i32 to index
      %swap3A_1459 = arith.constant 80 : index
      %swap3A_1460 = tpu.vector_load %arg8[%swap3A_1457, %swap3A_1458, %swap3A_1459] {strides = array<i32>} : memref<2x128x128xf32, #tpu.memory_space<vmem>>, vector<1x1x16xf32>,
      %swap3A_1461 = vector.shape_cast %swap3A_1460 : vector<1x1x16xf32> to vector<16xf32>
      %swap3A_1462 = vector.shape_cast %get3A_1455 : vector<16xf32> to vector<1x1x16xf32>
      tpu.vector_store %arg8[%swap3A_1457, %swap3A_1458, %swap3A_1459], %swap3A_1462 {strides = array<i32>} : memref<2x128x128xf32, #tpu.memory_space<vmem>>, vector<1x1x16xf32>,
      %get3A_1463 = arith.constant 0 : i32
      %get3A_1464 = arith.index_cast %get3A_1463 : i32 to index
      %get3A_1465 = arith.index_cast %scan3A_1438 : i32 to index
      %get3A_1466 = arith.constant 96 : index
      %get3A_1467 = tpu.vector_load %arg9[%get3A_1464, %get3A_1465, %get3A_1466] {strides = array<i32>} : memref<2x128x128xf32, #tpu.memory_space<vmem>>, vector<1x1x16xf32>,
      %get3A_1468 = vector.shape_cast %get3A_1467 : vector<1x1x16xf32> to vector<16xf32>
      %swap3A_1469 = arith.constant 0 : i32
      %swap3A_1470 = arith.index_cast %swap3A_1469 : i32 to index
      %swap3A_1471 = arith.index_cast %scan3A_1438 : i32 to index
      %swap3A_1472 = arith.constant 96 : index
      %swap3A_1473 = tpu.vector_load %arg8[%swap3A_1470, %swap3A_1471, %swap3A_1472] {strides = array<i32>} : memref<2x128x128xf32, #tpu.memory_space<vmem>>, vector<1x1x16xf32>,
      %swap3A_1474 = vector.shape_cast %swap3A_1473 : vector<1x1x16xf32> to vector<16xf32>
      %swap3A_1475 = vector.shape_cast %get3A_1468 : vector<16xf32> to vector<1x1x16xf32>
      tpu.vector_store %arg8[%swap3A_1470, %swap3A_1471, %swap3A_1472], %swap3A_1475 {strides = array<i32>} : memref<2x128x128xf32, #tpu.memory_space<vmem>>, vector<1x1x16xf32>,
      %get3A_1476 = arith.constant 0 : i32
      %get3A_1477 = arith.index_cast %get3A_1476 : i32 to index
      %get3A_1478 = arith.index_cast %scan3A_1438 : i32 to index
      %get3A_1479 = arith.constant 112 : index
      %get3A_1480 = tpu.vector_load %arg9[%get3A_1477, %get3A_1478, %get3A_1479] {strides = array<i32>} : memref<2x128x128xf32, #tpu.memory_space<vmem>>, vector<1x1x16xf32>,
      %get3A_1481 = vector.shape_cast %get3A_1480 : vector<1x1x16xf32> to vector<16xf32>
      %swap3A_1482 = arith.constant 0 : i32
      %swap3A_1483 = arith.index_cast %swap3A_1482 : i32 to index
      %swap3A_1484 = arith.index_cast %scan3A_1438 : i32 to index
      %swap3A_1485 = arith.constant 112 : index
      %swap3A_1486 = tpu.vector_load %arg8[%swap3A_1483, %swap3A_1484, %swap3A_1485] {strides = array<i32>} : memref<2x128x128xf32, #tpu.memory_space<vmem>>, vector<1x1x16xf32>,
      %swap3A_1487 = vector.shape_cast %swap3A_1486 : vector<1x1x16xf32> to vector<16xf32>
      %swap3A_1488 = vector.shape_cast %get3A_1481 : vector<16xf32> to vector<1x1x16xf32>
      tpu.vector_store %arg8[%swap3A_1483, %swap3A_1484, %swap3A_1485], %swap3A_1488 {strides = array<i32>} : memref<2x128x128xf32, #tpu.memory_space<vmem>>, vector<1x1x16xf32>,
    }
    %scan3A_615 = arith.constant 128 : i32
    %dma_start3A_616 = arith.constant 0 : i32
    %dma_start3A_617 = arith.constant 6 : i32
    %dma_start3A_618 = arith.constant 0 : i32
    %dma_start3A_619 = arith.constant 0 : i32
    %dma_start3A_620 = tpu.memref_slice %arg8[%dma_start3A_616, %dma_start3A_618, %dma_start3A_619] : memref<2x128x128xf32, #tpu.memory_space<vmem>> -> memref<1x128x128xf32, #tpu.memory_space<vmem>>
    %dma_start3A_621 = tpu.memref_squeeze %dma_start3A_620 : memref<1x128x128xf32, #tpu.memory_space<vmem>> -> memref<128x128xf32, #tpu.memory_space<vmem>>
    %dma_start3A_622 = arith.constant 0 : i32
    %dma_start3A_623 = arith.constant 0 : i32
    %dma_start3A_624 = tpu.memref_slice %arg5[%add3A, %dma_start3A_617, %dma_start3A_622, %dma_start3A_623] : memref<32x16x128x128xf32, #tpu.memory_space<hbm>> -> memref<1x1x128x128xf32, #tpu.memory_space<hbm>>
    %dma_start3A_625 = tpu.memref_squeeze %dma_start3A_624 : memref<1x1x128x128xf32, #tpu.memory_space<hbm>> -> memref<128x128xf32, #tpu.memory_space<hbm>>
    %dma_start3A_626 = arith.constant 0 : i32
    %dma_start3A_627 = arith.constant 0 : i32
    %dma_start3A_628 = tpu.memref_slice %arg5[%add3A, %dma_start3A_617, %dma_start3A_626, %dma_start3A_627] : memref<32x16x128x128xf32, #tpu.memory_space<hbm>> -> memref<1x1x128x128xf32, #tpu.memory_space<hbm>>
    %dma_start3A_629 = tpu.memref_squeeze %dma_start3A_628 : memref<1x1x128x128xf32, #tpu.memory_space<hbm>> -> memref<128x128xf32, #tpu.memory_space<hbm>>
    %dma_start3A_630 = arith.constant 0 : i32
    %dma_start3A_631 = arith.constant 0 : i32
    %dma_start3A_632 = tpu.memref_slice %arg8[%dma_start3A_616, %dma_start3A_630, %dma_start3A_631] : memref<2x128x128xf32, #tpu.memory_space<vmem>> -> memref<1x128x128xf32, #tpu.memory_space<vmem>>
    %dma_start3A_633 = tpu.memref_squeeze %dma_start3A_632 : memref<1x128x128xf32, #tpu.memory_space<vmem>> -> memref<128x128xf32, #tpu.memory_space<vmem>>
    tpu.enqueue_dma source(%dma_start3A_633 : memref<128x128xf32, #tpu.memory_space<vmem>>) target(%dma_start3A_629 : memref<128x128xf32, #tpu.memory_space<hbm>>) target_semaphore(%arg14 : memref<!tpu.dma_semaphore, #tpu.memory_space<semaphore_mem>>)
    %dma_wait3A_634 = arith.constant 7 : i32
    %dma_wait3A_635 = arith.constant 1 : i32
    %dma_wait3A_636 = arith.constant 0 : i32
    %dma_wait3A_637 = arith.constant 0 : i32
    %dma_wait3A_638 = tpu.memref_slice %arg8[%dma_wait3A_635, %dma_wait3A_636, %dma_wait3A_637] : memref<2x128x128xf32, #tpu.memory_space<vmem>> -> memref<1x128x128xf32, #tpu.memory_space<vmem>>
    %dma_wait3A_639 = tpu.memref_squeeze %dma_wait3A_638 : memref<1x128x128xf32, #tpu.memory_space<vmem>> -> memref<128x128xf32, #tpu.memory_space<vmem>>
    %dma_wait3A_640 = arith.constant 0 : i32
    %dma_wait3A_641 = tpu.memref_slice %arg6[%dma_wait3A_634, %dma_wait3A_640] : memref<16x128xi32, #tpu.memory_space<vmem>> -> memref<1x128xi32, #tpu.memory_space<vmem>>
    %dma_wait3A_642 = tpu.memref_squeeze %dma_wait3A_641 : memref<1x128xi32, #tpu.memory_space<vmem>> -> memref<128xi32, #tpu.memory_space<vmem>>
    %dma_wait3A_643 = arith.constant 0 : i32
    %dma_wait3A_644 = arith.constant 0 : i32
    %dma_wait3A_645 = tpu.memref_slice %arg2[%dma_wait3A_643, %dma_wait3A_644] : memref<8192x128xf32, #tpu.memory_space<hbm>> -> memref<8192x128xf32, #tpu.memory_space<hbm>>
    tpu.wait_indirect_dma semaphore(%arg11 : memref<!tpu.dma_semaphore, #tpu.memory_space<semaphore_mem>>) src(%dma_wait3A_645 : memref<8192x128xf32, #tpu.memory_space<hbm>>) dst(%dma_wait3A_639 : memref<128x128xf32, #tpu.memory_space<vmem>>)
    %dma_wait3A_646 = arith.constant 7 : i32
    %dma_wait3A_647 = arith.constant 1 : i32
    %dma_wait3A_648 = arith.constant 0 : i32
    %dma_wait3A_649 = arith.constant 0 : i32
    %dma_wait3A_650 = tpu.memref_slice %arg9[%dma_wait3A_647, %dma_wait3A_648, %dma_wait3A_649] : memref<2x128x128xf32, #tpu.memory_space<vmem>> -> memref<1x128x128xf32, #tpu.memory_space<vmem>>
    %dma_wait3A_651 = tpu.memref_squeeze %dma_wait3A_650 : memref<1x128x128xf32, #tpu.memory_space<vmem>> -> memref<128x128xf32, #tpu.memory_space<vmem>>
    %dma_wait3A_652 = arith.constant 0 : i32
    %dma_wait3A_653 = tpu.memref_slice %arg7[%dma_wait3A_646, %dma_wait3A_652] : memref<16x128xi32, #tpu.memory_space<vmem>> -> memref<1x128xi32, #tpu.memory_space<vmem>>
    %dma_wait3A_654 = tpu.memref_squeeze %dma_wait3A_653 : memref<1x128xi32, #tpu.memory_space<vmem>> -> memref<128xi32, #tpu.memory_space<vmem>>
    %dma_wait3A_655 = arith.constant 0 : i32
    %dma_wait3A_656 = arith.constant 0 : i32
    %dma_wait3A_657 = tpu.memref_slice %arg2[%dma_wait3A_655, %dma_wait3A_656] : memref<8192x128xf32, #tpu.memory_space<hbm>> -> memref<8192x128xf32, #tpu.memory_space<hbm>>
    tpu.wait_indirect_dma semaphore(%arg13 : memref<!tpu.dma_semaphore, #tpu.memory_space<semaphore_mem>>) src(%dma_wait3A_657 : memref<8192x128xf32, #tpu.memory_space<hbm>>) dst(%dma_wait3A_651 : memref<128x128xf32, #tpu.memory_space<vmem>>)
    %dma_wait3A_658 = arith.constant 0 : i32
    %dma_wait3A_659 = arith.constant 6 : i32
    %dma_wait3A_660 = arith.constant 0 : i32
    %dma_wait3A_661 = arith.constant 0 : i32
    %dma_wait3A_662 = tpu.memref_slice %arg8[%dma_wait3A_658, %dma_wait3A_660, %dma_wait3A_661] : memref<2x128x128xf32, #tpu.memory_space<vmem>> -> memref<1x128x128xf32, #tpu.memory_space<vmem>>
    %dma_wait3A_663 = tpu.memref_squeeze %dma_wait3A_662 : memref<1x128x128xf32, #tpu.memory_space<vmem>> -> memref<128x128xf32, #tpu.memory_space<vmem>>
    %dma_wait3A_664 = arith.constant 0 : i32
    %dma_wait3A_665 = arith.constant 0 : i32
    %dma_wait3A_666 = tpu.memref_slice %arg5[%add3A, %dma_wait3A_659, %dma_wait3A_664, %dma_wait3A_665] : memref<32x16x128x128xf32, #tpu.memory_space<hbm>> -> memref<1x1x128x128xf32, #tpu.memory_space<hbm>>
    %dma_wait3A_667 = tpu.memref_squeeze %dma_wait3A_666 : memref<1x1x128x128xf32, #tpu.memory_space<hbm>> -> memref<128x128xf32, #tpu.memory_space<hbm>>
    %dma_wait3A_668 = arith.constant 0 : i32
    %dma_wait3A_669 = arith.constant 0 : i32
    %dma_wait3A_670 = tpu.memref_slice %arg5[%add3A, %dma_wait3A_659, %dma_wait3A_668, %dma_wait3A_669] : memref<32x16x128x128xf32, #tpu.memory_space<hbm>> -> memref<1x1x128x128xf32, #tpu.memory_space<hbm>>
    %dma_wait3A_671 = tpu.memref_squeeze %dma_wait3A_670 : memref<1x1x128x128xf32, #tpu.memory_space<hbm>> -> memref<128x128xf32, #tpu.memory_space<hbm>>
    %dma_wait3A_672 = arith.constant 0 : i32
    %dma_wait3A_673 = arith.constant 0 : i32
    %dma_wait3A_674 = tpu.memref_slice %arg8[%dma_wait3A_658, %dma_wait3A_672, %dma_wait3A_673] : memref<2x128x128xf32, #tpu.memory_space<vmem>> -> memref<1x128x128xf32, #tpu.memory_space<vmem>>
    %dma_wait3A_675 = tpu.memref_squeeze %dma_wait3A_674 : memref<1x128x128xf32, #tpu.memory_space<vmem>> -> memref<128x128xf32, #tpu.memory_space<vmem>>
    tpu.wait_dma2 semaphore(%arg14 : memref<!tpu.dma_semaphore, #tpu.memory_space<semaphore_mem>>) src(%dma_wait3A_675 : memref<128x128xf32, #tpu.memory_space<vmem>>) dst(%dma_wait3A_671 : memref<128x128xf32, #tpu.memory_space<hbm>>)
    %dma_start3A_676 = arith.constant 8 : i32
    %dma_start3A_677 = arith.constant 0 : i32
    %dma_start3A_678 = arith.constant 0 : i32
    %dma_start3A_679 = arith.constant 0 : i32
    %dma_start3A_680 = tpu.memref_slice %arg8[%dma_start3A_677, %dma_start3A_678, %dma_start3A_679] : memref<2x128x128xf32, #tpu.memory_space<vmem>> -> memref<1x128x128xf32, #tpu.memory_space<vmem>>
    %dma_start3A_681 = tpu.memref_squeeze %dma_start3A_680 : memref<1x128x128xf32, #tpu.memory_space<vmem>> -> memref<128x128xf32, #tpu.memory_space<vmem>>
    %dma_start3A_682 = arith.constant 0 : i32
    %dma_start3A_683 = tpu.memref_slice %arg6[%dma_start3A_676, %dma_start3A_682] : memref<16x128xi32, #tpu.memory_space<vmem>> -> memref<1x128xi32, #tpu.memory_space<vmem>>
    %dma_start3A_684 = tpu.memref_squeeze %dma_start3A_683 : memref<1x128xi32, #tpu.memory_space<vmem>> -> memref<128xi32, #tpu.memory_space<vmem>>
    %dma_start3A_685 = arith.constant 0 : i32
    %dma_start3A_686 = arith.constant 0 : i32
    %dma_start3A_687 = tpu.memref_slice %arg2[%dma_start3A_685, %dma_start3A_686] : memref<8192x128xf32, #tpu.memory_space<hbm>> -> memref<8192x128xf32, #tpu.memory_space<hbm>>
    tpu.enqueue_indirect_dma source(%dma_start3A_687 : memref<8192x128xf32, #tpu.memory_space<hbm>>) target(%dma_start3A_681 : memref<128x128xf32, #tpu.memory_space<vmem>>) offsets(%dma_start3A_684 : memref<128xi32, #tpu.memory_space<vmem>>) semaphore(%arg10 : memref<!tpu.dma_semaphore, #tpu.memory_space<semaphore_mem>>)
    %dma_start3A_688 = arith.constant 8 : i32
    %dma_start3A_689 = arith.constant 0 : i32
    %dma_start3A_690 = arith.constant 0 : i32
    %dma_start3A_691 = arith.constant 0 : i32
    %dma_start3A_692 = tpu.memref_slice %arg9[%dma_start3A_689, %dma_start3A_690, %dma_start3A_691] : memref<2x128x128xf32, #tpu.memory_space<vmem>> -> memref<1x128x128xf32, #tpu.memory_space<vmem>>
    %dma_start3A_693 = tpu.memref_squeeze %dma_start3A_692 : memref<1x128x128xf32, #tpu.memory_space<vmem>> -> memref<128x128xf32, #tpu.memory_space<vmem>>
    %dma_start3A_694 = arith.constant 0 : i32
    %dma_start3A_695 = tpu.memref_slice %arg7[%dma_start3A_688, %dma_start3A_694] : memref<16x128xi32, #tpu.memory_space<vmem>> -> memref<1x128xi32, #tpu.memory_space<vmem>>
    %dma_start3A_696 = tpu.memref_squeeze %dma_start3A_695 : memref<1x128xi32, #tpu.memory_space<vmem>> -> memref<128xi32, #tpu.memory_space<vmem>>
    %dma_start3A_697 = arith.constant 0 : i32
    %dma_start3A_698 = arith.constant 0 : i32
    %dma_start3A_699 = tpu.memref_slice %arg2[%dma_start3A_697, %dma_start3A_698] : memref<8192x128xf32, #tpu.memory_space<hbm>> -> memref<8192x128xf32, #tpu.memory_space<hbm>>
    tpu.enqueue_indirect_dma source(%dma_start3A_699 : memref<8192x128xf32, #tpu.memory_space<hbm>>) target(%dma_start3A_693 : memref<128x128xf32, #tpu.memory_space<vmem>>) offsets(%dma_start3A_696 : memref<128xi32, #tpu.memory_space<vmem>>) semaphore(%arg12 : memref<!tpu.dma_semaphore, #tpu.memory_space<semaphore_mem>>)
    %scan3A_700 = arith.constant 0 : i32
    %scan3A_701 = arith.constant 0 : i32
    %scan3A_702 = arith.constant 128 : i32
    %scan3A_703 = arith.addi %scan3A_701, %scan3A_702 : i32
    %scan3A_704 = arith.constant 1 : i32
    scf.for %scan3A_1438 = %scan3A_701 to %scan3A_703 step %scan3A_704  : i32 {
      %get3A = arith.constant 1 : i32
      %get3A_1439 = arith.index_cast %get3A : i32 to index
      %get3A_1440 = arith.index_cast %scan3A_1438 : i32 to index
      %get3A_1441 = arith.constant 64 : index
      %get3A_1442 = tpu.vector_load %arg9[%get3A_1439, %get3A_1440, %get3A_1441] {strides = array<i32>} : memref<2x128x128xf32, #tpu.memory_space<vmem>>, vector<1x1x16xf32>,
      %get3A_1443 = vector.shape_cast %get3A_1442 : vector<1x1x16xf32> to vector<16xf32>
      %swap3A = arith.constant 1 : i32
      %swap3A_1444 = arith.index_cast %swap3A : i32 to index
      %swap3A_1445 = arith.index_cast %scan3A_1438 : i32 to index
      %swap3A_1446 = arith.constant 64 : index
      %swap3A_1447 = tpu.vector_load %arg8[%swap3A_1444, %swap3A_1445, %swap3A_1446] {strides = array<i32>} : memref<2x128x128xf32, #tpu.memory_space<vmem>>, vector<1x1x16xf32>,
      %swap3A_1448 = vector.shape_cast %swap3A_1447 : vector<1x1x16xf32> to vector<16xf32>
      %swap3A_1449 = vector.shape_cast %get3A_1443 : vector<16xf32> to vector<1x1x16xf32>
      tpu.vector_store %arg8[%swap3A_1444, %swap3A_1445, %swap3A_1446], %swap3A_1449 {strides = array<i32>} : memref<2x128x128xf32, #tpu.memory_space<vmem>>, vector<1x1x16xf32>,
      %get3A_1450 = arith.constant 1 : i32
      %get3A_1451 = arith.index_cast %get3A_1450 : i32 to index
      %get3A_1452 = arith.index_cast %scan3A_1438 : i32 to index
      %get3A_1453 = arith.constant 80 : index
      %get3A_1454 = tpu.vector_load %arg9[%get3A_1451, %get3A_1452, %get3A_1453] {strides = array<i32>} : memref<2x128x128xf32, #tpu.memory_space<vmem>>, vector<1x1x16xf32>,
      %get3A_1455 = vector.shape_cast %get3A_1454 : vector<1x1x16xf32> to vector<16xf32>
      %swap3A_1456 = arith.constant 1 : i32
      %swap3A_1457 = arith.index_cast %swap3A_1456 : i32 to index
      %swap3A_1458 = arith.index_cast %scan3A_1438 : i32 to index
      %swap3A_1459 = arith.constant 80 : index
      %swap3A_1460 = tpu.vector_load %arg8[%swap3A_1457, %swap3A_1458, %swap3A_1459] {strides = array<i32>} : memref<2x128x128xf32, #tpu.memory_space<vmem>>, vector<1x1x16xf32>,
      %swap3A_1461 = vector.shape_cast %swap3A_1460 : vector<1x1x16xf32> to vector<16xf32>
      %swap3A_1462 = vector.shape_cast %get3A_1455 : vector<16xf32> to vector<1x1x16xf32>
      tpu.vector_store %arg8[%swap3A_1457, %swap3A_1458, %swap3A_1459], %swap3A_1462 {strides = array<i32>} : memref<2x128x128xf32, #tpu.memory_space<vmem>>, vector<1x1x16xf32>,
      %get3A_1463 = arith.constant 1 : i32
      %get3A_1464 = arith.index_cast %get3A_1463 : i32 to index
      %get3A_1465 = arith.index_cast %scan3A_1438 : i32 to index
      %get3A_1466 = arith.constant 96 : index
      %get3A_1467 = tpu.vector_load %arg9[%get3A_1464, %get3A_1465, %get3A_1466] {strides = array<i32>} : memref<2x128x128xf32, #tpu.memory_space<vmem>>, vector<1x1x16xf32>,
      %get3A_1468 = vector.shape_cast %get3A_1467 : vector<1x1x16xf32> to vector<16xf32>
      %swap3A_1469 = arith.constant 1 : i32
      %swap3A_1470 = arith.index_cast %swap3A_1469 : i32 to index
      %swap3A_1471 = arith.index_cast %scan3A_1438 : i32 to index
      %swap3A_1472 = arith.constant 96 : index
      %swap3A_1473 = tpu.vector_load %arg8[%swap3A_1470, %swap3A_1471, %swap3A_1472] {strides = array<i32>} : memref<2x128x128xf32, #tpu.memory_space<vmem>>, vector<1x1x16xf32>,
      %swap3A_1474 = vector.shape_cast %swap3A_1473 : vector<1x1x16xf32> to vector<16xf32>
      %swap3A_1475 = vector.shape_cast %get3A_1468 : vector<16xf32> to vector<1x1x16xf32>
      tpu.vector_store %arg8[%swap3A_1470, %swap3A_1471, %swap3A_1472], %swap3A_1475 {strides = array<i32>} : memref<2x128x128xf32, #tpu.memory_space<vmem>>, vector<1x1x16xf32>,
      %get3A_1476 = arith.constant 1 : i32
      %get3A_1477 = arith.index_cast %get3A_1476 : i32 to index
      %get3A_1478 = arith.index_cast %scan3A_1438 : i32 to index
      %get3A_1479 = arith.constant 112 : index
      %get3A_1480 = tpu.vector_load %arg9[%get3A_1477, %get3A_1478, %get3A_1479] {strides = array<i32>} : memref<2x128x128xf32, #tpu.memory_space<vmem>>, vector<1x1x16xf32>,
      %get3A_1481 = vector.shape_cast %get3A_1480 : vector<1x1x16xf32> to vector<16xf32>
      %swap3A_1482 = arith.constant 1 : i32
      %swap3A_1483 = arith.index_cast %swap3A_1482 : i32 to index
      %swap3A_1484 = arith.index_cast %scan3A_1438 : i32 to index
      %swap3A_1485 = arith.constant 112 : index
      %swap3A_1486 = tpu.vector_load %arg8[%swap3A_1483, %swap3A_1484, %swap3A_1485] {strides = array<i32>} : memref<2x128x128xf32, #tpu.memory_space<vmem>>, vector<1x1x16xf32>,
      %swap3A_1487 = vector.shape_cast %swap3A_1486 : vector<1x1x16xf32> to vector<16xf32>
      %swap3A_1488 = vector.shape_cast %get3A_1481 : vector<16xf32> to vector<1x1x16xf32>
      tpu.vector_store %arg8[%swap3A_1483, %swap3A_1484, %swap3A_1485], %swap3A_1488 {strides = array<i32>} : memref<2x128x128xf32, #tpu.memory_space<vmem>>, vector<1x1x16xf32>,
    }
    %scan3A_705 = arith.constant 128 : i32
    %dma_start3A_706 = arith.constant 1 : i32
    %dma_start3A_707 = arith.constant 7 : i32
    %dma_start3A_708 = arith.constant 0 : i32
    %dma_start3A_709 = arith.constant 0 : i32
    %dma_start3A_710 = tpu.memref_slice %arg8[%dma_start3A_706, %dma_start3A_708, %dma_start3A_709] : memref<2x128x128xf32, #tpu.memory_space<vmem>> -> memref<1x128x128xf32, #tpu.memory_space<vmem>>
    %dma_start3A_711 = tpu.memref_squeeze %dma_start3A_710 : memref<1x128x128xf32, #tpu.memory_space<vmem>> -> memref<128x128xf32, #tpu.memory_space<vmem>>
    %dma_start3A_712 = arith.constant 0 : i32
    %dma_start3A_713 = arith.constant 0 : i32
    %dma_start3A_714 = tpu.memref_slice %arg5[%add3A, %dma_start3A_707, %dma_start3A_712, %dma_start3A_713] : memref<32x16x128x128xf32, #tpu.memory_space<hbm>> -> memref<1x1x128x128xf32, #tpu.memory_space<hbm>>
    %dma_start3A_715 = tpu.memref_squeeze %dma_start3A_714 : memref<1x1x128x128xf32, #tpu.memory_space<hbm>> -> memref<128x128xf32, #tpu.memory_space<hbm>>
    %dma_start3A_716 = arith.constant 0 : i32
    %dma_start3A_717 = arith.constant 0 : i32
    %dma_start3A_718 = tpu.memref_slice %arg5[%add3A, %dma_start3A_707, %dma_start3A_716, %dma_start3A_717] : memref<32x16x128x128xf32, #tpu.memory_space<hbm>> -> memref<1x1x128x128xf32, #tpu.memory_space<hbm>>
    %dma_start3A_719 = tpu.memref_squeeze %dma_start3A_718 : memref<1x1x128x128xf32, #tpu.memory_space<hbm>> -> memref<128x128xf32, #tpu.memory_space<hbm>>
    %dma_start3A_720 = arith.constant 0 : i32
    %dma_start3A_721 = arith.constant 0 : i32
    %dma_start3A_722 = tpu.memref_slice %arg8[%dma_start3A_706, %dma_start3A_720, %dma_start3A_721] : memref<2x128x128xf32, #tpu.memory_space<vmem>> -> memref<1x128x128xf32, #tpu.memory_space<vmem>>
    %dma_start3A_723 = tpu.memref_squeeze %dma_start3A_722 : memref<1x128x128xf32, #tpu.memory_space<vmem>> -> memref<128x128xf32, #tpu.memory_space<vmem>>
    tpu.enqueue_dma source(%dma_start3A_723 : memref<128x128xf32, #tpu.memory_space<vmem>>) target(%dma_start3A_719 : memref<128x128xf32, #tpu.memory_space<hbm>>) target_semaphore(%arg15 : memref<!tpu.dma_semaphore, #tpu.memory_space<semaphore_mem>>)
    %dma_wait3A_724 = arith.constant 8 : i32
    %dma_wait3A_725 = arith.constant 0 : i32
    %dma_wait3A_726 = arith.constant 0 : i32
    %dma_wait3A_727 = arith.constant 0 : i32
    %dma_wait3A_728 = tpu.memref_slice %arg8[%dma_wait3A_725, %dma_wait3A_726, %dma_wait3A_727] : memref<2x128x128xf32, #tpu.memory_space<vmem>> -> memref<1x128x128xf32, #tpu.memory_space<vmem>>
    %dma_wait3A_729 = tpu.memref_squeeze %dma_wait3A_728 : memref<1x128x128xf32, #tpu.memory_space<vmem>> -> memref<128x128xf32, #tpu.memory_space<vmem>>
    %dma_wait3A_730 = arith.constant 0 : i32
    %dma_wait3A_731 = tpu.memref_slice %arg6[%dma_wait3A_724, %dma_wait3A_730] : memref<16x128xi32, #tpu.memory_space<vmem>> -> memref<1x128xi32, #tpu.memory_space<vmem>>
    %dma_wait3A_732 = tpu.memref_squeeze %dma_wait3A_731 : memref<1x128xi32, #tpu.memory_space<vmem>> -> memref<128xi32, #tpu.memory_space<vmem>>
    %dma_wait3A_733 = arith.constant 0 : i32
    %dma_wait3A_734 = arith.constant 0 : i32
    %dma_wait3A_735 = tpu.memref_slice %arg2[%dma_wait3A_733, %dma_wait3A_734] : memref<8192x128xf32, #tpu.memory_space<hbm>> -> memref<8192x128xf32, #tpu.memory_space<hbm>>
    tpu.wait_indirect_dma semaphore(%arg10 : memref<!tpu.dma_semaphore, #tpu.memory_space<semaphore_mem>>) src(%dma_wait3A_735 : memref<8192x128xf32, #tpu.memory_space<hbm>>) dst(%dma_wait3A_729 : memref<128x128xf32, #tpu.memory_space<vmem>>)
    %dma_wait3A_736 = arith.constant 8 : i32
    %dma_wait3A_737 = arith.constant 0 : i32
    %dma_wait3A_738 = arith.constant 0 : i32
    %dma_wait3A_739 = arith.constant 0 : i32
    %dma_wait3A_740 = tpu.memref_slice %arg9[%dma_wait3A_737, %dma_wait3A_738, %dma_wait3A_739] : memref<2x128x128xf32, #tpu.memory_space<vmem>> -> memref<1x128x128xf32, #tpu.memory_space<vmem>>
    %dma_wait3A_741 = tpu.memref_squeeze %dma_wait3A_740 : memref<1x128x128xf32, #tpu.memory_space<vmem>> -> memref<128x128xf32, #tpu.memory_space<vmem>>
    %dma_wait3A_742 = arith.constant 0 : i32
    %dma_wait3A_743 = tpu.memref_slice %arg7[%dma_wait3A_736, %dma_wait3A_742] : memref<16x128xi32, #tpu.memory_space<vmem>> -> memref<1x128xi32, #tpu.memory_space<vmem>>
    %dma_wait3A_744 = tpu.memref_squeeze %dma_wait3A_743 : memref<1x128xi32, #tpu.memory_space<vmem>> -> memref<128xi32, #tpu.memory_space<vmem>>
    %dma_wait3A_745 = arith.constant 0 : i32
    %dma_wait3A_746 = arith.constant 0 : i32
    %dma_wait3A_747 = tpu.memref_slice %arg2[%dma_wait3A_745, %dma_wait3A_746] : memref<8192x128xf32, #tpu.memory_space<hbm>> -> memref<8192x128xf32, #tpu.memory_space<hbm>>
    tpu.wait_indirect_dma semaphore(%arg12 : memref<!tpu.dma_semaphore, #tpu.memory_space<semaphore_mem>>) src(%dma_wait3A_747 : memref<8192x128xf32, #tpu.memory_space<hbm>>) dst(%dma_wait3A_741 : memref<128x128xf32, #tpu.memory_space<vmem>>)
    %dma_wait3A_748 = arith.constant 1 : i32
    %dma_wait3A_749 = arith.constant 7 : i32
    %dma_wait3A_750 = arith.constant 0 : i32
    %dma_wait3A_751 = arith.constant 0 : i32
    %dma_wait3A_752 = tpu.memref_slice %arg8[%dma_wait3A_748, %dma_wait3A_750, %dma_wait3A_751] : memref<2x128x128xf32, #tpu.memory_space<vmem>> -> memref<1x128x128xf32, #tpu.memory_space<vmem>>
    %dma_wait3A_753 = tpu.memref_squeeze %dma_wait3A_752 : memref<1x128x128xf32, #tpu.memory_space<vmem>> -> memref<128x128xf32, #tpu.memory_space<vmem>>
    %dma_wait3A_754 = arith.constant 0 : i32
    %dma_wait3A_755 = arith.constant 0 : i32
    %dma_wait3A_756 = tpu.memref_slice %arg5[%add3A, %dma_wait3A_749, %dma_wait3A_754, %dma_wait3A_755] : memref<32x16x128x128xf32, #tpu.memory_space<hbm>> -> memref<1x1x128x128xf32, #tpu.memory_space<hbm>>
    %dma_wait3A_757 = tpu.memref_squeeze %dma_wait3A_756 : memref<1x1x128x128xf32, #tpu.memory_space<hbm>> -> memref<128x128xf32, #tpu.memory_space<hbm>>
    %dma_wait3A_758 = arith.constant 0 : i32
    %dma_wait3A_759 = arith.constant 0 : i32
    %dma_wait3A_760 = tpu.memref_slice %arg5[%add3A, %dma_wait3A_749, %dma_wait3A_758, %dma_wait3A_759] : memref<32x16x128x128xf32, #tpu.memory_space<hbm>> -> memref<1x1x128x128xf32, #tpu.memory_space<hbm>>
    %dma_wait3A_761 = tpu.memref_squeeze %dma_wait3A_760 : memref<1x1x128x128xf32, #tpu.memory_space<hbm>> -> memref<128x128xf32, #tpu.memory_space<hbm>>
    %dma_wait3A_762 = arith.constant 0 : i32
    %dma_wait3A_763 = arith.constant 0 : i32
    %dma_wait3A_764 = tpu.memref_slice %arg8[%dma_wait3A_748, %dma_wait3A_762, %dma_wait3A_763] : memref<2x128x128xf32, #tpu.memory_space<vmem>> -> memref<1x128x128xf32, #tpu.memory_space<vmem>>
    %dma_wait3A_765 = tpu.memref_squeeze %dma_wait3A_764 : memref<1x128x128xf32, #tpu.memory_space<vmem>> -> memref<128x128xf32, #tpu.memory_space<vmem>>
    tpu.wait_dma2 semaphore(%arg15 : memref<!tpu.dma_semaphore, #tpu.memory_space<semaphore_mem>>) src(%dma_wait3A_765 : memref<128x128xf32, #tpu.memory_space<vmem>>) dst(%dma_wait3A_761 : memref<128x128xf32, #tpu.memory_space<hbm>>)
    %dma_start3A_766 = arith.constant 9 : i32
    %dma_start3A_767 = arith.constant 1 : i32
    %dma_start3A_768 = arith.constant 0 : i32
    %dma_start3A_769 = arith.constant 0 : i32
    %dma_start3A_770 = tpu.memref_slice %arg8[%dma_start3A_767, %dma_start3A_768, %dma_start3A_769] : memref<2x128x128xf32, #tpu.memory_space<vmem>> -> memref<1x128x128xf32, #tpu.memory_space<vmem>>
    %dma_start3A_771 = tpu.memref_squeeze %dma_start3A_770 : memref<1x128x128xf32, #tpu.memory_space<vmem>> -> memref<128x128xf32, #tpu.memory_space<vmem>>
    %dma_start3A_772 = arith.constant 0 : i32
    %dma_start3A_773 = tpu.memref_slice %arg6[%dma_start3A_766, %dma_start3A_772] : memref<16x128xi32, #tpu.memory_space<vmem>> -> memref<1x128xi32, #tpu.memory_space<vmem>>
    %dma_start3A_774 = tpu.memref_squeeze %dma_start3A_773 : memref<1x128xi32, #tpu.memory_space<vmem>> -> memref<128xi32, #tpu.memory_space<vmem>>
    %dma_start3A_775 = arith.constant 0 : i32
    %dma_start3A_776 = arith.constant 0 : i32
    %dma_start3A_777 = tpu.memref_slice %arg2[%dma_start3A_775, %dma_start3A_776] : memref<8192x128xf32, #tpu.memory_space<hbm>> -> memref<8192x128xf32, #tpu.memory_space<hbm>>
    tpu.enqueue_indirect_dma source(%dma_start3A_777 : memref<8192x128xf32, #tpu.memory_space<hbm>>) target(%dma_start3A_771 : memref<128x128xf32, #tpu.memory_space<vmem>>) offsets(%dma_start3A_774 : memref<128xi32, #tpu.memory_space<vmem>>) semaphore(%arg11 : memref<!tpu.dma_semaphore, #tpu.memory_space<semaphore_mem>>)
    %dma_start3A_778 = arith.constant 9 : i32
    %dma_start3A_779 = arith.constant 1 : i32
    %dma_start3A_780 = arith.constant 0 : i32
    %dma_start3A_781 = arith.constant 0 : i32
    %dma_start3A_782 = tpu.memref_slice %arg9[%dma_start3A_779, %dma_start3A_780, %dma_start3A_781] : memref<2x128x128xf32, #tpu.memory_space<vmem>> -> memref<1x128x128xf32, #tpu.memory_space<vmem>>
    %dma_start3A_783 = tpu.memref_squeeze %dma_start3A_782 : memref<1x128x128xf32, #tpu.memory_space<vmem>> -> memref<128x128xf32, #tpu.memory_space<vmem>>
    %dma_start3A_784 = arith.constant 0 : i32
    %dma_start3A_785 = tpu.memref_slice %arg7[%dma_start3A_778, %dma_start3A_784] : memref<16x128xi32, #tpu.memory_space<vmem>> -> memref<1x128xi32, #tpu.memory_space<vmem>>
    %dma_start3A_786 = tpu.memref_squeeze %dma_start3A_785 : memref<1x128xi32, #tpu.memory_space<vmem>> -> memref<128xi32, #tpu.memory_space<vmem>>
    %dma_start3A_787 = arith.constant 0 : i32
    %dma_start3A_788 = arith.constant 0 : i32
    %dma_start3A_789 = tpu.memref_slice %arg2[%dma_start3A_787, %dma_start3A_788] : memref<8192x128xf32, #tpu.memory_space<hbm>> -> memref<8192x128xf32, #tpu.memory_space<hbm>>
    tpu.enqueue_indirect_dma source(%dma_start3A_789 : memref<8192x128xf32, #tpu.memory_space<hbm>>) target(%dma_start3A_783 : memref<128x128xf32, #tpu.memory_space<vmem>>) offsets(%dma_start3A_786 : memref<128xi32, #tpu.memory_space<vmem>>) semaphore(%arg13 : memref<!tpu.dma_semaphore, #tpu.memory_space<semaphore_mem>>)
    %scan3A_790 = arith.constant 0 : i32
    %scan3A_791 = arith.constant 0 : i32
    %scan3A_792 = arith.constant 128 : i32
    %scan3A_793 = arith.addi %scan3A_791, %scan3A_792 : i32
    %scan3A_794 = arith.constant 1 : i32
    scf.for %scan3A_1438 = %scan3A_791 to %scan3A_793 step %scan3A_794  : i32 {
      %get3A = arith.constant 0 : i32
      %get3A_1439 = arith.index_cast %get3A : i32 to index
      %get3A_1440 = arith.index_cast %scan3A_1438 : i32 to index
      %get3A_1441 = arith.constant 64 : index
      %get3A_1442 = tpu.vector_load %arg9[%get3A_1439, %get3A_1440, %get3A_1441] {strides = array<i32>} : memref<2x128x128xf32, #tpu.memory_space<vmem>>, vector<1x1x16xf32>,
      %get3A_1443 = vector.shape_cast %get3A_1442 : vector<1x1x16xf32> to vector<16xf32>
      %swap3A = arith.constant 0 : i32
      %swap3A_1444 = arith.index_cast %swap3A : i32 to index
      %swap3A_1445 = arith.index_cast %scan3A_1438 : i32 to index
      %swap3A_1446 = arith.constant 64 : index
      %swap3A_1447 = tpu.vector_load %arg8[%swap3A_1444, %swap3A_1445, %swap3A_1446] {strides = array<i32>} : memref<2x128x128xf32, #tpu.memory_space<vmem>>, vector<1x1x16xf32>,
      %swap3A_1448 = vector.shape_cast %swap3A_1447 : vector<1x1x16xf32> to vector<16xf32>
      %swap3A_1449 = vector.shape_cast %get3A_1443 : vector<16xf32> to vector<1x1x16xf32>
      tpu.vector_store %arg8[%swap3A_1444, %swap3A_1445, %swap3A_1446], %swap3A_1449 {strides = array<i32>} : memref<2x128x128xf32, #tpu.memory_space<vmem>>, vector<1x1x16xf32>,
      %get3A_1450 = arith.constant 0 : i32
      %get3A_1451 = arith.index_cast %get3A_1450 : i32 to index
      %get3A_1452 = arith.index_cast %scan3A_1438 : i32 to index
      %get3A_1453 = arith.constant 80 : index
      %get3A_1454 = tpu.vector_load %arg9[%get3A_1451, %get3A_1452, %get3A_1453] {strides = array<i32>} : memref<2x128x128xf32, #tpu.memory_space<vmem>>, vector<1x1x16xf32>,
      %get3A_1455 = vector.shape_cast %get3A_1454 : vector<1x1x16xf32> to vector<16xf32>
      %swap3A_1456 = arith.constant 0 : i32
      %swap3A_1457 = arith.index_cast %swap3A_1456 : i32 to index
      %swap3A_1458 = arith.index_cast %scan3A_1438 : i32 to index
      %swap3A_1459 = arith.constant 80 : index
      %swap3A_1460 = tpu.vector_load %arg8[%swap3A_1457, %swap3A_1458, %swap3A_1459] {strides = array<i32>} : memref<2x128x128xf32, #tpu.memory_space<vmem>>, vector<1x1x16xf32>,
      %swap3A_1461 = vector.shape_cast %swap3A_1460 : vector<1x1x16xf32> to vector<16xf32>
      %swap3A_1462 = vector.shape_cast %get3A_1455 : vector<16xf32> to vector<1x1x16xf32>
      tpu.vector_store %arg8[%swap3A_1457, %swap3A_1458, %swap3A_1459], %swap3A_1462 {strides = array<i32>} : memref<2x128x128xf32, #tpu.memory_space<vmem>>, vector<1x1x16xf32>,
      %get3A_1463 = arith.constant 0 : i32
      %get3A_1464 = arith.index_cast %get3A_1463 : i32 to index
      %get3A_1465 = arith.index_cast %scan3A_1438 : i32 to index
      %get3A_1466 = arith.constant 96 : index
      %get3A_1467 = tpu.vector_load %arg9[%get3A_1464, %get3A_1465, %get3A_1466] {strides = array<i32>} : memref<2x128x128xf32, #tpu.memory_space<vmem>>, vector<1x1x16xf32>,
      %get3A_1468 = vector.shape_cast %get3A_1467 : vector<1x1x16xf32> to vector<16xf32>
      %swap3A_1469 = arith.constant 0 : i32
      %swap3A_1470 = arith.index_cast %swap3A_1469 : i32 to index
      %swap3A_1471 = arith.index_cast %scan3A_1438 : i32 to index
      %swap3A_1472 = arith.constant 96 : index
      %swap3A_1473 = tpu.vector_load %arg8[%swap3A_1470, %swap3A_1471, %swap3A_1472] {strides = array<i32>} : memref<2x128x128xf32, #tpu.memory_space<vmem>>, vector<1x1x16xf32>,
      %swap3A_1474 = vector.shape_cast %swap3A_1473 : vector<1x1x16xf32> to vector<16xf32>
      %swap3A_1475 = vector.shape_cast %get3A_1468 : vector<16xf32> to vector<1x1x16xf32>
      tpu.vector_store %arg8[%swap3A_1470, %swap3A_1471, %swap3A_1472], %swap3A_1475 {strides = array<i32>} : memref<2x128x128xf32, #tpu.memory_space<vmem>>, vector<1x1x16xf32>,
      %get3A_1476 = arith.constant 0 : i32
      %get3A_1477 = arith.index_cast %get3A_1476 : i32 to index
      %get3A_1478 = arith.index_cast %scan3A_1438 : i32 to index
      %get3A_1479 = arith.constant 112 : index
      %get3A_1480 = tpu.vector_load %arg9[%get3A_1477, %get3A_1478, %get3A_1479] {strides = array<i32>} : memref<2x128x128xf32, #tpu.memory_space<vmem>>, vector<1x1x16xf32>,
      %get3A_1481 = vector.shape_cast %get3A_1480 : vector<1x1x16xf32> to vector<16xf32>
      %swap3A_1482 = arith.constant 0 : i32
      %swap3A_1483 = arith.index_cast %swap3A_1482 : i32 to index
      %swap3A_1484 = arith.index_cast %scan3A_1438 : i32 to index
      %swap3A_1485 = arith.constant 112 : index
      %swap3A_1486 = tpu.vector_load %arg8[%swap3A_1483, %swap3A_1484, %swap3A_1485] {strides = array<i32>} : memref<2x128x128xf32, #tpu.memory_space<vmem>>, vector<1x1x16xf32>,
      %swap3A_1487 = vector.shape_cast %swap3A_1486 : vector<1x1x16xf32> to vector<16xf32>
      %swap3A_1488 = vector.shape_cast %get3A_1481 : vector<16xf32> to vector<1x1x16xf32>
      tpu.vector_store %arg8[%swap3A_1483, %swap3A_1484, %swap3A_1485], %swap3A_1488 {strides = array<i32>} : memref<2x128x128xf32, #tpu.memory_space<vmem>>, vector<1x1x16xf32>,
    }
    %scan3A_795 = arith.constant 128 : i32
    %dma_start3A_796 = arith.constant 0 : i32
    %dma_start3A_797 = arith.constant 8 : i32
    %dma_start3A_798 = arith.constant 0 : i32
    %dma_start3A_799 = arith.constant 0 : i32
    %dma_start3A_800 = tpu.memref_slice %arg8[%dma_start3A_796, %dma_start3A_798, %dma_start3A_799] : memref<2x128x128xf32, #tpu.memory_space<vmem>> -> memref<1x128x128xf32, #tpu.memory_space<vmem>>
    %dma_start3A_801 = tpu.memref_squeeze %dma_start3A_800 : memref<1x128x128xf32, #tpu.memory_space<vmem>> -> memref<128x128xf32, #tpu.memory_space<vmem>>
    %dma_start3A_802 = arith.constant 0 : i32
    %dma_start3A_803 = arith.constant 0 : i32
    %dma_start3A_804 = tpu.memref_slice %arg5[%add3A, %dma_start3A_797, %dma_start3A_802, %dma_start3A_803] : memref<32x16x128x128xf32, #tpu.memory_space<hbm>> -> memref<1x1x128x128xf32, #tpu.memory_space<hbm>>
    %dma_start3A_805 = tpu.memref_squeeze %dma_start3A_804 : memref<1x1x128x128xf32, #tpu.memory_space<hbm>> -> memref<128x128xf32, #tpu.memory_space<hbm>>
    %dma_start3A_806 = arith.constant 0 : i32
    %dma_start3A_807 = arith.constant 0 : i32
    %dma_start3A_808 = tpu.memref_slice %arg5[%add3A, %dma_start3A_797, %dma_start3A_806, %dma_start3A_807] : memref<32x16x128x128xf32, #tpu.memory_space<hbm>> -> memref<1x1x128x128xf32, #tpu.memory_space<hbm>>
    %dma_start3A_809 = tpu.memref_squeeze %dma_start3A_808 : memref<1x1x128x128xf32, #tpu.memory_space<hbm>> -> memref<128x128xf32, #tpu.memory_space<hbm>>
    %dma_start3A_810 = arith.constant 0 : i32
    %dma_start3A_811 = arith.constant 0 : i32
    %dma_start3A_812 = tpu.memref_slice %arg8[%dma_start3A_796, %dma_start3A_810, %dma_start3A_811] : memref<2x128x128xf32, #tpu.memory_space<vmem>> -> memref<1x128x128xf32, #tpu.memory_space<vmem>>
    %dma_start3A_813 = tpu.memref_squeeze %dma_start3A_812 : memref<1x128x128xf32, #tpu.memory_space<vmem>> -> memref<128x128xf32, #tpu.memory_space<vmem>>
    tpu.enqueue_dma source(%dma_start3A_813 : memref<128x128xf32, #tpu.memory_space<vmem>>) target(%dma_start3A_809 : memref<128x128xf32, #tpu.memory_space<hbm>>) target_semaphore(%arg14 : memref<!tpu.dma_semaphore, #tpu.memory_space<semaphore_mem>>)
    %dma_wait3A_814 = arith.constant 9 : i32
    %dma_wait3A_815 = arith.constant 1 : i32
    %dma_wait3A_816 = arith.constant 0 : i32
    %dma_wait3A_817 = arith.constant 0 : i32
    %dma_wait3A_818 = tpu.memref_slice %arg8[%dma_wait3A_815, %dma_wait3A_816, %dma_wait3A_817] : memref<2x128x128xf32, #tpu.memory_space<vmem>> -> memref<1x128x128xf32, #tpu.memory_space<vmem>>
    %dma_wait3A_819 = tpu.memref_squeeze %dma_wait3A_818 : memref<1x128x128xf32, #tpu.memory_space<vmem>> -> memref<128x128xf32, #tpu.memory_space<vmem>>
    %dma_wait3A_820 = arith.constant 0 : i32
    %dma_wait3A_821 = tpu.memref_slice %arg6[%dma_wait3A_814, %dma_wait3A_820] : memref<16x128xi32, #tpu.memory_space<vmem>> -> memref<1x128xi32, #tpu.memory_space<vmem>>
    %dma_wait3A_822 = tpu.memref_squeeze %dma_wait3A_821 : memref<1x128xi32, #tpu.memory_space<vmem>> -> memref<128xi32, #tpu.memory_space<vmem>>
    %dma_wait3A_823 = arith.constant 0 : i32
    %dma_wait3A_824 = arith.constant 0 : i32
    %dma_wait3A_825 = tpu.memref_slice %arg2[%dma_wait3A_823, %dma_wait3A_824] : memref<8192x128xf32, #tpu.memory_space<hbm>> -> memref<8192x128xf32, #tpu.memory_space<hbm>>
    tpu.wait_indirect_dma semaphore(%arg11 : memref<!tpu.dma_semaphore, #tpu.memory_space<semaphore_mem>>) src(%dma_wait3A_825 : memref<8192x128xf32, #tpu.memory_space<hbm>>) dst(%dma_wait3A_819 : memref<128x128xf32, #tpu.memory_space<vmem>>)
    %dma_wait3A_826 = arith.constant 9 : i32
    %dma_wait3A_827 = arith.constant 1 : i32
    %dma_wait3A_828 = arith.constant 0 : i32
    %dma_wait3A_829 = arith.constant 0 : i32
    %dma_wait3A_830 = tpu.memref_slice %arg9[%dma_wait3A_827, %dma_wait3A_828, %dma_wait3A_829] : memref<2x128x128xf32, #tpu.memory_space<vmem>> -> memref<1x128x128xf32, #tpu.memory_space<vmem>>
    %dma_wait3A_831 = tpu.memref_squeeze %dma_wait3A_830 : memref<1x128x128xf32, #tpu.memory_space<vmem>> -> memref<128x128xf32, #tpu.memory_space<vmem>>
    %dma_wait3A_832 = arith.constant 0 : i32
    %dma_wait3A_833 = tpu.memref_slice %arg7[%dma_wait3A_826, %dma_wait3A_832] : memref<16x128xi32, #tpu.memory_space<vmem>> -> memref<1x128xi32, #tpu.memory_space<vmem>>
    %dma_wait3A_834 = tpu.memref_squeeze %dma_wait3A_833 : memref<1x128xi32, #tpu.memory_space<vmem>> -> memref<128xi32, #tpu.memory_space<vmem>>
    %dma_wait3A_835 = arith.constant 0 : i32
    %dma_wait3A_836 = arith.constant 0 : i32
    %dma_wait3A_837 = tpu.memref_slice %arg2[%dma_wait3A_835, %dma_wait3A_836] : memref<8192x128xf32, #tpu.memory_space<hbm>> -> memref<8192x128xf32, #tpu.memory_space<hbm>>
    tpu.wait_indirect_dma semaphore(%arg13 : memref<!tpu.dma_semaphore, #tpu.memory_space<semaphore_mem>>) src(%dma_wait3A_837 : memref<8192x128xf32, #tpu.memory_space<hbm>>) dst(%dma_wait3A_831 : memref<128x128xf32, #tpu.memory_space<vmem>>)
    %dma_wait3A_838 = arith.constant 0 : i32
    %dma_wait3A_839 = arith.constant 8 : i32
    %dma_wait3A_840 = arith.constant 0 : i32
    %dma_wait3A_841 = arith.constant 0 : i32
    %dma_wait3A_842 = tpu.memref_slice %arg8[%dma_wait3A_838, %dma_wait3A_840, %dma_wait3A_841] : memref<2x128x128xf32, #tpu.memory_space<vmem>> -> memref<1x128x128xf32, #tpu.memory_space<vmem>>
    %dma_wait3A_843 = tpu.memref_squeeze %dma_wait3A_842 : memref<1x128x128xf32, #tpu.memory_space<vmem>> -> memref<128x128xf32, #tpu.memory_space<vmem>>
    %dma_wait3A_844 = arith.constant 0 : i32
    %dma_wait3A_845 = arith.constant 0 : i32
    %dma_wait3A_846 = tpu.memref_slice %arg5[%add3A, %dma_wait3A_839, %dma_wait3A_844, %dma_wait3A_845] : memref<32x16x128x128xf32, #tpu.memory_space<hbm>> -> memref<1x1x128x128xf32, #tpu.memory_space<hbm>>
    %dma_wait3A_847 = tpu.memref_squeeze %dma_wait3A_846 : memref<1x1x128x128xf32, #tpu.memory_space<hbm>> -> memref<128x128xf32, #tpu.memory_space<hbm>>
    %dma_wait3A_848 = arith.constant 0 : i32
    %dma_wait3A_849 = arith.constant 0 : i32
    %dma_wait3A_850 = tpu.memref_slice %arg5[%add3A, %dma_wait3A_839, %dma_wait3A_848, %dma_wait3A_849] : memref<32x16x128x128xf32, #tpu.memory_space<hbm>> -> memref<1x1x128x128xf32, #tpu.memory_space<hbm>>
    %dma_wait3A_851 = tpu.memref_squeeze %dma_wait3A_850 : memref<1x1x128x128xf32, #tpu.memory_space<hbm>> -> memref<128x128xf32, #tpu.memory_space<hbm>>
    %dma_wait3A_852 = arith.constant 0 : i32
    %dma_wait3A_853 = arith.constant 0 : i32
    %dma_wait3A_854 = tpu.memref_slice %arg8[%dma_wait3A_838, %dma_wait3A_852, %dma_wait3A_853] : memref<2x128x128xf32, #tpu.memory_space<vmem>> -> memref<1x128x128xf32, #tpu.memory_space<vmem>>
    %dma_wait3A_855 = tpu.memref_squeeze %dma_wait3A_854 : memref<1x128x128xf32, #tpu.memory_space<vmem>> -> memref<128x128xf32, #tpu.memory_space<vmem>>
    tpu.wait_dma2 semaphore(%arg14 : memref<!tpu.dma_semaphore, #tpu.memory_space<semaphore_mem>>) src(%dma_wait3A_855 : memref<128x128xf32, #tpu.memory_space<vmem>>) dst(%dma_wait3A_851 : memref<128x128xf32, #tpu.memory_space<hbm>>)
    %dma_start3A_856 = arith.constant 10 : i32
    %dma_start3A_857 = arith.constant 0 : i32
    %dma_start3A_858 = arith.constant 0 : i32
    %dma_start3A_859 = arith.constant 0 : i32
    %dma_start3A_860 = tpu.memref_slice %arg8[%dma_start3A_857, %dma_start3A_858, %dma_start3A_859] : memref<2x128x128xf32, #tpu.memory_space<vmem>> -> memref<1x128x128xf32, #tpu.memory_space<vmem>>
    %dma_start3A_861 = tpu.memref_squeeze %dma_start3A_860 : memref<1x128x128xf32, #tpu.memory_space<vmem>> -> memref<128x128xf32, #tpu.memory_space<vmem>>
    %dma_start3A_862 = arith.constant 0 : i32
    %dma_start3A_863 = tpu.memref_slice %arg6[%dma_start3A_856, %dma_start3A_862] : memref<16x128xi32, #tpu.memory_space<vmem>> -> memref<1x128xi32, #tpu.memory_space<vmem>>
    %dma_start3A_864 = tpu.memref_squeeze %dma_start3A_863 : memref<1x128xi32, #tpu.memory_space<vmem>> -> memref<128xi32, #tpu.memory_space<vmem>>
    %dma_start3A_865 = arith.constant 0 : i32
    %dma_start3A_866 = arith.constant 0 : i32
    %dma_start3A_867 = tpu.memref_slice %arg2[%dma_start3A_865, %dma_start3A_866] : memref<8192x128xf32, #tpu.memory_space<hbm>> -> memref<8192x128xf32, #tpu.memory_space<hbm>>
    tpu.enqueue_indirect_dma source(%dma_start3A_867 : memref<8192x128xf32, #tpu.memory_space<hbm>>) target(%dma_start3A_861 : memref<128x128xf32, #tpu.memory_space<vmem>>) offsets(%dma_start3A_864 : memref<128xi32, #tpu.memory_space<vmem>>) semaphore(%arg10 : memref<!tpu.dma_semaphore, #tpu.memory_space<semaphore_mem>>)
    %dma_start3A_868 = arith.constant 10 : i32
    %dma_start3A_869 = arith.constant 0 : i32
    %dma_start3A_870 = arith.constant 0 : i32
    %dma_start3A_871 = arith.constant 0 : i32
    %dma_start3A_872 = tpu.memref_slice %arg9[%dma_start3A_869, %dma_start3A_870, %dma_start3A_871] : memref<2x128x128xf32, #tpu.memory_space<vmem>> -> memref<1x128x128xf32, #tpu.memory_space<vmem>>
    %dma_start3A_873 = tpu.memref_squeeze %dma_start3A_872 : memref<1x128x128xf32, #tpu.memory_space<vmem>> -> memref<128x128xf32, #tpu.memory_space<vmem>>
    %dma_start3A_874 = arith.constant 0 : i32
    %dma_start3A_875 = tpu.memref_slice %arg7[%dma_start3A_868, %dma_start3A_874] : memref<16x128xi32, #tpu.memory_space<vmem>> -> memref<1x128xi32, #tpu.memory_space<vmem>>
    %dma_start3A_876 = tpu.memref_squeeze %dma_start3A_875 : memref<1x128xi32, #tpu.memory_space<vmem>> -> memref<128xi32, #tpu.memory_space<vmem>>
    %dma_start3A_877 = arith.constant 0 : i32
    %dma_start3A_878 = arith.constant 0 : i32
    %dma_start3A_879 = tpu.memref_slice %arg2[%dma_start3A_877, %dma_start3A_878] : memref<8192x128xf32, #tpu.memory_space<hbm>> -> memref<8192x128xf32, #tpu.memory_space<hbm>>
    tpu.enqueue_indirect_dma source(%dma_start3A_879 : memref<8192x128xf32, #tpu.memory_space<hbm>>) target(%dma_start3A_873 : memref<128x128xf32, #tpu.memory_space<vmem>>) offsets(%dma_start3A_876 : memref<128xi32, #tpu.memory_space<vmem>>) semaphore(%arg12 : memref<!tpu.dma_semaphore, #tpu.memory_space<semaphore_mem>>)
    %scan3A_880 = arith.constant 0 : i32
    %scan3A_881 = arith.constant 0 : i32
    %scan3A_882 = arith.constant 128 : i32
    %scan3A_883 = arith.addi %scan3A_881, %scan3A_882 : i32
    %scan3A_884 = arith.constant 1 : i32
    scf.for %scan3A_1438 = %scan3A_881 to %scan3A_883 step %scan3A_884  : i32 {
      %get3A = arith.constant 1 : i32
      %get3A_1439 = arith.index_cast %get3A : i32 to index
      %get3A_1440 = arith.index_cast %scan3A_1438 : i32 to index
      %get3A_1441 = arith.constant 64 : index
      %get3A_1442 = tpu.vector_load %arg9[%get3A_1439, %get3A_1440, %get3A_1441] {strides = array<i32>} : memref<2x128x128xf32, #tpu.memory_space<vmem>>, vector<1x1x16xf32>,
      %get3A_1443 = vector.shape_cast %get3A_1442 : vector<1x1x16xf32> to vector<16xf32>
      %swap3A = arith.constant 1 : i32
      %swap3A_1444 = arith.index_cast %swap3A : i32 to index
      %swap3A_1445 = arith.index_cast %scan3A_1438 : i32 to index
      %swap3A_1446 = arith.constant 64 : index
      %swap3A_1447 = tpu.vector_load %arg8[%swap3A_1444, %swap3A_1445, %swap3A_1446] {strides = array<i32>} : memref<2x128x128xf32, #tpu.memory_space<vmem>>, vector<1x1x16xf32>,
      %swap3A_1448 = vector.shape_cast %swap3A_1447 : vector<1x1x16xf32> to vector<16xf32>
      %swap3A_1449 = vector.shape_cast %get3A_1443 : vector<16xf32> to vector<1x1x16xf32>
      tpu.vector_store %arg8[%swap3A_1444, %swap3A_1445, %swap3A_1446], %swap3A_1449 {strides = array<i32>} : memref<2x128x128xf32, #tpu.memory_space<vmem>>, vector<1x1x16xf32>,
      %get3A_1450 = arith.constant 1 : i32
      %get3A_1451 = arith.index_cast %get3A_1450 : i32 to index
      %get3A_1452 = arith.index_cast %scan3A_1438 : i32 to index
      %get3A_1453 = arith.constant 80 : index
      %get3A_1454 = tpu.vector_load %arg9[%get3A_1451, %get3A_1452, %get3A_1453] {strides = array<i32>} : memref<2x128x128xf32, #tpu.memory_space<vmem>>, vector<1x1x16xf32>,
      %get3A_1455 = vector.shape_cast %get3A_1454 : vector<1x1x16xf32> to vector<16xf32>
      %swap3A_1456 = arith.constant 1 : i32
      %swap3A_1457 = arith.index_cast %swap3A_1456 : i32 to index
      %swap3A_1458 = arith.index_cast %scan3A_1438 : i32 to index
      %swap3A_1459 = arith.constant 80 : index
      %swap3A_1460 = tpu.vector_load %arg8[%swap3A_1457, %swap3A_1458, %swap3A_1459] {strides = array<i32>} : memref<2x128x128xf32, #tpu.memory_space<vmem>>, vector<1x1x16xf32>,
      %swap3A_1461 = vector.shape_cast %swap3A_1460 : vector<1x1x16xf32> to vector<16xf32>
      %swap3A_1462 = vector.shape_cast %get3A_1455 : vector<16xf32> to vector<1x1x16xf32>
      tpu.vector_store %arg8[%swap3A_1457, %swap3A_1458, %swap3A_1459], %swap3A_1462 {strides = array<i32>} : memref<2x128x128xf32, #tpu.memory_space<vmem>>, vector<1x1x16xf32>,
      %get3A_1463 = arith.constant 1 : i32
      %get3A_1464 = arith.index_cast %get3A_1463 : i32 to index
      %get3A_1465 = arith.index_cast %scan3A_1438 : i32 to index
      %get3A_1466 = arith.constant 96 : index
      %get3A_1467 = tpu.vector_load %arg9[%get3A_1464, %get3A_1465, %get3A_1466] {strides = array<i32>} : memref<2x128x128xf32, #tpu.memory_space<vmem>>, vector<1x1x16xf32>,
      %get3A_1468 = vector.shape_cast %get3A_1467 : vector<1x1x16xf32> to vector<16xf32>
      %swap3A_1469 = arith.constant 1 : i32
      %swap3A_1470 = arith.index_cast %swap3A_1469 : i32 to index
      %swap3A_1471 = arith.index_cast %scan3A_1438 : i32 to index
      %swap3A_1472 = arith.constant 96 : index
      %swap3A_1473 = tpu.vector_load %arg8[%swap3A_1470, %swap3A_1471, %swap3A_1472] {strides = array<i32>} : memref<2x128x128xf32, #tpu.memory_space<vmem>>, vector<1x1x16xf32>,
      %swap3A_1474 = vector.shape_cast %swap3A_1473 : vector<1x1x16xf32> to vector<16xf32>
      %swap3A_1475 = vector.shape_cast %get3A_1468 : vector<16xf32> to vector<1x1x16xf32>
      tpu.vector_store %arg8[%swap3A_1470, %swap3A_1471, %swap3A_1472], %swap3A_1475 {strides = array<i32>} : memref<2x128x128xf32, #tpu.memory_space<vmem>>, vector<1x1x16xf32>,
      %get3A_1476 = arith.constant 1 : i32
      %get3A_1477 = arith.index_cast %get3A_1476 : i32 to index
      %get3A_1478 = arith.index_cast %scan3A_1438 : i32 to index
      %get3A_1479 = arith.constant 112 : index
      %get3A_1480 = tpu.vector_load %arg9[%get3A_1477, %get3A_1478, %get3A_1479] {strides = array<i32>} : memref<2x128x128xf32, #tpu.memory_space<vmem>>, vector<1x1x16xf32>,
      %get3A_1481 = vector.shape_cast %get3A_1480 : vector<1x1x16xf32> to vector<16xf32>
      %swap3A_1482 = arith.constant 1 : i32
      %swap3A_1483 = arith.index_cast %swap3A_1482 : i32 to index
      %swap3A_1484 = arith.index_cast %scan3A_1438 : i32 to index
      %swap3A_1485 = arith.constant 112 : index
      %swap3A_1486 = tpu.vector_load %arg8[%swap3A_1483, %swap3A_1484, %swap3A_1485] {strides = array<i32>} : memref<2x128x128xf32, #tpu.memory_space<vmem>>, vector<1x1x16xf32>,
      %swap3A_1487 = vector.shape_cast %swap3A_1486 : vector<1x1x16xf32> to vector<16xf32>
      %swap3A_1488 = vector.shape_cast %get3A_1481 : vector<16xf32> to vector<1x1x16xf32>
      tpu.vector_store %arg8[%swap3A_1483, %swap3A_1484, %swap3A_1485], %swap3A_1488 {strides = array<i32>} : memref<2x128x128xf32, #tpu.memory_space<vmem>>, vector<1x1x16xf32>,
    }
    %scan3A_885 = arith.constant 128 : i32
    %dma_start3A_886 = arith.constant 1 : i32
    %dma_start3A_887 = arith.constant 9 : i32
    %dma_start3A_888 = arith.constant 0 : i32
    %dma_start3A_889 = arith.constant 0 : i32
    %dma_start3A_890 = tpu.memref_slice %arg8[%dma_start3A_886, %dma_start3A_888, %dma_start3A_889] : memref<2x128x128xf32, #tpu.memory_space<vmem>> -> memref<1x128x128xf32, #tpu.memory_space<vmem>>
    %dma_start3A_891 = tpu.memref_squeeze %dma_start3A_890 : memref<1x128x128xf32, #tpu.memory_space<vmem>> -> memref<128x128xf32, #tpu.memory_space<vmem>>
    %dma_start3A_892 = arith.constant 0 : i32
    %dma_start3A_893 = arith.constant 0 : i32
    %dma_start3A_894 = tpu.memref_slice %arg5[%add3A, %dma_start3A_887, %dma_start3A_892, %dma_start3A_893] : memref<32x16x128x128xf32, #tpu.memory_space<hbm>> -> memref<1x1x128x128xf32, #tpu.memory_space<hbm>>
    %dma_start3A_895 = tpu.memref_squeeze %dma_start3A_894 : memref<1x1x128x128xf32, #tpu.memory_space<hbm>> -> memref<128x128xf32, #tpu.memory_space<hbm>>
    %dma_start3A_896 = arith.constant 0 : i32
    %dma_start3A_897 = arith.constant 0 : i32
    %dma_start3A_898 = tpu.memref_slice %arg5[%add3A, %dma_start3A_887, %dma_start3A_896, %dma_start3A_897] : memref<32x16x128x128xf32, #tpu.memory_space<hbm>> -> memref<1x1x128x128xf32, #tpu.memory_space<hbm>>
    %dma_start3A_899 = tpu.memref_squeeze %dma_start3A_898 : memref<1x1x128x128xf32, #tpu.memory_space<hbm>> -> memref<128x128xf32, #tpu.memory_space<hbm>>
    %dma_start3A_900 = arith.constant 0 : i32
    %dma_start3A_901 = arith.constant 0 : i32
    %dma_start3A_902 = tpu.memref_slice %arg8[%dma_start3A_886, %dma_start3A_900, %dma_start3A_901] : memref<2x128x128xf32, #tpu.memory_space<vmem>> -> memref<1x128x128xf32, #tpu.memory_space<vmem>>
    %dma_start3A_903 = tpu.memref_squeeze %dma_start3A_902 : memref<1x128x128xf32, #tpu.memory_space<vmem>> -> memref<128x128xf32, #tpu.memory_space<vmem>>
    tpu.enqueue_dma source(%dma_start3A_903 : memref<128x128xf32, #tpu.memory_space<vmem>>) target(%dma_start3A_899 : memref<128x128xf32, #tpu.memory_space<hbm>>) target_semaphore(%arg15 : memref<!tpu.dma_semaphore, #tpu.memory_space<semaphore_mem>>)
    %dma_wait3A_904 = arith.constant 10 : i32
    %dma_wait3A_905 = arith.constant 0 : i32
    %dma_wait3A_906 = arith.constant 0 : i32
    %dma_wait3A_907 = arith.constant 0 : i32
    %dma_wait3A_908 = tpu.memref_slice %arg8[%dma_wait3A_905, %dma_wait3A_906, %dma_wait3A_907] : memref<2x128x128xf32, #tpu.memory_space<vmem>> -> memref<1x128x128xf32, #tpu.memory_space<vmem>>
    %dma_wait3A_909 = tpu.memref_squeeze %dma_wait3A_908 : memref<1x128x128xf32, #tpu.memory_space<vmem>> -> memref<128x128xf32, #tpu.memory_space<vmem>>
    %dma_wait3A_910 = arith.constant 0 : i32
    %dma_wait3A_911 = tpu.memref_slice %arg6[%dma_wait3A_904, %dma_wait3A_910] : memref<16x128xi32, #tpu.memory_space<vmem>> -> memref<1x128xi32, #tpu.memory_space<vmem>>
    %dma_wait3A_912 = tpu.memref_squeeze %dma_wait3A_911 : memref<1x128xi32, #tpu.memory_space<vmem>> -> memref<128xi32, #tpu.memory_space<vmem>>
    %dma_wait3A_913 = arith.constant 0 : i32
    %dma_wait3A_914 = arith.constant 0 : i32
    %dma_wait3A_915 = tpu.memref_slice %arg2[%dma_wait3A_913, %dma_wait3A_914] : memref<8192x128xf32, #tpu.memory_space<hbm>> -> memref<8192x128xf32, #tpu.memory_space<hbm>>
    tpu.wait_indirect_dma semaphore(%arg10 : memref<!tpu.dma_semaphore, #tpu.memory_space<semaphore_mem>>) src(%dma_wait3A_915 : memref<8192x128xf32, #tpu.memory_space<hbm>>) dst(%dma_wait3A_909 : memref<128x128xf32, #tpu.memory_space<vmem>>)
    %dma_wait3A_916 = arith.constant 10 : i32
    %dma_wait3A_917 = arith.constant 0 : i32
    %dma_wait3A_918 = arith.constant 0 : i32
    %dma_wait3A_919 = arith.constant 0 : i32
    %dma_wait3A_920 = tpu.memref_slice %arg9[%dma_wait3A_917, %dma_wait3A_918, %dma_wait3A_919] : memref<2x128x128xf32, #tpu.memory_space<vmem>> -> memref<1x128x128xf32, #tpu.memory_space<vmem>>
    %dma_wait3A_921 = tpu.memref_squeeze %dma_wait3A_920 : memref<1x128x128xf32, #tpu.memory_space<vmem>> -> memref<128x128xf32, #tpu.memory_space<vmem>>
    %dma_wait3A_922 = arith.constant 0 : i32
    %dma_wait3A_923 = tpu.memref_slice %arg7[%dma_wait3A_916, %dma_wait3A_922] : memref<16x128xi32, #tpu.memory_space<vmem>> -> memref<1x128xi32, #tpu.memory_space<vmem>>
    %dma_wait3A_924 = tpu.memref_squeeze %dma_wait3A_923 : memref<1x128xi32, #tpu.memory_space<vmem>> -> memref<128xi32, #tpu.memory_space<vmem>>
    %dma_wait3A_925 = arith.constant 0 : i32
    %dma_wait3A_926 = arith.constant 0 : i32
    %dma_wait3A_927 = tpu.memref_slice %arg2[%dma_wait3A_925, %dma_wait3A_926] : memref<8192x128xf32, #tpu.memory_space<hbm>> -> memref<8192x128xf32, #tpu.memory_space<hbm>>
    tpu.wait_indirect_dma semaphore(%arg12 : memref<!tpu.dma_semaphore, #tpu.memory_space<semaphore_mem>>) src(%dma_wait3A_927 : memref<8192x128xf32, #tpu.memory_space<hbm>>) dst(%dma_wait3A_921 : memref<128x128xf32, #tpu.memory_space<vmem>>)
    %dma_wait3A_928 = arith.constant 1 : i32
    %dma_wait3A_929 = arith.constant 9 : i32
    %dma_wait3A_930 = arith.constant 0 : i32
    %dma_wait3A_931 = arith.constant 0 : i32
    %dma_wait3A_932 = tpu.memref_slice %arg8[%dma_wait3A_928, %dma_wait3A_930, %dma_wait3A_931] : memref<2x128x128xf32, #tpu.memory_space<vmem>> -> memref<1x128x128xf32, #tpu.memory_space<vmem>>
    %dma_wait3A_933 = tpu.memref_squeeze %dma_wait3A_932 : memref<1x128x128xf32, #tpu.memory_space<vmem>> -> memref<128x128xf32, #tpu.memory_space<vmem>>
    %dma_wait3A_934 = arith.constant 0 : i32
    %dma_wait3A_935 = arith.constant 0 : i32
    %dma_wait3A_936 = tpu.memref_slice %arg5[%add3A, %dma_wait3A_929, %dma_wait3A_934, %dma_wait3A_935] : memref<32x16x128x128xf32, #tpu.memory_space<hbm>> -> memref<1x1x128x128xf32, #tpu.memory_space<hbm>>
    %dma_wait3A_937 = tpu.memref_squeeze %dma_wait3A_936 : memref<1x1x128x128xf32, #tpu.memory_space<hbm>> -> memref<128x128xf32, #tpu.memory_space<hbm>>
    %dma_wait3A_938 = arith.constant 0 : i32
    %dma_wait3A_939 = arith.constant 0 : i32
    %dma_wait3A_940 = tpu.memref_slice %arg5[%add3A, %dma_wait3A_929, %dma_wait3A_938, %dma_wait3A_939] : memref<32x16x128x128xf32, #tpu.memory_space<hbm>> -> memref<1x1x128x128xf32, #tpu.memory_space<hbm>>
    %dma_wait3A_941 = tpu.memref_squeeze %dma_wait3A_940 : memref<1x1x128x128xf32, #tpu.memory_space<hbm>> -> memref<128x128xf32, #tpu.memory_space<hbm>>
    %dma_wait3A_942 = arith.constant 0 : i32
    %dma_wait3A_943 = arith.constant 0 : i32
    %dma_wait3A_944 = tpu.memref_slice %arg8[%dma_wait3A_928, %dma_wait3A_942, %dma_wait3A_943] : memref<2x128x128xf32, #tpu.memory_space<vmem>> -> memref<1x128x128xf32, #tpu.memory_space<vmem>>
    %dma_wait3A_945 = tpu.memref_squeeze %dma_wait3A_944 : memref<1x128x128xf32, #tpu.memory_space<vmem>> -> memref<128x128xf32, #tpu.memory_space<vmem>>
    tpu.wait_dma2 semaphore(%arg15 : memref<!tpu.dma_semaphore, #tpu.memory_space<semaphore_mem>>) src(%dma_wait3A_945 : memref<128x128xf32, #tpu.memory_space<vmem>>) dst(%dma_wait3A_941 : memref<128x128xf32, #tpu.memory_space<hbm>>)
    %dma_start3A_946 = arith.constant 11 : i32
    %dma_start3A_947 = arith.constant 1 : i32
    %dma_start3A_948 = arith.constant 0 : i32
    %dma_start3A_949 = arith.constant 0 : i32
    %dma_start3A_950 = tpu.memref_slice %arg8[%dma_start3A_947, %dma_start3A_948, %dma_start3A_949] : memref<2x128x128xf32, #tpu.memory_space<vmem>> -> memref<1x128x128xf32, #tpu.memory_space<vmem>>
    %dma_start3A_951 = tpu.memref_squeeze %dma_start3A_950 : memref<1x128x128xf32, #tpu.memory_space<vmem>> -> memref<128x128xf32, #tpu.memory_space<vmem>>
    %dma_start3A_952 = arith.constant 0 : i32
    %dma_start3A_953 = tpu.memref_slice %arg6[%dma_start3A_946, %dma_start3A_952] : memref<16x128xi32, #tpu.memory_space<vmem>> -> memref<1x128xi32, #tpu.memory_space<vmem>>
    %dma_start3A_954 = tpu.memref_squeeze %dma_start3A_953 : memref<1x128xi32, #tpu.memory_space<vmem>> -> memref<128xi32, #tpu.memory_space<vmem>>
    %dma_start3A_955 = arith.constant 0 : i32
    %dma_start3A_956 = arith.constant 0 : i32
    %dma_start3A_957 = tpu.memref_slice %arg2[%dma_start3A_955, %dma_start3A_956] : memref<8192x128xf32, #tpu.memory_space<hbm>> -> memref<8192x128xf32, #tpu.memory_space<hbm>>
    tpu.enqueue_indirect_dma source(%dma_start3A_957 : memref<8192x128xf32, #tpu.memory_space<hbm>>) target(%dma_start3A_951 : memref<128x128xf32, #tpu.memory_space<vmem>>) offsets(%dma_start3A_954 : memref<128xi32, #tpu.memory_space<vmem>>) semaphore(%arg11 : memref<!tpu.dma_semaphore, #tpu.memory_space<semaphore_mem>>)
    %dma_start3A_958 = arith.constant 11 : i32
    %dma_start3A_959 = arith.constant 1 : i32
    %dma_start3A_960 = arith.constant 0 : i32
    %dma_start3A_961 = arith.constant 0 : i32
    %dma_start3A_962 = tpu.memref_slice %arg9[%dma_start3A_959, %dma_start3A_960, %dma_start3A_961] : memref<2x128x128xf32, #tpu.memory_space<vmem>> -> memref<1x128x128xf32, #tpu.memory_space<vmem>>
    %dma_start3A_963 = tpu.memref_squeeze %dma_start3A_962 : memref<1x128x128xf32, #tpu.memory_space<vmem>> -> memref<128x128xf32, #tpu.memory_space<vmem>>
    %dma_start3A_964 = arith.constant 0 : i32
    %dma_start3A_965 = tpu.memref_slice %arg7[%dma_start3A_958, %dma_start3A_964] : memref<16x128xi32, #tpu.memory_space<vmem>> -> memref<1x128xi32, #tpu.memory_space<vmem>>
    %dma_start3A_966 = tpu.memref_squeeze %dma_start3A_965 : memref<1x128xi32, #tpu.memory_space<vmem>> -> memref<128xi32, #tpu.memory_space<vmem>>
    %dma_start3A_967 = arith.constant 0 : i32
    %dma_start3A_968 = arith.constant 0 : i32
    %dma_start3A_969 = tpu.memref_slice %arg2[%dma_start3A_967, %dma_start3A_968] : memref<8192x128xf32, #tpu.memory_space<hbm>> -> memref<8192x128xf32, #tpu.memory_space<hbm>>
    tpu.enqueue_indirect_dma source(%dma_start3A_969 : memref<8192x128xf32, #tpu.memory_space<hbm>>) target(%dma_start3A_963 : memref<128x128xf32, #tpu.memory_space<vmem>>) offsets(%dma_start3A_966 : memref<128xi32, #tpu.memory_space<vmem>>) semaphore(%arg13 : memref<!tpu.dma_semaphore, #tpu.memory_space<semaphore_mem>>)
    %scan3A_970 = arith.constant 0 : i32
    %scan3A_971 = arith.constant 0 : i32
    %scan3A_972 = arith.constant 128 : i32
    %scan3A_973 = arith.addi %scan3A_971, %scan3A_972 : i32
    %scan3A_974 = arith.constant 1 : i32
    scf.for %scan3A_1438 = %scan3A_971 to %scan3A_973 step %scan3A_974  : i32 {
      %get3A = arith.constant 0 : i32
      %get3A_1439 = arith.index_cast %get3A : i32 to index
      %get3A_1440 = arith.index_cast %scan3A_1438 : i32 to index
      %get3A_1441 = arith.constant 64 : index
      %get3A_1442 = tpu.vector_load %arg9[%get3A_1439, %get3A_1440, %get3A_1441] {strides = array<i32>} : memref<2x128x128xf32, #tpu.memory_space<vmem>>, vector<1x1x16xf32>,
      %get3A_1443 = vector.shape_cast %get3A_1442 : vector<1x1x16xf32> to vector<16xf32>
      %swap3A = arith.constant 0 : i32
      %swap3A_1444 = arith.index_cast %swap3A : i32 to index
      %swap3A_1445 = arith.index_cast %scan3A_1438 : i32 to index
      %swap3A_1446 = arith.constant 64 : index
      %swap3A_1447 = tpu.vector_load %arg8[%swap3A_1444, %swap3A_1445, %swap3A_1446] {strides = array<i32>} : memref<2x128x128xf32, #tpu.memory_space<vmem>>, vector<1x1x16xf32>,
      %swap3A_1448 = vector.shape_cast %swap3A_1447 : vector<1x1x16xf32> to vector<16xf32>
      %swap3A_1449 = vector.shape_cast %get3A_1443 : vector<16xf32> to vector<1x1x16xf32>
      tpu.vector_store %arg8[%swap3A_1444, %swap3A_1445, %swap3A_1446], %swap3A_1449 {strides = array<i32>} : memref<2x128x128xf32, #tpu.memory_space<vmem>>, vector<1x1x16xf32>,
      %get3A_1450 = arith.constant 0 : i32
      %get3A_1451 = arith.index_cast %get3A_1450 : i32 to index
      %get3A_1452 = arith.index_cast %scan3A_1438 : i32 to index
      %get3A_1453 = arith.constant 80 : index
      %get3A_1454 = tpu.vector_load %arg9[%get3A_1451, %get3A_1452, %get3A_1453] {strides = array<i32>} : memref<2x128x128xf32, #tpu.memory_space<vmem>>, vector<1x1x16xf32>,
      %get3A_1455 = vector.shape_cast %get3A_1454 : vector<1x1x16xf32> to vector<16xf32>
      %swap3A_1456 = arith.constant 0 : i32
      %swap3A_1457 = arith.index_cast %swap3A_1456 : i32 to index
      %swap3A_1458 = arith.index_cast %scan3A_1438 : i32 to index
      %swap3A_1459 = arith.constant 80 : index
      %swap3A_1460 = tpu.vector_load %arg8[%swap3A_1457, %swap3A_1458, %swap3A_1459] {strides = array<i32>} : memref<2x128x128xf32, #tpu.memory_space<vmem>>, vector<1x1x16xf32>,
      %swap3A_1461 = vector.shape_cast %swap3A_1460 : vector<1x1x16xf32> to vector<16xf32>
      %swap3A_1462 = vector.shape_cast %get3A_1455 : vector<16xf32> to vector<1x1x16xf32>
      tpu.vector_store %arg8[%swap3A_1457, %swap3A_1458, %swap3A_1459], %swap3A_1462 {strides = array<i32>} : memref<2x128x128xf32, #tpu.memory_space<vmem>>, vector<1x1x16xf32>,
      %get3A_1463 = arith.constant 0 : i32
      %get3A_1464 = arith.index_cast %get3A_1463 : i32 to index
      %get3A_1465 = arith.index_cast %scan3A_1438 : i32 to index
      %get3A_1466 = arith.constant 96 : index
      %get3A_1467 = tpu.vector_load %arg9[%get3A_1464, %get3A_1465, %get3A_1466] {strides = array<i32>} : memref<2x128x128xf32, #tpu.memory_space<vmem>>, vector<1x1x16xf32>,
      %get3A_1468 = vector.shape_cast %get3A_1467 : vector<1x1x16xf32> to vector<16xf32>
      %swap3A_1469 = arith.constant 0 : i32
      %swap3A_1470 = arith.index_cast %swap3A_1469 : i32 to index
      %swap3A_1471 = arith.index_cast %scan3A_1438 : i32 to index
      %swap3A_1472 = arith.constant 96 : index
      %swap3A_1473 = tpu.vector_load %arg8[%swap3A_1470, %swap3A_1471, %swap3A_1472] {strides = array<i32>} : memref<2x128x128xf32, #tpu.memory_space<vmem>>, vector<1x1x16xf32>,
      %swap3A_1474 = vector.shape_cast %swap3A_1473 : vector<1x1x16xf32> to vector<16xf32>
      %swap3A_1475 = vector.shape_cast %get3A_1468 : vector<16xf32> to vector<1x1x16xf32>
      tpu.vector_store %arg8[%swap3A_1470, %swap3A_1471, %swap3A_1472], %swap3A_1475 {strides = array<i32>} : memref<2x128x128xf32, #tpu.memory_space<vmem>>, vector<1x1x16xf32>,
      %get3A_1476 = arith.constant 0 : i32
      %get3A_1477 = arith.index_cast %get3A_1476 : i32 to index
      %get3A_1478 = arith.index_cast %scan3A_1438 : i32 to index
      %get3A_1479 = arith.constant 112 : index
      %get3A_1480 = tpu.vector_load %arg9[%get3A_1477, %get3A_1478, %get3A_1479] {strides = array<i32>} : memref<2x128x128xf32, #tpu.memory_space<vmem>>, vector<1x1x16xf32>,
      %get3A_1481 = vector.shape_cast %get3A_1480 : vector<1x1x16xf32> to vector<16xf32>
      %swap3A_1482 = arith.constant 0 : i32
      %swap3A_1483 = arith.index_cast %swap3A_1482 : i32 to index
      %swap3A_1484 = arith.index_cast %scan3A_1438 : i32 to index
      %swap3A_1485 = arith.constant 112 : index
      %swap3A_1486 = tpu.vector_load %arg8[%swap3A_1483, %swap3A_1484, %swap3A_1485] {strides = array<i32>} : memref<2x128x128xf32, #tpu.memory_space<vmem>>, vector<1x1x16xf32>,
      %swap3A_1487 = vector.shape_cast %swap3A_1486 : vector<1x1x16xf32> to vector<16xf32>
      %swap3A_1488 = vector.shape_cast %get3A_1481 : vector<16xf32> to vector<1x1x16xf32>
      tpu.vector_store %arg8[%swap3A_1483, %swap3A_1484, %swap3A_1485], %swap3A_1488 {strides = array<i32>} : memref<2x128x128xf32, #tpu.memory_space<vmem>>, vector<1x1x16xf32>,
    }
    %scan3A_975 = arith.constant 128 : i32
    %dma_start3A_976 = arith.constant 0 : i32
    %dma_start3A_977 = arith.constant 10 : i32
    %dma_start3A_978 = arith.constant 0 : i32
    %dma_start3A_979 = arith.constant 0 : i32
    %dma_start3A_980 = tpu.memref_slice %arg8[%dma_start3A_976, %dma_start3A_978, %dma_start3A_979] : memref<2x128x128xf32, #tpu.memory_space<vmem>> -> memref<1x128x128xf32, #tpu.memory_space<vmem>>
    %dma_start3A_981 = tpu.memref_squeeze %dma_start3A_980 : memref<1x128x128xf32, #tpu.memory_space<vmem>> -> memref<128x128xf32, #tpu.memory_space<vmem>>
    %dma_start3A_982 = arith.constant 0 : i32
    %dma_start3A_983 = arith.constant 0 : i32
    %dma_start3A_984 = tpu.memref_slice %arg5[%add3A, %dma_start3A_977, %dma_start3A_982, %dma_start3A_983] : memref<32x16x128x128xf32, #tpu.memory_space<hbm>> -> memref<1x1x128x128xf32, #tpu.memory_space<hbm>>
    %dma_start3A_985 = tpu.memref_squeeze %dma_start3A_984 : memref<1x1x128x128xf32, #tpu.memory_space<hbm>> -> memref<128x128xf32, #tpu.memory_space<hbm>>
    %dma_start3A_986 = arith.constant 0 : i32
    %dma_start3A_987 = arith.constant 0 : i32
    %dma_start3A_988 = tpu.memref_slice %arg5[%add3A, %dma_start3A_977, %dma_start3A_986, %dma_start3A_987] : memref<32x16x128x128xf32, #tpu.memory_space<hbm>> -> memref<1x1x128x128xf32, #tpu.memory_space<hbm>>
    %dma_start3A_989 = tpu.memref_squeeze %dma_start3A_988 : memref<1x1x128x128xf32, #tpu.memory_space<hbm>> -> memref<128x128xf32, #tpu.memory_space<hbm>>
    %dma_start3A_990 = arith.constant 0 : i32
    %dma_start3A_991 = arith.constant 0 : i32
    %dma_start3A_992 = tpu.memref_slice %arg8[%dma_start3A_976, %dma_start3A_990, %dma_start3A_991] : memref<2x128x128xf32, #tpu.memory_space<vmem>> -> memref<1x128x128xf32, #tpu.memory_space<vmem>>
    %dma_start3A_993 = tpu.memref_squeeze %dma_start3A_992 : memref<1x128x128xf32, #tpu.memory_space<vmem>> -> memref<128x128xf32, #tpu.memory_space<vmem>>
    tpu.enqueue_dma source(%dma_start3A_993 : memref<128x128xf32, #tpu.memory_space<vmem>>) target(%dma_start3A_989 : memref<128x128xf32, #tpu.memory_space<hbm>>) target_semaphore(%arg14 : memref<!tpu.dma_semaphore, #tpu.memory_space<semaphore_mem>>)
    %dma_wait3A_994 = arith.constant 11 : i32
    %dma_wait3A_995 = arith.constant 1 : i32
    %dma_wait3A_996 = arith.constant 0 : i32
    %dma_wait3A_997 = arith.constant 0 : i32
    %dma_wait3A_998 = tpu.memref_slice %arg8[%dma_wait3A_995, %dma_wait3A_996, %dma_wait3A_997] : memref<2x128x128xf32, #tpu.memory_space<vmem>> -> memref<1x128x128xf32, #tpu.memory_space<vmem>>
    %dma_wait3A_999 = tpu.memref_squeeze %dma_wait3A_998 : memref<1x128x128xf32, #tpu.memory_space<vmem>> -> memref<128x128xf32, #tpu.memory_space<vmem>>
    %dma_wait3A_1000 = arith.constant 0 : i32
    %dma_wait3A_1001 = tpu.memref_slice %arg6[%dma_wait3A_994, %dma_wait3A_1000] : memref<16x128xi32, #tpu.memory_space<vmem>> -> memref<1x128xi32, #tpu.memory_space<vmem>>
    %dma_wait3A_1002 = tpu.memref_squeeze %dma_wait3A_1001 : memref<1x128xi32, #tpu.memory_space<vmem>> -> memref<128xi32, #tpu.memory_space<vmem>>
    %dma_wait3A_1003 = arith.constant 0 : i32
    %dma_wait3A_1004 = arith.constant 0 : i32
    %dma_wait3A_1005 = tpu.memref_slice %arg2[%dma_wait3A_1003, %dma_wait3A_1004] : memref<8192x128xf32, #tpu.memory_space<hbm>> -> memref<8192x128xf32, #tpu.memory_space<hbm>>
    tpu.wait_indirect_dma semaphore(%arg11 : memref<!tpu.dma_semaphore, #tpu.memory_space<semaphore_mem>>) src(%dma_wait3A_1005 : memref<8192x128xf32, #tpu.memory_space<hbm>>) dst(%dma_wait3A_999 : memref<128x128xf32, #tpu.memory_space<vmem>>)
    %dma_wait3A_1006 = arith.constant 11 : i32
    %dma_wait3A_1007 = arith.constant 1 : i32
    %dma_wait3A_1008 = arith.constant 0 : i32
    %dma_wait3A_1009 = arith.constant 0 : i32
    %dma_wait3A_1010 = tpu.memref_slice %arg9[%dma_wait3A_1007, %dma_wait3A_1008, %dma_wait3A_1009] : memref<2x128x128xf32, #tpu.memory_space<vmem>> -> memref<1x128x128xf32, #tpu.memory_space<vmem>>
    %dma_wait3A_1011 = tpu.memref_squeeze %dma_wait3A_1010 : memref<1x128x128xf32, #tpu.memory_space<vmem>> -> memref<128x128xf32, #tpu.memory_space<vmem>>
    %dma_wait3A_1012 = arith.constant 0 : i32
    %dma_wait3A_1013 = tpu.memref_slice %arg7[%dma_wait3A_1006, %dma_wait3A_1012] : memref<16x128xi32, #tpu.memory_space<vmem>> -> memref<1x128xi32, #tpu.memory_space<vmem>>
    %dma_wait3A_1014 = tpu.memref_squeeze %dma_wait3A_1013 : memref<1x128xi32, #tpu.memory_space<vmem>> -> memref<128xi32, #tpu.memory_space<vmem>>
    %dma_wait3A_1015 = arith.constant 0 : i32
    %dma_wait3A_1016 = arith.constant 0 : i32
    %dma_wait3A_1017 = tpu.memref_slice %arg2[%dma_wait3A_1015, %dma_wait3A_1016] : memref<8192x128xf32, #tpu.memory_space<hbm>> -> memref<8192x128xf32, #tpu.memory_space<hbm>>
    tpu.wait_indirect_dma semaphore(%arg13 : memref<!tpu.dma_semaphore, #tpu.memory_space<semaphore_mem>>) src(%dma_wait3A_1017 : memref<8192x128xf32, #tpu.memory_space<hbm>>) dst(%dma_wait3A_1011 : memref<128x128xf32, #tpu.memory_space<vmem>>)
    %dma_wait3A_1018 = arith.constant 0 : i32
    %dma_wait3A_1019 = arith.constant 10 : i32
    %dma_wait3A_1020 = arith.constant 0 : i32
    %dma_wait3A_1021 = arith.constant 0 : i32
    %dma_wait3A_1022 = tpu.memref_slice %arg8[%dma_wait3A_1018, %dma_wait3A_1020, %dma_wait3A_1021] : memref<2x128x128xf32, #tpu.memory_space<vmem>> -> memref<1x128x128xf32, #tpu.memory_space<vmem>>
    %dma_wait3A_1023 = tpu.memref_squeeze %dma_wait3A_1022 : memref<1x128x128xf32, #tpu.memory_space<vmem>> -> memref<128x128xf32, #tpu.memory_space<vmem>>
    %dma_wait3A_1024 = arith.constant 0 : i32
    %dma_wait3A_1025 = arith.constant 0 : i32
    %dma_wait3A_1026 = tpu.memref_slice %arg5[%add3A, %dma_wait3A_1019, %dma_wait3A_1024, %dma_wait3A_1025] : memref<32x16x128x128xf32, #tpu.memory_space<hbm>> -> memref<1x1x128x128xf32, #tpu.memory_space<hbm>>
    %dma_wait3A_1027 = tpu.memref_squeeze %dma_wait3A_1026 : memref<1x1x128x128xf32, #tpu.memory_space<hbm>> -> memref<128x128xf32, #tpu.memory_space<hbm>>
    %dma_wait3A_1028 = arith.constant 0 : i32
    %dma_wait3A_1029 = arith.constant 0 : i32
    %dma_wait3A_1030 = tpu.memref_slice %arg5[%add3A, %dma_wait3A_1019, %dma_wait3A_1028, %dma_wait3A_1029] : memref<32x16x128x128xf32, #tpu.memory_space<hbm>> -> memref<1x1x128x128xf32, #tpu.memory_space<hbm>>
    %dma_wait3A_1031 = tpu.memref_squeeze %dma_wait3A_1030 : memref<1x1x128x128xf32, #tpu.memory_space<hbm>> -> memref<128x128xf32, #tpu.memory_space<hbm>>
    %dma_wait3A_1032 = arith.constant 0 : i32
    %dma_wait3A_1033 = arith.constant 0 : i32
    %dma_wait3A_1034 = tpu.memref_slice %arg8[%dma_wait3A_1018, %dma_wait3A_1032, %dma_wait3A_1033] : memref<2x128x128xf32, #tpu.memory_space<vmem>> -> memref<1x128x128xf32, #tpu.memory_space<vmem>>
    %dma_wait3A_1035 = tpu.memref_squeeze %dma_wait3A_1034 : memref<1x128x128xf32, #tpu.memory_space<vmem>> -> memref<128x128xf32, #tpu.memory_space<vmem>>
    tpu.wait_dma2 semaphore(%arg14 : memref<!tpu.dma_semaphore, #tpu.memory_space<semaphore_mem>>) src(%dma_wait3A_1035 : memref<128x128xf32, #tpu.memory_space<vmem>>) dst(%dma_wait3A_1031 : memref<128x128xf32, #tpu.memory_space<hbm>>)
    %dma_start3A_1036 = arith.constant 12 : i32
    %dma_start3A_1037 = arith.constant 0 : i32
    %dma_start3A_1038 = arith.constant 0 : i32
    %dma_start3A_1039 = arith.constant 0 : i32
    %dma_start3A_1040 = tpu.memref_slice %arg8[%dma_start3A_1037, %dma_start3A_1038, %dma_start3A_1039] : memref<2x128x128xf32, #tpu.memory_space<vmem>> -> memref<1x128x128xf32, #tpu.memory_space<vmem>>
    %dma_start3A_1041 = tpu.memref_squeeze %dma_start3A_1040 : memref<1x128x128xf32, #tpu.memory_space<vmem>> -> memref<128x128xf32, #tpu.memory_space<vmem>>
    %dma_start3A_1042 = arith.constant 0 : i32
    %dma_start3A_1043 = tpu.memref_slice %arg6[%dma_start3A_1036, %dma_start3A_1042] : memref<16x128xi32, #tpu.memory_space<vmem>> -> memref<1x128xi32, #tpu.memory_space<vmem>>
    %dma_start3A_1044 = tpu.memref_squeeze %dma_start3A_1043 : memref<1x128xi32, #tpu.memory_space<vmem>> -> memref<128xi32, #tpu.memory_space<vmem>>
    %dma_start3A_1045 = arith.constant 0 : i32
    %dma_start3A_1046 = arith.constant 0 : i32
    %dma_start3A_1047 = tpu.memref_slice %arg2[%dma_start3A_1045, %dma_start3A_1046] : memref<8192x128xf32, #tpu.memory_space<hbm>> -> memref<8192x128xf32, #tpu.memory_space<hbm>>
    tpu.enqueue_indirect_dma source(%dma_start3A_1047 : memref<8192x128xf32, #tpu.memory_space<hbm>>) target(%dma_start3A_1041 : memref<128x128xf32, #tpu.memory_space<vmem>>) offsets(%dma_start3A_1044 : memref<128xi32, #tpu.memory_space<vmem>>) semaphore(%arg10 : memref<!tpu.dma_semaphore, #tpu.memory_space<semaphore_mem>>)
    %dma_start3A_1048 = arith.constant 12 : i32
    %dma_start3A_1049 = arith.constant 0 : i32
    %dma_start3A_1050 = arith.constant 0 : i32
    %dma_start3A_1051 = arith.constant 0 : i32
    %dma_start3A_1052 = tpu.memref_slice %arg9[%dma_start3A_1049, %dma_start3A_1050, %dma_start3A_1051] : memref<2x128x128xf32, #tpu.memory_space<vmem>> -> memref<1x128x128xf32, #tpu.memory_space<vmem>>
    %dma_start3A_1053 = tpu.memref_squeeze %dma_start3A_1052 : memref<1x128x128xf32, #tpu.memory_space<vmem>> -> memref<128x128xf32, #tpu.memory_space<vmem>>
    %dma_start3A_1054 = arith.constant 0 : i32
    %dma_start3A_1055 = tpu.memref_slice %arg7[%dma_start3A_1048, %dma_start3A_1054] : memref<16x128xi32, #tpu.memory_space<vmem>> -> memref<1x128xi32, #tpu.memory_space<vmem>>
    %dma_start3A_1056 = tpu.memref_squeeze %dma_start3A_1055 : memref<1x128xi32, #tpu.memory_space<vmem>> -> memref<128xi32, #tpu.memory_space<vmem>>
    %dma_start3A_1057 = arith.constant 0 : i32
    %dma_start3A_1058 = arith.constant 0 : i32
    %dma_start3A_1059 = tpu.memref_slice %arg2[%dma_start3A_1057, %dma_start3A_1058] : memref<8192x128xf32, #tpu.memory_space<hbm>> -> memref<8192x128xf32, #tpu.memory_space<hbm>>
    tpu.enqueue_indirect_dma source(%dma_start3A_1059 : memref<8192x128xf32, #tpu.memory_space<hbm>>) target(%dma_start3A_1053 : memref<128x128xf32, #tpu.memory_space<vmem>>) offsets(%dma_start3A_1056 : memref<128xi32, #tpu.memory_space<vmem>>) semaphore(%arg12 : memref<!tpu.dma_semaphore, #tpu.memory_space<semaphore_mem>>)
    %scan3A_1060 = arith.constant 0 : i32
    %scan3A_1061 = arith.constant 0 : i32
    %scan3A_1062 = arith.constant 128 : i32
    %scan3A_1063 = arith.addi %scan3A_1061, %scan3A_1062 : i32
    %scan3A_1064 = arith.constant 1 : i32
    scf.for %scan3A_1438 = %scan3A_1061 to %scan3A_1063 step %scan3A_1064  : i32 {
      %get3A = arith.constant 1 : i32
      %get3A_1439 = arith.index_cast %get3A : i32 to index
      %get3A_1440 = arith.index_cast %scan3A_1438 : i32 to index
      %get3A_1441 = arith.constant 64 : index
      %get3A_1442 = tpu.vector_load %arg9[%get3A_1439, %get3A_1440, %get3A_1441] {strides = array<i32>} : memref<2x128x128xf32, #tpu.memory_space<vmem>>, vector<1x1x16xf32>,
      %get3A_1443 = vector.shape_cast %get3A_1442 : vector<1x1x16xf32> to vector<16xf32>
      %swap3A = arith.constant 1 : i32
      %swap3A_1444 = arith.index_cast %swap3A : i32 to index
      %swap3A_1445 = arith.index_cast %scan3A_1438 : i32 to index
      %swap3A_1446 = arith.constant 64 : index
      %swap3A_1447 = tpu.vector_load %arg8[%swap3A_1444, %swap3A_1445, %swap3A_1446] {strides = array<i32>} : memref<2x128x128xf32, #tpu.memory_space<vmem>>, vector<1x1x16xf32>,
      %swap3A_1448 = vector.shape_cast %swap3A_1447 : vector<1x1x16xf32> to vector<16xf32>
      %swap3A_1449 = vector.shape_cast %get3A_1443 : vector<16xf32> to vector<1x1x16xf32>
      tpu.vector_store %arg8[%swap3A_1444, %swap3A_1445, %swap3A_1446], %swap3A_1449 {strides = array<i32>} : memref<2x128x128xf32, #tpu.memory_space<vmem>>, vector<1x1x16xf32>,
      %get3A_1450 = arith.constant 1 : i32
      %get3A_1451 = arith.index_cast %get3A_1450 : i32 to index
      %get3A_1452 = arith.index_cast %scan3A_1438 : i32 to index
      %get3A_1453 = arith.constant 80 : index
      %get3A_1454 = tpu.vector_load %arg9[%get3A_1451, %get3A_1452, %get3A_1453] {strides = array<i32>} : memref<2x128x128xf32, #tpu.memory_space<vmem>>, vector<1x1x16xf32>,
      %get3A_1455 = vector.shape_cast %get3A_1454 : vector<1x1x16xf32> to vector<16xf32>
      %swap3A_1456 = arith.constant 1 : i32
      %swap3A_1457 = arith.index_cast %swap3A_1456 : i32 to index
      %swap3A_1458 = arith.index_cast %scan3A_1438 : i32 to index
      %swap3A_1459 = arith.constant 80 : index
      %swap3A_1460 = tpu.vector_load %arg8[%swap3A_1457, %swap3A_1458, %swap3A_1459] {strides = array<i32>} : memref<2x128x128xf32, #tpu.memory_space<vmem>>, vector<1x1x16xf32>,
      %swap3A_1461 = vector.shape_cast %swap3A_1460 : vector<1x1x16xf32> to vector<16xf32>
      %swap3A_1462 = vector.shape_cast %get3A_1455 : vector<16xf32> to vector<1x1x16xf32>
      tpu.vector_store %arg8[%swap3A_1457, %swap3A_1458, %swap3A_1459], %swap3A_1462 {strides = array<i32>} : memref<2x128x128xf32, #tpu.memory_space<vmem>>, vector<1x1x16xf32>,
      %get3A_1463 = arith.constant 1 : i32
      %get3A_1464 = arith.index_cast %get3A_1463 : i32 to index
      %get3A_1465 = arith.index_cast %scan3A_1438 : i32 to index
      %get3A_1466 = arith.constant 96 : index
      %get3A_1467 = tpu.vector_load %arg9[%get3A_1464, %get3A_1465, %get3A_1466] {strides = array<i32>} : memref<2x128x128xf32, #tpu.memory_space<vmem>>, vector<1x1x16xf32>,
      %get3A_1468 = vector.shape_cast %get3A_1467 : vector<1x1x16xf32> to vector<16xf32>
      %swap3A_1469 = arith.constant 1 : i32
      %swap3A_1470 = arith.index_cast %swap3A_1469 : i32 to index
      %swap3A_1471 = arith.index_cast %scan3A_1438 : i32 to index
      %swap3A_1472 = arith.constant 96 : index
      %swap3A_1473 = tpu.vector_load %arg8[%swap3A_1470, %swap3A_1471, %swap3A_1472] {strides = array<i32>} : memref<2x128x128xf32, #tpu.memory_space<vmem>>, vector<1x1x16xf32>,
      %swap3A_1474 = vector.shape_cast %swap3A_1473 : vector<1x1x16xf32> to vector<16xf32>
      %swap3A_1475 = vector.shape_cast %get3A_1468 : vector<16xf32> to vector<1x1x16xf32>
      tpu.vector_store %arg8[%swap3A_1470, %swap3A_1471, %swap3A_1472], %swap3A_1475 {strides = array<i32>} : memref<2x128x128xf32, #tpu.memory_space<vmem>>, vector<1x1x16xf32>,
      %get3A_1476 = arith.constant 1 : i32
      %get3A_1477 = arith.index_cast %get3A_1476 : i32 to index
      %get3A_1478 = arith.index_cast %scan3A_1438 : i32 to index
      %get3A_1479 = arith.constant 112 : index
      %get3A_1480 = tpu.vector_load %arg9[%get3A_1477, %get3A_1478, %get3A_1479] {strides = array<i32>} : memref<2x128x128xf32, #tpu.memory_space<vmem>>, vector<1x1x16xf32>,
      %get3A_1481 = vector.shape_cast %get3A_1480 : vector<1x1x16xf32> to vector<16xf32>
      %swap3A_1482 = arith.constant 1 : i32
      %swap3A_1483 = arith.index_cast %swap3A_1482 : i32 to index
      %swap3A_1484 = arith.index_cast %scan3A_1438 : i32 to index
      %swap3A_1485 = arith.constant 112 : index
      %swap3A_1486 = tpu.vector_load %arg8[%swap3A_1483, %swap3A_1484, %swap3A_1485] {strides = array<i32>} : memref<2x128x128xf32, #tpu.memory_space<vmem>>, vector<1x1x16xf32>,
      %swap3A_1487 = vector.shape_cast %swap3A_1486 : vector<1x1x16xf32> to vector<16xf32>
      %swap3A_1488 = vector.shape_cast %get3A_1481 : vector<16xf32> to vector<1x1x16xf32>
      tpu.vector_store %arg8[%swap3A_1483, %swap3A_1484, %swap3A_1485], %swap3A_1488 {strides = array<i32>} : memref<2x128x128xf32, #tpu.memory_space<vmem>>, vector<1x1x16xf32>,
    }
    %scan3A_1065 = arith.constant 128 : i32
    %dma_start3A_1066 = arith.constant 1 : i32
    %dma_start3A_1067 = arith.constant 11 : i32
    %dma_start3A_1068 = arith.constant 0 : i32
    %dma_start3A_1069 = arith.constant 0 : i32
    %dma_start3A_1070 = tpu.memref_slice %arg8[%dma_start3A_1066, %dma_start3A_1068, %dma_start3A_1069] : memref<2x128x128xf32, #tpu.memory_space<vmem>> -> memref<1x128x128xf32, #tpu.memory_space<vmem>>
    %dma_start3A_1071 = tpu.memref_squeeze %dma_start3A_1070 : memref<1x128x128xf32, #tpu.memory_space<vmem>> -> memref<128x128xf32, #tpu.memory_space<vmem>>
    %dma_start3A_1072 = arith.constant 0 : i32
    %dma_start3A_1073 = arith.constant 0 : i32
    %dma_start3A_1074 = tpu.memref_slice %arg5[%add3A, %dma_start3A_1067, %dma_start3A_1072, %dma_start3A_1073] : memref<32x16x128x128xf32, #tpu.memory_space<hbm>> -> memref<1x1x128x128xf32, #tpu.memory_space<hbm>>
    %dma_start3A_1075 = tpu.memref_squeeze %dma_start3A_1074 : memref<1x1x128x128xf32, #tpu.memory_space<hbm>> -> memref<128x128xf32, #tpu.memory_space<hbm>>
    %dma_start3A_1076 = arith.constant 0 : i32
    %dma_start3A_1077 = arith.constant 0 : i32
    %dma_start3A_1078 = tpu.memref_slice %arg5[%add3A, %dma_start3A_1067, %dma_start3A_1076, %dma_start3A_1077] : memref<32x16x128x128xf32, #tpu.memory_space<hbm>> -> memref<1x1x128x128xf32, #tpu.memory_space<hbm>>
    %dma_start3A_1079 = tpu.memref_squeeze %dma_start3A_1078 : memref<1x1x128x128xf32, #tpu.memory_space<hbm>> -> memref<128x128xf32, #tpu.memory_space<hbm>>
    %dma_start3A_1080 = arith.constant 0 : i32
    %dma_start3A_1081 = arith.constant 0 : i32
    %dma_start3A_1082 = tpu.memref_slice %arg8[%dma_start3A_1066, %dma_start3A_1080, %dma_start3A_1081] : memref<2x128x128xf32, #tpu.memory_space<vmem>> -> memref<1x128x128xf32, #tpu.memory_space<vmem>>
    %dma_start3A_1083 = tpu.memref_squeeze %dma_start3A_1082 : memref<1x128x128xf32, #tpu.memory_space<vmem>> -> memref<128x128xf32, #tpu.memory_space<vmem>>
    tpu.enqueue_dma source(%dma_start3A_1083 : memref<128x128xf32, #tpu.memory_space<vmem>>) target(%dma_start3A_1079 : memref<128x128xf32, #tpu.memory_space<hbm>>) target_semaphore(%arg15 : memref<!tpu.dma_semaphore, #tpu.memory_space<semaphore_mem>>)
    %dma_wait3A_1084 = arith.constant 12 : i32
    %dma_wait3A_1085 = arith.constant 0 : i32
    %dma_wait3A_1086 = arith.constant 0 : i32
    %dma_wait3A_1087 = arith.constant 0 : i32
    %dma_wait3A_1088 = tpu.memref_slice %arg8[%dma_wait3A_1085, %dma_wait3A_1086, %dma_wait3A_1087] : memref<2x128x128xf32, #tpu.memory_space<vmem>> -> memref<1x128x128xf32, #tpu.memory_space<vmem>>
    %dma_wait3A_1089 = tpu.memref_squeeze %dma_wait3A_1088 : memref<1x128x128xf32, #tpu.memory_space<vmem>> -> memref<128x128xf32, #tpu.memory_space<vmem>>
    %dma_wait3A_1090 = arith.constant 0 : i32
    %dma_wait3A_1091 = tpu.memref_slice %arg6[%dma_wait3A_1084, %dma_wait3A_1090] : memref<16x128xi32, #tpu.memory_space<vmem>> -> memref<1x128xi32, #tpu.memory_space<vmem>>
    %dma_wait3A_1092 = tpu.memref_squeeze %dma_wait3A_1091 : memref<1x128xi32, #tpu.memory_space<vmem>> -> memref<128xi32, #tpu.memory_space<vmem>>
    %dma_wait3A_1093 = arith.constant 0 : i32
    %dma_wait3A_1094 = arith.constant 0 : i32
    %dma_wait3A_1095 = tpu.memref_slice %arg2[%dma_wait3A_1093, %dma_wait3A_1094] : memref<8192x128xf32, #tpu.memory_space<hbm>> -> memref<8192x128xf32, #tpu.memory_space<hbm>>
    tpu.wait_indirect_dma semaphore(%arg10 : memref<!tpu.dma_semaphore, #tpu.memory_space<semaphore_mem>>) src(%dma_wait3A_1095 : memref<8192x128xf32, #tpu.memory_space<hbm>>) dst(%dma_wait3A_1089 : memref<128x128xf32, #tpu.memory_space<vmem>>)
    %dma_wait3A_1096 = arith.constant 12 : i32
    %dma_wait3A_1097 = arith.constant 0 : i32
    %dma_wait3A_1098 = arith.constant 0 : i32
    %dma_wait3A_1099 = arith.constant 0 : i32
    %dma_wait3A_1100 = tpu.memref_slice %arg9[%dma_wait3A_1097, %dma_wait3A_1098, %dma_wait3A_1099] : memref<2x128x128xf32, #tpu.memory_space<vmem>> -> memref<1x128x128xf32, #tpu.memory_space<vmem>>
    %dma_wait3A_1101 = tpu.memref_squeeze %dma_wait3A_1100 : memref<1x128x128xf32, #tpu.memory_space<vmem>> -> memref<128x128xf32, #tpu.memory_space<vmem>>
    %dma_wait3A_1102 = arith.constant 0 : i32
    %dma_wait3A_1103 = tpu.memref_slice %arg7[%dma_wait3A_1096, %dma_wait3A_1102] : memref<16x128xi32, #tpu.memory_space<vmem>> -> memref<1x128xi32, #tpu.memory_space<vmem>>
    %dma_wait3A_1104 = tpu.memref_squeeze %dma_wait3A_1103 : memref<1x128xi32, #tpu.memory_space<vmem>> -> memref<128xi32, #tpu.memory_space<vmem>>
    %dma_wait3A_1105 = arith.constant 0 : i32
    %dma_wait3A_1106 = arith.constant 0 : i32
    %dma_wait3A_1107 = tpu.memref_slice %arg2[%dma_wait3A_1105, %dma_wait3A_1106] : memref<8192x128xf32, #tpu.memory_space<hbm>> -> memref<8192x128xf32, #tpu.memory_space<hbm>>
    tpu.wait_indirect_dma semaphore(%arg12 : memref<!tpu.dma_semaphore, #tpu.memory_space<semaphore_mem>>) src(%dma_wait3A_1107 : memref<8192x128xf32, #tpu.memory_space<hbm>>) dst(%dma_wait3A_1101 : memref<128x128xf32, #tpu.memory_space<vmem>>)
    %dma_wait3A_1108 = arith.constant 1 : i32
    %dma_wait3A_1109 = arith.constant 11 : i32
    %dma_wait3A_1110 = arith.constant 0 : i32
    %dma_wait3A_1111 = arith.constant 0 : i32
    %dma_wait3A_1112 = tpu.memref_slice %arg8[%dma_wait3A_1108, %dma_wait3A_1110, %dma_wait3A_1111] : memref<2x128x128xf32, #tpu.memory_space<vmem>> -> memref<1x128x128xf32, #tpu.memory_space<vmem>>
    %dma_wait3A_1113 = tpu.memref_squeeze %dma_wait3A_1112 : memref<1x128x128xf32, #tpu.memory_space<vmem>> -> memref<128x128xf32, #tpu.memory_space<vmem>>
    %dma_wait3A_1114 = arith.constant 0 : i32
    %dma_wait3A_1115 = arith.constant 0 : i32
    %dma_wait3A_1116 = tpu.memref_slice %arg5[%add3A, %dma_wait3A_1109, %dma_wait3A_1114, %dma_wait3A_1115] : memref<32x16x128x128xf32, #tpu.memory_space<hbm>> -> memref<1x1x128x128xf32, #tpu.memory_space<hbm>>
    %dma_wait3A_1117 = tpu.memref_squeeze %dma_wait3A_1116 : memref<1x1x128x128xf32, #tpu.memory_space<hbm>> -> memref<128x128xf32, #tpu.memory_space<hbm>>
    %dma_wait3A_1118 = arith.constant 0 : i32
    %dma_wait3A_1119 = arith.constant 0 : i32
    %dma_wait3A_1120 = tpu.memref_slice %arg5[%add3A, %dma_wait3A_1109, %dma_wait3A_1118, %dma_wait3A_1119] : memref<32x16x128x128xf32, #tpu.memory_space<hbm>> -> memref<1x1x128x128xf32, #tpu.memory_space<hbm>>
    %dma_wait3A_1121 = tpu.memref_squeeze %dma_wait3A_1120 : memref<1x1x128x128xf32, #tpu.memory_space<hbm>> -> memref<128x128xf32, #tpu.memory_space<hbm>>
    %dma_wait3A_1122 = arith.constant 0 : i32
    %dma_wait3A_1123 = arith.constant 0 : i32
    %dma_wait3A_1124 = tpu.memref_slice %arg8[%dma_wait3A_1108, %dma_wait3A_1122, %dma_wait3A_1123] : memref<2x128x128xf32, #tpu.memory_space<vmem>> -> memref<1x128x128xf32, #tpu.memory_space<vmem>>
    %dma_wait3A_1125 = tpu.memref_squeeze %dma_wait3A_1124 : memref<1x128x128xf32, #tpu.memory_space<vmem>> -> memref<128x128xf32, #tpu.memory_space<vmem>>
    tpu.wait_dma2 semaphore(%arg15 : memref<!tpu.dma_semaphore, #tpu.memory_space<semaphore_mem>>) src(%dma_wait3A_1125 : memref<128x128xf32, #tpu.memory_space<vmem>>) dst(%dma_wait3A_1121 : memref<128x128xf32, #tpu.memory_space<hbm>>)
    %dma_start3A_1126 = arith.constant 13 : i32
    %dma_start3A_1127 = arith.constant 1 : i32
    %dma_start3A_1128 = arith.constant 0 : i32
    %dma_start3A_1129 = arith.constant 0 : i32
    %dma_start3A_1130 = tpu.memref_slice %arg8[%dma_start3A_1127, %dma_start3A_1128, %dma_start3A_1129] : memref<2x128x128xf32, #tpu.memory_space<vmem>> -> memref<1x128x128xf32, #tpu.memory_space<vmem>>
    %dma_start3A_1131 = tpu.memref_squeeze %dma_start3A_1130 : memref<1x128x128xf32, #tpu.memory_space<vmem>> -> memref<128x128xf32, #tpu.memory_space<vmem>>
    %dma_start3A_1132 = arith.constant 0 : i32
    %dma_start3A_1133 = tpu.memref_slice %arg6[%dma_start3A_1126, %dma_start3A_1132] : memref<16x128xi32, #tpu.memory_space<vmem>> -> memref<1x128xi32, #tpu.memory_space<vmem>>
    %dma_start3A_1134 = tpu.memref_squeeze %dma_start3A_1133 : memref<1x128xi32, #tpu.memory_space<vmem>> -> memref<128xi32, #tpu.memory_space<vmem>>
    %dma_start3A_1135 = arith.constant 0 : i32
    %dma_start3A_1136 = arith.constant 0 : i32
    %dma_start3A_1137 = tpu.memref_slice %arg2[%dma_start3A_1135, %dma_start3A_1136] : memref<8192x128xf32, #tpu.memory_space<hbm>> -> memref<8192x128xf32, #tpu.memory_space<hbm>>
    tpu.enqueue_indirect_dma source(%dma_start3A_1137 : memref<8192x128xf32, #tpu.memory_space<hbm>>) target(%dma_start3A_1131 : memref<128x128xf32, #tpu.memory_space<vmem>>) offsets(%dma_start3A_1134 : memref<128xi32, #tpu.memory_space<vmem>>) semaphore(%arg11 : memref<!tpu.dma_semaphore, #tpu.memory_space<semaphore_mem>>)
    %dma_start3A_1138 = arith.constant 13 : i32
    %dma_start3A_1139 = arith.constant 1 : i32
    %dma_start3A_1140 = arith.constant 0 : i32
    %dma_start3A_1141 = arith.constant 0 : i32
    %dma_start3A_1142 = tpu.memref_slice %arg9[%dma_start3A_1139, %dma_start3A_1140, %dma_start3A_1141] : memref<2x128x128xf32, #tpu.memory_space<vmem>> -> memref<1x128x128xf32, #tpu.memory_space<vmem>>
    %dma_start3A_1143 = tpu.memref_squeeze %dma_start3A_1142 : memref<1x128x128xf32, #tpu.memory_space<vmem>> -> memref<128x128xf32, #tpu.memory_space<vmem>>
    %dma_start3A_1144 = arith.constant 0 : i32
    %dma_start3A_1145 = tpu.memref_slice %arg7[%dma_start3A_1138, %dma_start3A_1144] : memref<16x128xi32, #tpu.memory_space<vmem>> -> memref<1x128xi32, #tpu.memory_space<vmem>>
    %dma_start3A_1146 = tpu.memref_squeeze %dma_start3A_1145 : memref<1x128xi32, #tpu.memory_space<vmem>> -> memref<128xi32, #tpu.memory_space<vmem>>
    %dma_start3A_1147 = arith.constant 0 : i32
    %dma_start3A_1148 = arith.constant 0 : i32
    %dma_start3A_1149 = tpu.memref_slice %arg2[%dma_start3A_1147, %dma_start3A_1148] : memref<8192x128xf32, #tpu.memory_space<hbm>> -> memref<8192x128xf32, #tpu.memory_space<hbm>>
    tpu.enqueue_indirect_dma source(%dma_start3A_1149 : memref<8192x128xf32, #tpu.memory_space<hbm>>) target(%dma_start3A_1143 : memref<128x128xf32, #tpu.memory_space<vmem>>) offsets(%dma_start3A_1146 : memref<128xi32, #tpu.memory_space<vmem>>) semaphore(%arg13 : memref<!tpu.dma_semaphore, #tpu.memory_space<semaphore_mem>>)
    %scan3A_1150 = arith.constant 0 : i32
    %scan3A_1151 = arith.constant 0 : i32
    %scan3A_1152 = arith.constant 128 : i32
    %scan3A_1153 = arith.addi %scan3A_1151, %scan3A_1152 : i32
    %scan3A_1154 = arith.constant 1 : i32
    scf.for %scan3A_1438 = %scan3A_1151 to %scan3A_1153 step %scan3A_1154  : i32 {
      %get3A = arith.constant 0 : i32
      %get3A_1439 = arith.index_cast %get3A : i32 to index
      %get3A_1440 = arith.index_cast %scan3A_1438 : i32 to index
      %get3A_1441 = arith.constant 64 : index
      %get3A_1442 = tpu.vector_load %arg9[%get3A_1439, %get3A_1440, %get3A_1441] {strides = array<i32>} : memref<2x128x128xf32, #tpu.memory_space<vmem>>, vector<1x1x16xf32>,
      %get3A_1443 = vector.shape_cast %get3A_1442 : vector<1x1x16xf32> to vector<16xf32>
      %swap3A = arith.constant 0 : i32
      %swap3A_1444 = arith.index_cast %swap3A : i32 to index
      %swap3A_1445 = arith.index_cast %scan3A_1438 : i32 to index
      %swap3A_1446 = arith.constant 64 : index
      %swap3A_1447 = tpu.vector_load %arg8[%swap3A_1444, %swap3A_1445, %swap3A_1446] {strides = array<i32>} : memref<2x128x128xf32, #tpu.memory_space<vmem>>, vector<1x1x16xf32>,
      %swap3A_1448 = vector.shape_cast %swap3A_1447 : vector<1x1x16xf32> to vector<16xf32>
      %swap3A_1449 = vector.shape_cast %get3A_1443 : vector<16xf32> to vector<1x1x16xf32>
      tpu.vector_store %arg8[%swap3A_1444, %swap3A_1445, %swap3A_1446], %swap3A_1449 {strides = array<i32>} : memref<2x128x128xf32, #tpu.memory_space<vmem>>, vector<1x1x16xf32>,
      %get3A_1450 = arith.constant 0 : i32
      %get3A_1451 = arith.index_cast %get3A_1450 : i32 to index
      %get3A_1452 = arith.index_cast %scan3A_1438 : i32 to index
      %get3A_1453 = arith.constant 80 : index
      %get3A_1454 = tpu.vector_load %arg9[%get3A_1451, %get3A_1452, %get3A_1453] {strides = array<i32>} : memref<2x128x128xf32, #tpu.memory_space<vmem>>, vector<1x1x16xf32>,
      %get3A_1455 = vector.shape_cast %get3A_1454 : vector<1x1x16xf32> to vector<16xf32>
      %swap3A_1456 = arith.constant 0 : i32
      %swap3A_1457 = arith.index_cast %swap3A_1456 : i32 to index
      %swap3A_1458 = arith.index_cast %scan3A_1438 : i32 to index
      %swap3A_1459 = arith.constant 80 : index
      %swap3A_1460 = tpu.vector_load %arg8[%swap3A_1457, %swap3A_1458, %swap3A_1459] {strides = array<i32>} : memref<2x128x128xf32, #tpu.memory_space<vmem>>, vector<1x1x16xf32>,
      %swap3A_1461 = vector.shape_cast %swap3A_1460 : vector<1x1x16xf32> to vector<16xf32>
      %swap3A_1462 = vector.shape_cast %get3A_1455 : vector<16xf32> to vector<1x1x16xf32>
      tpu.vector_store %arg8[%swap3A_1457, %swap3A_1458, %swap3A_1459], %swap3A_1462 {strides = array<i32>} : memref<2x128x128xf32, #tpu.memory_space<vmem>>, vector<1x1x16xf32>,
      %get3A_1463 = arith.constant 0 : i32
      %get3A_1464 = arith.index_cast %get3A_1463 : i32 to index
      %get3A_1465 = arith.index_cast %scan3A_1438 : i32 to index
      %get3A_1466 = arith.constant 96 : index
      %get3A_1467 = tpu.vector_load %arg9[%get3A_1464, %get3A_1465, %get3A_1466] {strides = array<i32>} : memref<2x128x128xf32, #tpu.memory_space<vmem>>, vector<1x1x16xf32>,
      %get3A_1468 = vector.shape_cast %get3A_1467 : vector<1x1x16xf32> to vector<16xf32>
      %swap3A_1469 = arith.constant 0 : i32
      %swap3A_1470 = arith.index_cast %swap3A_1469 : i32 to index
      %swap3A_1471 = arith.index_cast %scan3A_1438 : i32 to index
      %swap3A_1472 = arith.constant 96 : index
      %swap3A_1473 = tpu.vector_load %arg8[%swap3A_1470, %swap3A_1471, %swap3A_1472] {strides = array<i32>} : memref<2x128x128xf32, #tpu.memory_space<vmem>>, vector<1x1x16xf32>,
      %swap3A_1474 = vector.shape_cast %swap3A_1473 : vector<1x1x16xf32> to vector<16xf32>
      %swap3A_1475 = vector.shape_cast %get3A_1468 : vector<16xf32> to vector<1x1x16xf32>
      tpu.vector_store %arg8[%swap3A_1470, %swap3A_1471, %swap3A_1472], %swap3A_1475 {strides = array<i32>} : memref<2x128x128xf32, #tpu.memory_space<vmem>>, vector<1x1x16xf32>,
      %get3A_1476 = arith.constant 0 : i32
      %get3A_1477 = arith.index_cast %get3A_1476 : i32 to index
      %get3A_1478 = arith.index_cast %scan3A_1438 : i32 to index
      %get3A_1479 = arith.constant 112 : index
      %get3A_1480 = tpu.vector_load %arg9[%get3A_1477, %get3A_1478, %get3A_1479] {strides = array<i32>} : memref<2x128x128xf32, #tpu.memory_space<vmem>>, vector<1x1x16xf32>,
      %get3A_1481 = vector.shape_cast %get3A_1480 : vector<1x1x16xf32> to vector<16xf32>
      %swap3A_1482 = arith.constant 0 : i32
      %swap3A_1483 = arith.index_cast %swap3A_1482 : i32 to index
      %swap3A_1484 = arith.index_cast %scan3A_1438 : i32 to index
      %swap3A_1485 = arith.constant 112 : index
      %swap3A_1486 = tpu.vector_load %arg8[%swap3A_1483, %swap3A_1484, %swap3A_1485] {strides = array<i32>} : memref<2x128x128xf32, #tpu.memory_space<vmem>>, vector<1x1x16xf32>,
      %swap3A_1487 = vector.shape_cast %swap3A_1486 : vector<1x1x16xf32> to vector<16xf32>
      %swap3A_1488 = vector.shape_cast %get3A_1481 : vector<16xf32> to vector<1x1x16xf32>
      tpu.vector_store %arg8[%swap3A_1483, %swap3A_1484, %swap3A_1485], %swap3A_1488 {strides = array<i32>} : memref<2x128x128xf32, #tpu.memory_space<vmem>>, vector<1x1x16xf32>,
    }
    %scan3A_1155 = arith.constant 128 : i32
    %dma_start3A_1156 = arith.constant 0 : i32
    %dma_start3A_1157 = arith.constant 12 : i32
    %dma_start3A_1158 = arith.constant 0 : i32
    %dma_start3A_1159 = arith.constant 0 : i32
    %dma_start3A_1160 = tpu.memref_slice %arg8[%dma_start3A_1156, %dma_start3A_1158, %dma_start3A_1159] : memref<2x128x128xf32, #tpu.memory_space<vmem>> -> memref<1x128x128xf32, #tpu.memory_space<vmem>>
    %dma_start3A_1161 = tpu.memref_squeeze %dma_start3A_1160 : memref<1x128x128xf32, #tpu.memory_space<vmem>> -> memref<128x128xf32, #tpu.memory_space<vmem>>
    %dma_start3A_1162 = arith.constant 0 : i32
    %dma_start3A_1163 = arith.constant 0 : i32
    %dma_start3A_1164 = tpu.memref_slice %arg5[%add3A, %dma_start3A_1157, %dma_start3A_1162, %dma_start3A_1163] : memref<32x16x128x128xf32, #tpu.memory_space<hbm>> -> memref<1x1x128x128xf32, #tpu.memory_space<hbm>>
    %dma_start3A_1165 = tpu.memref_squeeze %dma_start3A_1164 : memref<1x1x128x128xf32, #tpu.memory_space<hbm>> -> memref<128x128xf32, #tpu.memory_space<hbm>>
    %dma_start3A_1166 = arith.constant 0 : i32
    %dma_start3A_1167 = arith.constant 0 : i32
    %dma_start3A_1168 = tpu.memref_slice %arg5[%add3A, %dma_start3A_1157, %dma_start3A_1166, %dma_start3A_1167] : memref<32x16x128x128xf32, #tpu.memory_space<hbm>> -> memref<1x1x128x128xf32, #tpu.memory_space<hbm>>
    %dma_start3A_1169 = tpu.memref_squeeze %dma_start3A_1168 : memref<1x1x128x128xf32, #tpu.memory_space<hbm>> -> memref<128x128xf32, #tpu.memory_space<hbm>>
    %dma_start3A_1170 = arith.constant 0 : i32
    %dma_start3A_1171 = arith.constant 0 : i32
    %dma_start3A_1172 = tpu.memref_slice %arg8[%dma_start3A_1156, %dma_start3A_1170, %dma_start3A_1171] : memref<2x128x128xf32, #tpu.memory_space<vmem>> -> memref<1x128x128xf32, #tpu.memory_space<vmem>>
    %dma_start3A_1173 = tpu.memref_squeeze %dma_start3A_1172 : memref<1x128x128xf32, #tpu.memory_space<vmem>> -> memref<128x128xf32, #tpu.memory_space<vmem>>
    tpu.enqueue_dma source(%dma_start3A_1173 : memref<128x128xf32, #tpu.memory_space<vmem>>) target(%dma_start3A_1169 : memref<128x128xf32, #tpu.memory_space<hbm>>) target_semaphore(%arg14 : memref<!tpu.dma_semaphore, #tpu.memory_space<semaphore_mem>>)
    %dma_wait3A_1174 = arith.constant 13 : i32
    %dma_wait3A_1175 = arith.constant 1 : i32
    %dma_wait3A_1176 = arith.constant 0 : i32
    %dma_wait3A_1177 = arith.constant 0 : i32
    %dma_wait3A_1178 = tpu.memref_slice %arg8[%dma_wait3A_1175, %dma_wait3A_1176, %dma_wait3A_1177] : memref<2x128x128xf32, #tpu.memory_space<vmem>> -> memref<1x128x128xf32, #tpu.memory_space<vmem>>
    %dma_wait3A_1179 = tpu.memref_squeeze %dma_wait3A_1178 : memref<1x128x128xf32, #tpu.memory_space<vmem>> -> memref<128x128xf32, #tpu.memory_space<vmem>>
    %dma_wait3A_1180 = arith.constant 0 : i32
    %dma_wait3A_1181 = tpu.memref_slice %arg6[%dma_wait3A_1174, %dma_wait3A_1180] : memref<16x128xi32, #tpu.memory_space<vmem>> -> memref<1x128xi32, #tpu.memory_space<vmem>>
    %dma_wait3A_1182 = tpu.memref_squeeze %dma_wait3A_1181 : memref<1x128xi32, #tpu.memory_space<vmem>> -> memref<128xi32, #tpu.memory_space<vmem>>
    %dma_wait3A_1183 = arith.constant 0 : i32
    %dma_wait3A_1184 = arith.constant 0 : i32
    %dma_wait3A_1185 = tpu.memref_slice %arg2[%dma_wait3A_1183, %dma_wait3A_1184] : memref<8192x128xf32, #tpu.memory_space<hbm>> -> memref<8192x128xf32, #tpu.memory_space<hbm>>
    tpu.wait_indirect_dma semaphore(%arg11 : memref<!tpu.dma_semaphore, #tpu.memory_space<semaphore_mem>>) src(%dma_wait3A_1185 : memref<8192x128xf32, #tpu.memory_space<hbm>>) dst(%dma_wait3A_1179 : memref<128x128xf32, #tpu.memory_space<vmem>>)
    %dma_wait3A_1186 = arith.constant 13 : i32
    %dma_wait3A_1187 = arith.constant 1 : i32
    %dma_wait3A_1188 = arith.constant 0 : i32
    %dma_wait3A_1189 = arith.constant 0 : i32
    %dma_wait3A_1190 = tpu.memref_slice %arg9[%dma_wait3A_1187, %dma_wait3A_1188, %dma_wait3A_1189] : memref<2x128x128xf32, #tpu.memory_space<vmem>> -> memref<1x128x128xf32, #tpu.memory_space<vmem>>
    %dma_wait3A_1191 = tpu.memref_squeeze %dma_wait3A_1190 : memref<1x128x128xf32, #tpu.memory_space<vmem>> -> memref<128x128xf32, #tpu.memory_space<vmem>>
    %dma_wait3A_1192 = arith.constant 0 : i32
    %dma_wait3A_1193 = tpu.memref_slice %arg7[%dma_wait3A_1186, %dma_wait3A_1192] : memref<16x128xi32, #tpu.memory_space<vmem>> -> memref<1x128xi32, #tpu.memory_space<vmem>>
    %dma_wait3A_1194 = tpu.memref_squeeze %dma_wait3A_1193 : memref<1x128xi32, #tpu.memory_space<vmem>> -> memref<128xi32, #tpu.memory_space<vmem>>
    %dma_wait3A_1195 = arith.constant 0 : i32
    %dma_wait3A_1196 = arith.constant 0 : i32
    %dma_wait3A_1197 = tpu.memref_slice %arg2[%dma_wait3A_1195, %dma_wait3A_1196] : memref<8192x128xf32, #tpu.memory_space<hbm>> -> memref<8192x128xf32, #tpu.memory_space<hbm>>
    tpu.wait_indirect_dma semaphore(%arg13 : memref<!tpu.dma_semaphore, #tpu.memory_space<semaphore_mem>>) src(%dma_wait3A_1197 : memref<8192x128xf32, #tpu.memory_space<hbm>>) dst(%dma_wait3A_1191 : memref<128x128xf32, #tpu.memory_space<vmem>>)
    %dma_wait3A_1198 = arith.constant 0 : i32
    %dma_wait3A_1199 = arith.constant 12 : i32
    %dma_wait3A_1200 = arith.constant 0 : i32
    %dma_wait3A_1201 = arith.constant 0 : i32
    %dma_wait3A_1202 = tpu.memref_slice %arg8[%dma_wait3A_1198, %dma_wait3A_1200, %dma_wait3A_1201] : memref<2x128x128xf32, #tpu.memory_space<vmem>> -> memref<1x128x128xf32, #tpu.memory_space<vmem>>
    %dma_wait3A_1203 = tpu.memref_squeeze %dma_wait3A_1202 : memref<1x128x128xf32, #tpu.memory_space<vmem>> -> memref<128x128xf32, #tpu.memory_space<vmem>>
    %dma_wait3A_1204 = arith.constant 0 : i32
    %dma_wait3A_1205 = arith.constant 0 : i32
    %dma_wait3A_1206 = tpu.memref_slice %arg5[%add3A, %dma_wait3A_1199, %dma_wait3A_1204, %dma_wait3A_1205] : memref<32x16x128x128xf32, #tpu.memory_space<hbm>> -> memref<1x1x128x128xf32, #tpu.memory_space<hbm>>
    %dma_wait3A_1207 = tpu.memref_squeeze %dma_wait3A_1206 : memref<1x1x128x128xf32, #tpu.memory_space<hbm>> -> memref<128x128xf32, #tpu.memory_space<hbm>>
    %dma_wait3A_1208 = arith.constant 0 : i32
    %dma_wait3A_1209 = arith.constant 0 : i32
    %dma_wait3A_1210 = tpu.memref_slice %arg5[%add3A, %dma_wait3A_1199, %dma_wait3A_1208, %dma_wait3A_1209] : memref<32x16x128x128xf32, #tpu.memory_space<hbm>> -> memref<1x1x128x128xf32, #tpu.memory_space<hbm>>
    %dma_wait3A_1211 = tpu.memref_squeeze %dma_wait3A_1210 : memref<1x1x128x128xf32, #tpu.memory_space<hbm>> -> memref<128x128xf32, #tpu.memory_space<hbm>>
    %dma_wait3A_1212 = arith.constant 0 : i32
    %dma_wait3A_1213 = arith.constant 0 : i32
    %dma_wait3A_1214 = tpu.memref_slice %arg8[%dma_wait3A_1198, %dma_wait3A_1212, %dma_wait3A_1213] : memref<2x128x128xf32, #tpu.memory_space<vmem>> -> memref<1x128x128xf32, #tpu.memory_space<vmem>>
    %dma_wait3A_1215 = tpu.memref_squeeze %dma_wait3A_1214 : memref<1x128x128xf32, #tpu.memory_space<vmem>> -> memref<128x128xf32, #tpu.memory_space<vmem>>
    tpu.wait_dma2 semaphore(%arg14 : memref<!tpu.dma_semaphore, #tpu.memory_space<semaphore_mem>>) src(%dma_wait3A_1215 : memref<128x128xf32, #tpu.memory_space<vmem>>) dst(%dma_wait3A_1211 : memref<128x128xf32, #tpu.memory_space<hbm>>)
    %dma_start3A_1216 = arith.constant 14 : i32
    %dma_start3A_1217 = arith.constant 0 : i32
    %dma_start3A_1218 = arith.constant 0 : i32
    %dma_start3A_1219 = arith.constant 0 : i32
    %dma_start3A_1220 = tpu.memref_slice %arg8[%dma_start3A_1217, %dma_start3A_1218, %dma_start3A_1219] : memref<2x128x128xf32, #tpu.memory_space<vmem>> -> memref<1x128x128xf32, #tpu.memory_space<vmem>>
    %dma_start3A_1221 = tpu.memref_squeeze %dma_start3A_1220 : memref<1x128x128xf32, #tpu.memory_space<vmem>> -> memref<128x128xf32, #tpu.memory_space<vmem>>
    %dma_start3A_1222 = arith.constant 0 : i32
    %dma_start3A_1223 = tpu.memref_slice %arg6[%dma_start3A_1216, %dma_start3A_1222] : memref<16x128xi32, #tpu.memory_space<vmem>> -> memref<1x128xi32, #tpu.memory_space<vmem>>
    %dma_start3A_1224 = tpu.memref_squeeze %dma_start3A_1223 : memref<1x128xi32, #tpu.memory_space<vmem>> -> memref<128xi32, #tpu.memory_space<vmem>>
    %dma_start3A_1225 = arith.constant 0 : i32
    %dma_start3A_1226 = arith.constant 0 : i32
    %dma_start3A_1227 = tpu.memref_slice %arg2[%dma_start3A_1225, %dma_start3A_1226] : memref<8192x128xf32, #tpu.memory_space<hbm>> -> memref<8192x128xf32, #tpu.memory_space<hbm>>
    tpu.enqueue_indirect_dma source(%dma_start3A_1227 : memref<8192x128xf32, #tpu.memory_space<hbm>>) target(%dma_start3A_1221 : memref<128x128xf32, #tpu.memory_space<vmem>>) offsets(%dma_start3A_1224 : memref<128xi32, #tpu.memory_space<vmem>>) semaphore(%arg10 : memref<!tpu.dma_semaphore, #tpu.memory_space<semaphore_mem>>)
    %dma_start3A_1228 = arith.constant 14 : i32
    %dma_start3A_1229 = arith.constant 0 : i32
    %dma_start3A_1230 = arith.constant 0 : i32
    %dma_start3A_1231 = arith.constant 0 : i32
    %dma_start3A_1232 = tpu.memref_slice %arg9[%dma_start3A_1229, %dma_start3A_1230, %dma_start3A_1231] : memref<2x128x128xf32, #tpu.memory_space<vmem>> -> memref<1x128x128xf32, #tpu.memory_space<vmem>>
    %dma_start3A_1233 = tpu.memref_squeeze %dma_start3A_1232 : memref<1x128x128xf32, #tpu.memory_space<vmem>> -> memref<128x128xf32, #tpu.memory_space<vmem>>
    %dma_start3A_1234 = arith.constant 0 : i32
    %dma_start3A_1235 = tpu.memref_slice %arg7[%dma_start3A_1228, %dma_start3A_1234] : memref<16x128xi32, #tpu.memory_space<vmem>> -> memref<1x128xi32, #tpu.memory_space<vmem>>
    %dma_start3A_1236 = tpu.memref_squeeze %dma_start3A_1235 : memref<1x128xi32, #tpu.memory_space<vmem>> -> memref<128xi32, #tpu.memory_space<vmem>>
    %dma_start3A_1237 = arith.constant 0 : i32
    %dma_start3A_1238 = arith.constant 0 : i32
    %dma_start3A_1239 = tpu.memref_slice %arg2[%dma_start3A_1237, %dma_start3A_1238] : memref<8192x128xf32, #tpu.memory_space<hbm>> -> memref<8192x128xf32, #tpu.memory_space<hbm>>
    tpu.enqueue_indirect_dma source(%dma_start3A_1239 : memref<8192x128xf32, #tpu.memory_space<hbm>>) target(%dma_start3A_1233 : memref<128x128xf32, #tpu.memory_space<vmem>>) offsets(%dma_start3A_1236 : memref<128xi32, #tpu.memory_space<vmem>>) semaphore(%arg12 : memref<!tpu.dma_semaphore, #tpu.memory_space<semaphore_mem>>)
    %scan3A_1240 = arith.constant 0 : i32
    %scan3A_1241 = arith.constant 0 : i32
    %scan3A_1242 = arith.constant 128 : i32
    %scan3A_1243 = arith.addi %scan3A_1241, %scan3A_1242 : i32
    %scan3A_1244 = arith.constant 1 : i32
    scf.for %scan3A_1438 = %scan3A_1241 to %scan3A_1243 step %scan3A_1244  : i32 {
      %get3A = arith.constant 1 : i32
      %get3A_1439 = arith.index_cast %get3A : i32 to index
      %get3A_1440 = arith.index_cast %scan3A_1438 : i32 to index
      %get3A_1441 = arith.constant 64 : index
      %get3A_1442 = tpu.vector_load %arg9[%get3A_1439, %get3A_1440, %get3A_1441] {strides = array<i32>} : memref<2x128x128xf32, #tpu.memory_space<vmem>>, vector<1x1x16xf32>,
      %get3A_1443 = vector.shape_cast %get3A_1442 : vector<1x1x16xf32> to vector<16xf32>
      %swap3A = arith.constant 1 : i32
      %swap3A_1444 = arith.index_cast %swap3A : i32 to index
      %swap3A_1445 = arith.index_cast %scan3A_1438 : i32 to index
      %swap3A_1446 = arith.constant 64 : index
      %swap3A_1447 = tpu.vector_load %arg8[%swap3A_1444, %swap3A_1445, %swap3A_1446] {strides = array<i32>} : memref<2x128x128xf32, #tpu.memory_space<vmem>>, vector<1x1x16xf32>,
      %swap3A_1448 = vector.shape_cast %swap3A_1447 : vector<1x1x16xf32> to vector<16xf32>
      %swap3A_1449 = vector.shape_cast %get3A_1443 : vector<16xf32> to vector<1x1x16xf32>
      tpu.vector_store %arg8[%swap3A_1444, %swap3A_1445, %swap3A_1446], %swap3A_1449 {strides = array<i32>} : memref<2x128x128xf32, #tpu.memory_space<vmem>>, vector<1x1x16xf32>,
      %get3A_1450 = arith.constant 1 : i32
      %get3A_1451 = arith.index_cast %get3A_1450 : i32 to index
      %get3A_1452 = arith.index_cast %scan3A_1438 : i32 to index
      %get3A_1453 = arith.constant 80 : index
      %get3A_1454 = tpu.vector_load %arg9[%get3A_1451, %get3A_1452, %get3A_1453] {strides = array<i32>} : memref<2x128x128xf32, #tpu.memory_space<vmem>>, vector<1x1x16xf32>,
      %get3A_1455 = vector.shape_cast %get3A_1454 : vector<1x1x16xf32> to vector<16xf32>
      %swap3A_1456 = arith.constant 1 : i32
      %swap3A_1457 = arith.index_cast %swap3A_1456 : i32 to index
      %swap3A_1458 = arith.index_cast %scan3A_1438 : i32 to index
      %swap3A_1459 = arith.constant 80 : index
      %swap3A_1460 = tpu.vector_load %arg8[%swap3A_1457, %swap3A_1458, %swap3A_1459] {strides = array<i32>} : memref<2x128x128xf32, #tpu.memory_space<vmem>>, vector<1x1x16xf32>,
      %swap3A_1461 = vector.shape_cast %swap3A_1460 : vector<1x1x16xf32> to vector<16xf32>
      %swap3A_1462 = vector.shape_cast %get3A_1455 : vector<16xf32> to vector<1x1x16xf32>
      tpu.vector_store %arg8[%swap3A_1457, %swap3A_1458, %swap3A_1459], %swap3A_1462 {strides = array<i32>} : memref<2x128x128xf32, #tpu.memory_space<vmem>>, vector<1x1x16xf32>,
      %get3A_1463 = arith.constant 1 : i32
      %get3A_1464 = arith.index_cast %get3A_1463 : i32 to index
      %get3A_1465 = arith.index_cast %scan3A_1438 : i32 to index
      %get3A_1466 = arith.constant 96 : index
      %get3A_1467 = tpu.vector_load %arg9[%get3A_1464, %get3A_1465, %get3A_1466] {strides = array<i32>} : memref<2x128x128xf32, #tpu.memory_space<vmem>>, vector<1x1x16xf32>,
      %get3A_1468 = vector.shape_cast %get3A_1467 : vector<1x1x16xf32> to vector<16xf32>
      %swap3A_1469 = arith.constant 1 : i32
      %swap3A_1470 = arith.index_cast %swap3A_1469 : i32 to index
      %swap3A_1471 = arith.index_cast %scan3A_1438 : i32 to index
      %swap3A_1472 = arith.constant 96 : index
      %swap3A_1473 = tpu.vector_load %arg8[%swap3A_1470, %swap3A_1471, %swap3A_1472] {strides = array<i32>} : memref<2x128x128xf32, #tpu.memory_space<vmem>>, vector<1x1x16xf32>,
      %swap3A_1474 = vector.shape_cast %swap3A_1473 : vector<1x1x16xf32> to vector<16xf32>
      %swap3A_1475 = vector.shape_cast %get3A_1468 : vector<16xf32> to vector<1x1x16xf32>
      tpu.vector_store %arg8[%swap3A_1470, %swap3A_1471, %swap3A_1472], %swap3A_1475 {strides = array<i32>} : memref<2x128x128xf32, #tpu.memory_space<vmem>>, vector<1x1x16xf32>,
      %get3A_1476 = arith.constant 1 : i32
      %get3A_1477 = arith.index_cast %get3A_1476 : i32 to index
      %get3A_1478 = arith.index_cast %scan3A_1438 : i32 to index
      %get3A_1479 = arith.constant 112 : index
      %get3A_1480 = tpu.vector_load %arg9[%get3A_1477, %get3A_1478, %get3A_1479] {strides = array<i32>} : memref<2x128x128xf32, #tpu.memory_space<vmem>>, vector<1x1x16xf32>,
      %get3A_1481 = vector.shape_cast %get3A_1480 : vector<1x1x16xf32> to vector<16xf32>
      %swap3A_1482 = arith.constant 1 : i32
      %swap3A_1483 = arith.index_cast %swap3A_1482 : i32 to index
      %swap3A_1484 = arith.index_cast %scan3A_1438 : i32 to index
      %swap3A_1485 = arith.constant 112 : index
      %swap3A_1486 = tpu.vector_load %arg8[%swap3A_1483, %swap3A_1484, %swap3A_1485] {strides = array<i32>} : memref<2x128x128xf32, #tpu.memory_space<vmem>>, vector<1x1x16xf32>,
      %swap3A_1487 = vector.shape_cast %swap3A_1486 : vector<1x1x16xf32> to vector<16xf32>
      %swap3A_1488 = vector.shape_cast %get3A_1481 : vector<16xf32> to vector<1x1x16xf32>
      tpu.vector_store %arg8[%swap3A_1483, %swap3A_1484, %swap3A_1485], %swap3A_1488 {strides = array<i32>} : memref<2x128x128xf32, #tpu.memory_space<vmem>>, vector<1x1x16xf32>,
    }
    %scan3A_1245 = arith.constant 128 : i32
    %dma_start3A_1246 = arith.constant 1 : i32
    %dma_start3A_1247 = arith.constant 13 : i32
    %dma_start3A_1248 = arith.constant 0 : i32
    %dma_start3A_1249 = arith.constant 0 : i32
    %dma_start3A_1250 = tpu.memref_slice %arg8[%dma_start3A_1246, %dma_start3A_1248, %dma_start3A_1249] : memref<2x128x128xf32, #tpu.memory_space<vmem>> -> memref<1x128x128xf32, #tpu.memory_space<vmem>>
    %dma_start3A_1251 = tpu.memref_squeeze %dma_start3A_1250 : memref<1x128x128xf32, #tpu.memory_space<vmem>> -> memref<128x128xf32, #tpu.memory_space<vmem>>
    %dma_start3A_1252 = arith.constant 0 : i32
    %dma_start3A_1253 = arith.constant 0 : i32
    %dma_start3A_1254 = tpu.memref_slice %arg5[%add3A, %dma_start3A_1247, %dma_start3A_1252, %dma_start3A_1253] : memref<32x16x128x128xf32, #tpu.memory_space<hbm>> -> memref<1x1x128x128xf32, #tpu.memory_space<hbm>>
    %dma_start3A_1255 = tpu.memref_squeeze %dma_start3A_1254 : memref<1x1x128x128xf32, #tpu.memory_space<hbm>> -> memref<128x128xf32, #tpu.memory_space<hbm>>
    %dma_start3A_1256 = arith.constant 0 : i32
    %dma_start3A_1257 = arith.constant 0 : i32
    %dma_start3A_1258 = tpu.memref_slice %arg5[%add3A, %dma_start3A_1247, %dma_start3A_1256, %dma_start3A_1257] : memref<32x16x128x128xf32, #tpu.memory_space<hbm>> -> memref<1x1x128x128xf32, #tpu.memory_space<hbm>>
    %dma_start3A_1259 = tpu.memref_squeeze %dma_start3A_1258 : memref<1x1x128x128xf32, #tpu.memory_space<hbm>> -> memref<128x128xf32, #tpu.memory_space<hbm>>
    %dma_start3A_1260 = arith.constant 0 : i32
    %dma_start3A_1261 = arith.constant 0 : i32
    %dma_start3A_1262 = tpu.memref_slice %arg8[%dma_start3A_1246, %dma_start3A_1260, %dma_start3A_1261] : memref<2x128x128xf32, #tpu.memory_space<vmem>> -> memref<1x128x128xf32, #tpu.memory_space<vmem>>
    %dma_start3A_1263 = tpu.memref_squeeze %dma_start3A_1262 : memref<1x128x128xf32, #tpu.memory_space<vmem>> -> memref<128x128xf32, #tpu.memory_space<vmem>>
    tpu.enqueue_dma source(%dma_start3A_1263 : memref<128x128xf32, #tpu.memory_space<vmem>>) target(%dma_start3A_1259 : memref<128x128xf32, #tpu.memory_space<hbm>>) target_semaphore(%arg15 : memref<!tpu.dma_semaphore, #tpu.memory_space<semaphore_mem>>)
    %dma_wait3A_1264 = arith.constant 14 : i32
    %dma_wait3A_1265 = arith.constant 0 : i32
    %dma_wait3A_1266 = arith.constant 0 : i32
    %dma_wait3A_1267 = arith.constant 0 : i32
    %dma_wait3A_1268 = tpu.memref_slice %arg8[%dma_wait3A_1265, %dma_wait3A_1266, %dma_wait3A_1267] : memref<2x128x128xf32, #tpu.memory_space<vmem>> -> memref<1x128x128xf32, #tpu.memory_space<vmem>>
    %dma_wait3A_1269 = tpu.memref_squeeze %dma_wait3A_1268 : memref<1x128x128xf32, #tpu.memory_space<vmem>> -> memref<128x128xf32, #tpu.memory_space<vmem>>
    %dma_wait3A_1270 = arith.constant 0 : i32
    %dma_wait3A_1271 = tpu.memref_slice %arg6[%dma_wait3A_1264, %dma_wait3A_1270] : memref<16x128xi32, #tpu.memory_space<vmem>> -> memref<1x128xi32, #tpu.memory_space<vmem>>
    %dma_wait3A_1272 = tpu.memref_squeeze %dma_wait3A_1271 : memref<1x128xi32, #tpu.memory_space<vmem>> -> memref<128xi32, #tpu.memory_space<vmem>>
    %dma_wait3A_1273 = arith.constant 0 : i32
    %dma_wait3A_1274 = arith.constant 0 : i32
    %dma_wait3A_1275 = tpu.memref_slice %arg2[%dma_wait3A_1273, %dma_wait3A_1274] : memref<8192x128xf32, #tpu.memory_space<hbm>> -> memref<8192x128xf32, #tpu.memory_space<hbm>>
    tpu.wait_indirect_dma semaphore(%arg10 : memref<!tpu.dma_semaphore, #tpu.memory_space<semaphore_mem>>) src(%dma_wait3A_1275 : memref<8192x128xf32, #tpu.memory_space<hbm>>) dst(%dma_wait3A_1269 : memref<128x128xf32, #tpu.memory_space<vmem>>)
    %dma_wait3A_1276 = arith.constant 14 : i32
    %dma_wait3A_1277 = arith.constant 0 : i32
    %dma_wait3A_1278 = arith.constant 0 : i32
    %dma_wait3A_1279 = arith.constant 0 : i32
    %dma_wait3A_1280 = tpu.memref_slice %arg9[%dma_wait3A_1277, %dma_wait3A_1278, %dma_wait3A_1279] : memref<2x128x128xf32, #tpu.memory_space<vmem>> -> memref<1x128x128xf32, #tpu.memory_space<vmem>>
    %dma_wait3A_1281 = tpu.memref_squeeze %dma_wait3A_1280 : memref<1x128x128xf32, #tpu.memory_space<vmem>> -> memref<128x128xf32, #tpu.memory_space<vmem>>
    %dma_wait3A_1282 = arith.constant 0 : i32
    %dma_wait3A_1283 = tpu.memref_slice %arg7[%dma_wait3A_1276, %dma_wait3A_1282] : memref<16x128xi32, #tpu.memory_space<vmem>> -> memref<1x128xi32, #tpu.memory_space<vmem>>
    %dma_wait3A_1284 = tpu.memref_squeeze %dma_wait3A_1283 : memref<1x128xi32, #tpu.memory_space<vmem>> -> memref<128xi32, #tpu.memory_space<vmem>>
    %dma_wait3A_1285 = arith.constant 0 : i32
    %dma_wait3A_1286 = arith.constant 0 : i32
    %dma_wait3A_1287 = tpu.memref_slice %arg2[%dma_wait3A_1285, %dma_wait3A_1286] : memref<8192x128xf32, #tpu.memory_space<hbm>> -> memref<8192x128xf32, #tpu.memory_space<hbm>>
    tpu.wait_indirect_dma semaphore(%arg12 : memref<!tpu.dma_semaphore, #tpu.memory_space<semaphore_mem>>) src(%dma_wait3A_1287 : memref<8192x128xf32, #tpu.memory_space<hbm>>) dst(%dma_wait3A_1281 : memref<128x128xf32, #tpu.memory_space<vmem>>)
    %dma_wait3A_1288 = arith.constant 1 : i32
    %dma_wait3A_1289 = arith.constant 13 : i32
    %dma_wait3A_1290 = arith.constant 0 : i32
    %dma_wait3A_1291 = arith.constant 0 : i32
    %dma_wait3A_1292 = tpu.memref_slice %arg8[%dma_wait3A_1288, %dma_wait3A_1290, %dma_wait3A_1291] : memref<2x128x128xf32, #tpu.memory_space<vmem>> -> memref<1x128x128xf32, #tpu.memory_space<vmem>>
    %dma_wait3A_1293 = tpu.memref_squeeze %dma_wait3A_1292 : memref<1x128x128xf32, #tpu.memory_space<vmem>> -> memref<128x128xf32, #tpu.memory_space<vmem>>
    %dma_wait3A_1294 = arith.constant 0 : i32
    %dma_wait3A_1295 = arith.constant 0 : i32
    %dma_wait3A_1296 = tpu.memref_slice %arg5[%add3A, %dma_wait3A_1289, %dma_wait3A_1294, %dma_wait3A_1295] : memref<32x16x128x128xf32, #tpu.memory_space<hbm>> -> memref<1x1x128x128xf32, #tpu.memory_space<hbm>>
    %dma_wait3A_1297 = tpu.memref_squeeze %dma_wait3A_1296 : memref<1x1x128x128xf32, #tpu.memory_space<hbm>> -> memref<128x128xf32, #tpu.memory_space<hbm>>
    %dma_wait3A_1298 = arith.constant 0 : i32
    %dma_wait3A_1299 = arith.constant 0 : i32
    %dma_wait3A_1300 = tpu.memref_slice %arg5[%add3A, %dma_wait3A_1289, %dma_wait3A_1298, %dma_wait3A_1299] : memref<32x16x128x128xf32, #tpu.memory_space<hbm>> -> memref<1x1x128x128xf32, #tpu.memory_space<hbm>>
    %dma_wait3A_1301 = tpu.memref_squeeze %dma_wait3A_1300 : memref<1x1x128x128xf32, #tpu.memory_space<hbm>> -> memref<128x128xf32, #tpu.memory_space<hbm>>
    %dma_wait3A_1302 = arith.constant 0 : i32
    %dma_wait3A_1303 = arith.constant 0 : i32
    %dma_wait3A_1304 = tpu.memref_slice %arg8[%dma_wait3A_1288, %dma_wait3A_1302, %dma_wait3A_1303] : memref<2x128x128xf32, #tpu.memory_space<vmem>> -> memref<1x128x128xf32, #tpu.memory_space<vmem>>
    %dma_wait3A_1305 = tpu.memref_squeeze %dma_wait3A_1304 : memref<1x128x128xf32, #tpu.memory_space<vmem>> -> memref<128x128xf32, #tpu.memory_space<vmem>>
    tpu.wait_dma2 semaphore(%arg15 : memref<!tpu.dma_semaphore, #tpu.memory_space<semaphore_mem>>) src(%dma_wait3A_1305 : memref<128x128xf32, #tpu.memory_space<vmem>>) dst(%dma_wait3A_1301 : memref<128x128xf32, #tpu.memory_space<hbm>>)
    %dma_start3A_1306 = arith.constant 15 : i32
    %dma_start3A_1307 = arith.constant 1 : i32
    %dma_start3A_1308 = arith.constant 0 : i32
    %dma_start3A_1309 = arith.constant 0 : i32
    %dma_start3A_1310 = tpu.memref_slice %arg8[%dma_start3A_1307, %dma_start3A_1308, %dma_start3A_1309] : memref<2x128x128xf32, #tpu.memory_space<vmem>> -> memref<1x128x128xf32, #tpu.memory_space<vmem>>
    %dma_start3A_1311 = tpu.memref_squeeze %dma_start3A_1310 : memref<1x128x128xf32, #tpu.memory_space<vmem>> -> memref<128x128xf32, #tpu.memory_space<vmem>>
    %dma_start3A_1312 = arith.constant 0 : i32
    %dma_start3A_1313 = tpu.memref_slice %arg6[%dma_start3A_1306, %dma_start3A_1312] : memref<16x128xi32, #tpu.memory_space<vmem>> -> memref<1x128xi32, #tpu.memory_space<vmem>>
    %dma_start3A_1314 = tpu.memref_squeeze %dma_start3A_1313 : memref<1x128xi32, #tpu.memory_space<vmem>> -> memref<128xi32, #tpu.memory_space<vmem>>
    %dma_start3A_1315 = arith.constant 0 : i32
    %dma_start3A_1316 = arith.constant 0 : i32
    %dma_start3A_1317 = tpu.memref_slice %arg2[%dma_start3A_1315, %dma_start3A_1316] : memref<8192x128xf32, #tpu.memory_space<hbm>> -> memref<8192x128xf32, #tpu.memory_space<hbm>>
    tpu.enqueue_indirect_dma source(%dma_start3A_1317 : memref<8192x128xf32, #tpu.memory_space<hbm>>) target(%dma_start3A_1311 : memref<128x128xf32, #tpu.memory_space<vmem>>) offsets(%dma_start3A_1314 : memref<128xi32, #tpu.memory_space<vmem>>) semaphore(%arg11 : memref<!tpu.dma_semaphore, #tpu.memory_space<semaphore_mem>>)
    %dma_start3A_1318 = arith.constant 15 : i32
    %dma_start3A_1319 = arith.constant 1 : i32
    %dma_start3A_1320 = arith.constant 0 : i32
    %dma_start3A_1321 = arith.constant 0 : i32
    %dma_start3A_1322 = tpu.memref_slice %arg9[%dma_start3A_1319, %dma_start3A_1320, %dma_start3A_1321] : memref<2x128x128xf32, #tpu.memory_space<vmem>> -> memref<1x128x128xf32, #tpu.memory_space<vmem>>
    %dma_start3A_1323 = tpu.memref_squeeze %dma_start3A_1322 : memref<1x128x128xf32, #tpu.memory_space<vmem>> -> memref<128x128xf32, #tpu.memory_space<vmem>>
    %dma_start3A_1324 = arith.constant 0 : i32
    %dma_start3A_1325 = tpu.memref_slice %arg7[%dma_start3A_1318, %dma_start3A_1324] : memref<16x128xi32, #tpu.memory_space<vmem>> -> memref<1x128xi32, #tpu.memory_space<vmem>>
    %dma_start3A_1326 = tpu.memref_squeeze %dma_start3A_1325 : memref<1x128xi32, #tpu.memory_space<vmem>> -> memref<128xi32, #tpu.memory_space<vmem>>
    %dma_start3A_1327 = arith.constant 0 : i32
    %dma_start3A_1328 = arith.constant 0 : i32
    %dma_start3A_1329 = tpu.memref_slice %arg2[%dma_start3A_1327, %dma_start3A_1328] : memref<8192x128xf32, #tpu.memory_space<hbm>> -> memref<8192x128xf32, #tpu.memory_space<hbm>>
    tpu.enqueue_indirect_dma source(%dma_start3A_1329 : memref<8192x128xf32, #tpu.memory_space<hbm>>) target(%dma_start3A_1323 : memref<128x128xf32, #tpu.memory_space<vmem>>) offsets(%dma_start3A_1326 : memref<128xi32, #tpu.memory_space<vmem>>) semaphore(%arg13 : memref<!tpu.dma_semaphore, #tpu.memory_space<semaphore_mem>>)
    %scan3A_1330 = arith.constant 0 : i32
    %scan3A_1331 = arith.constant 0 : i32
    %scan3A_1332 = arith.constant 128 : i32
    %scan3A_1333 = arith.addi %scan3A_1331, %scan3A_1332 : i32
    %scan3A_1334 = arith.constant 1 : i32
    scf.for %scan3A_1438 = %scan3A_1331 to %scan3A_1333 step %scan3A_1334  : i32 {
      %get3A = arith.constant 0 : i32
      %get3A_1439 = arith.index_cast %get3A : i32 to index
      %get3A_1440 = arith.index_cast %scan3A_1438 : i32 to index
      %get3A_1441 = arith.constant 64 : index
      %get3A_1442 = tpu.vector_load %arg9[%get3A_1439, %get3A_1440, %get3A_1441] {strides = array<i32>} : memref<2x128x128xf32, #tpu.memory_space<vmem>>, vector<1x1x16xf32>,
      %get3A_1443 = vector.shape_cast %get3A_1442 : vector<1x1x16xf32> to vector<16xf32>
      %swap3A = arith.constant 0 : i32
      %swap3A_1444 = arith.index_cast %swap3A : i32 to index
      %swap3A_1445 = arith.index_cast %scan3A_1438 : i32 to index
      %swap3A_1446 = arith.constant 64 : index
      %swap3A_1447 = tpu.vector_load %arg8[%swap3A_1444, %swap3A_1445, %swap3A_1446] {strides = array<i32>} : memref<2x128x128xf32, #tpu.memory_space<vmem>>, vector<1x1x16xf32>,
      %swap3A_1448 = vector.shape_cast %swap3A_1447 : vector<1x1x16xf32> to vector<16xf32>
      %swap3A_1449 = vector.shape_cast %get3A_1443 : vector<16xf32> to vector<1x1x16xf32>
      tpu.vector_store %arg8[%swap3A_1444, %swap3A_1445, %swap3A_1446], %swap3A_1449 {strides = array<i32>} : memref<2x128x128xf32, #tpu.memory_space<vmem>>, vector<1x1x16xf32>,
      %get3A_1450 = arith.constant 0 : i32
      %get3A_1451 = arith.index_cast %get3A_1450 : i32 to index
      %get3A_1452 = arith.index_cast %scan3A_1438 : i32 to index
      %get3A_1453 = arith.constant 80 : index
      %get3A_1454 = tpu.vector_load %arg9[%get3A_1451, %get3A_1452, %get3A_1453] {strides = array<i32>} : memref<2x128x128xf32, #tpu.memory_space<vmem>>, vector<1x1x16xf32>,
      %get3A_1455 = vector.shape_cast %get3A_1454 : vector<1x1x16xf32> to vector<16xf32>
      %swap3A_1456 = arith.constant 0 : i32
      %swap3A_1457 = arith.index_cast %swap3A_1456 : i32 to index
      %swap3A_1458 = arith.index_cast %scan3A_1438 : i32 to index
      %swap3A_1459 = arith.constant 80 : index
      %swap3A_1460 = tpu.vector_load %arg8[%swap3A_1457, %swap3A_1458, %swap3A_1459] {strides = array<i32>} : memref<2x128x128xf32, #tpu.memory_space<vmem>>, vector<1x1x16xf32>,
      %swap3A_1461 = vector.shape_cast %swap3A_1460 : vector<1x1x16xf32> to vector<16xf32>
      %swap3A_1462 = vector.shape_cast %get3A_1455 : vector<16xf32> to vector<1x1x16xf32>
      tpu.vector_store %arg8[%swap3A_1457, %swap3A_1458, %swap3A_1459], %swap3A_1462 {strides = array<i32>} : memref<2x128x128xf32, #tpu.memory_space<vmem>>, vector<1x1x16xf32>,
      %get3A_1463 = arith.constant 0 : i32
      %get3A_1464 = arith.index_cast %get3A_1463 : i32 to index
      %get3A_1465 = arith.index_cast %scan3A_1438 : i32 to index
      %get3A_1466 = arith.constant 96 : index
      %get3A_1467 = tpu.vector_load %arg9[%get3A_1464, %get3A_1465, %get3A_1466] {strides = array<i32>} : memref<2x128x128xf32, #tpu.memory_space<vmem>>, vector<1x1x16xf32>,
      %get3A_1468 = vector.shape_cast %get3A_1467 : vector<1x1x16xf32> to vector<16xf32>
      %swap3A_1469 = arith.constant 0 : i32
      %swap3A_1470 = arith.index_cast %swap3A_1469 : i32 to index
      %swap3A_1471 = arith.index_cast %scan3A_1438 : i32 to index
      %swap3A_1472 = arith.constant 96 : index
      %swap3A_1473 = tpu.vector_load %arg8[%swap3A_1470, %swap3A_1471, %swap3A_1472] {strides = array<i32>} : memref<2x128x128xf32, #tpu.memory_space<vmem>>, vector<1x1x16xf32>,
      %swap3A_1474 = vector.shape_cast %swap3A_1473 : vector<1x1x16xf32> to vector<16xf32>
      %swap3A_1475 = vector.shape_cast %get3A_1468 : vector<16xf32> to vector<1x1x16xf32>
      tpu.vector_store %arg8[%swap3A_1470, %swap3A_1471, %swap3A_1472], %swap3A_1475 {strides = array<i32>} : memref<2x128x128xf32, #tpu.memory_space<vmem>>, vector<1x1x16xf32>,
      %get3A_1476 = arith.constant 0 : i32
      %get3A_1477 = arith.index_cast %get3A_1476 : i32 to index
      %get3A_1478 = arith.index_cast %scan3A_1438 : i32 to index
      %get3A_1479 = arith.constant 112 : index
      %get3A_1480 = tpu.vector_load %arg9[%get3A_1477, %get3A_1478, %get3A_1479] {strides = array<i32>} : memref<2x128x128xf32, #tpu.memory_space<vmem>>, vector<1x1x16xf32>,
      %get3A_1481 = vector.shape_cast %get3A_1480 : vector<1x1x16xf32> to vector<16xf32>
      %swap3A_1482 = arith.constant 0 : i32
      %swap3A_1483 = arith.index_cast %swap3A_1482 : i32 to index
      %swap3A_1484 = arith.index_cast %scan3A_1438 : i32 to index
      %swap3A_1485 = arith.constant 112 : index
      %swap3A_1486 = tpu.vector_load %arg8[%swap3A_1483, %swap3A_1484, %swap3A_1485] {strides = array<i32>} : memref<2x128x128xf32, #tpu.memory_space<vmem>>, vector<1x1x16xf32>,
      %swap3A_1487 = vector.shape_cast %swap3A_1486 : vector<1x1x16xf32> to vector<16xf32>
      %swap3A_1488 = vector.shape_cast %get3A_1481 : vector<16xf32> to vector<1x1x16xf32>
      tpu.vector_store %arg8[%swap3A_1483, %swap3A_1484, %swap3A_1485], %swap3A_1488 {strides = array<i32>} : memref<2x128x128xf32, #tpu.memory_space<vmem>>, vector<1x1x16xf32>,
    }
    %scan3A_1335 = arith.constant 128 : i32
    %dma_start3A_1336 = arith.constant 0 : i32
    %dma_start3A_1337 = arith.constant 14 : i32
    %dma_start3A_1338 = arith.constant 0 : i32
    %dma_start3A_1339 = arith.constant 0 : i32
    %dma_start3A_1340 = tpu.memref_slice %arg8[%dma_start3A_1336, %dma_start3A_1338, %dma_start3A_1339] : memref<2x128x128xf32, #tpu.memory_space<vmem>> -> memref<1x128x128xf32, #tpu.memory_space<vmem>>
    %dma_start3A_1341 = tpu.memref_squeeze %dma_start3A_1340 : memref<1x128x128xf32, #tpu.memory_space<vmem>> -> memref<128x128xf32, #tpu.memory_space<vmem>>
    %dma_start3A_1342 = arith.constant 0 : i32
    %dma_start3A_1343 = arith.constant 0 : i32
    %dma_start3A_1344 = tpu.memref_slice %arg5[%add3A, %dma_start3A_1337, %dma_start3A_1342, %dma_start3A_1343] : memref<32x16x128x128xf32, #tpu.memory_space<hbm>> -> memref<1x1x128x128xf32, #tpu.memory_space<hbm>>
    %dma_start3A_1345 = tpu.memref_squeeze %dma_start3A_1344 : memref<1x1x128x128xf32, #tpu.memory_space<hbm>> -> memref<128x128xf32, #tpu.memory_space<hbm>>
    %dma_start3A_1346 = arith.constant 0 : i32
    %dma_start3A_1347 = arith.constant 0 : i32
    %dma_start3A_1348 = tpu.memref_slice %arg5[%add3A, %dma_start3A_1337, %dma_start3A_1346, %dma_start3A_1347] : memref<32x16x128x128xf32, #tpu.memory_space<hbm>> -> memref<1x1x128x128xf32, #tpu.memory_space<hbm>>
    %dma_start3A_1349 = tpu.memref_squeeze %dma_start3A_1348 : memref<1x1x128x128xf32, #tpu.memory_space<hbm>> -> memref<128x128xf32, #tpu.memory_space<hbm>>
    %dma_start3A_1350 = arith.constant 0 : i32
    %dma_start3A_1351 = arith.constant 0 : i32
    %dma_start3A_1352 = tpu.memref_slice %arg8[%dma_start3A_1336, %dma_start3A_1350, %dma_start3A_1351] : memref<2x128x128xf32, #tpu.memory_space<vmem>> -> memref<1x128x128xf32, #tpu.memory_space<vmem>>
    %dma_start3A_1353 = tpu.memref_squeeze %dma_start3A_1352 : memref<1x128x128xf32, #tpu.memory_space<vmem>> -> memref<128x128xf32, #tpu.memory_space<vmem>>
    tpu.enqueue_dma source(%dma_start3A_1353 : memref<128x128xf32, #tpu.memory_space<vmem>>) target(%dma_start3A_1349 : memref<128x128xf32, #tpu.memory_space<hbm>>) target_semaphore(%arg14 : memref<!tpu.dma_semaphore, #tpu.memory_space<semaphore_mem>>)
    %dma_wait3A_1354 = arith.constant 15 : i32
    %dma_wait3A_1355 = arith.constant 1 : i32
    %dma_wait3A_1356 = arith.constant 0 : i32
    %dma_wait3A_1357 = arith.constant 0 : i32
    %dma_wait3A_1358 = tpu.memref_slice %arg8[%dma_wait3A_1355, %dma_wait3A_1356, %dma_wait3A_1357] : memref<2x128x128xf32, #tpu.memory_space<vmem>> -> memref<1x128x128xf32, #tpu.memory_space<vmem>>
    %dma_wait3A_1359 = tpu.memref_squeeze %dma_wait3A_1358 : memref<1x128x128xf32, #tpu.memory_space<vmem>> -> memref<128x128xf32, #tpu.memory_space<vmem>>
    %dma_wait3A_1360 = arith.constant 0 : i32
    %dma_wait3A_1361 = tpu.memref_slice %arg6[%dma_wait3A_1354, %dma_wait3A_1360] : memref<16x128xi32, #tpu.memory_space<vmem>> -> memref<1x128xi32, #tpu.memory_space<vmem>>
    %dma_wait3A_1362 = tpu.memref_squeeze %dma_wait3A_1361 : memref<1x128xi32, #tpu.memory_space<vmem>> -> memref<128xi32, #tpu.memory_space<vmem>>
    %dma_wait3A_1363 = arith.constant 0 : i32
    %dma_wait3A_1364 = arith.constant 0 : i32
    %dma_wait3A_1365 = tpu.memref_slice %arg2[%dma_wait3A_1363, %dma_wait3A_1364] : memref<8192x128xf32, #tpu.memory_space<hbm>> -> memref<8192x128xf32, #tpu.memory_space<hbm>>
    tpu.wait_indirect_dma semaphore(%arg11 : memref<!tpu.dma_semaphore, #tpu.memory_space<semaphore_mem>>) src(%dma_wait3A_1365 : memref<8192x128xf32, #tpu.memory_space<hbm>>) dst(%dma_wait3A_1359 : memref<128x128xf32, #tpu.memory_space<vmem>>)
    %dma_wait3A_1366 = arith.constant 15 : i32
    %dma_wait3A_1367 = arith.constant 1 : i32
    %dma_wait3A_1368 = arith.constant 0 : i32
    %dma_wait3A_1369 = arith.constant 0 : i32
    %dma_wait3A_1370 = tpu.memref_slice %arg9[%dma_wait3A_1367, %dma_wait3A_1368, %dma_wait3A_1369] : memref<2x128x128xf32, #tpu.memory_space<vmem>> -> memref<1x128x128xf32, #tpu.memory_space<vmem>>
    %dma_wait3A_1371 = tpu.memref_squeeze %dma_wait3A_1370 : memref<1x128x128xf32, #tpu.memory_space<vmem>> -> memref<128x128xf32, #tpu.memory_space<vmem>>
    %dma_wait3A_1372 = arith.constant 0 : i32
    %dma_wait3A_1373 = tpu.memref_slice %arg7[%dma_wait3A_1366, %dma_wait3A_1372] : memref<16x128xi32, #tpu.memory_space<vmem>> -> memref<1x128xi32, #tpu.memory_space<vmem>>
    %dma_wait3A_1374 = tpu.memref_squeeze %dma_wait3A_1373 : memref<1x128xi32, #tpu.memory_space<vmem>> -> memref<128xi32, #tpu.memory_space<vmem>>
    %dma_wait3A_1375 = arith.constant 0 : i32
    %dma_wait3A_1376 = arith.constant 0 : i32
    %dma_wait3A_1377 = tpu.memref_slice %arg2[%dma_wait3A_1375, %dma_wait3A_1376] : memref<8192x128xf32, #tpu.memory_space<hbm>> -> memref<8192x128xf32, #tpu.memory_space<hbm>>
    tpu.wait_indirect_dma semaphore(%arg13 : memref<!tpu.dma_semaphore, #tpu.memory_space<semaphore_mem>>) src(%dma_wait3A_1377 : memref<8192x128xf32, #tpu.memory_space<hbm>>) dst(%dma_wait3A_1371 : memref<128x128xf32, #tpu.memory_space<vmem>>)
    %scan3A_1378 = arith.constant 0 : i32
    %scan3A_1379 = arith.constant 0 : i32
    %scan3A_1380 = arith.constant 128 : i32
    %scan3A_1381 = arith.addi %scan3A_1379, %scan3A_1380 : i32
    %scan3A_1382 = arith.constant 1 : i32
    scf.for %scan3A_1438 = %scan3A_1379 to %scan3A_1381 step %scan3A_1382  : i32 {
      %get3A = arith.constant 1 : i32
      %get3A_1439 = arith.index_cast %get3A : i32 to index
      %get3A_1440 = arith.index_cast %scan3A_1438 : i32 to index
      %get3A_1441 = arith.constant 64 : index
      %get3A_1442 = tpu.vector_load %arg9[%get3A_1439, %get3A_1440, %get3A_1441] {strides = array<i32>} : memref<2x128x128xf32, #tpu.memory_space<vmem>>, vector<1x1x16xf32>,
      %get3A_1443 = vector.shape_cast %get3A_1442 : vector<1x1x16xf32> to vector<16xf32>
      %swap3A = arith.constant 1 : i32
      %swap3A_1444 = arith.index_cast %swap3A : i32 to index
      %swap3A_1445 = arith.index_cast %scan3A_1438 : i32 to index
      %swap3A_1446 = arith.constant 64 : index
      %swap3A_1447 = tpu.vector_load %arg8[%swap3A_1444, %swap3A_1445, %swap3A_1446] {strides = array<i32>} : memref<2x128x128xf32, #tpu.memory_space<vmem>>, vector<1x1x16xf32>,
      %swap3A_1448 = vector.shape_cast %swap3A_1447 : vector<1x1x16xf32> to vector<16xf32>
      %swap3A_1449 = vector.shape_cast %get3A_1443 : vector<16xf32> to vector<1x1x16xf32>
      tpu.vector_store %arg8[%swap3A_1444, %swap3A_1445, %swap3A_1446], %swap3A_1449 {strides = array<i32>} : memref<2x128x128xf32, #tpu.memory_space<vmem>>, vector<1x1x16xf32>,
      %get3A_1450 = arith.constant 1 : i32
      %get3A_1451 = arith.index_cast %get3A_1450 : i32 to index
      %get3A_1452 = arith.index_cast %scan3A_1438 : i32 to index
      %get3A_1453 = arith.constant 80 : index
      %get3A_1454 = tpu.vector_load %arg9[%get3A_1451, %get3A_1452, %get3A_1453] {strides = array<i32>} : memref<2x128x128xf32, #tpu.memory_space<vmem>>, vector<1x1x16xf32>,
      %get3A_1455 = vector.shape_cast %get3A_1454 : vector<1x1x16xf32> to vector<16xf32>
      %swap3A_1456 = arith.constant 1 : i32
      %swap3A_1457 = arith.index_cast %swap3A_1456 : i32 to index
      %swap3A_1458 = arith.index_cast %scan3A_1438 : i32 to index
      %swap3A_1459 = arith.constant 80 : index
      %swap3A_1460 = tpu.vector_load %arg8[%swap3A_1457, %swap3A_1458, %swap3A_1459] {strides = array<i32>} : memref<2x128x128xf32, #tpu.memory_space<vmem>>, vector<1x1x16xf32>,
      %swap3A_1461 = vector.shape_cast %swap3A_1460 : vector<1x1x16xf32> to vector<16xf32>
      %swap3A_1462 = vector.shape_cast %get3A_1455 : vector<16xf32> to vector<1x1x16xf32>
      tpu.vector_store %arg8[%swap3A_1457, %swap3A_1458, %swap3A_1459], %swap3A_1462 {strides = array<i32>} : memref<2x128x128xf32, #tpu.memory_space<vmem>>, vector<1x1x16xf32>,
      %get3A_1463 = arith.constant 1 : i32
      %get3A_1464 = arith.index_cast %get3A_1463 : i32 to index
      %get3A_1465 = arith.index_cast %scan3A_1438 : i32 to index
      %get3A_1466 = arith.constant 96 : index
      %get3A_1467 = tpu.vector_load %arg9[%get3A_1464, %get3A_1465, %get3A_1466] {strides = array<i32>} : memref<2x128x128xf32, #tpu.memory_space<vmem>>, vector<1x1x16xf32>,
      %get3A_1468 = vector.shape_cast %get3A_1467 : vector<1x1x16xf32> to vector<16xf32>
      %swap3A_1469 = arith.constant 1 : i32
      %swap3A_1470 = arith.index_cast %swap3A_1469 : i32 to index
      %swap3A_1471 = arith.index_cast %scan3A_1438 : i32 to index
      %swap3A_1472 = arith.constant 96 : index
      %swap3A_1473 = tpu.vector_load %arg8[%swap3A_1470, %swap3A_1471, %swap3A_1472] {strides = array<i32>} : memref<2x128x128xf32, #tpu.memory_space<vmem>>, vector<1x1x16xf32>,
      %swap3A_1474 = vector.shape_cast %swap3A_1473 : vector<1x1x16xf32> to vector<16xf32>
      %swap3A_1475 = vector.shape_cast %get3A_1468 : vector<16xf32> to vector<1x1x16xf32>
      tpu.vector_store %arg8[%swap3A_1470, %swap3A_1471, %swap3A_1472], %swap3A_1475 {strides = array<i32>} : memref<2x128x128xf32, #tpu.memory_space<vmem>>, vector<1x1x16xf32>,
      %get3A_1476 = arith.constant 1 : i32
      %get3A_1477 = arith.index_cast %get3A_1476 : i32 to index
      %get3A_1478 = arith.index_cast %scan3A_1438 : i32 to index
      %get3A_1479 = arith.constant 112 : index
      %get3A_1480 = tpu.vector_load %arg9[%get3A_1477, %get3A_1478, %get3A_1479] {strides = array<i32>} : memref<2x128x128xf32, #tpu.memory_space<vmem>>, vector<1x1x16xf32>,
      %get3A_1481 = vector.shape_cast %get3A_1480 : vector<1x1x16xf32> to vector<16xf32>
      %swap3A_1482 = arith.constant 1 : i32
      %swap3A_1483 = arith.index_cast %swap3A_1482 : i32 to index
      %swap3A_1484 = arith.index_cast %scan3A_1438 : i32 to index
      %swap3A_1485 = arith.constant 112 : index
      %swap3A_1486 = tpu.vector_load %arg8[%swap3A_1483, %swap3A_1484, %swap3A_1485] {strides = array<i32>} : memref<2x128x128xf32, #tpu.memory_space<vmem>>, vector<1x1x16xf32>,
      %swap3A_1487 = vector.shape_cast %swap3A_1486 : vector<1x1x16xf32> to vector<16xf32>
      %swap3A_1488 = vector.shape_cast %get3A_1481 : vector<16xf32> to vector<1x1x16xf32>
      tpu.vector_store %arg8[%swap3A_1483, %swap3A_1484, %swap3A_1485], %swap3A_1488 {strides = array<i32>} : memref<2x128x128xf32, #tpu.memory_space<vmem>>, vector<1x1x16xf32>,
    }
    %scan3A_1383 = arith.constant 128 : i32
    %dma_start3A_1384 = arith.constant 1 : i32
    %dma_start3A_1385 = arith.constant 15 : i32
    %dma_start3A_1386 = arith.constant 0 : i32
    %dma_start3A_1387 = arith.constant 0 : i32
    %dma_start3A_1388 = tpu.memref_slice %arg8[%dma_start3A_1384, %dma_start3A_1386, %dma_start3A_1387] : memref<2x128x128xf32, #tpu.memory_space<vmem>> -> memref<1x128x128xf32, #tpu.memory_space<vmem>>
    %dma_start3A_1389 = tpu.memref_squeeze %dma_start3A_1388 : memref<1x128x128xf32, #tpu.memory_space<vmem>> -> memref<128x128xf32, #tpu.memory_space<vmem>>
    %dma_start3A_1390 = arith.constant 0 : i32
    %dma_start3A_1391 = arith.constant 0 : i32
    %dma_start3A_1392 = tpu.memref_slice %arg5[%add3A, %dma_start3A_1385, %dma_start3A_1390, %dma_start3A_1391] : memref<32x16x128x128xf32, #tpu.memory_space<hbm>> -> memref<1x1x128x128xf32, #tpu.memory_space<hbm>>
    %dma_start3A_1393 = tpu.memref_squeeze %dma_start3A_1392 : memref<1x1x128x128xf32, #tpu.memory_space<hbm>> -> memref<128x128xf32, #tpu.memory_space<hbm>>
    %dma_start3A_1394 = arith.constant 0 : i32
    %dma_start3A_1395 = arith.constant 0 : i32
    %dma_start3A_1396 = tpu.memref_slice %arg5[%add3A, %dma_start3A_1385, %dma_start3A_1394, %dma_start3A_1395] : memref<32x16x128x128xf32, #tpu.memory_space<hbm>> -> memref<1x1x128x128xf32, #tpu.memory_space<hbm>>
    %dma_start3A_1397 = tpu.memref_squeeze %dma_start3A_1396 : memref<1x1x128x128xf32, #tpu.memory_space<hbm>> -> memref<128x128xf32, #tpu.memory_space<hbm>>
    %dma_start3A_1398 = arith.constant 0 : i32
    %dma_start3A_1399 = arith.constant 0 : i32
    %dma_start3A_1400 = tpu.memref_slice %arg8[%dma_start3A_1384, %dma_start3A_1398, %dma_start3A_1399] : memref<2x128x128xf32, #tpu.memory_space<vmem>> -> memref<1x128x128xf32, #tpu.memory_space<vmem>>
    %dma_start3A_1401 = tpu.memref_squeeze %dma_start3A_1400 : memref<1x128x128xf32, #tpu.memory_space<vmem>> -> memref<128x128xf32, #tpu.memory_space<vmem>>
    tpu.enqueue_dma source(%dma_start3A_1401 : memref<128x128xf32, #tpu.memory_space<vmem>>) target(%dma_start3A_1397 : memref<128x128xf32, #tpu.memory_space<hbm>>) target_semaphore(%arg15 : memref<!tpu.dma_semaphore, #tpu.memory_space<semaphore_mem>>)
    %dma_wait3A_1402 = arith.constant 0 : i32
    %dma_wait3A_1403 = arith.constant 14 : i32
    %dma_wait3A_1404 = arith.constant 0 : i32
    %dma_wait3A_1405 = arith.constant 0 : i32
    %dma_wait3A_1406 = tpu.memref_slice %arg8[%dma_wait3A_1402, %dma_wait3A_1404, %dma_wait3A_1405] : memref<2x128x128xf32, #tpu.memory_space<vmem>> -> memref<1x128x128xf32, #tpu.memory_space<vmem>>
    %dma_wait3A_1407 = tpu.memref_squeeze %dma_wait3A_1406 : memref<1x128x128xf32, #tpu.memory_space<vmem>> -> memref<128x128xf32, #tpu.memory_space<vmem>>
    %dma_wait3A_1408 = arith.constant 0 : i32
    %dma_wait3A_1409 = arith.constant 0 : i32
    %dma_wait3A_1410 = tpu.memref_slice %arg5[%add3A, %dma_wait3A_1403, %dma_wait3A_1408, %dma_wait3A_1409] : memref<32x16x128x128xf32, #tpu.memory_space<hbm>> -> memref<1x1x128x128xf32, #tpu.memory_space<hbm>>
    %dma_wait3A_1411 = tpu.memref_squeeze %dma_wait3A_1410 : memref<1x1x128x128xf32, #tpu.memory_space<hbm>> -> memref<128x128xf32, #tpu.memory_space<hbm>>
    %dma_wait3A_1412 = arith.constant 0 : i32
    %dma_wait3A_1413 = arith.constant 0 : i32
    %dma_wait3A_1414 = tpu.memref_slice %arg5[%add3A, %dma_wait3A_1403, %dma_wait3A_1412, %dma_wait3A_1413] : memref<32x16x128x128xf32, #tpu.memory_space<hbm>> -> memref<1x1x128x128xf32, #tpu.memory_space<hbm>>
    %dma_wait3A_1415 = tpu.memref_squeeze %dma_wait3A_1414 : memref<1x1x128x128xf32, #tpu.memory_space<hbm>> -> memref<128x128xf32, #tpu.memory_space<hbm>>
    %dma_wait3A_1416 = arith.constant 0 : i32
    %dma_wait3A_1417 = arith.constant 0 : i32
    %dma_wait3A_1418 = tpu.memref_slice %arg8[%dma_wait3A_1402, %dma_wait3A_1416, %dma_wait3A_1417] : memref<2x128x128xf32, #tpu.memory_space<vmem>> -> memref<1x128x128xf32, #tpu.memory_space<vmem>>
    %dma_wait3A_1419 = tpu.memref_squeeze %dma_wait3A_1418 : memref<1x128x128xf32, #tpu.memory_space<vmem>> -> memref<128x128xf32, #tpu.memory_space<vmem>>
    tpu.wait_dma2 semaphore(%arg14 : memref<!tpu.dma_semaphore, #tpu.memory_space<semaphore_mem>>) src(%dma_wait3A_1419 : memref<128x128xf32, #tpu.memory_space<vmem>>) dst(%dma_wait3A_1415 : memref<128x128xf32, #tpu.memory_space<hbm>>)
    %dma_wait3A_1420 = arith.constant 1 : i32
    %dma_wait3A_1421 = arith.constant 15 : i32
    %dma_wait3A_1422 = arith.constant 0 : i32
    %dma_wait3A_1423 = arith.constant 0 : i32
    %dma_wait3A_1424 = tpu.memref_slice %arg8[%dma_wait3A_1420, %dma_wait3A_1422, %dma_wait3A_1423] : memref<2x128x128xf32, #tpu.memory_space<vmem>> -> memref<1x128x128xf32, #tpu.memory_space<vmem>>
    %dma_wait3A_1425 = tpu.memref_squeeze %dma_wait3A_1424 : memref<1x128x128xf32, #tpu.memory_space<vmem>> -> memref<128x128xf32, #tpu.memory_space<vmem>>
    %dma_wait3A_1426 = arith.constant 0 : i32
    %dma_wait3A_1427 = arith.constant 0 : i32
    %dma_wait3A_1428 = tpu.memref_slice %arg5[%add3A, %dma_wait3A_1421, %dma_wait3A_1426, %dma_wait3A_1427] : memref<32x16x128x128xf32, #tpu.memory_space<hbm>> -> memref<1x1x128x128xf32, #tpu.memory_space<hbm>>
    %dma_wait3A_1429 = tpu.memref_squeeze %dma_wait3A_1428 : memref<1x1x128x128xf32, #tpu.memory_space<hbm>> -> memref<128x128xf32, #tpu.memory_space<hbm>>
    %dma_wait3A_1430 = arith.constant 0 : i32
    %dma_wait3A_1431 = arith.constant 0 : i32
    %dma_wait3A_1432 = tpu.memref_slice %arg5[%add3A, %dma_wait3A_1421, %dma_wait3A_1430, %dma_wait3A_1431] : memref<32x16x128x128xf32, #tpu.memory_space<hbm>> -> memref<1x1x128x128xf32, #tpu.memory_space<hbm>>
    %dma_wait3A_1433 = tpu.memref_squeeze %dma_wait3A_1432 : memref<1x1x128x128xf32, #tpu.memory_space<hbm>> -> memref<128x128xf32, #tpu.memory_space<hbm>>
    %dma_wait3A_1434 = arith.constant 0 : i32
    %dma_wait3A_1435 = arith.constant 0 : i32
    %dma_wait3A_1436 = tpu.memref_slice %arg8[%dma_wait3A_1420, %dma_wait3A_1434, %dma_wait3A_1435] : memref<2x128x128xf32, #tpu.memory_space<vmem>> -> memref<1x128x128xf32, #tpu.memory_space<vmem>>
    %dma_wait3A_1437 = tpu.memref_squeeze %dma_wait3A_1436 : memref<1x128x128xf32, #tpu.memory_space<vmem>> -> memref<128x128xf32, #tpu.memory_space<vmem>>
    tpu.wait_dma2 semaphore(%arg15 : memref<!tpu.dma_semaphore, #tpu.memory_space<semaphore_mem>>) src(%dma_wait3A_1437 : memref<128x128xf32, #tpu.memory_space<vmem>>) dst(%dma_wait3A_1433 : memref<128x128xf32, #tpu.memory_space<hbm>>)
    return
  }
}

module attributes {stable_mosaic.version = 14 : i64} {
  func.func @_pq_idx_kernel(%arg0: i32, %arg1: memref<1024x1024xf32, #tpu.memory_space<vmem>>, %arg2: memref<16x64x512xf32, #tpu.memory_space<vmem>>, %arg3: memref<1024x8xi32, #tpu.memory_space<vmem>>, %arg4: memref<1024x8xi32, #tpu.memory_space<vmem>>) attributes {dimension_semantics = [#tpu.dimension_semantics<arbitrary>], iteration_bounds = array<i64: 8>, scalar_prefetch = 0 : i64, scratch_operands = 0 : i64, tpu.core_type = #tpu.core_type<tc>, window_params = [{transform_indices = @transform_0, window_bounds = array<i64: 1024, 1024>}, {pipeline_mode = #tpu.pipeline_mode<synchronous>, transform_indices = @transform_1, window_bounds = array<i64: 16, 64, 512>}, {transform_indices = @transform_2, window_bounds = array<i64: 1024, 8>}, {transform_indices = @transform_3, window_bounds = array<i64: 1024, 8>}]} {
    %iota3A = tpu.iota {dimensions = array<i32: 1>} : vector<1024x512xi32>
    %convert_element_type3A = arith.sitofp %iota3A : vector<1024x512xi32> to vector<1024x512xf32>
    %get3A = arith.constant 0 : index
    %get3A_0 = arith.constant 0 : index
    %get3A_1 = vector.load %arg1[%get3A, %get3A_0] : memref<1024x1024xf32, #tpu.memory_space<vmem>>, vector<1024x64xf32>
    %get3A_2 = arith.constant 0 : index
    %get3A_3 = arith.constant 0 : index
    %get3A_4 = arith.constant 0 : index
    %get3A_5 = vector.load %arg2[%get3A_2, %get3A_3, %get3A_4] : memref<16x64x512xf32, #tpu.memory_space<vmem>>, vector<1x64x512xf32>
    %get3A_6 = vector.shape_cast %get3A_5 : vector<1x64x512xf32> to vector<64x512xf32>
    %mul3A = arith.mulf %get3A_6, %get3A_6 : vector<64x512xf32>
    %reduce_sum3A = arith.constant dense<0.000000e+00> : vector<512xf32>
    %reduce_sum3A_7 = vector.multi_reduction <add>, %mul3A, %reduce_sum3A [0] : vector<64x512xf32> to vector<512xf32>
    %mul3A_8 = arith.constant 2.500000e-01 : f32
    %mul3A_9 = vector.broadcast %mul3A_8 : f32 to vector<512xf32>
    %mul3A_10 = arith.mulf %mul3A_9, %reduce_sum3A_7 : vector<512xf32>
    %dot_general3A = arith.constant dense<0.000000e+00> : vector<1024x512xf32>
    %dot_general3A_11 = tpu.matmul %get3A_1, %get3A_6, %dot_general3A {dimension_numbers = #tpu.dot_dimension_numbers<[1], [0], [0], [1], [0, 0, 1, 1], [], []>, transpose_lhs_hint = false} : vector<1024x64xf32>, vector<64x512xf32>, vector<1024x512xf32> -> vector<1024x512xf32>
    %broadcast_in_dim3A = vector.shape_cast %mul3A_10 : vector<512xf32> to vector<1x512xf32>
    %add3A = vector.broadcast %broadcast_in_dim3A : vector<1x512xf32> to vector<1024x512xf32>
    %add3A_12 = arith.addf %add3A, %dot_general3A_11 : vector<1024x512xf32>
    %reduce_min3A = arith.constant dense<0x7F800000> : vector<1024xf32>
    %reduce_min3A_13 = vector.multi_reduction <minimumf>, %add3A_12, %reduce_min3A [1] : vector<1024x512xf32> to vector<1024xf32>
    %broadcast_in_dim3A_14 = vector.shape_cast %reduce_min3A_13 : vector<1024xf32> to vector<1024x1xf32>
    %eq3A = vector.broadcast %broadcast_in_dim3A_14 : vector<1024x1xf32> to vector<1024x512xf32>
    %eq3A_15 = arith.cmpf oeq, %add3A_12, %eq3A : vector<1024x512xf32>
    %jit3A = arith.constant 5.120000e+02 : f32
    %broadcast_in_dim3A_16 = vector.broadcast %jit3A : f32 to vector<1024x512xf32>
    %select_n3A = arith.select %eq3A_15, %convert_element_type3A, %broadcast_in_dim3A_16 : vector<1024x512xi1>, vector<1024x512xf32>
    %reduce_min3A_17 = arith.constant dense<0x7F800000> : vector<1024xf32>
    %reduce_min3A_18 = vector.multi_reduction <minimumf>, %select_n3A, %reduce_min3A_17 [1] : vector<1024x512xf32> to vector<1024xf32>
    %broadcast_in_dim3A_19 = vector.shape_cast %reduce_min3A_18 : vector<1024xf32> to vector<1024x1xf32>
    %convert_element_type3A_20 = arith.fptosi %broadcast_in_dim3A_19 : vector<1024x1xf32> to vector<1024x1xi32>
    %add3A_21 = arith.constant 0 : i32
    %add3A_22 = vector.broadcast %add3A_21 : i32 to vector<1024x1xi32>
    %add3A_23 = arith.addi %convert_element_type3A_20, %add3A_22 : vector<1024x1xi32>
    %swap3A = arith.constant 0 : index
    %swap3A_24 = arith.constant 0 : index
    %swap3A_25 = vector.load %arg3[%swap3A, %swap3A_24] : memref<1024x8xi32, #tpu.memory_space<vmem>>, vector<1024x1xi32>
    tpu.vector_store %arg3[%swap3A, %swap3A_24], %add3A_23 {strides = array<i32>} : memref<1024x8xi32, #tpu.memory_space<vmem>>, vector<1024x1xi32>,
    %get3A_26 = arith.constant 0 : index
    %get3A_27 = arith.constant 64 : index
    %get3A_28 = vector.load %arg1[%get3A_26, %get3A_27] : memref<1024x1024xf32, #tpu.memory_space<vmem>>, vector<1024x64xf32>
    %get3A_29 = arith.constant 1 : index
    %get3A_30 = arith.constant 0 : index
    %get3A_31 = arith.constant 0 : index
    %get3A_32 = vector.load %arg2[%get3A_29, %get3A_30, %get3A_31] : memref<16x64x512xf32, #tpu.memory_space<vmem>>, vector<1x64x512xf32>
    %get3A_33 = vector.shape_cast %get3A_32 : vector<1x64x512xf32> to vector<64x512xf32>
    %mul3A_34 = arith.mulf %get3A_33, %get3A_33 : vector<64x512xf32>
    %reduce_sum3A_35 = arith.constant dense<0.000000e+00> : vector<512xf32>
    %reduce_sum3A_36 = vector.multi_reduction <add>, %mul3A_34, %reduce_sum3A_35 [0] : vector<64x512xf32> to vector<512xf32>
    %mul3A_37 = arith.constant 2.500000e-01 : f32
    %mul3A_38 = vector.broadcast %mul3A_37 : f32 to vector<512xf32>
    %mul3A_39 = arith.mulf %mul3A_38, %reduce_sum3A_36 : vector<512xf32>
    %dot_general3A_40 = arith.constant dense<0.000000e+00> : vector<1024x512xf32>
    %dot_general3A_41 = tpu.matmul %get3A_28, %get3A_33, %dot_general3A_40 {dimension_numbers = #tpu.dot_dimension_numbers<[1], [0], [0], [1], [0, 0, 1, 1], [], []>, transpose_lhs_hint = false} : vector<1024x64xf32>, vector<64x512xf32>, vector<1024x512xf32> -> vector<1024x512xf32>
    %broadcast_in_dim3A_42 = vector.shape_cast %mul3A_39 : vector<512xf32> to vector<1x512xf32>
    %add3A_43 = vector.broadcast %broadcast_in_dim3A_42 : vector<1x512xf32> to vector<1024x512xf32>
    %add3A_44 = arith.addf %add3A_43, %dot_general3A_41 : vector<1024x512xf32>
    %reduce_min3A_45 = arith.constant dense<0x7F800000> : vector<1024xf32>
    %reduce_min3A_46 = vector.multi_reduction <minimumf>, %add3A_44, %reduce_min3A_45 [1] : vector<1024x512xf32> to vector<1024xf32>
    %broadcast_in_dim3A_47 = vector.shape_cast %reduce_min3A_46 : vector<1024xf32> to vector<1024x1xf32>
    %eq3A_48 = vector.broadcast %broadcast_in_dim3A_47 : vector<1024x1xf32> to vector<1024x512xf32>
    %eq3A_49 = arith.cmpf oeq, %add3A_44, %eq3A_48 : vector<1024x512xf32>
    %jit3A_50 = arith.constant 5.120000e+02 : f32
    %broadcast_in_dim3A_51 = vector.broadcast %jit3A_50 : f32 to vector<1024x512xf32>
    %select_n3A_52 = arith.select %eq3A_49, %convert_element_type3A, %broadcast_in_dim3A_51 : vector<1024x512xi1>, vector<1024x512xf32>
    %reduce_min3A_53 = arith.constant dense<0x7F800000> : vector<1024xf32>
    %reduce_min3A_54 = vector.multi_reduction <minimumf>, %select_n3A_52, %reduce_min3A_53 [1] : vector<1024x512xf32> to vector<1024xf32>
    %broadcast_in_dim3A_55 = vector.shape_cast %reduce_min3A_54 : vector<1024xf32> to vector<1024x1xf32>
    %convert_element_type3A_56 = arith.fptosi %broadcast_in_dim3A_55 : vector<1024x1xf32> to vector<1024x1xi32>
    %add3A_57 = arith.constant 512 : i32
    %add3A_58 = vector.broadcast %add3A_57 : i32 to vector<1024x1xi32>
    %add3A_59 = arith.addi %convert_element_type3A_56, %add3A_58 : vector<1024x1xi32>
    %swap3A_60 = arith.constant 0 : index
    %swap3A_61 = arith.constant 0 : index
    %swap3A_62 = vector.load %arg4[%swap3A_60, %swap3A_61] : memref<1024x8xi32, #tpu.memory_space<vmem>>, vector<1024x1xi32>
    tpu.vector_store %arg4[%swap3A_60, %swap3A_61], %add3A_59 {strides = array<i32>} : memref<1024x8xi32, #tpu.memory_space<vmem>>, vector<1024x1xi32>,
    %get3A_63 = arith.constant 0 : index
    %get3A_64 = arith.constant 128 : index
    %get3A_65 = vector.load %arg1[%get3A_63, %get3A_64] : memref<1024x1024xf32, #tpu.memory_space<vmem>>, vector<1024x64xf32>
    %get3A_66 = arith.constant 2 : index
    %get3A_67 = arith.constant 0 : index
    %get3A_68 = arith.constant 0 : index
    %get3A_69 = vector.load %arg2[%get3A_66, %get3A_67, %get3A_68] : memref<16x64x512xf32, #tpu.memory_space<vmem>>, vector<1x64x512xf32>
    %get3A_70 = vector.shape_cast %get3A_69 : vector<1x64x512xf32> to vector<64x512xf32>
    %mul3A_71 = arith.mulf %get3A_70, %get3A_70 : vector<64x512xf32>
    %reduce_sum3A_72 = arith.constant dense<0.000000e+00> : vector<512xf32>
    %reduce_sum3A_73 = vector.multi_reduction <add>, %mul3A_71, %reduce_sum3A_72 [0] : vector<64x512xf32> to vector<512xf32>
    %mul3A_74 = arith.constant 2.500000e-01 : f32
    %mul3A_75 = vector.broadcast %mul3A_74 : f32 to vector<512xf32>
    %mul3A_76 = arith.mulf %mul3A_75, %reduce_sum3A_73 : vector<512xf32>
    %dot_general3A_77 = arith.constant dense<0.000000e+00> : vector<1024x512xf32>
    %dot_general3A_78 = tpu.matmul %get3A_65, %get3A_70, %dot_general3A_77 {dimension_numbers = #tpu.dot_dimension_numbers<[1], [0], [0], [1], [0, 0, 1, 1], [], []>, transpose_lhs_hint = false} : vector<1024x64xf32>, vector<64x512xf32>, vector<1024x512xf32> -> vector<1024x512xf32>
    %broadcast_in_dim3A_79 = vector.shape_cast %mul3A_76 : vector<512xf32> to vector<1x512xf32>
    %add3A_80 = vector.broadcast %broadcast_in_dim3A_79 : vector<1x512xf32> to vector<1024x512xf32>
    %add3A_81 = arith.addf %add3A_80, %dot_general3A_78 : vector<1024x512xf32>
    %reduce_min3A_82 = arith.constant dense<0x7F800000> : vector<1024xf32>
    %reduce_min3A_83 = vector.multi_reduction <minimumf>, %add3A_81, %reduce_min3A_82 [1] : vector<1024x512xf32> to vector<1024xf32>
    %broadcast_in_dim3A_84 = vector.shape_cast %reduce_min3A_83 : vector<1024xf32> to vector<1024x1xf32>
    %eq3A_85 = vector.broadcast %broadcast_in_dim3A_84 : vector<1024x1xf32> to vector<1024x512xf32>
    %eq3A_86 = arith.cmpf oeq, %add3A_81, %eq3A_85 : vector<1024x512xf32>
    %jit3A_87 = arith.constant 5.120000e+02 : f32
    %broadcast_in_dim3A_88 = vector.broadcast %jit3A_87 : f32 to vector<1024x512xf32>
    %select_n3A_89 = arith.select %eq3A_86, %convert_element_type3A, %broadcast_in_dim3A_88 : vector<1024x512xi1>, vector<1024x512xf32>
    %reduce_min3A_90 = arith.constant dense<0x7F800000> : vector<1024xf32>
    %reduce_min3A_91 = vector.multi_reduction <minimumf>, %select_n3A_89, %reduce_min3A_90 [1] : vector<1024x512xf32> to vector<1024xf32>
    %broadcast_in_dim3A_92 = vector.shape_cast %reduce_min3A_91 : vector<1024xf32> to vector<1024x1xf32>
    %convert_element_type3A_93 = arith.fptosi %broadcast_in_dim3A_92 : vector<1024x1xf32> to vector<1024x1xi32>
    %add3A_94 = arith.constant 1024 : i32
    %add3A_95 = vector.broadcast %add3A_94 : i32 to vector<1024x1xi32>
    %add3A_96 = arith.addi %convert_element_type3A_93, %add3A_95 : vector<1024x1xi32>
    %swap3A_97 = arith.constant 0 : index
    %swap3A_98 = arith.constant 1 : index
    %swap3A_99 = vector.load %arg3[%swap3A_97, %swap3A_98] : memref<1024x8xi32, #tpu.memory_space<vmem>>, vector<1024x1xi32>
    tpu.vector_store %arg3[%swap3A_97, %swap3A_98], %add3A_96 {strides = array<i32>} : memref<1024x8xi32, #tpu.memory_space<vmem>>, vector<1024x1xi32>,
    %get3A_100 = arith.constant 0 : index
    %get3A_101 = arith.constant 192 : index
    %get3A_102 = vector.load %arg1[%get3A_100, %get3A_101] : memref<1024x1024xf32, #tpu.memory_space<vmem>>, vector<1024x64xf32>
    %get3A_103 = arith.constant 3 : index
    %get3A_104 = arith.constant 0 : index
    %get3A_105 = arith.constant 0 : index
    %get3A_106 = vector.load %arg2[%get3A_103, %get3A_104, %get3A_105] : memref<16x64x512xf32, #tpu.memory_space<vmem>>, vector<1x64x512xf32>
    %get3A_107 = vector.shape_cast %get3A_106 : vector<1x64x512xf32> to vector<64x512xf32>
    %mul3A_108 = arith.mulf %get3A_107, %get3A_107 : vector<64x512xf32>
    %reduce_sum3A_109 = arith.constant dense<0.000000e+00> : vector<512xf32>
    %reduce_sum3A_110 = vector.multi_reduction <add>, %mul3A_108, %reduce_sum3A_109 [0] : vector<64x512xf32> to vector<512xf32>
    %mul3A_111 = arith.constant 2.500000e-01 : f32
    %mul3A_112 = vector.broadcast %mul3A_111 : f32 to vector<512xf32>
    %mul3A_113 = arith.mulf %mul3A_112, %reduce_sum3A_110 : vector<512xf32>
    %dot_general3A_114 = arith.constant dense<0.000000e+00> : vector<1024x512xf32>
    %dot_general3A_115 = tpu.matmul %get3A_102, %get3A_107, %dot_general3A_114 {dimension_numbers = #tpu.dot_dimension_numbers<[1], [0], [0], [1], [0, 0, 1, 1], [], []>, transpose_lhs_hint = false} : vector<1024x64xf32>, vector<64x512xf32>, vector<1024x512xf32> -> vector<1024x512xf32>
    %broadcast_in_dim3A_116 = vector.shape_cast %mul3A_113 : vector<512xf32> to vector<1x512xf32>
    %add3A_117 = vector.broadcast %broadcast_in_dim3A_116 : vector<1x512xf32> to vector<1024x512xf32>
    %add3A_118 = arith.addf %add3A_117, %dot_general3A_115 : vector<1024x512xf32>
    %reduce_min3A_119 = arith.constant dense<0x7F800000> : vector<1024xf32>
    %reduce_min3A_120 = vector.multi_reduction <minimumf>, %add3A_118, %reduce_min3A_119 [1] : vector<1024x512xf32> to vector<1024xf32>
    %broadcast_in_dim3A_121 = vector.shape_cast %reduce_min3A_120 : vector<1024xf32> to vector<1024x1xf32>
    %eq3A_122 = vector.broadcast %broadcast_in_dim3A_121 : vector<1024x1xf32> to vector<1024x512xf32>
    %eq3A_123 = arith.cmpf oeq, %add3A_118, %eq3A_122 : vector<1024x512xf32>
    %jit3A_124 = arith.constant 5.120000e+02 : f32
    %broadcast_in_dim3A_125 = vector.broadcast %jit3A_124 : f32 to vector<1024x512xf32>
    %select_n3A_126 = arith.select %eq3A_123, %convert_element_type3A, %broadcast_in_dim3A_125 : vector<1024x512xi1>, vector<1024x512xf32>
    %reduce_min3A_127 = arith.constant dense<0x7F800000> : vector<1024xf32>
    %reduce_min3A_128 = vector.multi_reduction <minimumf>, %select_n3A_126, %reduce_min3A_127 [1] : vector<1024x512xf32> to vector<1024xf32>
    %broadcast_in_dim3A_129 = vector.shape_cast %reduce_min3A_128 : vector<1024xf32> to vector<1024x1xf32>
    %convert_element_type3A_130 = arith.fptosi %broadcast_in_dim3A_129 : vector<1024x1xf32> to vector<1024x1xi32>
    %add3A_131 = arith.constant 1536 : i32
    %add3A_132 = vector.broadcast %add3A_131 : i32 to vector<1024x1xi32>
    %add3A_133 = arith.addi %convert_element_type3A_130, %add3A_132 : vector<1024x1xi32>
    %swap3A_134 = arith.constant 0 : index
    %swap3A_135 = arith.constant 1 : index
    %swap3A_136 = vector.load %arg4[%swap3A_134, %swap3A_135] : memref<1024x8xi32, #tpu.memory_space<vmem>>, vector<1024x1xi32>
    tpu.vector_store %arg4[%swap3A_134, %swap3A_135], %add3A_133 {strides = array<i32>} : memref<1024x8xi32, #tpu.memory_space<vmem>>, vector<1024x1xi32>,
    %get3A_137 = arith.constant 0 : index
    %get3A_138 = arith.constant 256 : index
    %get3A_139 = vector.load %arg1[%get3A_137, %get3A_138] : memref<1024x1024xf32, #tpu.memory_space<vmem>>, vector<1024x64xf32>
    %get3A_140 = arith.constant 4 : index
    %get3A_141 = arith.constant 0 : index
    %get3A_142 = arith.constant 0 : index
    %get3A_143 = vector.load %arg2[%get3A_140, %get3A_141, %get3A_142] : memref<16x64x512xf32, #tpu.memory_space<vmem>>, vector<1x64x512xf32>
    %get3A_144 = vector.shape_cast %get3A_143 : vector<1x64x512xf32> to vector<64x512xf32>
    %mul3A_145 = arith.mulf %get3A_144, %get3A_144 : vector<64x512xf32>
    %reduce_sum3A_146 = arith.constant dense<0.000000e+00> : vector<512xf32>
    %reduce_sum3A_147 = vector.multi_reduction <add>, %mul3A_145, %reduce_sum3A_146 [0] : vector<64x512xf32> to vector<512xf32>
    %mul3A_148 = arith.constant 2.500000e-01 : f32
    %mul3A_149 = vector.broadcast %mul3A_148 : f32 to vector<512xf32>
    %mul3A_150 = arith.mulf %mul3A_149, %reduce_sum3A_147 : vector<512xf32>
    %dot_general3A_151 = arith.constant dense<0.000000e+00> : vector<1024x512xf32>
    %dot_general3A_152 = tpu.matmul %get3A_139, %get3A_144, %dot_general3A_151 {dimension_numbers = #tpu.dot_dimension_numbers<[1], [0], [0], [1], [0, 0, 1, 1], [], []>, transpose_lhs_hint = false} : vector<1024x64xf32>, vector<64x512xf32>, vector<1024x512xf32> -> vector<1024x512xf32>
    %broadcast_in_dim3A_153 = vector.shape_cast %mul3A_150 : vector<512xf32> to vector<1x512xf32>
    %add3A_154 = vector.broadcast %broadcast_in_dim3A_153 : vector<1x512xf32> to vector<1024x512xf32>
    %add3A_155 = arith.addf %add3A_154, %dot_general3A_152 : vector<1024x512xf32>
    %reduce_min3A_156 = arith.constant dense<0x7F800000> : vector<1024xf32>
    %reduce_min3A_157 = vector.multi_reduction <minimumf>, %add3A_155, %reduce_min3A_156 [1] : vector<1024x512xf32> to vector<1024xf32>
    %broadcast_in_dim3A_158 = vector.shape_cast %reduce_min3A_157 : vector<1024xf32> to vector<1024x1xf32>
    %eq3A_159 = vector.broadcast %broadcast_in_dim3A_158 : vector<1024x1xf32> to vector<1024x512xf32>
    %eq3A_160 = arith.cmpf oeq, %add3A_155, %eq3A_159 : vector<1024x512xf32>
    %jit3A_161 = arith.constant 5.120000e+02 : f32
    %broadcast_in_dim3A_162 = vector.broadcast %jit3A_161 : f32 to vector<1024x512xf32>
    %select_n3A_163 = arith.select %eq3A_160, %convert_element_type3A, %broadcast_in_dim3A_162 : vector<1024x512xi1>, vector<1024x512xf32>
    %reduce_min3A_164 = arith.constant dense<0x7F800000> : vector<1024xf32>
    %reduce_min3A_165 = vector.multi_reduction <minimumf>, %select_n3A_163, %reduce_min3A_164 [1] : vector<1024x512xf32> to vector<1024xf32>
    %broadcast_in_dim3A_166 = vector.shape_cast %reduce_min3A_165 : vector<1024xf32> to vector<1024x1xf32>
    %convert_element_type3A_167 = arith.fptosi %broadcast_in_dim3A_166 : vector<1024x1xf32> to vector<1024x1xi32>
    %add3A_168 = arith.constant 2048 : i32
    %add3A_169 = vector.broadcast %add3A_168 : i32 to vector<1024x1xi32>
    %add3A_170 = arith.addi %convert_element_type3A_167, %add3A_169 : vector<1024x1xi32>
    %swap3A_171 = arith.constant 0 : index
    %swap3A_172 = arith.constant 2 : index
    %swap3A_173 = vector.load %arg3[%swap3A_171, %swap3A_172] : memref<1024x8xi32, #tpu.memory_space<vmem>>, vector<1024x1xi32>
    tpu.vector_store %arg3[%swap3A_171, %swap3A_172], %add3A_170 {strides = array<i32>} : memref<1024x8xi32, #tpu.memory_space<vmem>>, vector<1024x1xi32>,
    %get3A_174 = arith.constant 0 : index
    %get3A_175 = arith.constant 320 : index
    %get3A_176 = vector.load %arg1[%get3A_174, %get3A_175] : memref<1024x1024xf32, #tpu.memory_space<vmem>>, vector<1024x64xf32>
    %get3A_177 = arith.constant 5 : index
    %get3A_178 = arith.constant 0 : index
    %get3A_179 = arith.constant 0 : index
    %get3A_180 = vector.load %arg2[%get3A_177, %get3A_178, %get3A_179] : memref<16x64x512xf32, #tpu.memory_space<vmem>>, vector<1x64x512xf32>
    %get3A_181 = vector.shape_cast %get3A_180 : vector<1x64x512xf32> to vector<64x512xf32>
    %mul3A_182 = arith.mulf %get3A_181, %get3A_181 : vector<64x512xf32>
    %reduce_sum3A_183 = arith.constant dense<0.000000e+00> : vector<512xf32>
    %reduce_sum3A_184 = vector.multi_reduction <add>, %mul3A_182, %reduce_sum3A_183 [0] : vector<64x512xf32> to vector<512xf32>
    %mul3A_185 = arith.constant 2.500000e-01 : f32
    %mul3A_186 = vector.broadcast %mul3A_185 : f32 to vector<512xf32>
    %mul3A_187 = arith.mulf %mul3A_186, %reduce_sum3A_184 : vector<512xf32>
    %dot_general3A_188 = arith.constant dense<0.000000e+00> : vector<1024x512xf32>
    %dot_general3A_189 = tpu.matmul %get3A_176, %get3A_181, %dot_general3A_188 {dimension_numbers = #tpu.dot_dimension_numbers<[1], [0], [0], [1], [0, 0, 1, 1], [], []>, transpose_lhs_hint = false} : vector<1024x64xf32>, vector<64x512xf32>, vector<1024x512xf32> -> vector<1024x512xf32>
    %broadcast_in_dim3A_190 = vector.shape_cast %mul3A_187 : vector<512xf32> to vector<1x512xf32>
    %add3A_191 = vector.broadcast %broadcast_in_dim3A_190 : vector<1x512xf32> to vector<1024x512xf32>
    %add3A_192 = arith.addf %add3A_191, %dot_general3A_189 : vector<1024x512xf32>
    %reduce_min3A_193 = arith.constant dense<0x7F800000> : vector<1024xf32>
    %reduce_min3A_194 = vector.multi_reduction <minimumf>, %add3A_192, %reduce_min3A_193 [1] : vector<1024x512xf32> to vector<1024xf32>
    %broadcast_in_dim3A_195 = vector.shape_cast %reduce_min3A_194 : vector<1024xf32> to vector<1024x1xf32>
    %eq3A_196 = vector.broadcast %broadcast_in_dim3A_195 : vector<1024x1xf32> to vector<1024x512xf32>
    %eq3A_197 = arith.cmpf oeq, %add3A_192, %eq3A_196 : vector<1024x512xf32>
    %jit3A_198 = arith.constant 5.120000e+02 : f32
    %broadcast_in_dim3A_199 = vector.broadcast %jit3A_198 : f32 to vector<1024x512xf32>
    %select_n3A_200 = arith.select %eq3A_197, %convert_element_type3A, %broadcast_in_dim3A_199 : vector<1024x512xi1>, vector<1024x512xf32>
    %reduce_min3A_201 = arith.constant dense<0x7F800000> : vector<1024xf32>
    %reduce_min3A_202 = vector.multi_reduction <minimumf>, %select_n3A_200, %reduce_min3A_201 [1] : vector<1024x512xf32> to vector<1024xf32>
    %broadcast_in_dim3A_203 = vector.shape_cast %reduce_min3A_202 : vector<1024xf32> to vector<1024x1xf32>
    %convert_element_type3A_204 = arith.fptosi %broadcast_in_dim3A_203 : vector<1024x1xf32> to vector<1024x1xi32>
    %add3A_205 = arith.constant 2560 : i32
    %add3A_206 = vector.broadcast %add3A_205 : i32 to vector<1024x1xi32>
    %add3A_207 = arith.addi %convert_element_type3A_204, %add3A_206 : vector<1024x1xi32>
    %swap3A_208 = arith.constant 0 : index
    %swap3A_209 = arith.constant 2 : index
    %swap3A_210 = vector.load %arg4[%swap3A_208, %swap3A_209] : memref<1024x8xi32, #tpu.memory_space<vmem>>, vector<1024x1xi32>
    tpu.vector_store %arg4[%swap3A_208, %swap3A_209], %add3A_207 {strides = array<i32>} : memref<1024x8xi32, #tpu.memory_space<vmem>>, vector<1024x1xi32>,
    %get3A_211 = arith.constant 0 : index
    %get3A_212 = arith.constant 384 : index
    %get3A_213 = vector.load %arg1[%get3A_211, %get3A_212] : memref<1024x1024xf32, #tpu.memory_space<vmem>>, vector<1024x64xf32>
    %get3A_214 = arith.constant 6 : index
    %get3A_215 = arith.constant 0 : index
    %get3A_216 = arith.constant 0 : index
    %get3A_217 = vector.load %arg2[%get3A_214, %get3A_215, %get3A_216] : memref<16x64x512xf32, #tpu.memory_space<vmem>>, vector<1x64x512xf32>
    %get3A_218 = vector.shape_cast %get3A_217 : vector<1x64x512xf32> to vector<64x512xf32>
    %mul3A_219 = arith.mulf %get3A_218, %get3A_218 : vector<64x512xf32>
    %reduce_sum3A_220 = arith.constant dense<0.000000e+00> : vector<512xf32>
    %reduce_sum3A_221 = vector.multi_reduction <add>, %mul3A_219, %reduce_sum3A_220 [0] : vector<64x512xf32> to vector<512xf32>
    %mul3A_222 = arith.constant 2.500000e-01 : f32
    %mul3A_223 = vector.broadcast %mul3A_222 : f32 to vector<512xf32>
    %mul3A_224 = arith.mulf %mul3A_223, %reduce_sum3A_221 : vector<512xf32>
    %dot_general3A_225 = arith.constant dense<0.000000e+00> : vector<1024x512xf32>
    %dot_general3A_226 = tpu.matmul %get3A_213, %get3A_218, %dot_general3A_225 {dimension_numbers = #tpu.dot_dimension_numbers<[1], [0], [0], [1], [0, 0, 1, 1], [], []>, transpose_lhs_hint = false} : vector<1024x64xf32>, vector<64x512xf32>, vector<1024x512xf32> -> vector<1024x512xf32>
    %broadcast_in_dim3A_227 = vector.shape_cast %mul3A_224 : vector<512xf32> to vector<1x512xf32>
    %add3A_228 = vector.broadcast %broadcast_in_dim3A_227 : vector<1x512xf32> to vector<1024x512xf32>
    %add3A_229 = arith.addf %add3A_228, %dot_general3A_226 : vector<1024x512xf32>
    %reduce_min3A_230 = arith.constant dense<0x7F800000> : vector<1024xf32>
    %reduce_min3A_231 = vector.multi_reduction <minimumf>, %add3A_229, %reduce_min3A_230 [1] : vector<1024x512xf32> to vector<1024xf32>
    %broadcast_in_dim3A_232 = vector.shape_cast %reduce_min3A_231 : vector<1024xf32> to vector<1024x1xf32>
    %eq3A_233 = vector.broadcast %broadcast_in_dim3A_232 : vector<1024x1xf32> to vector<1024x512xf32>
    %eq3A_234 = arith.cmpf oeq, %add3A_229, %eq3A_233 : vector<1024x512xf32>
    %jit3A_235 = arith.constant 5.120000e+02 : f32
    %broadcast_in_dim3A_236 = vector.broadcast %jit3A_235 : f32 to vector<1024x512xf32>
    %select_n3A_237 = arith.select %eq3A_234, %convert_element_type3A, %broadcast_in_dim3A_236 : vector<1024x512xi1>, vector<1024x512xf32>
    %reduce_min3A_238 = arith.constant dense<0x7F800000> : vector<1024xf32>
    %reduce_min3A_239 = vector.multi_reduction <minimumf>, %select_n3A_237, %reduce_min3A_238 [1] : vector<1024x512xf32> to vector<1024xf32>
    %broadcast_in_dim3A_240 = vector.shape_cast %reduce_min3A_239 : vector<1024xf32> to vector<1024x1xf32>
    %convert_element_type3A_241 = arith.fptosi %broadcast_in_dim3A_240 : vector<1024x1xf32> to vector<1024x1xi32>
    %add3A_242 = arith.constant 3072 : i32
    %add3A_243 = vector.broadcast %add3A_242 : i32 to vector<1024x1xi32>
    %add3A_244 = arith.addi %convert_element_type3A_241, %add3A_243 : vector<1024x1xi32>
    %swap3A_245 = arith.constant 0 : index
    %swap3A_246 = arith.constant 3 : index
    %swap3A_247 = vector.load %arg3[%swap3A_245, %swap3A_246] : memref<1024x8xi32, #tpu.memory_space<vmem>>, vector<1024x1xi32>
    tpu.vector_store %arg3[%swap3A_245, %swap3A_246], %add3A_244 {strides = array<i32>} : memref<1024x8xi32, #tpu.memory_space<vmem>>, vector<1024x1xi32>,
    %get3A_248 = arith.constant 0 : index
    %get3A_249 = arith.constant 448 : index
    %get3A_250 = vector.load %arg1[%get3A_248, %get3A_249] : memref<1024x1024xf32, #tpu.memory_space<vmem>>, vector<1024x64xf32>
    %get3A_251 = arith.constant 7 : index
    %get3A_252 = arith.constant 0 : index
    %get3A_253 = arith.constant 0 : index
    %get3A_254 = vector.load %arg2[%get3A_251, %get3A_252, %get3A_253] : memref<16x64x512xf32, #tpu.memory_space<vmem>>, vector<1x64x512xf32>
    %get3A_255 = vector.shape_cast %get3A_254 : vector<1x64x512xf32> to vector<64x512xf32>
    %mul3A_256 = arith.mulf %get3A_255, %get3A_255 : vector<64x512xf32>
    %reduce_sum3A_257 = arith.constant dense<0.000000e+00> : vector<512xf32>
    %reduce_sum3A_258 = vector.multi_reduction <add>, %mul3A_256, %reduce_sum3A_257 [0] : vector<64x512xf32> to vector<512xf32>
    %mul3A_259 = arith.constant 2.500000e-01 : f32
    %mul3A_260 = vector.broadcast %mul3A_259 : f32 to vector<512xf32>
    %mul3A_261 = arith.mulf %mul3A_260, %reduce_sum3A_258 : vector<512xf32>
    %dot_general3A_262 = arith.constant dense<0.000000e+00> : vector<1024x512xf32>
    %dot_general3A_263 = tpu.matmul %get3A_250, %get3A_255, %dot_general3A_262 {dimension_numbers = #tpu.dot_dimension_numbers<[1], [0], [0], [1], [0, 0, 1, 1], [], []>, transpose_lhs_hint = false} : vector<1024x64xf32>, vector<64x512xf32>, vector<1024x512xf32> -> vector<1024x512xf32>
    %broadcast_in_dim3A_264 = vector.shape_cast %mul3A_261 : vector<512xf32> to vector<1x512xf32>
    %add3A_265 = vector.broadcast %broadcast_in_dim3A_264 : vector<1x512xf32> to vector<1024x512xf32>
    %add3A_266 = arith.addf %add3A_265, %dot_general3A_263 : vector<1024x512xf32>
    %reduce_min3A_267 = arith.constant dense<0x7F800000> : vector<1024xf32>
    %reduce_min3A_268 = vector.multi_reduction <minimumf>, %add3A_266, %reduce_min3A_267 [1] : vector<1024x512xf32> to vector<1024xf32>
    %broadcast_in_dim3A_269 = vector.shape_cast %reduce_min3A_268 : vector<1024xf32> to vector<1024x1xf32>
    %eq3A_270 = vector.broadcast %broadcast_in_dim3A_269 : vector<1024x1xf32> to vector<1024x512xf32>
    %eq3A_271 = arith.cmpf oeq, %add3A_266, %eq3A_270 : vector<1024x512xf32>
    %jit3A_272 = arith.constant 5.120000e+02 : f32
    %broadcast_in_dim3A_273 = vector.broadcast %jit3A_272 : f32 to vector<1024x512xf32>
    %select_n3A_274 = arith.select %eq3A_271, %convert_element_type3A, %broadcast_in_dim3A_273 : vector<1024x512xi1>, vector<1024x512xf32>
    %reduce_min3A_275 = arith.constant dense<0x7F800000> : vector<1024xf32>
    %reduce_min3A_276 = vector.multi_reduction <minimumf>, %select_n3A_274, %reduce_min3A_275 [1] : vector<1024x512xf32> to vector<1024xf32>
    %broadcast_in_dim3A_277 = vector.shape_cast %reduce_min3A_276 : vector<1024xf32> to vector<1024x1xf32>
    %convert_element_type3A_278 = arith.fptosi %broadcast_in_dim3A_277 : vector<1024x1xf32> to vector<1024x1xi32>
    %add3A_279 = arith.constant 3584 : i32
    %add3A_280 = vector.broadcast %add3A_279 : i32 to vector<1024x1xi32>
    %add3A_281 = arith.addi %convert_element_type3A_278, %add3A_280 : vector<1024x1xi32>
    %swap3A_282 = arith.constant 0 : index
    %swap3A_283 = arith.constant 3 : index
    %swap3A_284 = vector.load %arg4[%swap3A_282, %swap3A_283] : memref<1024x8xi32, #tpu.memory_space<vmem>>, vector<1024x1xi32>
    tpu.vector_store %arg4[%swap3A_282, %swap3A_283], %add3A_281 {strides = array<i32>} : memref<1024x8xi32, #tpu.memory_space<vmem>>, vector<1024x1xi32>,
    %get3A_285 = arith.constant 0 : index
    %get3A_286 = arith.constant 512 : index
    %get3A_287 = vector.load %arg1[%get3A_285, %get3A_286] : memref<1024x1024xf32, #tpu.memory_space<vmem>>, vector<1024x64xf32>
    %get3A_288 = arith.constant 8 : index
    %get3A_289 = arith.constant 0 : index
    %get3A_290 = arith.constant 0 : index
    %get3A_291 = vector.load %arg2[%get3A_288, %get3A_289, %get3A_290] : memref<16x64x512xf32, #tpu.memory_space<vmem>>, vector<1x64x512xf32>
    %get3A_292 = vector.shape_cast %get3A_291 : vector<1x64x512xf32> to vector<64x512xf32>
    %mul3A_293 = arith.mulf %get3A_292, %get3A_292 : vector<64x512xf32>
    %reduce_sum3A_294 = arith.constant dense<0.000000e+00> : vector<512xf32>
    %reduce_sum3A_295 = vector.multi_reduction <add>, %mul3A_293, %reduce_sum3A_294 [0] : vector<64x512xf32> to vector<512xf32>
    %mul3A_296 = arith.constant 2.500000e-01 : f32
    %mul3A_297 = vector.broadcast %mul3A_296 : f32 to vector<512xf32>
    %mul3A_298 = arith.mulf %mul3A_297, %reduce_sum3A_295 : vector<512xf32>
    %dot_general3A_299 = arith.constant dense<0.000000e+00> : vector<1024x512xf32>
    %dot_general3A_300 = tpu.matmul %get3A_287, %get3A_292, %dot_general3A_299 {dimension_numbers = #tpu.dot_dimension_numbers<[1], [0], [0], [1], [0, 0, 1, 1], [], []>, transpose_lhs_hint = false} : vector<1024x64xf32>, vector<64x512xf32>, vector<1024x512xf32> -> vector<1024x512xf32>
    %broadcast_in_dim3A_301 = vector.shape_cast %mul3A_298 : vector<512xf32> to vector<1x512xf32>
    %add3A_302 = vector.broadcast %broadcast_in_dim3A_301 : vector<1x512xf32> to vector<1024x512xf32>
    %add3A_303 = arith.addf %add3A_302, %dot_general3A_300 : vector<1024x512xf32>
    %reduce_min3A_304 = arith.constant dense<0x7F800000> : vector<1024xf32>
    %reduce_min3A_305 = vector.multi_reduction <minimumf>, %add3A_303, %reduce_min3A_304 [1] : vector<1024x512xf32> to vector<1024xf32>
    %broadcast_in_dim3A_306 = vector.shape_cast %reduce_min3A_305 : vector<1024xf32> to vector<1024x1xf32>
    %eq3A_307 = vector.broadcast %broadcast_in_dim3A_306 : vector<1024x1xf32> to vector<1024x512xf32>
    %eq3A_308 = arith.cmpf oeq, %add3A_303, %eq3A_307 : vector<1024x512xf32>
    %jit3A_309 = arith.constant 5.120000e+02 : f32
    %broadcast_in_dim3A_310 = vector.broadcast %jit3A_309 : f32 to vector<1024x512xf32>
    %select_n3A_311 = arith.select %eq3A_308, %convert_element_type3A, %broadcast_in_dim3A_310 : vector<1024x512xi1>, vector<1024x512xf32>
    %reduce_min3A_312 = arith.constant dense<0x7F800000> : vector<1024xf32>
    %reduce_min3A_313 = vector.multi_reduction <minimumf>, %select_n3A_311, %reduce_min3A_312 [1] : vector<1024x512xf32> to vector<1024xf32>
    %broadcast_in_dim3A_314 = vector.shape_cast %reduce_min3A_313 : vector<1024xf32> to vector<1024x1xf32>
    %convert_element_type3A_315 = arith.fptosi %broadcast_in_dim3A_314 : vector<1024x1xf32> to vector<1024x1xi32>
    %add3A_316 = arith.constant 4096 : i32
    %add3A_317 = vector.broadcast %add3A_316 : i32 to vector<1024x1xi32>
    %add3A_318 = arith.addi %convert_element_type3A_315, %add3A_317 : vector<1024x1xi32>
    %swap3A_319 = arith.constant 0 : index
    %swap3A_320 = arith.constant 4 : index
    %swap3A_321 = vector.load %arg3[%swap3A_319, %swap3A_320] : memref<1024x8xi32, #tpu.memory_space<vmem>>, vector<1024x1xi32>
    tpu.vector_store %arg3[%swap3A_319, %swap3A_320], %add3A_318 {strides = array<i32>} : memref<1024x8xi32, #tpu.memory_space<vmem>>, vector<1024x1xi32>,
    %get3A_322 = arith.constant 0 : index
    %get3A_323 = arith.constant 576 : index
    %get3A_324 = vector.load %arg1[%get3A_322, %get3A_323] : memref<1024x1024xf32, #tpu.memory_space<vmem>>, vector<1024x64xf32>
    %get3A_325 = arith.constant 9 : index
    %get3A_326 = arith.constant 0 : index
    %get3A_327 = arith.constant 0 : index
    %get3A_328 = vector.load %arg2[%get3A_325, %get3A_326, %get3A_327] : memref<16x64x512xf32, #tpu.memory_space<vmem>>, vector<1x64x512xf32>
    %get3A_329 = vector.shape_cast %get3A_328 : vector<1x64x512xf32> to vector<64x512xf32>
    %mul3A_330 = arith.mulf %get3A_329, %get3A_329 : vector<64x512xf32>
    %reduce_sum3A_331 = arith.constant dense<0.000000e+00> : vector<512xf32>
    %reduce_sum3A_332 = vector.multi_reduction <add>, %mul3A_330, %reduce_sum3A_331 [0] : vector<64x512xf32> to vector<512xf32>
    %mul3A_333 = arith.constant 2.500000e-01 : f32
    %mul3A_334 = vector.broadcast %mul3A_333 : f32 to vector<512xf32>
    %mul3A_335 = arith.mulf %mul3A_334, %reduce_sum3A_332 : vector<512xf32>
    %dot_general3A_336 = arith.constant dense<0.000000e+00> : vector<1024x512xf32>
    %dot_general3A_337 = tpu.matmul %get3A_324, %get3A_329, %dot_general3A_336 {dimension_numbers = #tpu.dot_dimension_numbers<[1], [0], [0], [1], [0, 0, 1, 1], [], []>, transpose_lhs_hint = false} : vector<1024x64xf32>, vector<64x512xf32>, vector<1024x512xf32> -> vector<1024x512xf32>
    %broadcast_in_dim3A_338 = vector.shape_cast %mul3A_335 : vector<512xf32> to vector<1x512xf32>
    %add3A_339 = vector.broadcast %broadcast_in_dim3A_338 : vector<1x512xf32> to vector<1024x512xf32>
    %add3A_340 = arith.addf %add3A_339, %dot_general3A_337 : vector<1024x512xf32>
    %reduce_min3A_341 = arith.constant dense<0x7F800000> : vector<1024xf32>
    %reduce_min3A_342 = vector.multi_reduction <minimumf>, %add3A_340, %reduce_min3A_341 [1] : vector<1024x512xf32> to vector<1024xf32>
    %broadcast_in_dim3A_343 = vector.shape_cast %reduce_min3A_342 : vector<1024xf32> to vector<1024x1xf32>
    %eq3A_344 = vector.broadcast %broadcast_in_dim3A_343 : vector<1024x1xf32> to vector<1024x512xf32>
    %eq3A_345 = arith.cmpf oeq, %add3A_340, %eq3A_344 : vector<1024x512xf32>
    %jit3A_346 = arith.constant 5.120000e+02 : f32
    %broadcast_in_dim3A_347 = vector.broadcast %jit3A_346 : f32 to vector<1024x512xf32>
    %select_n3A_348 = arith.select %eq3A_345, %convert_element_type3A, %broadcast_in_dim3A_347 : vector<1024x512xi1>, vector<1024x512xf32>
    %reduce_min3A_349 = arith.constant dense<0x7F800000> : vector<1024xf32>
    %reduce_min3A_350 = vector.multi_reduction <minimumf>, %select_n3A_348, %reduce_min3A_349 [1] : vector<1024x512xf32> to vector<1024xf32>
    %broadcast_in_dim3A_351 = vector.shape_cast %reduce_min3A_350 : vector<1024xf32> to vector<1024x1xf32>
    %convert_element_type3A_352 = arith.fptosi %broadcast_in_dim3A_351 : vector<1024x1xf32> to vector<1024x1xi32>
    %add3A_353 = arith.constant 4608 : i32
    %add3A_354 = vector.broadcast %add3A_353 : i32 to vector<1024x1xi32>
    %add3A_355 = arith.addi %convert_element_type3A_352, %add3A_354 : vector<1024x1xi32>
    %swap3A_356 = arith.constant 0 : index
    %swap3A_357 = arith.constant 4 : index
    %swap3A_358 = vector.load %arg4[%swap3A_356, %swap3A_357] : memref<1024x8xi32, #tpu.memory_space<vmem>>, vector<1024x1xi32>
    tpu.vector_store %arg4[%swap3A_356, %swap3A_357], %add3A_355 {strides = array<i32>} : memref<1024x8xi32, #tpu.memory_space<vmem>>, vector<1024x1xi32>,
    %get3A_359 = arith.constant 0 : index
    %get3A_360 = arith.constant 640 : index
    %get3A_361 = vector.load %arg1[%get3A_359, %get3A_360] : memref<1024x1024xf32, #tpu.memory_space<vmem>>, vector<1024x64xf32>
    %get3A_362 = arith.constant 10 : index
    %get3A_363 = arith.constant 0 : index
    %get3A_364 = arith.constant 0 : index
    %get3A_365 = vector.load %arg2[%get3A_362, %get3A_363, %get3A_364] : memref<16x64x512xf32, #tpu.memory_space<vmem>>, vector<1x64x512xf32>
    %get3A_366 = vector.shape_cast %get3A_365 : vector<1x64x512xf32> to vector<64x512xf32>
    %mul3A_367 = arith.mulf %get3A_366, %get3A_366 : vector<64x512xf32>
    %reduce_sum3A_368 = arith.constant dense<0.000000e+00> : vector<512xf32>
    %reduce_sum3A_369 = vector.multi_reduction <add>, %mul3A_367, %reduce_sum3A_368 [0] : vector<64x512xf32> to vector<512xf32>
    %mul3A_370 = arith.constant 2.500000e-01 : f32
    %mul3A_371 = vector.broadcast %mul3A_370 : f32 to vector<512xf32>
    %mul3A_372 = arith.mulf %mul3A_371, %reduce_sum3A_369 : vector<512xf32>
    %dot_general3A_373 = arith.constant dense<0.000000e+00> : vector<1024x512xf32>
    %dot_general3A_374 = tpu.matmul %get3A_361, %get3A_366, %dot_general3A_373 {dimension_numbers = #tpu.dot_dimension_numbers<[1], [0], [0], [1], [0, 0, 1, 1], [], []>, transpose_lhs_hint = false} : vector<1024x64xf32>, vector<64x512xf32>, vector<1024x512xf32> -> vector<1024x512xf32>
    %broadcast_in_dim3A_375 = vector.shape_cast %mul3A_372 : vector<512xf32> to vector<1x512xf32>
    %add3A_376 = vector.broadcast %broadcast_in_dim3A_375 : vector<1x512xf32> to vector<1024x512xf32>
    %add3A_377 = arith.addf %add3A_376, %dot_general3A_374 : vector<1024x512xf32>
    %reduce_min3A_378 = arith.constant dense<0x7F800000> : vector<1024xf32>
    %reduce_min3A_379 = vector.multi_reduction <minimumf>, %add3A_377, %reduce_min3A_378 [1] : vector<1024x512xf32> to vector<1024xf32>
    %broadcast_in_dim3A_380 = vector.shape_cast %reduce_min3A_379 : vector<1024xf32> to vector<1024x1xf32>
    %eq3A_381 = vector.broadcast %broadcast_in_dim3A_380 : vector<1024x1xf32> to vector<1024x512xf32>
    %eq3A_382 = arith.cmpf oeq, %add3A_377, %eq3A_381 : vector<1024x512xf32>
    %jit3A_383 = arith.constant 5.120000e+02 : f32
    %broadcast_in_dim3A_384 = vector.broadcast %jit3A_383 : f32 to vector<1024x512xf32>
    %select_n3A_385 = arith.select %eq3A_382, %convert_element_type3A, %broadcast_in_dim3A_384 : vector<1024x512xi1>, vector<1024x512xf32>
    %reduce_min3A_386 = arith.constant dense<0x7F800000> : vector<1024xf32>
    %reduce_min3A_387 = vector.multi_reduction <minimumf>, %select_n3A_385, %reduce_min3A_386 [1] : vector<1024x512xf32> to vector<1024xf32>
    %broadcast_in_dim3A_388 = vector.shape_cast %reduce_min3A_387 : vector<1024xf32> to vector<1024x1xf32>
    %convert_element_type3A_389 = arith.fptosi %broadcast_in_dim3A_388 : vector<1024x1xf32> to vector<1024x1xi32>
    %add3A_390 = arith.constant 5120 : i32
    %add3A_391 = vector.broadcast %add3A_390 : i32 to vector<1024x1xi32>
    %add3A_392 = arith.addi %convert_element_type3A_389, %add3A_391 : vector<1024x1xi32>
    %swap3A_393 = arith.constant 0 : index
    %swap3A_394 = arith.constant 5 : index
    %swap3A_395 = vector.load %arg3[%swap3A_393, %swap3A_394] : memref<1024x8xi32, #tpu.memory_space<vmem>>, vector<1024x1xi32>
    tpu.vector_store %arg3[%swap3A_393, %swap3A_394], %add3A_392 {strides = array<i32>} : memref<1024x8xi32, #tpu.memory_space<vmem>>, vector<1024x1xi32>,
    %get3A_396 = arith.constant 0 : index
    %get3A_397 = arith.constant 704 : index
    %get3A_398 = vector.load %arg1[%get3A_396, %get3A_397] : memref<1024x1024xf32, #tpu.memory_space<vmem>>, vector<1024x64xf32>
    %get3A_399 = arith.constant 11 : index
    %get3A_400 = arith.constant 0 : index
    %get3A_401 = arith.constant 0 : index
    %get3A_402 = vector.load %arg2[%get3A_399, %get3A_400, %get3A_401] : memref<16x64x512xf32, #tpu.memory_space<vmem>>, vector<1x64x512xf32>
    %get3A_403 = vector.shape_cast %get3A_402 : vector<1x64x512xf32> to vector<64x512xf32>
    %mul3A_404 = arith.mulf %get3A_403, %get3A_403 : vector<64x512xf32>
    %reduce_sum3A_405 = arith.constant dense<0.000000e+00> : vector<512xf32>
    %reduce_sum3A_406 = vector.multi_reduction <add>, %mul3A_404, %reduce_sum3A_405 [0] : vector<64x512xf32> to vector<512xf32>
    %mul3A_407 = arith.constant 2.500000e-01 : f32
    %mul3A_408 = vector.broadcast %mul3A_407 : f32 to vector<512xf32>
    %mul3A_409 = arith.mulf %mul3A_408, %reduce_sum3A_406 : vector<512xf32>
    %dot_general3A_410 = arith.constant dense<0.000000e+00> : vector<1024x512xf32>
    %dot_general3A_411 = tpu.matmul %get3A_398, %get3A_403, %dot_general3A_410 {dimension_numbers = #tpu.dot_dimension_numbers<[1], [0], [0], [1], [0, 0, 1, 1], [], []>, transpose_lhs_hint = false} : vector<1024x64xf32>, vector<64x512xf32>, vector<1024x512xf32> -> vector<1024x512xf32>
    %broadcast_in_dim3A_412 = vector.shape_cast %mul3A_409 : vector<512xf32> to vector<1x512xf32>
    %add3A_413 = vector.broadcast %broadcast_in_dim3A_412 : vector<1x512xf32> to vector<1024x512xf32>
    %add3A_414 = arith.addf %add3A_413, %dot_general3A_411 : vector<1024x512xf32>
    %reduce_min3A_415 = arith.constant dense<0x7F800000> : vector<1024xf32>
    %reduce_min3A_416 = vector.multi_reduction <minimumf>, %add3A_414, %reduce_min3A_415 [1] : vector<1024x512xf32> to vector<1024xf32>
    %broadcast_in_dim3A_417 = vector.shape_cast %reduce_min3A_416 : vector<1024xf32> to vector<1024x1xf32>
    %eq3A_418 = vector.broadcast %broadcast_in_dim3A_417 : vector<1024x1xf32> to vector<1024x512xf32>
    %eq3A_419 = arith.cmpf oeq, %add3A_414, %eq3A_418 : vector<1024x512xf32>
    %jit3A_420 = arith.constant 5.120000e+02 : f32
    %broadcast_in_dim3A_421 = vector.broadcast %jit3A_420 : f32 to vector<1024x512xf32>
    %select_n3A_422 = arith.select %eq3A_419, %convert_element_type3A, %broadcast_in_dim3A_421 : vector<1024x512xi1>, vector<1024x512xf32>
    %reduce_min3A_423 = arith.constant dense<0x7F800000> : vector<1024xf32>
    %reduce_min3A_424 = vector.multi_reduction <minimumf>, %select_n3A_422, %reduce_min3A_423 [1] : vector<1024x512xf32> to vector<1024xf32>
    %broadcast_in_dim3A_425 = vector.shape_cast %reduce_min3A_424 : vector<1024xf32> to vector<1024x1xf32>
    %convert_element_type3A_426 = arith.fptosi %broadcast_in_dim3A_425 : vector<1024x1xf32> to vector<1024x1xi32>
    %add3A_427 = arith.constant 5632 : i32
    %add3A_428 = vector.broadcast %add3A_427 : i32 to vector<1024x1xi32>
    %add3A_429 = arith.addi %convert_element_type3A_426, %add3A_428 : vector<1024x1xi32>
    %swap3A_430 = arith.constant 0 : index
    %swap3A_431 = arith.constant 5 : index
    %swap3A_432 = vector.load %arg4[%swap3A_430, %swap3A_431] : memref<1024x8xi32, #tpu.memory_space<vmem>>, vector<1024x1xi32>
    tpu.vector_store %arg4[%swap3A_430, %swap3A_431], %add3A_429 {strides = array<i32>} : memref<1024x8xi32, #tpu.memory_space<vmem>>, vector<1024x1xi32>,
    %get3A_433 = arith.constant 0 : index
    %get3A_434 = arith.constant 768 : index
    %get3A_435 = vector.load %arg1[%get3A_433, %get3A_434] : memref<1024x1024xf32, #tpu.memory_space<vmem>>, vector<1024x64xf32>
    %get3A_436 = arith.constant 12 : index
    %get3A_437 = arith.constant 0 : index
    %get3A_438 = arith.constant 0 : index
    %get3A_439 = vector.load %arg2[%get3A_436, %get3A_437, %get3A_438] : memref<16x64x512xf32, #tpu.memory_space<vmem>>, vector<1x64x512xf32>
    %get3A_440 = vector.shape_cast %get3A_439 : vector<1x64x512xf32> to vector<64x512xf32>
    %mul3A_441 = arith.mulf %get3A_440, %get3A_440 : vector<64x512xf32>
    %reduce_sum3A_442 = arith.constant dense<0.000000e+00> : vector<512xf32>
    %reduce_sum3A_443 = vector.multi_reduction <add>, %mul3A_441, %reduce_sum3A_442 [0] : vector<64x512xf32> to vector<512xf32>
    %mul3A_444 = arith.constant 2.500000e-01 : f32
    %mul3A_445 = vector.broadcast %mul3A_444 : f32 to vector<512xf32>
    %mul3A_446 = arith.mulf %mul3A_445, %reduce_sum3A_443 : vector<512xf32>
    %dot_general3A_447 = arith.constant dense<0.000000e+00> : vector<1024x512xf32>
    %dot_general3A_448 = tpu.matmul %get3A_435, %get3A_440, %dot_general3A_447 {dimension_numbers = #tpu.dot_dimension_numbers<[1], [0], [0], [1], [0, 0, 1, 1], [], []>, transpose_lhs_hint = false} : vector<1024x64xf32>, vector<64x512xf32>, vector<1024x512xf32> -> vector<1024x512xf32>
    %broadcast_in_dim3A_449 = vector.shape_cast %mul3A_446 : vector<512xf32> to vector<1x512xf32>
    %add3A_450 = vector.broadcast %broadcast_in_dim3A_449 : vector<1x512xf32> to vector<1024x512xf32>
    %add3A_451 = arith.addf %add3A_450, %dot_general3A_448 : vector<1024x512xf32>
    %reduce_min3A_452 = arith.constant dense<0x7F800000> : vector<1024xf32>
    %reduce_min3A_453 = vector.multi_reduction <minimumf>, %add3A_451, %reduce_min3A_452 [1] : vector<1024x512xf32> to vector<1024xf32>
    %broadcast_in_dim3A_454 = vector.shape_cast %reduce_min3A_453 : vector<1024xf32> to vector<1024x1xf32>
    %eq3A_455 = vector.broadcast %broadcast_in_dim3A_454 : vector<1024x1xf32> to vector<1024x512xf32>
    %eq3A_456 = arith.cmpf oeq, %add3A_451, %eq3A_455 : vector<1024x512xf32>
    %jit3A_457 = arith.constant 5.120000e+02 : f32
    %broadcast_in_dim3A_458 = vector.broadcast %jit3A_457 : f32 to vector<1024x512xf32>
    %select_n3A_459 = arith.select %eq3A_456, %convert_element_type3A, %broadcast_in_dim3A_458 : vector<1024x512xi1>, vector<1024x512xf32>
    %reduce_min3A_460 = arith.constant dense<0x7F800000> : vector<1024xf32>
    %reduce_min3A_461 = vector.multi_reduction <minimumf>, %select_n3A_459, %reduce_min3A_460 [1] : vector<1024x512xf32> to vector<1024xf32>
    %broadcast_in_dim3A_462 = vector.shape_cast %reduce_min3A_461 : vector<1024xf32> to vector<1024x1xf32>
    %convert_element_type3A_463 = arith.fptosi %broadcast_in_dim3A_462 : vector<1024x1xf32> to vector<1024x1xi32>
    %add3A_464 = arith.constant 6144 : i32
    %add3A_465 = vector.broadcast %add3A_464 : i32 to vector<1024x1xi32>
    %add3A_466 = arith.addi %convert_element_type3A_463, %add3A_465 : vector<1024x1xi32>
    %swap3A_467 = arith.constant 0 : index
    %swap3A_468 = arith.constant 6 : index
    %swap3A_469 = vector.load %arg3[%swap3A_467, %swap3A_468] : memref<1024x8xi32, #tpu.memory_space<vmem>>, vector<1024x1xi32>
    tpu.vector_store %arg3[%swap3A_467, %swap3A_468], %add3A_466 {strides = array<i32>} : memref<1024x8xi32, #tpu.memory_space<vmem>>, vector<1024x1xi32>,
    %get3A_470 = arith.constant 0 : index
    %get3A_471 = arith.constant 832 : index
    %get3A_472 = vector.load %arg1[%get3A_470, %get3A_471] : memref<1024x1024xf32, #tpu.memory_space<vmem>>, vector<1024x64xf32>
    %get3A_473 = arith.constant 13 : index
    %get3A_474 = arith.constant 0 : index
    %get3A_475 = arith.constant 0 : index
    %get3A_476 = vector.load %arg2[%get3A_473, %get3A_474, %get3A_475] : memref<16x64x512xf32, #tpu.memory_space<vmem>>, vector<1x64x512xf32>
    %get3A_477 = vector.shape_cast %get3A_476 : vector<1x64x512xf32> to vector<64x512xf32>
    %mul3A_478 = arith.mulf %get3A_477, %get3A_477 : vector<64x512xf32>
    %reduce_sum3A_479 = arith.constant dense<0.000000e+00> : vector<512xf32>
    %reduce_sum3A_480 = vector.multi_reduction <add>, %mul3A_478, %reduce_sum3A_479 [0] : vector<64x512xf32> to vector<512xf32>
    %mul3A_481 = arith.constant 2.500000e-01 : f32
    %mul3A_482 = vector.broadcast %mul3A_481 : f32 to vector<512xf32>
    %mul3A_483 = arith.mulf %mul3A_482, %reduce_sum3A_480 : vector<512xf32>
    %dot_general3A_484 = arith.constant dense<0.000000e+00> : vector<1024x512xf32>
    %dot_general3A_485 = tpu.matmul %get3A_472, %get3A_477, %dot_general3A_484 {dimension_numbers = #tpu.dot_dimension_numbers<[1], [0], [0], [1], [0, 0, 1, 1], [], []>, transpose_lhs_hint = false} : vector<1024x64xf32>, vector<64x512xf32>, vector<1024x512xf32> -> vector<1024x512xf32>
    %broadcast_in_dim3A_486 = vector.shape_cast %mul3A_483 : vector<512xf32> to vector<1x512xf32>
    %add3A_487 = vector.broadcast %broadcast_in_dim3A_486 : vector<1x512xf32> to vector<1024x512xf32>
    %add3A_488 = arith.addf %add3A_487, %dot_general3A_485 : vector<1024x512xf32>
    %reduce_min3A_489 = arith.constant dense<0x7F800000> : vector<1024xf32>
    %reduce_min3A_490 = vector.multi_reduction <minimumf>, %add3A_488, %reduce_min3A_489 [1] : vector<1024x512xf32> to vector<1024xf32>
    %broadcast_in_dim3A_491 = vector.shape_cast %reduce_min3A_490 : vector<1024xf32> to vector<1024x1xf32>
    %eq3A_492 = vector.broadcast %broadcast_in_dim3A_491 : vector<1024x1xf32> to vector<1024x512xf32>
    %eq3A_493 = arith.cmpf oeq, %add3A_488, %eq3A_492 : vector<1024x512xf32>
    %jit3A_494 = arith.constant 5.120000e+02 : f32
    %broadcast_in_dim3A_495 = vector.broadcast %jit3A_494 : f32 to vector<1024x512xf32>
    %select_n3A_496 = arith.select %eq3A_493, %convert_element_type3A, %broadcast_in_dim3A_495 : vector<1024x512xi1>, vector<1024x512xf32>
    %reduce_min3A_497 = arith.constant dense<0x7F800000> : vector<1024xf32>
    %reduce_min3A_498 = vector.multi_reduction <minimumf>, %select_n3A_496, %reduce_min3A_497 [1] : vector<1024x512xf32> to vector<1024xf32>
    %broadcast_in_dim3A_499 = vector.shape_cast %reduce_min3A_498 : vector<1024xf32> to vector<1024x1xf32>
    %convert_element_type3A_500 = arith.fptosi %broadcast_in_dim3A_499 : vector<1024x1xf32> to vector<1024x1xi32>
    %add3A_501 = arith.constant 6656 : i32
    %add3A_502 = vector.broadcast %add3A_501 : i32 to vector<1024x1xi32>
    %add3A_503 = arith.addi %convert_element_type3A_500, %add3A_502 : vector<1024x1xi32>
    %swap3A_504 = arith.constant 0 : index
    %swap3A_505 = arith.constant 6 : index
    %swap3A_506 = vector.load %arg4[%swap3A_504, %swap3A_505] : memref<1024x8xi32, #tpu.memory_space<vmem>>, vector<1024x1xi32>
    tpu.vector_store %arg4[%swap3A_504, %swap3A_505], %add3A_503 {strides = array<i32>} : memref<1024x8xi32, #tpu.memory_space<vmem>>, vector<1024x1xi32>,
    %get3A_507 = arith.constant 0 : index
    %get3A_508 = arith.constant 896 : index
    %get3A_509 = vector.load %arg1[%get3A_507, %get3A_508] : memref<1024x1024xf32, #tpu.memory_space<vmem>>, vector<1024x64xf32>
    %get3A_510 = arith.constant 14 : index
    %get3A_511 = arith.constant 0 : index
    %get3A_512 = arith.constant 0 : index
    %get3A_513 = vector.load %arg2[%get3A_510, %get3A_511, %get3A_512] : memref<16x64x512xf32, #tpu.memory_space<vmem>>, vector<1x64x512xf32>
    %get3A_514 = vector.shape_cast %get3A_513 : vector<1x64x512xf32> to vector<64x512xf32>
    %mul3A_515 = arith.mulf %get3A_514, %get3A_514 : vector<64x512xf32>
    %reduce_sum3A_516 = arith.constant dense<0.000000e+00> : vector<512xf32>
    %reduce_sum3A_517 = vector.multi_reduction <add>, %mul3A_515, %reduce_sum3A_516 [0] : vector<64x512xf32> to vector<512xf32>
    %mul3A_518 = arith.constant 2.500000e-01 : f32
    %mul3A_519 = vector.broadcast %mul3A_518 : f32 to vector<512xf32>
    %mul3A_520 = arith.mulf %mul3A_519, %reduce_sum3A_517 : vector<512xf32>
    %dot_general3A_521 = arith.constant dense<0.000000e+00> : vector<1024x512xf32>
    %dot_general3A_522 = tpu.matmul %get3A_509, %get3A_514, %dot_general3A_521 {dimension_numbers = #tpu.dot_dimension_numbers<[1], [0], [0], [1], [0, 0, 1, 1], [], []>, transpose_lhs_hint = false} : vector<1024x64xf32>, vector<64x512xf32>, vector<1024x512xf32> -> vector<1024x512xf32>
    %broadcast_in_dim3A_523 = vector.shape_cast %mul3A_520 : vector<512xf32> to vector<1x512xf32>
    %add3A_524 = vector.broadcast %broadcast_in_dim3A_523 : vector<1x512xf32> to vector<1024x512xf32>
    %add3A_525 = arith.addf %add3A_524, %dot_general3A_522 : vector<1024x512xf32>
    %reduce_min3A_526 = arith.constant dense<0x7F800000> : vector<1024xf32>
    %reduce_min3A_527 = vector.multi_reduction <minimumf>, %add3A_525, %reduce_min3A_526 [1] : vector<1024x512xf32> to vector<1024xf32>
    %broadcast_in_dim3A_528 = vector.shape_cast %reduce_min3A_527 : vector<1024xf32> to vector<1024x1xf32>
    %eq3A_529 = vector.broadcast %broadcast_in_dim3A_528 : vector<1024x1xf32> to vector<1024x512xf32>
    %eq3A_530 = arith.cmpf oeq, %add3A_525, %eq3A_529 : vector<1024x512xf32>
    %jit3A_531 = arith.constant 5.120000e+02 : f32
    %broadcast_in_dim3A_532 = vector.broadcast %jit3A_531 : f32 to vector<1024x512xf32>
    %select_n3A_533 = arith.select %eq3A_530, %convert_element_type3A, %broadcast_in_dim3A_532 : vector<1024x512xi1>, vector<1024x512xf32>
    %reduce_min3A_534 = arith.constant dense<0x7F800000> : vector<1024xf32>
    %reduce_min3A_535 = vector.multi_reduction <minimumf>, %select_n3A_533, %reduce_min3A_534 [1] : vector<1024x512xf32> to vector<1024xf32>
    %broadcast_in_dim3A_536 = vector.shape_cast %reduce_min3A_535 : vector<1024xf32> to vector<1024x1xf32>
    %convert_element_type3A_537 = arith.fptosi %broadcast_in_dim3A_536 : vector<1024x1xf32> to vector<1024x1xi32>
    %add3A_538 = arith.constant 7168 : i32
    %add3A_539 = vector.broadcast %add3A_538 : i32 to vector<1024x1xi32>
    %add3A_540 = arith.addi %convert_element_type3A_537, %add3A_539 : vector<1024x1xi32>
    %swap3A_541 = arith.constant 0 : index
    %swap3A_542 = arith.constant 7 : index
    %swap3A_543 = vector.load %arg3[%swap3A_541, %swap3A_542] : memref<1024x8xi32, #tpu.memory_space<vmem>>, vector<1024x1xi32>
    tpu.vector_store %arg3[%swap3A_541, %swap3A_542], %add3A_540 {strides = array<i32>} : memref<1024x8xi32, #tpu.memory_space<vmem>>, vector<1024x1xi32>,
    %get3A_544 = arith.constant 0 : index
    %get3A_545 = arith.constant 960 : index
    %get3A_546 = vector.load %arg1[%get3A_544, %get3A_545] : memref<1024x1024xf32, #tpu.memory_space<vmem>>, vector<1024x64xf32>
    %get3A_547 = arith.constant 15 : index
    %get3A_548 = arith.constant 0 : index
    %get3A_549 = arith.constant 0 : index
    %get3A_550 = vector.load %arg2[%get3A_547, %get3A_548, %get3A_549] : memref<16x64x512xf32, #tpu.memory_space<vmem>>, vector<1x64x512xf32>
    %get3A_551 = vector.shape_cast %get3A_550 : vector<1x64x512xf32> to vector<64x512xf32>
    %mul3A_552 = arith.mulf %get3A_551, %get3A_551 : vector<64x512xf32>
    %reduce_sum3A_553 = arith.constant dense<0.000000e+00> : vector<512xf32>
    %reduce_sum3A_554 = vector.multi_reduction <add>, %mul3A_552, %reduce_sum3A_553 [0] : vector<64x512xf32> to vector<512xf32>
    %mul3A_555 = arith.constant 2.500000e-01 : f32
    %mul3A_556 = vector.broadcast %mul3A_555 : f32 to vector<512xf32>
    %mul3A_557 = arith.mulf %mul3A_556, %reduce_sum3A_554 : vector<512xf32>
    %dot_general3A_558 = arith.constant dense<0.000000e+00> : vector<1024x512xf32>
    %dot_general3A_559 = tpu.matmul %get3A_546, %get3A_551, %dot_general3A_558 {dimension_numbers = #tpu.dot_dimension_numbers<[1], [0], [0], [1], [0, 0, 1, 1], [], []>, transpose_lhs_hint = false} : vector<1024x64xf32>, vector<64x512xf32>, vector<1024x512xf32> -> vector<1024x512xf32>
    %broadcast_in_dim3A_560 = vector.shape_cast %mul3A_557 : vector<512xf32> to vector<1x512xf32>
    %add3A_561 = vector.broadcast %broadcast_in_dim3A_560 : vector<1x512xf32> to vector<1024x512xf32>
    %add3A_562 = arith.addf %add3A_561, %dot_general3A_559 : vector<1024x512xf32>
    %reduce_min3A_563 = arith.constant dense<0x7F800000> : vector<1024xf32>
    %reduce_min3A_564 = vector.multi_reduction <minimumf>, %add3A_562, %reduce_min3A_563 [1] : vector<1024x512xf32> to vector<1024xf32>
    %broadcast_in_dim3A_565 = vector.shape_cast %reduce_min3A_564 : vector<1024xf32> to vector<1024x1xf32>
    %eq3A_566 = vector.broadcast %broadcast_in_dim3A_565 : vector<1024x1xf32> to vector<1024x512xf32>
    %eq3A_567 = arith.cmpf oeq, %add3A_562, %eq3A_566 : vector<1024x512xf32>
    %jit3A_568 = arith.constant 5.120000e+02 : f32
    %broadcast_in_dim3A_569 = vector.broadcast %jit3A_568 : f32 to vector<1024x512xf32>
    %select_n3A_570 = arith.select %eq3A_567, %convert_element_type3A, %broadcast_in_dim3A_569 : vector<1024x512xi1>, vector<1024x512xf32>
    %reduce_min3A_571 = arith.constant dense<0x7F800000> : vector<1024xf32>
    %reduce_min3A_572 = vector.multi_reduction <minimumf>, %select_n3A_570, %reduce_min3A_571 [1] : vector<1024x512xf32> to vector<1024xf32>
    %broadcast_in_dim3A_573 = vector.shape_cast %reduce_min3A_572 : vector<1024xf32> to vector<1024x1xf32>
    %convert_element_type3A_574 = arith.fptosi %broadcast_in_dim3A_573 : vector<1024x1xf32> to vector<1024x1xi32>
    %add3A_575 = arith.constant 7680 : i32
    %add3A_576 = vector.broadcast %add3A_575 : i32 to vector<1024x1xi32>
    %add3A_577 = arith.addi %convert_element_type3A_574, %add3A_576 : vector<1024x1xi32>
    %swap3A_578 = arith.constant 0 : index
    %swap3A_579 = arith.constant 7 : index
    %swap3A_580 = vector.load %arg4[%swap3A_578, %swap3A_579] : memref<1024x8xi32, #tpu.memory_space<vmem>>, vector<1024x1xi32>
    tpu.vector_store %arg4[%swap3A_578, %swap3A_579], %add3A_577 {strides = array<i32>} : memref<1024x8xi32, #tpu.memory_space<vmem>>, vector<1024x1xi32>,
    return
  }
  func.func @transform_0(%arg0: i32) -> (i32, i32) {
    %c0_i32 = arith.constant 0 : i32
    %c0_i32_0 = arith.constant 0 : i32
    return %arg0, %c0_i32 : i32, i32
  }
  func.func @transform_1(%arg0: i32) -> (i32, i32, i32) {
    %c0_i32 = arith.constant 0 : i32
    %c0_i32_0 = arith.constant 0 : i32
    %c0_i32_1 = arith.constant 0 : i32
    %c0_i32_2 = arith.constant 0 : i32
    return %c0_i32, %c0_i32_0, %c0_i32_1 : i32, i32, i32
  }
  func.func @transform_2(%arg0: i32) -> (i32, i32) {
    %c0_i32 = arith.constant 0 : i32
    %c0_i32_0 = arith.constant 0 : i32
    return %arg0, %c0_i32 : i32, i32
  }
  func.func @transform_3(%arg0: i32) -> (i32, i32) {
    %c0_i32 = arith.constant 0 : i32
    %c0_i32_0 = arith.constant 0 : i32
    return %arg0, %c0_i32 : i32, i32
  }
}

module attributes {stable_mosaic.version = 14 : i64} {
  func.func @_matmul_kernel(%arg0: i32, %arg1: memref<512x1024xf32, #tpu.memory_space<vmem>>, %arg2: memref<1024x1024xf32, #tpu.memory_space<vmem>>, %arg3: memref<512x1024xf32, #tpu.memory_space<vmem>>) attributes {dimension_semantics = [#tpu.dimension_semantics<arbitrary>], iteration_bounds = array<i64: 16>, scalar_prefetch = 0 : i64, scratch_operands = 0 : i64, tpu.core_type = #tpu.core_type<tc>, window_params = [{transform_indices = @transform_0, window_bounds = array<i64: 512, 1024>}, {pipeline_mode = #tpu.pipeline_mode<synchronous>, transform_indices = @transform_1, window_bounds = array<i64: 1024, 1024>}, {transform_indices = @transform_2, window_bounds = array<i64: 512, 1024>}]} {
    %get3A = arith.constant 0 : index
    %get3A_0 = arith.constant 0 : index
    %get3A_1 = vector.load %arg1[%get3A, %get3A_0] : memref<512x1024xf32, #tpu.memory_space<vmem>>, vector<512x1024xf32>
    %convert_element_type3A = arith.truncf %get3A_1 : vector<512x1024xf32> to vector<512x1024xbf16>
    %get3A_2 = arith.constant 0 : index
    %get3A_3 = arith.constant 0 : index
    %get3A_4 = vector.load %arg2[%get3A_2, %get3A_3] : memref<1024x1024xf32, #tpu.memory_space<vmem>>, vector<1024x1024xf32>
    %convert_element_type3A_5 = arith.truncf %get3A_4 : vector<1024x1024xf32> to vector<1024x1024xbf16>
    %dot_general3A = arith.constant dense<0.000000e+00> : vector<512x1024xf32>
    %dot_general3A_6 = tpu.matmul %convert_element_type3A, %convert_element_type3A_5, %dot_general3A {dimension_numbers = #tpu.dot_dimension_numbers<[1], [1], [0], [0], [0, 0, 1, 0], [], []>, transpose_lhs_hint = false} : vector<512x1024xbf16>, vector<1024x1024xbf16>, vector<512x1024xf32> -> vector<512x1024xf32>
    %swap3A = arith.constant 0 : index
    %swap3A_7 = arith.constant 0 : index
    %swap3A_8 = vector.load %arg3[%swap3A, %swap3A_7] : memref<512x1024xf32, #tpu.memory_space<vmem>>, vector<512x1024xf32>
    tpu.vector_store %arg3[%swap3A, %swap3A_7], %dot_general3A_6 {strides = array<i32>} : memref<512x1024xf32, #tpu.memory_space<vmem>>, vector<512x1024xf32>,
    return
  }
  func.func @transform_0(%arg0: i32) -> (i32, i32) {
    %c0_i32 = arith.constant 0 : i32
    %c0_i32_0 = arith.constant 0 : i32
    return %arg0, %c0_i32 : i32, i32
  }
  func.func @transform_1(%arg0: i32) -> (i32, i32) {
    %c0_i32 = arith.constant 0 : i32
    %c0_i32_0 = arith.constant 0 : i32
    %c0_i32_1 = arith.constant 0 : i32
    return %c0_i32, %c0_i32_0 : i32, i32
  }
  func.func @transform_2(%arg0: i32) -> (i32, i32) {
    %c0_i32 = arith.constant 0 : i32
    %c0_i32_0 = arith.constant 0 : i32
    return %arg0, %c0_i32 : i32, i32
  }
}

</mosaic_0001>

<sc_bundles>
// kernel: kernel.5.cloned.1.call-start
scs
__scs_entry_jumppad:
0x0: {  	(pc) =	sbr.rel $0x88, $3  }
0x1: {  	(tag) =	ssettag $0x0;
	lr =	simm.s32 $0x1  }
0x2: {  	[smem:$0x3F9E] =	sst lr;
	_ =	strace $0xD0000000  }
0x3: {  	_ = 	snop  }
0x4: {  	_ = 	snop  }
0x5: {  	_ = 	snop  }
0x6: {  	_ = 	snop  }
0x7: {  	_ = 	snop  }
__scs_overlays_trampoline_lowered:
0x8: {  	[smem:$0x3FAD] =	sst s0  }
0x9: {  	[smem:$0x3FAE] =	sst s1  }
0xa: {  	[smem:$0x3FAF] =	sst s2  }
0xb: {  	[smem:$0x3FB0] =	sst s3  }
0xc: {  	[smem:$0x3FB1] =	sst s4  }
0xd: {  	[smem:$0x3FB2] =	sst s5  }
0xe: {  	[smem:$0x3FB3] =	sst s6  }
0xf: {  	[smem:$0x3FB4] =	sst s7  }
0x10: {  	[smem:$0x3FB5] =	sst s8  }
0x11: {  	[smem:$0x3FB6] =	sst s9;
	s0 =	simm.s32 @!p0 $0x0  }
0x12: {  	s1 =	sld [smem:$0x3F9C];
	s0 =	simm.s32 @p0 $0x1  }
0x13: {  	[smem:$0x3FB7] =	sst s0;
	s0 =	simm.s32 @!p1 $0x0  }
0x14: {  	s2 =	sld [smem:$0x3F9B];
	s0 =	simm.s32 @p1 $0x1  }
0x15: {  	[smem:$0x3FB8] =	sst s0;
	s0 =	simm.s32 @!p2 $0x0  }
0x16: {  	s3 =	sld [smem:$0x3FDB];
	s0 =	simm.s32 @p2 $0x1  }
0x17: {  	s4 =	simm.s32 $0x1BF5;
	[smem:$0x3FBA] =	sst s0  }
0x18: {  	s0 =	sld [smem:$0x3F9D];
	_ =	swait.ge [sflag:s4], $0x0  }
0x19: {  	s7 =	sld [smem:$0x3F9E]  }
0x1a: {  	s8 =	sadd.s32 $0xFFFFE003, lr  }
0x1b: {  	s9 =	sadd.s32 $0xFFFFFEF7, lr;
	s5 =	simm.s32 $0xFFFFFFFF;
	p2 =	slt.u32 s8, $0xFFFFF086  }
0x1c: {  	p1 =	slt.u32 s9, $0xF7A;
	s5 =	simm.s32 @!p2 $0x0  }
0x1d: {  	s5 =	simm.s32 @p1 $0x1;
	p0 =	seq.s32 s7, s2  }
0x1e: {  	s7 =	smul.u32 @!p0 $0xF7A, s2;
	p2 =	seq.s32 @!p0 s5, $0x0  }
0x1f: {  	s9 =	smul.u32 $0xF7A, s1;
	s8 =	simm.s32 @!p0 $0x1BF5;
	p2 =	por !p2, p0  }
0x20: {  	[sflag:s8] =	ssyncset.s32 @!p0 $0xFFFFF086;
	s6 =	sadd.s32 @!p0 s3, s7;
	s7 =	simm.s32 @!p0 $0x108  }
0x21: {  	s3 =	sadd.s32 s3, s9;
	s6 =	sadd.s32 @!p0 $0x88, s6;
	s7 =	simm.s32 @p2 $0x1082  }
0x22: {  	[simem:s7], [sflag:s8] =	dma.local @!p0 [hbm:s6], $0xF7A  }
0x23: {  	s9 =	sor.u32 $0xD0000000, s2;
	s6 =	simm.s32 $0x108;
	_ =	swait.ge @!p0 [sflag:s8], $0x0  }
0x24: {  	s3 =	sadd.s32 $0x88, s3;
	s6 =	simm.s32 @!p1 $0x1082;
	[sflag:s4] =	ssyncset.s32 $0xFFFFF086  }
0x25: {  	[simem:s6], [sflag:s4] =	dma.local [hbm:s3], $0xF7A  }
0x26: {  	[smem:$0x3F9E] =	sst s1;
	(tag) =	ssettag s2;
	_ =	strace s9  }
0x27: {  	s1 =	sld [smem:$0x3FAE]  }
0x28: {  	s2 =	sld [smem:$0x3FAF]  }
0x29: {  	s4 =	sld [smem:$0x3FB1]  }
0x2a: {  	p0 =	seq.s32 s5, $0x0;
	s5 =	sld [smem:$0x3FB2]  }
0x2b: {  	s6 =	sld [smem:$0x3FB3]  }
0x2c: {  	s7 =	sld [smem:$0x3FB4]  }
0x2d: {  	s3 =	simm.s32 $0x108;
	s8 =	sld [smem:$0x3FB5]  }
0x2e: {  	s3 =	simm.s32 @!p0 $0x1082;
	s9 =	sld [smem:$0x3FB6]  }
0x2f: {  	lr =	sadd.s32 s0, s3;
	s0 =	sld [smem:$0x3FAD]  }
0x30: {  	s3 =	sld [smem:$0x3FB0]  }
0x31: {  	[smem:$0x3FB9] =	sst s10  }
0x32: {  	s10 =	sld [smem:$0x3FB7];
	_ =	sdelay $0x3  }
0x33: {  	p0 =	seq.s32 s10, $0x1;
	s10 =	sld [smem:$0x3FB9];
	_ =	sdelay $0x3  }
0x34: {  	[smem:$0x3FB9] =	sst s10  }
0x35: {  	s10 =	sld [smem:$0x3FB8];
	_ =	sdelay $0x3  }
0x36: {  	p1 =	seq.s32 s10, $0x1;
	s10 =	sld [smem:$0x3FB9];
	_ =	sdelay $0x3  }
0x37: {  	[smem:$0x3FB9] =	sst s10  }
0x38: {  	s10 =	sld [smem:$0x3FBA]  }
0x39: {  	_ = 	snop;
	(pc) =	sbr.ind lr, $3  }
0x3a: {  	_ = 	snop  }
0x3b: {  	_ = 	snop  }
0x3c: {  	p2 =	seq.s32 s10, $0x1;
	s10 =	sld [smem:$0x3FB9]  }
0x3d: {  	_ =	shalt  }
0x3e: {  	_ =	shalt  }
0x3f: {  	_ =	shalt  }
0x40: {  	_ =	shalt  }
0x41: {  	_ =	shalt  }
0x42: {  	_ =	shalt  }
0x43: {  	_ =	shalt  }
0x44: {  	_ =	shalt  }
0x45: {  	_ =	shalt  }
0x46: {  	_ =	shalt  }
0x47: {  	_ =	shalt  }
0x48: {  	_ =	shalt  }
0x49: {  	_ =	shalt  }
0x4a: {  	_ =	shalt  }
0x4b: {  	_ =	shalt  }
0x4c: {  	_ =	shalt  }
0x4d: {  	_ =	shalt  }
0x4e: {  	_ =	shalt  }
0x4f: {  	_ =	shalt  }
0x50: {  	_ =	shalt  }
0x51: {  	_ =	shalt  }
0x52: {  	_ =	shalt  }
0x53: {  	_ =	shalt  }
0x54: {  	_ =	shalt  }
0x55: {  	_ =	shalt  }
0x56: {  	_ =	shalt  }
0x57: {  	_ =	shalt  }
0x58: {  	_ =	shalt  }
0x59: {  	_ =	shalt  }
0x5a: {  	_ =	shalt  }
0x5b: {  	_ =	shalt  }
0x5c: {  	_ =	shalt  }
0x5d: {  	_ =	shalt  }
0x5e: {  	_ =	shalt  }
0x5f: {  	_ =	shalt  }
0x60: {  	_ =	shalt  }
0x61: {  	_ =	shalt  }
0x62: {  	_ =	shalt  }
0x63: {  	_ =	shalt  }
0x64: {  	_ =	shalt  }
0x65: {  	_ =	shalt  }
0x66: {  	_ =	shalt  }
0x67: {  	_ =	shalt  }
0x68: {  	_ =	shalt  }
0x69: {  	_ =	shalt  }
0x6a: {  	_ =	shalt  }
0x6b: {  	_ =	shalt  }
0x6c: {  	_ =	shalt  }
0x6d: {  	_ =	shalt  }
0x6e: {  	_ =	shalt  }
0x6f: {  	_ =	shalt  }
0x70: {  	_ =	shalt  }
0x71: {  	_ =	shalt  }
0x72: {  	_ =	shalt  }
0x73: {  	_ =	shalt  }
0x74: {  	_ =	shalt  }
0x75: {  	_ =	shalt  }
0x76: {  	_ =	shalt  }
0x77: {  	_ =	shalt  }
0x78: {  	_ =	shalt  }
0x79: {  	_ =	shalt  }
0x7a: {  	_ =	shalt  }
0x7b: {  	_ =	shalt  }
0x7c: {  	_ =	shalt  }
0x7d: {  	_ =	shalt  }
0x7e: {  	_ =	shalt  }
0x7f: {  	_ =	shalt  }
0x80: {  	_ =	shalt  }
0x81: {  	_ =	shalt  }
0x82: {  	_ =	shalt  }
0x83: {  	_ =	shalt  }
0x84: {  	_ =	shalt  }
0x85: {  	_ =	shalt  }
0x86: {  	_ =	shalt  }
0x87: {  	_ =	shalt  }
.Lfunc_end0:
.L_simem_size_0:
called_computation_lowered:
.L_overlay_start_0:
0x88: {  	s2 =	sld [smem:$0x3FD9]  }
0x89: {  	s3 =	sld [smem:$0x3FFE];
	_ =	sdelay $0x1  }
0x8a: {  	s1 =	srdreg.scid  }
0x8b: {  	s0 =	sand.u32 $0x1, s1  }
0x8c: {  	s14 =	sshll.u32 s0, $0xA;
	s2 =	sadd.s32 s3, s2  }
0x8d: {  	s2 =	sadd.s32 s2, s14  }
0x8e: {  	[smem:$0x3FC5] =	sst s2  }
0x8f: {  	_ = 	snop  }
0x90: {  	s2 =	sld [smem:$0x3FD0];
	_ =	sdelay $0x2  }
0x91: {  	s15 =	simm.s32 $0xA;
	s4 =	simm.s32 $0x10  }
0x92: {  	[smem:s4], [sflag:s15] =	dma.local [hbm:s2], $0x1  }
0x93: {  	_ =	swait.eq [sflag:s15], $0x1  }
0x94: {  	[sflag:s15] =	ssyncset.done $0x0  }
0x95: {  	[sflag:s15] =	ssyncadd.s32 $0xFFFFFFFF  }
0x96: {  	s16 =	sld [smem:$0x11];
	(tm) =	ssettm $0x1  }
0x97: {  	s17 =	sld [smem:$0x3FFB];
	_ =	sdelay $0x3  }
0x98: {  	_ =	strace s17  }
0x99: {  	s3 =	sld [smem:$0x3FFC];
	_ =	sdelay $0x3  }
0x9a: {  	_ =	strace s3  }
0x9b: {  	s3 =	sld [smem:$0x3FFD];
	_ =	sdelay $0x3  }
0x9c: {  	_ =	strace s3  }
0x9d: {  	_ =	strace $0x8FFFFFFF  }
0x9e: {  	s18 =	sld [smem:$0x3FDB];
	_ =	sdelay $0x1  }
0x9f: {  	s19 =	simm.s32 $_scs_section_size  }
0xa0: {  	s5 =	simm.s32 $_size__tile_overlayer_lowered;
	s6 =	simm.s32 $_tile_overlayer_lowered  }
0xa1: {  	s22 =	simm.s32 $0x1BFF;
	s21 =	sshll.u32 s6, $0x1;
	s3 =	sadd.s32 s19, s18  }
0xa2: {  	s7 =	simm.s32 $0x0;
	s20 =	sshll.u32 s5, $0x1;
	s5 =	sadd.s32 s21, s3  }
0xa3: {  	[timem:s7], [sflag:s22] =	dma.local [hbm:s5], s20  }
0xa4: {  	_ =	swait.ge [sflag:s22], s20  }
0xa5: {  	s4 =	ssub.s32 $0x0, s20;
	[sflag:s22] =	ssyncset.done $0x0  }
0xa6: {  	[sflag:s22] =	ssyncadd.s32 s4;
	_ =	sdelay $0x1  }
0xa7: {  	s23 =	simm.s32 $0x1B8B  }
0xa8: {  	_ =	swait.ge [sflag:s23], $0x1  }
0xa9: {  	[sflag:s23] =	ssyncset.done $0x0  }
0xaa: {  	s25 =	simm.s32 $0x1B8E;
	s24 =	sld [smem:$0x3FFE];
	[sflag:s23] =	ssyncadd.s32 $0xFFFFFFFF  }
0xab: {  	s26 =	simm.s32 $execute0_lowered;
	[smem:$0x3FD2] =	sst s25  }
0xac: {  	s5 =	sshll.u32 s26, $0x1;
	_ =	strace $0x80000046;
	[dreg:$0x1] =	wrdreg $0xFFFFFFFF  }
0xad: {  	s28 =	simm.s32 $_size_execute0_lowered;
	s3 =	sadd.s32 s3, s5;
	[dreg:$0x0] =	wrdreg $0x0  }
0xae: {  	s5 =	sshll.u32 s28, $0x1;
	[dreg:$0x2] =	wrdreg s3  }
0xaf: {  	[dreg:$0x3] =	wrdreg s5  }
0xb0: {  	[dreg:$0x4] =	wrdreg $0xC0  }
0xb1: {  	_ =	task [dreg:s7], $0x5FFFF  }
0xb2: {  	[dreg:$0x1] =	wrdreg $0xFFFFFFFF  }
0xb3: {  	[dreg:$0x0] =	wrdreg $0x60  }
0xb4: {  	[dreg:$0x2] =	wrdreg s16  }
0xb5: {  	[dreg:$0x3] =	wrdreg s24  }
0xb6: {  	[dreg:$0x4] =	wrdreg $0x9  }
0xb7: {  	_ =	task.clear_ibuf [dreg:s7], $0x5FFFF;
	_ =	strace $0x90000046  }
0xb8: {  	s29 =	simm.s32 $0x9;
	_ =	strace $0x80000048  }
0xb9: {  	_ =	swait.ge [sflag:s29], $0x1  }
0xba: {  	[sflag:s29] =	ssyncadd.s32 $0xFFFFFFFF  }
0xbb: {  	_ =	strace $0x90000048  }
0xbc: {  	_ =	sfence  }
0xbd: {  	s30 =	sld [smem:$0x0];
	_ =	sdelay $0x2  }
0xbe: {  	s31 =	sshll.u32 s1, $0xD;
	s1 =	sshrl.u32 s1, $0x2  }
0xbf: {  	s3 =	sand.u32 $0x4000, s31;
	s1 =	sadd.s32 s1, s30  }
0xc0: {  	s0 =	sor.u32 s3, s0;
	s1 =	sshll.u32 s1, $0x11  }
0xc1: {  	s0 =	sor.u32 s1, s0  }
0xc2: {  	s0 =	sadd.s32 $0x8F2B, s0  }
0xc3: {  	[sflag:s0] =	ssyncadd.remote.s32 $0x1  }
0xc4: {  	_ =	sfence.sel $0xFFFF  }
0xc5: {  	[dreg:$0x0] =	wrdreg $0xFFFFFFFF;
	(pc) =	sbr.abs _section_cstart, $3  }
0xc6: {  	[dreg:$0x1] =	wrdreg $0xFFFFFFFF  }
0xc7: {  	_ =	task.clear_ibuf [dreg:s7], $0x2FFFF;
	_ =	strace $0x9FFFFFFF  }
0xc8: {  	(tm) =	ssettm $0x7FFFFFFF  }
0xc9: {  	_ =	shalt  }
tec
execute0_lowered:
.L_overlay_start_1:
0x0: {  	(tag) =	ssettag $0x1  }
0x1: {  	s1 =	rddreg [dreg:$0x0]  }
0x2: {  	s0 =	rddreg [dreg:$0x1];
	s3 =	simm.s32 $0x0  }
0x3: {  	s2 =	srdreg.scid;
	s4 =	stileid.u32;
	s28 =	simm.s32 $0x9000  }
0x4: {  	s29 =	simm.s32 $0x1;
	s30 =	simm.s32 $0x3;
	s31 =	simm.s32 $0x5000  }
0x5: {  	s6 =	simm.s32 $0x6;
	s2 =	sand.u32 $0x1, s2;
	s4 =	sshll.u32 s4, $0x1  }
0x6: {  	s7 =	simm.s32 $0x0;
	[smem:$0x7FF] =	sst s3;
	s4 =	sor.u32 s2, s4  }
0x7: {  	_ =	strace $0x80000047;
	s2 =	ssub.s32 $0x2, s2;
	s5 =	sshll.u32 s4, $0x8  }
0x8: {  	s4 =	sshll.u32 s4, $0xF;
	s19 =	sshrl.u32 s2, $0x1;
	s5 =	sadd.s32 s5, s0  }
0x9: {  	s0 =	sadd.s32 s4, s0;
	s2 =	ssub.s32 s2, s19;
	s4 =	simm.s32 $0x4  }
0xa: {  	s20 =	sadd.s32 $0xA00, s5;
	s21 =	sadd.s32 $0x2A00, s5;
	s22 =	sadd.s32 $0x4A00, s0  }
0xb: {  	s23 =	sadd.s32 $0x5200, s0;
	s24 =	sadd.s32 $0x5A00, s0;
	[dreg:$0x3] =	wrdreg s20  }
0xc: {  	s25 =	sadd.s32 $0x6200, s0;
	s26 =	sadd.s32 $0x6A00, s0;
	[dreg:$0x4] =	wrdreg s21  }
0xd: {  	s11 =	sadd.s32 $0x7200, s0;
	s12 =	sadd.s32 $0x7A00, s0;
	[dreg:$0x5] =	wrdreg s22  }
0xe: {  	s13 =	sadd.s32 $0x8200, s0;
	s14 =	sadd.s32 $0x8A00, s0;
	[dreg:$0x6] =	wrdreg s23  }
0xf: {  	s15 =	sadd.s32 $0x9200, s0;
	s16 =	sadd.s32 $0x9A00, s0;
	[dreg:$0x7] =	wrdreg s24  }
0x10: {  	s17 =	sadd.s32 $0xA200, s0;
	s18 =	sadd.s32 $0xAA00, s0;
	[dreg:$0x8] =	wrdreg s25  }
0x11: {  	s19 =	sadd.s32 $0xB200, s0;
	s5 =	simm.s32 $0x5;
	[dreg:$0x9] =	wrdreg s26  }
0x12: {  	s20 =	sadd.s32 $0xBA00, s0;
	s21 =	sadd.s32 $0xC200, s0;
	s22 =	smax.u32 s2, $0x1  }
0x13: {  	s23 =	simm.s32 $0x7;
	s24 =	simm.s32 $0x800;
	s25 =	simm.s32 $0x80  }
0x14: {  	s26 =	simm.s32 $0x1000;
	s2 =	simm.s32 $0xD000;
	s0 =	simm.s32 $0x2  }
.LBB2_1:
0x15: {  	s8 =	rddreg [dreg:$0x3]  }
0x16: {  	[tilespmem:s3], [sflag:$0x7] =	stream.linear.gather [hbm4b:s8+s3], $0x800, $0x38;
	[tilespmem:$0x11000] =	vst v63  }
0x17: {  	_ =	swait.ge [sflag:s23], $0x800  }
0x18: {  	[sflag:s23] =	ssyncset.done $0x0  }
0x19: {  	s9 =	rddreg [dreg:$0x4];
	[sflag:s23] =	ssyncadd.s32 $0xFFFFF800  }
0x1a: {  	[tilespmem:s24], [sflag:$0x7] =	stream.linear.gather [hbm4b:s9+s3], $0x800, $0x38;
	[tilespmem:$0x11000] =	vst v63  }
0x1b: {  	_ =	swait.ge [sflag:s23], $0x800  }
0x1c: {  	[sflag:s23] =	ssyncset.done $0x0  }
0x1d: {  	[sflag:s23] =	ssyncadd.s32 $0xFFFFF800  }
0x1e: {  	[tilespmem:s26], [sflag:$0x1] =	stream.indirect.gather [hbm4b:s1+s25], $0x80, s3, s25, $0xb8;
	[tilespmem:$0x11000] =	vst v63  }
0x1f: {  	_ = 	snop  }
0x20: {  	[tilespmem:s28], [sflag:$0x3] =	stream.indirect.gather [hbm4b:s1+s25], $0x80, s24, s25, $0xb8;
	[tilespmem:$0x11000] =	vst v63  }
0x21: {  	_ =	swait.ge [sflag:s29], $0x4000  }
0x22: {  	[sflag:s29] =	ssyncset.done $0x0  }
0x23: {  	[sflag:s29] =	ssyncadd.s32 $0xFFFFC000  }
0x24: {  	_ =	swait.ge [sflag:s30], $0x4000  }
0x25: {  	[sflag:s30] =	ssyncset.done $0x0  }
0x26: {  	[sflag:s30] =	ssyncadd.s32 $0xFFFFC000  }
0x27: {  	[tilespmem:s31], [sflag:$0x2] =	stream.indirect.gather [hbm4b:s1+s25], $0x80, s25, s25, $0xb8;
	[tilespmem:$0x11000] =	vst v63  }
0x28: {  	s10 =	simm.s32 $0x880;
	s8 =	simm.s32 $0x0  }
0x29: {  	[tilespmem:s2], [sflag:$0x4] =	stream.indirect.gather [hbm4b:s1+s25], $0x80, s10, s25, $0xb8;
	[tilespmem:$0x11000] =	vst v63  }
0x2a: {  	v0 =	vld [tilespmem:s8+$0x9070]  }
0x2b: {  	v1 =	vld [tilespmem:s8+$0x9040]  }
0x2c: {  	v2 =	vld [tilespmem:s8+$0x9050]  }
0x2d: {  	s9 =	simm.s32 $0x200;
	v3 =	vld [tilespmem:s8+$0x9060]  }
.LBB2_2:
0x2e: {  	p0 =	sne.s32 s9, $0xFE00  }
.Ltmp0:
0x2f: {  	s10 =	sshra.s32 s9, $0x2;
	s9 =	sadd.s32 $0x200, s9;
	[tilespmem:s8+$0x1070] =	vst v0;
	(pc) =	sbr.rel @p0 .LBB2_2-.Ltmp0, $4  }
0x30: {  	v0 =	vld [tilespmem:s10+$0x9070];
	[tilespmem:s8+$0x1040] =	vst v1  }
0x31: {  	v1 =	vld [tilespmem:s10+$0x9040];
	[tilespmem:s8+$0x1050] =	vst v2  }
0x32: {  	v2 =	vld [tilespmem:s10+$0x9050];
	[tilespmem:s8+$0x1060] =	vst v3;
	s8 =	smov.u32 s10  }
0x33: {  	v3 =	vld [tilespmem:s8+$0x9060]  }
0x34: {  	_ = 	snop  }
0x35: {  	[tilespmem:s8+$0x1070] =	vst v0  }
0x36: {  	[tilespmem:s8+$0x1040] =	vst v1  }
0x37: {  	[tilespmem:s8+$0x1050] =	vst v2  }
0x38: {  	s10 =	simm.s32 $0x0;
	s9 =	rddreg [dreg:$0x5];
	[tilespmem:s8+$0x1060] =	vst v3  }
0x39: {  	[hbm4b:s9+s10] =	stream.linear.scatter [tilespmem:s26], [sflag:$0x5], $0x4000, $0x38;
	[tilespmem:$0x11000] =	vst v63  }
0x3a: {  	_ =	swait.ge [sflag:s0], $0x4000  }
0x3b: {  	[sflag:s0] =	ssyncset.done $0x0  }
0x3c: {  	[sflag:s0] =	ssyncadd.s32 $0xFFFFC000  }
0x3d: {  	_ =	swait.ge [sflag:s4], $0x4000  }
0x3e: {  	[sflag:s4] =	ssyncset.done $0x0  }
0x3f: {  	[sflag:s4] =	ssyncadd.s32 $0xFFFFC000  }
0x40: {  	_ =	swait.ge [sflag:s5], $0x4000  }
0x41: {  	[sflag:s5] =	ssyncset.done $0x0  }
0x42: {  	s9 =	simm.s32 $0x100;
	[sflag:s5] =	ssyncadd.s32 $0xFFFFC000  }
0x43: {  	[tilespmem:s26], [sflag:$0x1] =	stream.indirect.gather [hbm4b:s1+s25], $0x80, s9, s25, $0xb8;
	[tilespmem:$0x11000] =	vst v63  }
0x44: {  	s8 =	simm.s32 $0x0;
	s10 =	simm.s32 $0x900  }
0x45: {  	[tilespmem:s28], [sflag:$0x3] =	stream.indirect.gather [hbm4b:s1+s25], $0x80, s10, s25, $0xb8;
	[tilespmem:$0x11000] =	vst v63  }
0x46: {  	v0 =	vld [tilespmem:s8+$0xD070]  }
0x47: {  	v1 =	vld [tilespmem:s8+$0xD040]  }
0x48: {  	v2 =	vld [tilespmem:s8+$0xD050]  }
0x49: {  	s9 =	simm.s32 $0x200;
	v3 =	vld [tilespmem:s8+$0xD060]  }
.LBB2_4:
0x4a: {  	p0 =	sne.s32 s9, $0xFE00  }
.Ltmp1:
0x4b: {  	s10 =	sshra.s32 s9, $0x2;
	s9 =	sadd.s32 $0x200, s9;
	[tilespmem:s8+$0x5070] =	vst v0;
	(pc) =	sbr.rel @p0 .LBB2_4-.Ltmp1, $4  }
0x4c: {  	v0 =	vld [tilespmem:s10+$0xD070];
	[tilespmem:s8+$0x5040] =	vst v1  }
0x4d: {  	v1 =	vld [tilespmem:s10+$0xD040];
	[tilespmem:s8+$0x5050] =	vst v2  }
0x4e: {  	v2 =	vld [tilespmem:s10+$0xD050];
	[tilespmem:s8+$0x5060] =	vst v3;
	s8 =	smov.u32 s10  }
0x4f: {  	v3 =	vld [tilespmem:s8+$0xD060]  }
0x50: {  	_ = 	snop  }
0x51: {  	[tilespmem:s8+$0x5070] =	vst v0  }
0x52: {  	[tilespmem:s8+$0x5040] =	vst v1  }
0x53: {  	[tilespmem:s8+$0x5050] =	vst v2  }
0x54: {  	s10 =	simm.s32 $0x0;
	s9 =	rddreg [dreg:$0x6];
	[tilespmem:s8+$0x5060] =	vst v3  }
0x55: {  	[hbm4b:s9+s10] =	stream.linear.scatter [tilespmem:s31], [sflag:$0x6], $0x4000, $0x38;
	[tilespmem:$0x11000] =	vst v63  }
0x56: {  	_ =	swait.ge [sflag:s29], $0x4000  }
0x57: {  	[sflag:s29] =	ssyncset.done $0x0  }
0x58: {  	[sflag:s29] =	ssyncadd.s32 $0xFFFFC000  }
0x59: {  	_ =	swait.ge [sflag:s30], $0x4000  }
0x5a: {  	[sflag:s30] =	ssyncset.done $0x0  }
0x5b: {  	[sflag:s30] =	ssyncadd.s32 $0xFFFFC000  }
0x5c: {  	_ =	swait.ge [sflag:s6], $0x4000  }
0x5d: {  	[sflag:s6] =	ssyncset.done $0x0  }
0x5e: {  	s9 =	simm.s32 $0x180;
	[sflag:s6] =	ssyncadd.s32 $0xFFFFC000  }
0x5f: {  	[tilespmem:s31], [sflag:$0x2] =	stream.indirect.gather [hbm4b:s1+s25], $0x80, s9, s25, $0xb8;
	[tilespmem:$0x11000] =	vst v63  }
0x60: {  	s8 =	simm.s32 $0x0;
	s10 =	simm.s32 $0x980  }
0x61: {  	[tilespmem:s2], [sflag:$0x4] =	stream.indirect.gather [hbm4b:s1+s25], $0x80, s10, s25, $0xb8;
	[tilespmem:$0x11000] =	vst v63  }
0x62: {  	v0 =	vld [tilespmem:s8+$0x9070]  }
0x63: {  	v1 =	vld [tilespmem:s8+$0x9040]  }
0x64: {  	v2 =	vld [tilespmem:s8+$0x9050]  }
0x65: {  	s9 =	simm.s32 $0x200;
	v3 =	vld [tilespmem:s8+$0x9060]  }
.LBB2_6:
0x66: {  	p0 =	sne.s32 s9, $0xFE00  }
.Ltmp2:
0x67: {  	s10 =	sshra.s32 s9, $0x2;
	s9 =	sadd.s32 $0x200, s9;
	[tilespmem:s8+$0x1070] =	vst v0;
	(pc) =	sbr.rel @p0 .LBB2_6-.Ltmp2, $4  }
0x68: {  	v0 =	vld [tilespmem:s10+$0x9070];
	[tilespmem:s8+$0x1040] =	vst v1  }
0x69: {  	v1 =	vld [tilespmem:s10+$0x9040];
	[tilespmem:s8+$0x1050] =	vst v2  }
0x6a: {  	v2 =	vld [tilespmem:s10+$0x9050];
	[tilespmem:s8+$0x1060] =	vst v3;
	s8 =	smov.u32 s10  }
0x6b: {  	v3 =	vld [tilespmem:s8+$0x9060]  }
0x6c: {  	_ = 	snop  }
0x6d: {  	[tilespmem:s8+$0x1070] =	vst v0  }
0x6e: {  	[tilespmem:s8+$0x1040] =	vst v1  }
0x6f: {  	[tilespmem:s8+$0x1050] =	vst v2  }
0x70: {  	s10 =	simm.s32 $0x0;
	s9 =	rddreg [dreg:$0x7];
	[tilespmem:s8+$0x1060] =	vst v3  }
0x71: {  	[hbm4b:s9+s10] =	stream.linear.scatter [tilespmem:s26], [sflag:$0x5], $0x4000, $0x38;
	[tilespmem:$0x11000] =	vst v63  }
0x72: {  	_ =	swait.ge [sflag:s0], $0x4000  }
0x73: {  	[sflag:s0] =	ssyncset.done $0x0  }
0x74: {  	[sflag:s0] =	ssyncadd.s32 $0xFFFFC000  }
0x75: {  	_ =	swait.ge [sflag:s4], $0x4000  }
0x76: {  	[sflag:s4] =	ssyncset.done $0x0  }
0x77: {  	[sflag:s4] =	ssyncadd.s32 $0xFFFFC000  }
0x78: {  	_ =	swait.ge [sflag:s5], $0x4000  }
0x79: {  	[sflag:s5] =	ssyncset.done $0x0  }
0x7a: {  	s9 =	simm.s32 $0x200;
	[sflag:s5] =	ssyncadd.s32 $0xFFFFC000  }
0x7b: {  	[tilespmem:s26], [sflag:$0x1] =	stream.indirect.gather [hbm4b:s1+s25], $0x80, s9, s25, $0xb8;
	[tilespmem:$0x11000] =	vst v63  }
0x7c: {  	s8 =	simm.s32 $0x0;
	s10 =	simm.s32 $0xA00  }
0x7d: {  	[tilespmem:s28], [sflag:$0x3] =	stream.indirect.gather [hbm4b:s1+s25], $0x80, s10, s25, $0xb8;
	[tilespmem:$0x11000] =	vst v63  }
0x7e: {  	v0 =	vld [tilespmem:s8+$0xD070]  }
0x7f: {  	v1 =	vld [tilespmem:s8+$0xD040]  }
0x80: {  	v2 =	vld [tilespmem:s8+$0xD050]  }
0x81: {  	s9 =	simm.s32 $0x200;
	v3 =	vld [tilespmem:s8+$0xD060]  }
.LBB2_8:
0x82: {  	p0 =	sne.s32 s9, $0xFE00  }
.Ltmp3:
0x83: {  	s10 =	sshra.s32 s9, $0x2;
	s9 =	sadd.s32 $0x200, s9;
	[tilespmem:s8+$0x5070] =	vst v0;
	(pc) =	sbr.rel @p0 .LBB2_8-.Ltmp3, $4  }
0x84: {  	v0 =	vld [tilespmem:s10+$0xD070];
	[tilespmem:s8+$0x5040] =	vst v1  }
0x85: {  	v1 =	vld [tilespmem:s10+$0xD040];
	[tilespmem:s8+$0x5050] =	vst v2  }
0x86: {  	v2 =	vld [tilespmem:s10+$0xD050];
	[tilespmem:s8+$0x5060] =	vst v3;
	s8 =	smov.u32 s10  }
0x87: {  	v3 =	vld [tilespmem:s8+$0xD060]  }
0x88: {  	_ = 	snop  }
0x89: {  	[tilespmem:s8+$0x5070] =	vst v0  }
0x8a: {  	[tilespmem:s8+$0x5040] =	vst v1  }
0x8b: {  	[tilespmem:s8+$0x5050] =	vst v2  }
0x8c: {  	s10 =	simm.s32 $0x0;
	s9 =	rddreg [dreg:$0x8];
	[tilespmem:s8+$0x5060] =	vst v3  }
0x8d: {  	[hbm4b:s9+s10] =	stream.linear.scatter [tilespmem:s31], [sflag:$0x6], $0x4000, $0x38;
	[tilespmem:$0x11000] =	vst v63  }
0x8e: {  	_ =	swait.ge [sflag:s29], $0x4000  }
0x8f: {  	[sflag:s29] =	ssyncset.done $0x0  }
0x90: {  	[sflag:s29] =	ssyncadd.s32 $0xFFFFC000  }
0x91: {  	_ =	swait.ge [sflag:s30], $0x4000  }
0x92: {  	[sflag:s30] =	ssyncset.done $0x0  }
0x93: {  	[sflag:s30] =	ssyncadd.s32 $0xFFFFC000  }
0x94: {  	_ =	swait.ge [sflag:s6], $0x4000  }
0x95: {  	[sflag:s6] =	ssyncset.done $0x0  }
0x96: {  	s9 =	simm.s32 $0x280;
	[sflag:s6] =	ssyncadd.s32 $0xFFFFC000  }
0x97: {  	[tilespmem:s31], [sflag:$0x2] =	stream.indirect.gather [hbm4b:s1+s25], $0x80, s9, s25, $0xb8;
	[tilespmem:$0x11000] =	vst v63  }
0x98: {  	s8 =	simm.s32 $0x0;
	s10 =	simm.s32 $0xA80  }
0x99: {  	[tilespmem:s2], [sflag:$0x4] =	stream.indirect.gather [hbm4b:s1+s25], $0x80, s10, s25, $0xb8;
	[tilespmem:$0x11000] =	vst v63  }
0x9a: {  	v0 =	vld [tilespmem:s8+$0x9070]  }
0x9b: {  	v1 =	vld [tilespmem:s8+$0x9040]  }
0x9c: {  	v2 =	vld [tilespmem:s8+$0x9050]  }
0x9d: {  	s9 =	simm.s32 $0x200;
	v3 =	vld [tilespmem:s8+$0x9060]  }
.LBB2_10:
0x9e: {  	p0 =	sne.s32 s9, $0xFE00  }
.Ltmp4:
0x9f: {  	s10 =	sshra.s32 s9, $0x2;
	s9 =	sadd.s32 $0x200, s9;
	[tilespmem:s8+$0x1070] =	vst v0;
	(pc) =	sbr.rel @p0 .LBB2_10-.Ltmp4, $4  }
0xa0: {  	v0 =	vld [tilespmem:s10+$0x9070];
	[tilespmem:s8+$0x1040] =	vst v1  }
0xa1: {  	v1 =	vld [tilespmem:s10+$0x9040];
	[tilespmem:s8+$0x1050] =	vst v2  }
0xa2: {  	v2 =	vld [tilespmem:s10+$0x9050];
	[tilespmem:s8+$0x1060] =	vst v3;
	s8 =	smov.u32 s10  }
0xa3: {  	v3 =	vld [tilespmem:s8+$0x9060]  }
0xa4: {  	_ = 	snop  }
0xa5: {  	[tilespmem:s8+$0x1070] =	vst v0  }
0xa6: {  	[tilespmem:s8+$0x1040] =	vst v1  }
0xa7: {  	[tilespmem:s8+$0x1050] =	vst v2  }
0xa8: {  	s10 =	simm.s32 $0x0;
	s9 =	rddreg [dreg:$0x9];
	[tilespmem:s8+$0x1060] =	vst v3  }
0xa9: {  	[hbm4b:s9+s10] =	stream.linear.scatter [tilespmem:s26], [sflag:$0x5], $0x4000, $0x38;
	[tilespmem:$0x11000] =	vst v63  }
0xaa: {  	_ =	swait.ge [sflag:s0], $0x4000  }
0xab: {  	[sflag:s0] =	ssyncset.done $0x0  }
0xac: {  	[sflag:s0] =	ssyncadd.s32 $0xFFFFC000  }
0xad: {  	_ =	swait.ge [sflag:s4], $0x4000  }
0xae: {  	[sflag:s4] =	ssyncset.done $0x0  }
0xaf: {  	[sflag:s4] =	ssyncadd.s32 $0xFFFFC000  }
0xb0: {  	_ =	swait.ge [sflag:s5], $0x4000  }
0xb1: {  	[sflag:s5] =	ssyncset.done $0x0  }
0xb2: {  	s9 =	simm.s32 $0x300;
	[sflag:s5] =	ssyncadd.s32 $0xFFFFC000  }
0xb3: {  	[tilespmem:s26], [sflag:$0x1] =	stream.indirect.gather [hbm4b:s1+s25], $0x80, s9, s25, $0xb8;
	[tilespmem:$0x11000] =	vst v63  }
0xb4: {  	s8 =	simm.s32 $0x0;
	s10 =	simm.s32 $0xB00  }
0xb5: {  	[tilespmem:s28], [sflag:$0x3] =	stream.indirect.gather [hbm4b:s1+s25], $0x80, s10, s25, $0xb8;
	[tilespmem:$0x11000] =	vst v63  }
0xb6: {  	v0 =	vld [tilespmem:s8+$0xD070]  }
0xb7: {  	v1 =	vld [tilespmem:s8+$0xD040]  }
0xb8: {  	v2 =	vld [tilespmem:s8+$0xD050]  }
0xb9: {  	s9 =	simm.s32 $0x200;
	v3 =	vld [tilespmem:s8+$0xD060]  }
.LBB2_12:
0xba: {  	p0 =	sne.s32 s9, $0xFE00  }
.Ltmp5:
0xbb: {  	s10 =	sshra.s32 s9, $0x2;
	s9 =	sadd.s32 $0x200, s9;
	[tilespmem:s8+$0x5070] =	vst v0;
	(pc) =	sbr.rel @p0 .LBB2_12-.Ltmp5, $4  }
0xbc: {  	v0 =	vld [tilespmem:s10+$0xD070];
	[tilespmem:s8+$0x5040] =	vst v1  }
0xbd: {  	v1 =	vld [tilespmem:s10+$0xD040];
	[tilespmem:s8+$0x5050] =	vst v2  }
0xbe: {  	v2 =	vld [tilespmem:s10+$0xD050];
	[tilespmem:s8+$0x5060] =	vst v3;
	s8 =	smov.u32 s10  }
0xbf: {  	v3 =	vld [tilespmem:s8+$0xD060]  }
0xc0: {  	_ = 	snop  }
0xc1: {  	[tilespmem:s8+$0x5070] =	vst v0  }
0xc2: {  	[tilespmem:s8+$0x5040] =	vst v1  }
0xc3: {  	[tilespmem:s8+$0x5050] =	vst v2  }
0xc4: {  	s10 =	simm.s32 $0x0;
	[tilespmem:s8+$0x5060] =	vst v3  }
0xc5: {  	[hbm4b:s11+s10] =	stream.linear.scatter [tilespmem:s31], [sflag:$0x6], $0x4000, $0x38;
	[tilespmem:$0x11000] =	vst v63  }
0xc6: {  	_ =	swait.ge [sflag:s29], $0x4000  }
0xc7: {  	[sflag:s29] =	ssyncset.done $0x0  }
0xc8: {  	[sflag:s29] =	ssyncadd.s32 $0xFFFFC000  }
0xc9: {  	_ =	swait.ge [sflag:s30], $0x4000  }
0xca: {  	[sflag:s30] =	ssyncset.done $0x0  }
0xcb: {  	[sflag:s30] =	ssyncadd.s32 $0xFFFFC000  }
0xcc: {  	_ =	swait.ge [sflag:s6], $0x4000  }
0xcd: {  	[sflag:s6] =	ssyncset.done $0x0  }
0xce: {  	s9 =	simm.s32 $0x380;
	[sflag:s6] =	ssyncadd.s32 $0xFFFFC000  }
0xcf: {  	[tilespmem:s31], [sflag:$0x2] =	stream.indirect.gather [hbm4b:s1+s25], $0x80, s9, s25, $0xb8;
	[tilespmem:$0x11000] =	vst v63  }
0xd0: {  	s8 =	simm.s32 $0x0;
	s10 =	simm.s32 $0xB80  }
0xd1: {  	[tilespmem:s2], [sflag:$0x4] =	stream.indirect.gather [hbm4b:s1+s25], $0x80, s10, s25, $0xb8;
	[tilespmem:$0x11000] =	vst v63  }
0xd2: {  	v0 =	vld [tilespmem:s8+$0x9070]  }
0xd3: {  	v1 =	vld [tilespmem:s8+$0x9040]  }
0xd4: {  	v2 =	vld [tilespmem:s8+$0x9050]  }
0xd5: {  	s9 =	simm.s32 $0x200;
	v3 =	vld [tilespmem:s8+$0x9060]  }
.LBB2_14:
0xd6: {  	p0 =	sne.s32 s9, $0xFE00  }
.Ltmp6:
0xd7: {  	s10 =	sshra.s32 s9, $0x2;
	s9 =	sadd.s32 $0x200, s9;
	[tilespmem:s8+$0x1070] =	vst v0;
	(pc) =	sbr.rel @p0 .LBB2_14-.Ltmp6, $4  }
0xd8: {  	v0 =	vld [tilespmem:s10+$0x9070];
	[tilespmem:s8+$0x1040] =	vst v1  }
0xd9: {  	v1 =	vld [tilespmem:s10+$0x9040];
	[tilespmem:s8+$0x1050] =	vst v2  }
0xda: {  	v2 =	vld [tilespmem:s10+$0x9050];
	[tilespmem:s8+$0x1060] =	vst v3;
	s8 =	smov.u32 s10  }
0xdb: {  	v3 =	vld [tilespmem:s8+$0x9060]  }
0xdc: {  	_ = 	snop  }
0xdd: {  	[tilespmem:s8+$0x1070] =	vst v0  }
0xde: {  	[tilespmem:s8+$0x1040] =	vst v1  }
0xdf: {  	[tilespmem:s8+$0x1050] =	vst v2  }
0xe0: {  	s10 =	simm.s32 $0x0;
	[tilespmem:s8+$0x1060] =	vst v3  }
0xe1: {  	[hbm4b:s12+s10] =	stream.linear.scatter [tilespmem:s26], [sflag:$0x5], $0x4000, $0x38;
	[tilespmem:$0x11000] =	vst v63  }
0xe2: {  	_ =	swait.ge [sflag:s0], $0x4000  }
0xe3: {  	[sflag:s0] =	ssyncset.done $0x0  }
0xe4: {  	[sflag:s0] =	ssyncadd.s32 $0xFFFFC000  }
0xe5: {  	_ =	swait.ge [sflag:s4], $0x4000  }
0xe6: {  	[sflag:s4] =	ssyncset.done $0x0  }
0xe7: {  	[sflag:s4] =	ssyncadd.s32 $0xFFFFC000  }
0xe8: {  	_ =	swait.ge [sflag:s5], $0x4000  }
0xe9: {  	[sflag:s5] =	ssyncset.done $0x0  }
0xea: {  	s9 =	simm.s32 $0x400;
	[sflag:s5] =	ssyncadd.s32 $0xFFFFC000  }
0xeb: {  	[tilespmem:s26], [sflag:$0x1] =	stream.indirect.gather [hbm4b:s1+s25], $0x80, s9, s25, $0xb8;
	[tilespmem:$0x11000] =	vst v63  }
0xec: {  	s8 =	simm.s32 $0x0;
	s10 =	simm.s32 $0xC00  }
0xed: {  	[tilespmem:s28], [sflag:$0x3] =	stream.indirect.gather [hbm4b:s1+s25], $0x80, s10, s25, $0xb8;
	[tilespmem:$0x11000] =	vst v63  }
0xee: {  	v0 =	vld [tilespmem:s8+$0xD070]  }
0xef: {  	v1 =	vld [tilespmem:s8+$0xD040]  }
0xf0: {  	v2 =	vld [tilespmem:s8+$0xD050]  }
0xf1: {  	s9 =	simm.s32 $0x200;
	v3 =	vld [tilespmem:s8+$0xD060]  }
.LBB2_16:
0xf2: {  	p0 =	sne.s32 s9, $0xFE00  }
.Ltmp7:
0xf3: {  	s10 =	sshra.s32 s9, $0x2;
	s9 =	sadd.s32 $0x200, s9;
	[tilespmem:s8+$0x5070] =	vst v0;
	(pc) =	sbr.rel @p0 .LBB2_16-.Ltmp7, $4  }
0xf4: {  	v0 =	vld [tilespmem:s10+$0xD070];
	[tilespmem:s8+$0x5040] =	vst v1  }
0xf5: {  	v1 =	vld [tilespmem:s10+$0xD040];
	[tilespmem:s8+$0x5050] =	vst v2  }
0xf6: {  	v2 =	vld [tilespmem:s10+$0xD050];
	[tilespmem:s8+$0x5060] =	vst v3;
	s8 =	smov.u32 s10  }
0xf7: {  	v3 =	vld [tilespmem:s8+$0xD060]  }
0xf8: {  	_ = 	snop  }
0xf9: {  	[tilespmem:s8+$0x5070] =	vst v0  }
0xfa: {  	[tilespmem:s8+$0x5040] =	vst v1  }
0xfb: {  	[tilespmem:s8+$0x5050] =	vst v2  }
0xfc: {  	s10 =	simm.s32 $0x0;
	[tilespmem:s8+$0x5060] =	vst v3  }
0xfd: {  	[hbm4b:s13+s10] =	stream.linear.scatter [tilespmem:s31], [sflag:$0x6], $0x4000, $0x38;
	[tilespmem:$0x11000] =	vst v63  }
0xfe: {  	_ =	swait.ge [sflag:s29], $0x4000  }
0xff: {  	[sflag:s29] =	ssyncset.done $0x0  }
0x100: {  	[sflag:s29] =	ssyncadd.s32 $0xFFFFC000  }
0x101: {  	_ =	swait.ge [sflag:s30], $0x4000  }
0x102: {  	[sflag:s30] =	ssyncset.done $0x0  }
0x103: {  	[sflag:s30] =	ssyncadd.s32 $0xFFFFC000  }
0x104: {  	_ =	swait.ge [sflag:s6], $0x4000  }
0x105: {  	[sflag:s6] =	ssyncset.done $0x0  }
0x106: {  	s9 =	simm.s32 $0x480;
	[sflag:s6] =	ssyncadd.s32 $0xFFFFC000  }
0x107: {  	[tilespmem:s31], [sflag:$0x2] =	stream.indirect.gather [hbm4b:s1+s25], $0x80, s9, s25, $0xb8;
	[tilespmem:$0x11000] =	vst v63  }
0x108: {  	s8 =	simm.s32 $0x0;
	s10 =	simm.s32 $0xC80  }
0x109: {  	[tilespmem:s2], [sflag:$0x4] =	stream.indirect.gather [hbm4b:s1+s25], $0x80, s10, s25, $0xb8;
	[tilespmem:$0x11000] =	vst v63  }
0x10a: {  	v0 =	vld [tilespmem:s8+$0x9070]  }
0x10b: {  	v1 =	vld [tilespmem:s8+$0x9040]  }
0x10c: {  	v2 =	vld [tilespmem:s8+$0x9050]  }
0x10d: {  	s9 =	simm.s32 $0x200;
	v3 =	vld [tilespmem:s8+$0x9060]  }
.LBB2_18:
0x10e: {  	p0 =	sne.s32 s9, $0xFE00  }
.Ltmp8:
0x10f: {  	s10 =	sshra.s32 s9, $0x2;
	s9 =	sadd.s32 $0x200, s9;
	[tilespmem:s8+$0x1070] =	vst v0;
	(pc) =	sbr.rel @p0 .LBB2_18-.Ltmp8, $4  }
0x110: {  	v0 =	vld [tilespmem:s10+$0x9070];
	[tilespmem:s8+$0x1040] =	vst v1  }
0x111: {  	v1 =	vld [tilespmem:s10+$0x9040];
	[tilespmem:s8+$0x1050] =	vst v2  }
0x112: {  	v2 =	vld [tilespmem:s10+$0x9050];
	[tilespmem:s8+$0x1060] =	vst v3;
	s8 =	smov.u32 s10  }
0x113: {  	v3 =	vld [tilespmem:s8+$0x9060]  }
0x114: {  	_ = 	snop  }
0x115: {  	[tilespmem:s8+$0x1070] =	vst v0  }
0x116: {  	[tilespmem:s8+$0x1040] =	vst v1  }
0x117: {  	[tilespmem:s8+$0x1050] =	vst v2  }
0x118: {  	s10 =	simm.s32 $0x0;
	[tilespmem:s8+$0x1060] =	vst v3  }
0x119: {  	[hbm4b:s14+s10] =	stream.linear.scatter [tilespmem:s26], [sflag:$0x5], $0x4000, $0x38;
	[tilespmem:$0x11000] =	vst v63  }
0x11a: {  	_ =	swait.ge [sflag:s0], $0x4000  }
0x11b: {  	[sflag:s0] =	ssyncset.done $0x0  }
0x11c: {  	[sflag:s0] =	ssyncadd.s32 $0xFFFFC000  }
0x11d: {  	_ =	swait.ge [sflag:s4], $0x4000  }
0x11e: {  	[sflag:s4] =	ssyncset.done $0x0  }
0x11f: {  	[sflag:s4] =	ssyncadd.s32 $0xFFFFC000  }
0x120: {  	_ =	swait.ge [sflag:s5], $0x4000  }
0x121: {  	[sflag:s5] =	ssyncset.done $0x0  }
0x122: {  	s9 =	simm.s32 $0x500;
	[sflag:s5] =	ssyncadd.s32 $0xFFFFC000  }
0x123: {  	[tilespmem:s26], [sflag:$0x1] =	stream.indirect.gather [hbm4b:s1+s25], $0x80, s9, s25, $0xb8;
	[tilespmem:$0x11000] =	vst v63  }
0x124: {  	s8 =	simm.s32 $0x0;
	s10 =	simm.s32 $0xD00  }
0x125: {  	[tilespmem:s28], [sflag:$0x3] =	stream.indirect.gather [hbm4b:s1+s25], $0x80, s10, s25, $0xb8;
	[tilespmem:$0x11000] =	vst v63  }
0x126: {  	v0 =	vld [tilespmem:s8+$0xD070]  }
0x127: {  	v1 =	vld [tilespmem:s8+$0xD040]  }
0x128: {  	v2 =	vld [tilespmem:s8+$0xD050]  }
0x129: {  	s9 =	simm.s32 $0x200;
	v3 =	vld [tilespmem:s8+$0xD060]  }
.LBB2_20:
0x12a: {  	p0 =	sne.s32 s9, $0xFE00  }
.Ltmp9:
0x12b: {  	s10 =	sshra.s32 s9, $0x2;
	s9 =	sadd.s32 $0x200, s9;
	[tilespmem:s8+$0x5070] =	vst v0;
	(pc) =	sbr.rel @p0 .LBB2_20-.Ltmp9, $4  }
0x12c: {  	v0 =	vld [tilespmem:s10+$0xD070];
	[tilespmem:s8+$0x5040] =	vst v1  }
0x12d: {  	v1 =	vld [tilespmem:s10+$0xD040];
	[tilespmem:s8+$0x5050] =	vst v2  }
0x12e: {  	v2 =	vld [tilespmem:s10+$0xD050];
	[tilespmem:s8+$0x5060] =	vst v3;
	s8 =	smov.u32 s10  }
0x12f: {  	v3 =	vld [tilespmem:s8+$0xD060]  }
0x130: {  	_ = 	snop  }
0x131: {  	[tilespmem:s8+$0x5070] =	vst v0  }
0x132: {  	[tilespmem:s8+$0x5040] =	vst v1  }
0x133: {  	[tilespmem:s8+$0x5050] =	vst v2  }
0x134: {  	s10 =	simm.s32 $0x0;
	[tilespmem:s8+$0x5060] =	vst v3  }
0x135: {  	[hbm4b:s15+s10] =	stream.linear.scatter [tilespmem:s31], [sflag:$0x6], $0x4000, $0x38;
	[tilespmem:$0x11000] =	vst v63  }
0x136: {  	_ =	swait.ge [sflag:s29], $0x4000  }
0x137: {  	[sflag:s29] =	ssyncset.done $0x0  }
0x138: {  	[sflag:s29] =	ssyncadd.s32 $0xFFFFC000  }
0x139: {  	_ =	swait.ge [sflag:s30], $0x4000  }
0x13a: {  	[sflag:s30] =	ssyncset.done $0x0  }
0x13b: {  	[sflag:s30] =	ssyncadd.s32 $0xFFFFC000  }
0x13c: {  	_ =	swait.ge [sflag:s6], $0x4000  }
0x13d: {  	[sflag:s6] =	ssyncset.done $0x0  }
0x13e: {  	s9 =	simm.s32 $0x580;
	[sflag:s6] =	ssyncadd.s32 $0xFFFFC000  }
0x13f: {  	[tilespmem:s31], [sflag:$0x2] =	stream.indirect.gather [hbm4b:s1+s25], $0x80, s9, s25, $0xb8;
	[tilespmem:$0x11000] =	vst v63  }
0x140: {  	s8 =	simm.s32 $0x0;
	s10 =	simm.s32 $0xD80  }
0x141: {  	[tilespmem:s2], [sflag:$0x4] =	stream.indirect.gather [hbm4b:s1+s25], $0x80, s10, s25, $0xb8;
	[tilespmem:$0x11000] =	vst v63  }
0x142: {  	v0 =	vld [tilespmem:s8+$0x9070]  }
0x143: {  	v1 =	vld [tilespmem:s8+$0x9040]  }
0x144: {  	v2 =	vld [tilespmem:s8+$0x9050]  }
0x145: {  	s9 =	simm.s32 $0x200;
	v3 =	vld [tilespmem:s8+$0x9060]  }
.LBB2_22:
0x146: {  	p0 =	sne.s32 s9, $0xFE00  }
.Ltmp10:
0x147: {  	s10 =	sshra.s32 s9, $0x2;
	s9 =	sadd.s32 $0x200, s9;
	[tilespmem:s8+$0x1070] =	vst v0;
	(pc) =	sbr.rel @p0 .LBB2_22-.Ltmp10, $4  }
0x148: {  	v0 =	vld [tilespmem:s10+$0x9070];
	[tilespmem:s8+$0x1040] =	vst v1  }
0x149: {  	v1 =	vld [tilespmem:s10+$0x9040];
	[tilespmem:s8+$0x1050] =	vst v2  }
0x14a: {  	v2 =	vld [tilespmem:s10+$0x9050];
	[tilespmem:s8+$0x1060] =	vst v3;
	s8 =	smov.u32 s10  }
0x14b: {  	v3 =	vld [tilespmem:s8+$0x9060]  }
0x14c: {  	_ = 	snop  }
0x14d: {  	[tilespmem:s8+$0x1070] =	vst v0  }
0x14e: {  	[tilespmem:s8+$0x1040] =	vst v1  }
0x14f: {  	[tilespmem:s8+$0x1050] =	vst v2  }
0x150: {  	s10 =	simm.s32 $0x0;
	[tilespmem:s8+$0x1060] =	vst v3  }
0x151: {  	[hbm4b:s16+s10] =	stream.linear.scatter [tilespmem:s26], [sflag:$0x5], $0x4000, $0x38;
	[tilespmem:$0x11000] =	vst v63  }
0x152: {  	_ =	swait.ge [sflag:s0], $0x4000  }
0x153: {  	[sflag:s0] =	ssyncset.done $0x0  }
0x154: {  	[sflag:s0] =	ssyncadd.s32 $0xFFFFC000  }
0x155: {  	_ =	swait.ge [sflag:s4], $0x4000  }
0x156: {  	[sflag:s4] =	ssyncset.done $0x0  }
0x157: {  	[sflag:s4] =	ssyncadd.s32 $0xFFFFC000  }
0x158: {  	_ =	swait.ge [sflag:s5], $0x4000  }
0x159: {  	[sflag:s5] =	ssyncset.done $0x0  }
0x15a: {  	s9 =	simm.s32 $0x600;
	[sflag:s5] =	ssyncadd.s32 $0xFFFFC000  }
0x15b: {  	[tilespmem:s26], [sflag:$0x1] =	stream.indirect.gather [hbm4b:s1+s25], $0x80, s9, s25, $0xb8;
	[tilespmem:$0x11000] =	vst v63  }
0x15c: {  	s8 =	simm.s32 $0x0;
	s10 =	simm.s32 $0xE00  }
0x15d: {  	[tilespmem:s28], [sflag:$0x3] =	stream.indirect.gather [hbm4b:s1+s25], $0x80, s10, s25, $0xb8;
	[tilespmem:$0x11000] =	vst v63  }
0x15e: {  	v0 =	vld [tilespmem:s8+$0xD070]  }
0x15f: {  	v1 =	vld [tilespmem:s8+$0xD040]  }
0x160: {  	v2 =	vld [tilespmem:s8+$0xD050]  }
0x161: {  	s9 =	simm.s32 $0x200;
	v3 =	vld [tilespmem:s8+$0xD060]  }
.LBB2_24:
0x162: {  	p0 =	sne.s32 s9, $0xFE00  }
.Ltmp11:
0x163: {  	s10 =	sshra.s32 s9, $0x2;
	s9 =	sadd.s32 $0x200, s9;
	[tilespmem:s8+$0x5070] =	vst v0;
	(pc) =	sbr.rel @p0 .LBB2_24-.Ltmp11, $4  }
0x164: {  	v0 =	vld [tilespmem:s10+$0xD070];
	[tilespmem:s8+$0x5040] =	vst v1  }
0x165: {  	v1 =	vld [tilespmem:s10+$0xD040];
	[tilespmem:s8+$0x5050] =	vst v2  }
0x166: {  	v2 =	vld [tilespmem:s10+$0xD050];
	[tilespmem:s8+$0x5060] =	vst v3;
	s8 =	smov.u32 s10  }
0x167: {  	v3 =	vld [tilespmem:s8+$0xD060]  }
0x168: {  	_ = 	snop  }
0x169: {  	[tilespmem:s8+$0x5070] =	vst v0  }
0x16a: {  	[tilespmem:s8+$0x5040] =	vst v1  }
0x16b: {  	[tilespmem:s8+$0x5050] =	vst v2  }
0x16c: {  	s10 =	simm.s32 $0x0;
	[tilespmem:s8+$0x5060] =	vst v3  }
0x16d: {  	[hbm4b:s17+s10] =	stream.linear.scatter [tilespmem:s31], [sflag:$0x6], $0x4000, $0x38;
	[tilespmem:$0x11000] =	vst v63  }
0x16e: {  	_ =	swait.ge [sflag:s29], $0x4000  }
0x16f: {  	[sflag:s29] =	ssyncset.done $0x0  }
0x170: {  	[sflag:s29] =	ssyncadd.s32 $0xFFFFC000  }
0x171: {  	_ =	swait.ge [sflag:s30], $0x4000  }
0x172: {  	[sflag:s30] =	ssyncset.done $0x0  }
0x173: {  	[sflag:s30] =	ssyncadd.s32 $0xFFFFC000  }
0x174: {  	_ =	swait.ge [sflag:s6], $0x4000  }
0x175: {  	[sflag:s6] =	ssyncset.done $0x0  }
0x176: {  	s9 =	simm.s32 $0x680;
	[sflag:s6] =	ssyncadd.s32 $0xFFFFC000  }
0x177: {  	[tilespmem:s31], [sflag:$0x2] =	stream.indirect.gather [hbm4b:s1+s25], $0x80, s9, s25, $0xb8;
	[tilespmem:$0x11000] =	vst v63  }
0x178: {  	s8 =	simm.s32 $0x0;
	s10 =	simm.s32 $0xE80  }
0x179: {  	[tilespmem:s2], [sflag:$0x4] =	stream.indirect.gather [hbm4b:s1+s25], $0x80, s10, s25, $0xb8;
	[tilespmem:$0x11000] =	vst v63  }
0x17a: {  	v0 =	vld [tilespmem:s8+$0x9070]  }
0x17b: {  	v1 =	vld [tilespmem:s8+$0x9040]  }
0x17c: {  	v2 =	vld [tilespmem:s8+$0x9050]  }
0x17d: {  	s9 =	simm.s32 $0x200;
	v3 =	vld [tilespmem:s8+$0x9060]  }
.LBB2_26:
0x17e: {  	p0 =	sne.s32 s9, $0xFE00  }
.Ltmp12:
0x17f: {  	s10 =	sshra.s32 s9, $0x2;
	s9 =	sadd.s32 $0x200, s9;
	[tilespmem:s8+$0x1070] =	vst v0;
	(pc) =	sbr.rel @p0 .LBB2_26-.Ltmp12, $4  }
0x180: {  	v0 =	vld [tilespmem:s10+$0x9070];
	[tilespmem:s8+$0x1040] =	vst v1  }
0x181: {  	v1 =	vld [tilespmem:s10+$0x9040];
	[tilespmem:s8+$0x1050] =	vst v2  }
0x182: {  	v2 =	vld [tilespmem:s10+$0x9050];
	[tilespmem:s8+$0x1060] =	vst v3;
	s8 =	smov.u32 s10  }
0x183: {  	v3 =	vld [tilespmem:s8+$0x9060]  }
0x184: {  	_ = 	snop  }
0x185: {  	[tilespmem:s8+$0x1070] =	vst v0  }
0x186: {  	[tilespmem:s8+$0x1040] =	vst v1  }
0x187: {  	[tilespmem:s8+$0x1050] =	vst v2  }
0x188: {  	s10 =	simm.s32 $0x0;
	[tilespmem:s8+$0x1060] =	vst v3  }
0x189: {  	[hbm4b:s18+s10] =	stream.linear.scatter [tilespmem:s26], [sflag:$0x5], $0x4000, $0x38;
	[tilespmem:$0x11000] =	vst v63  }
0x18a: {  	_ =	swait.ge [sflag:s0], $0x4000  }
0x18b: {  	[sflag:s0] =	ssyncset.done $0x0  }
0x18c: {  	[sflag:s0] =	ssyncadd.s32 $0xFFFFC000  }
0x18d: {  	_ =	swait.ge [sflag:s4], $0x4000  }
0x18e: {  	[sflag:s4] =	ssyncset.done $0x0  }
0x18f: {  	[sflag:s4] =	ssyncadd.s32 $0xFFFFC000  }
0x190: {  	_ =	swait.ge [sflag:s5], $0x4000  }
0x191: {  	[sflag:s5] =	ssyncset.done $0x0  }
0x192: {  	s9 =	simm.s32 $0x700;
	[sflag:s5] =	ssyncadd.s32 $0xFFFFC000  }
0x193: {  	[tilespmem:s26], [sflag:$0x1] =	stream.indirect.gather [hbm4b:s1+s25], $0x80, s9, s25, $0xb8;
	[tilespmem:$0x11000] =	vst v63  }
0x194: {  	s8 =	simm.s32 $0x0;
	s10 =	simm.s32 $0xF00  }
0x195: {  	[tilespmem:s28], [sflag:$0x3] =	stream.indirect.gather [hbm4b:s1+s25], $0x80, s10, s25, $0xb8;
	[tilespmem:$0x11000] =	vst v63  }
0x196: {  	v0 =	vld [tilespmem:s8+$0xD070]  }
0x197: {  	v1 =	vld [tilespmem:s8+$0xD040]  }
0x198: {  	v2 =	vld [tilespmem:s8+$0xD050]  }
0x199: {  	s9 =	simm.s32 $0x200;
	v3 =	vld [tilespmem:s8+$0xD060]  }
.LBB2_28:
0x19a: {  	p0 =	sne.s32 s9, $0xFE00  }
.Ltmp13:
0x19b: {  	s10 =	sshra.s32 s9, $0x2;
	s9 =	sadd.s32 $0x200, s9;
	[tilespmem:s8+$0x5070] =	vst v0;
	(pc) =	sbr.rel @p0 .LBB2_28-.Ltmp13, $4  }
0x19c: {  	v0 =	vld [tilespmem:s10+$0xD070];
	[tilespmem:s8+$0x5040] =	vst v1  }
0x19d: {  	v1 =	vld [tilespmem:s10+$0xD040];
	[tilespmem:s8+$0x5050] =	vst v2  }
0x19e: {  	v2 =	vld [tilespmem:s10+$0xD050];
	[tilespmem:s8+$0x5060] =	vst v3;
	s8 =	smov.u32 s10  }
0x19f: {  	v3 =	vld [tilespmem:s8+$0xD060]  }
0x1a0: {  	_ = 	snop  }
0x1a1: {  	[tilespmem:s8+$0x5070] =	vst v0  }
0x1a2: {  	[tilespmem:s8+$0x5040] =	vst v1  }
0x1a3: {  	[tilespmem:s8+$0x5050] =	vst v2  }
0x1a4: {  	s10 =	simm.s32 $0x0;
	[tilespmem:s8+$0x5060] =	vst v3  }
0x1a5: {  	[hbm4b:s19+s10] =	stream.linear.scatter [tilespmem:s31], [sflag:$0x6], $0x4000, $0x38;
	[tilespmem:$0x11000] =	vst v63  }
0x1a6: {  	_ =	swait.ge [sflag:s29], $0x4000  }
0x1a7: {  	[sflag:s29] =	ssyncset.done $0x0  }
0x1a8: {  	[sflag:s29] =	ssyncadd.s32 $0xFFFFC000  }
0x1a9: {  	_ =	swait.ge [sflag:s30], $0x4000  }
0x1aa: {  	[sflag:s30] =	ssyncset.done $0x0  }
0x1ab: {  	[sflag:s30] =	ssyncadd.s32 $0xFFFFC000  }
0x1ac: {  	_ =	swait.ge [sflag:s6], $0x4000  }
0x1ad: {  	[sflag:s6] =	ssyncset.done $0x0  }
0x1ae: {  	s9 =	simm.s32 $0x780;
	[sflag:s6] =	ssyncadd.s32 $0xFFFFC000  }
0x1af: {  	[tilespmem:s31], [sflag:$0x2] =	stream.indirect.gather [hbm4b:s1+s25], $0x80, s9, s25, $0xb8;
	[tilespmem:$0x11000] =	vst v63  }
0x1b0: {  	s8 =	simm.s32 $0x0;
	s10 =	simm.s32 $0xF80  }
0x1b1: {  	[tilespmem:s2], [sflag:$0x4] =	stream.indirect.gather [hbm4b:s1+s25], $0x80, s10, s25, $0xb8;
	[tilespmem:$0x11000] =	vst v63  }
0x1b2: {  	v0 =	vld [tilespmem:s8+$0x9070]  }
0x1b3: {  	v1 =	vld [tilespmem:s8+$0x9040]  }
0x1b4: {  	v2 =	vld [tilespmem:s8+$0x9050]  }
0x1b5: {  	s9 =	simm.s32 $0x200;
	v3 =	vld [tilespmem:s8+$0x9060]  }
.LBB2_30:
0x1b6: {  	p0 =	sne.s32 s9, $0xFE00  }
.Ltmp14:
0x1b7: {  	s10 =	sshra.s32 s9, $0x2;
	s9 =	sadd.s32 $0x200, s9;
	[tilespmem:s8+$0x1070] =	vst v0;
	(pc) =	sbr.rel @p0 .LBB2_30-.Ltmp14, $4  }
0x1b8: {  	v0 =	vld [tilespmem:s10+$0x9070];
	[tilespmem:s8+$0x1040] =	vst v1  }
0x1b9: {  	v1 =	vld [tilespmem:s10+$0x9040];
	[tilespmem:s8+$0x1050] =	vst v2  }
0x1ba: {  	v2 =	vld [tilespmem:s10+$0x9050];
	[tilespmem:s8+$0x1060] =	vst v3;
	s8 =	smov.u32 s10  }
0x1bb: {  	v3 =	vld [tilespmem:s8+$0x9060]  }
0x1bc: {  	_ = 	snop  }
0x1bd: {  	[tilespmem:s8+$0x1070] =	vst v0  }
0x1be: {  	[tilespmem:s8+$0x1040] =	vst v1  }
0x1bf: {  	[tilespmem:s8+$0x1050] =	vst v2  }
0x1c0: {  	s10 =	simm.s32 $0x0;
	[tilespmem:s8+$0x1060] =	vst v3  }
0x1c1: {  	[hbm4b:s20+s10] =	stream.linear.scatter [tilespmem:s26], [sflag:$0x5], $0x4000, $0x38;
	[tilespmem:$0x11000] =	vst v63  }
0x1c2: {  	_ =	swait.ge [sflag:s0], $0x4000  }
0x1c3: {  	[sflag:s0] =	ssyncset.done $0x0  }
0x1c4: {  	[sflag:s0] =	ssyncadd.s32 $0xFFFFC000  }
0x1c5: {  	_ =	swait.ge [sflag:s4], $0x4000  }
0x1c6: {  	[sflag:s4] =	ssyncset.done $0x0  }
0x1c7: {  	s8 =	simm.s32 $0x0;
	[sflag:s4] =	ssyncadd.s32 $0xFFFFC000  }
0x1c8: {  	v0 =	vld [tilespmem:s8+$0xD070]  }
0x1c9: {  	v1 =	vld [tilespmem:s8+$0xD040]  }
0x1ca: {  	v2 =	vld [tilespmem:s8+$0xD050]  }
0x1cb: {  	s9 =	simm.s32 $0x200;
	v3 =	vld [tilespmem:s8+$0xD060]  }
.LBB2_32:
0x1cc: {  	p0 =	sne.s32 s9, $0xFE00  }
.Ltmp15:
0x1cd: {  	s10 =	sshra.s32 s9, $0x2;
	s9 =	sadd.s32 $0x200, s9;
	[tilespmem:s8+$0x5070] =	vst v0;
	(pc) =	sbr.rel @p0 .LBB2_32-.Ltmp15, $4  }
0x1ce: {  	v0 =	vld [tilespmem:s10+$0xD070];
	[tilespmem:s8+$0x5040] =	vst v1  }
0x1cf: {  	v1 =	vld [tilespmem:s10+$0xD040];
	[tilespmem:s8+$0x5050] =	vst v2  }
0x1d0: {  	v2 =	vld [tilespmem:s10+$0xD050];
	[tilespmem:s8+$0x5060] =	vst v3;
	s8 =	smov.u32 s10  }
0x1d1: {  	v3 =	vld [tilespmem:s8+$0xD060]  }
0x1d2: {  	_ = 	snop  }
0x1d3: {  	[tilespmem:s8+$0x5070] =	vst v0  }
0x1d4: {  	[tilespmem:s8+$0x5040] =	vst v1  }
0x1d5: {  	[tilespmem:s8+$0x5050] =	vst v2  }
0x1d6: {  	s7 =	sadd.s32 $0x1, s7;
	[tilespmem:s8+$0x5060] =	vst v3  }
0x1d7: {  	[hbm4b:s21+s3] =	stream.linear.scatter [tilespmem:s31], [sflag:$0x6], $0x4000, $0x38;
	[tilespmem:$0x11000] =	vst v63  }
0x1d8: {  	p0 =	sne.s32 s7, s22;
	_ =	swait.ge [sflag:s5], $0x4000  }
.Ltmp16:
0x1d9: {  	[sflag:s5] =	ssyncset.done $0x0;
	(pc) =	sbr.rel @p0 .LBB2_1-.Ltmp16, $4  }
0x1da: {  	[sflag:s5] =	ssyncadd.s32 $0xFFFFC000  }
0x1db: {  	_ =	swait.ge [sflag:s6], $0x4000  }
0x1dc: {  	[sflag:s6] =	ssyncset.done $0x0  }
0x1dd: {  	[sflag:s6] =	ssyncadd.s32 $0xFFFFC000  }
0x1de: {  	_ =	sfence.sel $0x180000  }
0x1df: {  	[bflag:$0x0] =	sbarrier.arrive $0xFFFF  }
0x1e0: {  	_ =	strace $0x90000047  }
0x1e1: {  	s0 =	stileid.u32;
	[bflag:$0x2] =	sbarrier.arrive $0xFFFF  }
0x1e2: {  	p0 =	sne.s32 s0, $0x0;
	s0 =	rddreg [dreg:$0x2]  }
0x1e3: {  	s0 =	sadd.s32 @!p0 $0x100000, s0  }
0x1e4: {  	[sflag:s0] =	ssyncadd.tile.s32 @!p0 $0x1;
	_ =	shalt  }
.Lfunc_end2:
_tile_overlayer_lowered:
.L_overlay_start_2:
0x1e5: {  	(tag) =	ssettag $0x2  }
0x1e6: {  	s0 =	rddreg [dreg:$0x0];
	s2 =	stileid.u32  }
0x1e7: {  	s1 =	rddreg [dreg:$0x1];
	p0 =	sne.s32 s2, $0x0  }
0x1e8: {  	s3 =	rddreg [dreg:$0x2];
	[bflag:$0x3] =	sbarrier.arrive $0xFFFF;
	s2 =	simm.s32 @!p0 $0x1C07  }
0x1e9: {  	[timem:s3], [sflag:s2] =	dma.local @!p0 [hbm:s0], s1  }
0x1ea: {  	s0 =	simm.s32 @!p0 $0x7  }
0x1eb: {  	_ =	swait.ge @!p0 [sflag:s0], s1  }
0x1ec: {  	s1 =	ssub.s32 @!p0 $0x0, s1;
	[sflag:s0] =	ssyncset.done @!p0 $0x0  }
0x1ed: {  	[sflag:s0] =	ssyncadd.s32 @!p0 s1  }
0x1ee: {  	[bflag:$0x3] =	sbarrier.arrive $0xFFFF  }
0x1ef: {  	_ =	shalt  }

</sc_bundles>
